<compile_context>
chip_gen: v7x
topology: tpu7x:2x2x1
jax: 0.10.2.dev20260603
libtpu: 0.0.44.dev20260713+nightly
codegen_flags: <defaults>
</compile_context>

<pallas_src>
import functools

import jax
import jax.numpy as jnp
from jax import lax
from jax.experimental import pallas as pl
from jax.experimental.pallas import tpu as pltpu
from jax.experimental.pallas import tpu_sc as plsc

R = 128
N = 32768
K = 64
L16 = 16
NVECS = N // L16
CAP = 1023
NWORKERS = 32
ROWS_PER_WORKER = R // NWORKERS
IMIN = -2147483648
IMAXPOS = 0x7FFFFFFF


def _key_from_f32(x):
    i = plsc.bitcast(x, jnp.int32)
    return jnp.where(i < 0, i ^ jnp.int32(IMAXPOS), i)


def _popcnt(m):
    pc = plsc.all_reduce_population_count(m)
    return pc if pc.shape == (L16,) else jnp.full((L16,), pc, jnp.int32)


def _splat(s, dtype=jnp.int32):
    return jnp.full((L16,), s, dtype)


def _seeded_bitsearch(count_fn, lo_s, hi_s, want):
    d = hi_s ^ lo_s
    dv = _splat(d)
    du = plsc.bitcast(dv, jnp.uint32)
    f = du.astype(jnp.float32)
    e = (plsc.bitcast(f, jnp.int32) >> 23) - 127
    e = jnp.minimum(e, 31)
    hi_v = _splat(hi_s)
    mask = lax.shift_left(_splat(2), e) - 1
    t0 = jnp.where(dv == 0, hi_v, hi_v & ~mask)
    t0 = jnp.where(e >= 31, _splat(IMIN), t0)
    b0 = e[0]

    def step(i, t):
        bit = b0 - i
        bit_v = _splat(bit)
        shifted = lax.shift_left(_splat(1), bit_v)
        cand = jnp.where(bit_v == 31, t ^ _splat(IMIN), t | shifted)
        cnt = count_fn(cand)
        return jnp.where(cnt >= want, cand, t)

    return lax.fori_loop(0, b0 + 1, step, t0)


def _sc_body(z_hbm, out_hbm, row_a, row_b, zero_v, cand_v, candi_v, sem_a, sem_b):
    cid = lax.axis_index("c")
    sid = lax.axis_index("s")
    wid = sid * 2 + cid
    row0 = wid * ROWS_PER_WORKER
    iota16 = lax.broadcasted_iota(jnp.int32, (L16,), 0)
    lane_base = iota16 * CAP
    zeros_f = jnp.zeros((L16,), jnp.float32)
    zeros_i = jnp.zeros((L16,), jnp.int32)
    ninf = jnp.full((L16,), -jnp.inf, jnp.float32)

    pltpu.async_copy(z_hbm.at[row0], row_a, sem_a)

    def zinit(i, _):
        base = i * 128
        for q in range(8):
            zero_v[pl.ds(base + q * L16, L16)] = zeros_f
        return 0

    lax.fori_loop(0, NVECS // 8, zinit, 0)

    def row_head(buf):

        def acc_body(i, accs):
            base = i * 512
            return tuple(
                jnp.maximum(
                    jnp.maximum(accs[j], buf[pl.ds(base + j * L16, L16)]),
                    buf[pl.ds(base + 256 + j * L16, L16)],
                )
                for j in range(16)
            )

        accs = lax.fori_loop(0, NVECS // 32, acc_body, (ninf,) * 16)
        kv0 = _key_from_f32(accs[0])
        kmin = kv0
        kmax = kv0
        cand_v[pl.ds(0, L16)] = kv0
        for j in range(1, 16):
            kvj = _key_from_f32(accs[j])
            kmin = jnp.minimum(kmin, kvj)
            kmax = jnp.maximum(kmax, kvj)
            cand_v[pl.ds(j * L16, L16)] = kvj
        lo_s = jnp.min(kmin)
        hi_s = jnp.max(kmax)

        def cls_count(cand):
            def b(i, c):
                kv = cand_v[pl.ds(i * L16, L16)]
                return c + _popcnt(kv >= cand)

            return lax.fori_loop(0, 16, b, zeros_i)

        l2 = _seeded_bitsearch(cls_count, lo_s, hi_s, K)
        return l2, hi_s

    def restore(off_prev):

        def body(i, _):
            civ = plsc.load_gather(candi_v, [lane_base + i])
            plsc.store_scatter(zero_v, [civ], zeros_f, mask=off_prev > i)
            return 0

        lax.fori_loop(0, jnp.max(off_prev), body, 0)

    def row_tail(row, buf, l2, hi_s):

        def comp_body(g, off):
            base = g * 128
            xs = [buf[pl.ds(base + q * L16, L16)] for q in range(8)]
            m8 = xs[0]
            for q in range(1, 8):
                m8 = jnp.maximum(m8, xs[q])
            k8 = _key_from_f32(m8)
            s = jnp.any(k8 >= l2)

            def taken(off):
                for q, xq in enumerate(xs):
                    kq = _key_from_f32(xq)
                    mq = kq >= l2
                    pos = lane_base + off
                    plsc.store_scatter(cand_v, [pos], kq, mask=mq)
                    plsc.store_scatter(
                        candi_v, [pos], iota16 + (base + q * L16), mask=mq
                    )
                    off = off + mq.astype(jnp.int32)
                return off

            return lax.cond(s, taken, lambda off: off, off)

        off = lax.fori_loop(0, NVECS // 8, comp_body, zeros_i)
        ml = jnp.max(off)

        def count_ge(cand):
            def b(i, c):
                kv = plsc.load_gather(cand_v, [lane_base + i])
                m = (kv >= cand) & (off > i)
                return c + _popcnt(m)

            return lax.fori_loop(0, ml, b, zeros_i)

        t = _seeded_bitsearch(count_ge, l2[0], hi_s, K)

        def count_gt_eq(i, c):
            cg, ce = c
            kv = plsc.load_gather(cand_v, [lane_base + i])
            valid = off > i
            cg = cg + _popcnt((kv > t) & valid)
            ce = ce + _popcnt((kv == t) & valid)
            return (cg, ce)

        cnt_gt, cnt_eq = lax.fori_loop(0, ml, count_gt_eq, (zeros_i, zeros_i))

        def tie_search(_):
            def count_eq_le(jc):
                def b(i, c):
                    kv = plsc.load_gather(cand_v, [lane_base + i])
                    civ = plsc.load_gather(candi_v, [lane_base + i])
                    m = (kv == t) & (civ <= jc) & (off > i)
                    return c + _popcnt(m)

                return lax.fori_loop(0, ml, b, zeros_i)

            jv = zeros_i
            for b in range(14, -1, -1):
                cand = jv + jnp.int32(1 << b)
                cnt = cnt_gt + count_eq_le(cand - 1)
                jv = jnp.where(cnt < K, cand, jv)
            return jv

        need = cnt_gt[0] + cnt_eq[0] > K
        j = lax.cond(need, tie_search, lambda _: _splat(N - 1), 0)

        def win_body(i, _):
            kv = plsc.load_gather(cand_v, [lane_base + i])
            civ = plsc.load_gather(candi_v, [lane_base + i])
            m = ((kv > t) | ((kv == t) & (civ <= j))) & (off > i)
            val = jnp.where(kv >= 0, plsc.bitcast(kv, jnp.float32), 0.0)
            plsc.store_scatter(zero_v, [civ], val, mask=m)
            return 0

        lax.fori_loop(0, ml, win_body, 0)
        pltpu.sync_copy(zero_v, out_hbm.at[row])
        return off

    def pair_body(p, off_carry):
        ra = row0 + 2 * p
        pltpu.make_async_copy(z_hbm.at[ra], row_a, sem_a).wait()
        pltpu.async_copy(z_hbm.at[ra + 1], row_b, sem_b)
        l2a, hia = row_head(row_a)
        restore(off_carry)
        off_a = row_tail(ra, row_a, l2a, hia)

        pltpu.make_async_copy(z_hbm.at[ra + 1], row_b, sem_b).wait()

        @pl.when(p == 0)
        def _():
            pltpu.async_copy(z_hbm.at[ra + 2], row_a, sem_a)

        l2b, hib = row_head(row_b)
        restore(off_a)
        off_b = row_tail(ra + 1, row_b, l2b, hib)
        return off_b

    lax.fori_loop(0, ROWS_PER_WORKER // 2, pair_body, zeros_i)


_sc_topk = functools.partial(
    pl.kernel,
    out_type=jax.ShapeDtypeStruct((R, N), jnp.float32),
    mesh=plsc.VectorSubcoreMesh(
        core_axis_name="c", subcore_axis_name="s", num_cores=2, num_subcores=16
    ),
    scratch_types=[
        pltpu.VMEM((N,), jnp.float32),
        pltpu.VMEM((N,), jnp.float32),
        pltpu.VMEM((N,), jnp.float32),
        pltpu.VMEM((L16 * CAP,), jnp.int32),
        pltpu.VMEM((L16 * CAP,), jnp.int32),
        pltpu.SemaphoreType.DMA,
        pltpu.SemaphoreType.DMA,
    ],
    compiler_params=pltpu.CompilerParams(needs_layout_passes=False),
)(_sc_body)


def kernel(z):
    return _sc_topk(z)

# --- scband reference (transcript-rebuilt; emitter-appended) ---
"""Pipeline reference for scband-top-k-53369263620480 (READ-ONLY COPY).

The authoritative reference and input builder live on the scoring server;
editing this copy changes nothing except your own understanding.
"""

import jax, jax.numpy as jnp
import numpy as np

K = 64
RELU_AFTER = True

def setup_inputs(seed: int = 0) -> dict:
    key = jax.random.key(seed)
    z = jax.random.normal(key, (128, 32768), dtype=jnp.float32)
    return {"z": z}

def reference(z):
    if K <= 0 or K >= z.shape[-1]:
        return jnp.maximum(z, 0.0) if RELU_AFTER else z
    vals, idx = jax.lax.top_k(z, K)
    if RELU_AFTER:
        vals = jnp.maximum(vals, 0.0)
    out = jnp.zeros_like(z)
    rows = jnp.arange(z.shape[0])[:, None]
    out = out.at[rows, idx].set(vals)
    return out

if __name__ == "__main__":
    import jax
    _d = setup_inputs()
    print(jax.jit(kernel)(*tuple(_d.values())))

</pallas_src>

<mosaic_0001>
#map = affine_map<(d0, d1) -> (0, 0)>
module attributes {stable_mosaic.version = 14 : i64} {
  func.func @_sc_body(%arg0: i32, %arg1: i32, %arg2: memref<128x32768xf32, #tpu.memory_space<hbm>>, %arg3: memref<128x32768xf32, #tpu.memory_space<hbm>>, %arg4: memref<32768xf32, #tpu.memory_space<vmem>>, %arg5: memref<32768xf32, #tpu.memory_space<vmem>>, %arg6: memref<32768xf32, #tpu.memory_space<vmem>>, %arg7: memref<16368xi32, #tpu.memory_space<vmem>>, %arg8: memref<16368xi32, #tpu.memory_space<vmem>>, %arg9: memref<!tpu.dma_semaphore, #tpu.memory_space<semaphore_mem>>, %arg10: memref<!tpu.dma_semaphore, #tpu.memory_space<semaphore_mem>>) attributes {dimension_semantics = [#tpu.dimension_semantics<core_parallel>, #tpu.dimension_semantics<subcore_parallel>], iteration_bounds = array<i64: 2, 16>, scalar_prefetch = 0 : i64, scratch_operands = 7 : i64, tpu.core_type = #tpu.core_type<sc_vector_subcore>, window_params = [{transform_indices = #map}, {transform_indices = #map}]} {
    %mul3A = arith.constant 2 : i32
    %mul3A_0 = arith.muli %arg1, %mul3A : i32
    %add3A = arith.addi %mul3A_0, %arg0 : i32
    %mul3A_1 = arith.constant 4 : i32
    %mul3A_2 = arith.muli %add3A, %mul3A_1 : i32
    %iota3A = tpu.iota {dimensions = array<i32: 0>} : vector<16xi32>
    %mul3A_3 = arith.constant 1023 : i32
    %mul3A_4 = vector.broadcast %mul3A_3 : i32 to vector<16xi32>
    %mul3A_5 = arith.muli %iota3A, %mul3A_4 : vector<16xi32>
    %broadcast_in_dim3A = arith.constant 0.000000e+00 : f32
    %broadcast_in_dim3A_6 = vector.broadcast %broadcast_in_dim3A : f32 to vector<16xf32>
    %broadcast_in_dim3A_7 = arith.constant 0 : i32
    %broadcast_in_dim3A_8 = vector.broadcast %broadcast_in_dim3A_7 : i32 to vector<16xi32>
    %broadcast_in_dim3A_9 = arith.constant 0xFF800000 : f32
    %broadcast_in_dim3A_10 = vector.broadcast %broadcast_in_dim3A_9 : f32 to vector<16xf32>
    %dma_start3A = arith.constant 0 : i32
    %dma_start3A_11 = tpu.memref_slice %arg2[%mul3A_2, %dma_start3A] : memref<128x32768xf32, #tpu.memory_space<hbm>> -> memref<1x32768xf32, #tpu.memory_space<hbm>>
    %dma_start3A_12 = tpu.memref_squeeze %dma_start3A_11 : memref<1x32768xf32, #tpu.memory_space<hbm>> -> memref<32768xf32, #tpu.memory_space<hbm>>
    %dma_start3A_13 = arith.constant 0 : i32
    %dma_start3A_14 = tpu.memref_slice %arg2[%mul3A_2, %dma_start3A_13] : memref<128x32768xf32, #tpu.memory_space<hbm>> -> memref<1x32768xf32, #tpu.memory_space<hbm>>
    %dma_start3A_15 = tpu.memref_squeeze %dma_start3A_14 : memref<1x32768xf32, #tpu.memory_space<hbm>> -> memref<32768xf32, #tpu.memory_space<hbm>>
    tpu.enqueue_dma source(%dma_start3A_15 : memref<32768xf32, #tpu.memory_space<hbm>>) target(%arg4 : memref<32768xf32, #tpu.memory_space<vmem>>) target_semaphore(%arg9 : memref<!tpu.dma_semaphore, #tpu.memory_space<semaphore_mem>>)
    %scan3A = arith.constant 0 : i32
    %scan3A_16 = arith.constant 0 : i32
    %scan3A_17 = arith.constant 256 : i32
    %scan3A_18 = arith.addi %scan3A_16, %scan3A_17 : i32
    %scan3A_19 = arith.constant 1 : i32
    %scan3A_20 = scf.for %scan3A_28 = %scan3A_16 to %scan3A_18 step %scan3A_19 iter_args(%scan3A_29 = %scan3A) -> (i32)  : i32 {
      %mul3A_30 = arith.constant 128 : i32
      %mul3A_31 = arith.muli %scan3A_28, %mul3A_30 : i32
      %add3A_32 = arith.constant 0 : i32
      %add3A_33 = arith.addi %mul3A_31, %add3A_32 : i32
      %swap3A = arith.index_cast %add3A_33 : i32 to index
      %swap3A_34 = tpu.vector_load %arg6[%swap3A] {strides = array<i32>} : memref<32768xf32, #tpu.memory_space<vmem>>, vector<16xf32>,
      tpu.vector_store %arg6[%swap3A], %broadcast_in_dim3A_6 {strides = array<i32>} : memref<32768xf32, #tpu.memory_space<vmem>>, vector<16xf32>,
      %add3A_35 = arith.constant 16 : i32
      %add3A_36 = arith.addi %mul3A_31, %add3A_35 : i32
      %swap3A_37 = arith.index_cast %add3A_36 : i32 to index
      %swap3A_38 = tpu.vector_load %arg6[%swap3A_37] {strides = array<i32>} : memref<32768xf32, #tpu.memory_space<vmem>>, vector<16xf32>,
      tpu.vector_store %arg6[%swap3A_37], %broadcast_in_dim3A_6 {strides = array<i32>} : memref<32768xf32, #tpu.memory_space<vmem>>, vector<16xf32>,
      %add3A_39 = arith.constant 32 : i32
      %add3A_40 = arith.addi %mul3A_31, %add3A_39 : i32
      %swap3A_41 = arith.index_cast %add3A_40 : i32 to index
      %swap3A_42 = tpu.vector_load %arg6[%swap3A_41] {strides = array<i32>} : memref<32768xf32, #tpu.memory_space<vmem>>, vector<16xf32>,
      tpu.vector_store %arg6[%swap3A_41], %broadcast_in_dim3A_6 {strides = array<i32>} : memref<32768xf32, #tpu.memory_space<vmem>>, vector<16xf32>,
      %add3A_43 = arith.constant 48 : i32
      %add3A_44 = arith.addi %mul3A_31, %add3A_43 : i32
      %swap3A_45 = arith.index_cast %add3A_44 : i32 to index
      %swap3A_46 = tpu.vector_load %arg6[%swap3A_45] {strides = array<i32>} : memref<32768xf32, #tpu.memory_space<vmem>>, vector<16xf32>,
      tpu.vector_store %arg6[%swap3A_45], %broadcast_in_dim3A_6 {strides = array<i32>} : memref<32768xf32, #tpu.memory_space<vmem>>, vector<16xf32>,
      %add3A_47 = arith.constant 64 : i32
      %add3A_48 = arith.addi %mul3A_31, %add3A_47 : i32
      %swap3A_49 = arith.index_cast %add3A_48 : i32 to index
      %swap3A_50 = tpu.vector_load %arg6[%swap3A_49] {strides = array<i32>} : memref<32768xf32, #tpu.memory_space<vmem>>, vector<16xf32>,
      tpu.vector_store %arg6[%swap3A_49], %broadcast_in_dim3A_6 {strides = array<i32>} : memref<32768xf32, #tpu.memory_space<vmem>>, vector<16xf32>,
      %add3A_51 = arith.constant 80 : i32
      %add3A_52 = arith.addi %mul3A_31, %add3A_51 : i32
      %swap3A_53 = arith.index_cast %add3A_52 : i32 to index
      %swap3A_54 = tpu.vector_load %arg6[%swap3A_53] {strides = array<i32>} : memref<32768xf32, #tpu.memory_space<vmem>>, vector<16xf32>,
      tpu.vector_store %arg6[%swap3A_53], %broadcast_in_dim3A_6 {strides = array<i32>} : memref<32768xf32, #tpu.memory_space<vmem>>, vector<16xf32>,
      %add3A_55 = arith.constant 96 : i32
      %add3A_56 = arith.addi %mul3A_31, %add3A_55 : i32
      %swap3A_57 = arith.index_cast %add3A_56 : i32 to index
      %swap3A_58 = tpu.vector_load %arg6[%swap3A_57] {strides = array<i32>} : memref<32768xf32, #tpu.memory_space<vmem>>, vector<16xf32>,
      tpu.vector_store %arg6[%swap3A_57], %broadcast_in_dim3A_6 {strides = array<i32>} : memref<32768xf32, #tpu.memory_space<vmem>>, vector<16xf32>,
      %add3A_59 = arith.constant 112 : i32
      %add3A_60 = arith.addi %mul3A_31, %add3A_59 : i32
      %swap3A_61 = arith.index_cast %add3A_60 : i32 to index
      %swap3A_62 = tpu.vector_load %arg6[%swap3A_61] {strides = array<i32>} : memref<32768xf32, #tpu.memory_space<vmem>>, vector<16xf32>,
      tpu.vector_store %arg6[%swap3A_61], %broadcast_in_dim3A_6 {strides = array<i32>} : memref<32768xf32, #tpu.memory_space<vmem>>, vector<16xf32>,
      %scan3A_63 = arith.constant 0 : i32
      scf.yield %scan3A_63 : i32
    }
    %scan3A_21 = arith.constant 256 : i32
    %scan3A_22 = arith.constant 0 : i32
    %scan3A_23 = arith.constant 2 : i32
    %scan3A_24 = arith.addi %scan3A_22, %scan3A_23 : i32
    %scan3A_25 = arith.constant 1 : i32
    %scan3A_26 = scf.for %scan3A_28 = %scan3A_22 to %scan3A_24 step %scan3A_25 iter_args(%scan3A_29 = %broadcast_in_dim3A_8) -> (vector<16xi32>)  : i32 {
      %mul3A_30 = arith.constant 2 : i32
      %mul3A_31 = arith.muli %mul3A_30, %scan3A_28 : i32
      %add3A_32 = arith.addi %mul3A_2, %mul3A_31 : i32
      %dma_wait3A = arith.constant 0 : i32
      %dma_wait3A_33 = tpu.memref_slice %arg2[%add3A_32, %dma_wait3A] : memref<128x32768xf32, #tpu.memory_space<hbm>> -> memref<1x32768xf32, #tpu.memory_space<hbm>>
      %dma_wait3A_34 = tpu.memref_squeeze %dma_wait3A_33 : memref<1x32768xf32, #tpu.memory_space<hbm>> -> memref<32768xf32, #tpu.memory_space<hbm>>
      %dma_wait3A_35 = arith.constant 0 : i32
      %dma_wait3A_36 = tpu.memref_slice %arg2[%add3A_32, %dma_wait3A_35] : memref<128x32768xf32, #tpu.memory_space<hbm>> -> memref<1x32768xf32, #tpu.memory_space<hbm>>
      %dma_wait3A_37 = tpu.memref_squeeze %dma_wait3A_36 : memref<1x32768xf32, #tpu.memory_space<hbm>> -> memref<32768xf32, #tpu.memory_space<hbm>>
      tpu.wait_dma2 semaphore(%arg9 : memref<!tpu.dma_semaphore, #tpu.memory_space<semaphore_mem>>) src(%dma_wait3A_37 : memref<32768xf32, #tpu.memory_space<hbm>>) dst(%arg4 : memref<32768xf32, #tpu.memory_space<vmem>>)
      %add3A_38 = arith.constant 1 : i32
      %add3A_39 = arith.addi %add3A_32, %add3A_38 : i32
      %dma_start3A_40 = arith.constant 0 : i32
      %dma_start3A_41 = tpu.memref_slice %arg2[%add3A_39, %dma_start3A_40] : memref<128x32768xf32, #tpu.memory_space<hbm>> -> memref<1x32768xf32, #tpu.memory_space<hbm>>
      %dma_start3A_42 = tpu.memref_squeeze %dma_start3A_41 : memref<1x32768xf32, #tpu.memory_space<hbm>> -> memref<32768xf32, #tpu.memory_space<hbm>>
      %dma_start3A_43 = arith.constant 0 : i32
      %dma_start3A_44 = tpu.memref_slice %arg2[%add3A_39, %dma_start3A_43] : memref<128x32768xf32, #tpu.memory_space<hbm>> -> memref<1x32768xf32, #tpu.memory_space<hbm>>
      %dma_start3A_45 = tpu.memref_squeeze %dma_start3A_44 : memref<1x32768xf32, #tpu.memory_space<hbm>> -> memref<32768xf32, #tpu.memory_space<hbm>>
      tpu.enqueue_dma source(%dma_start3A_45 : memref<32768xf32, #tpu.memory_space<hbm>>) target(%arg5 : memref<32768xf32, #tpu.memory_space<vmem>>) target_semaphore(%arg10 : memref<!tpu.dma_semaphore, #tpu.memory_space<semaphore_mem>>)
      %scan3A_46 = arith.constant 0 : i32
      %scan3A_47 = arith.constant 64 : i32
      %scan3A_48 = arith.addi %scan3A_46, %scan3A_47 : i32
      %scan3A_49 = arith.constant 1 : i32
      %scan3A_50:16 = scf.for %scan3A_801 = %scan3A_46 to %scan3A_48 step %scan3A_49 iter_args(%scan3A_802 = %broadcast_in_dim3A_10, %scan3A_803 = %broadcast_in_dim3A_10, %scan3A_804 = %broadcast_in_dim3A_10, %scan3A_805 = %broadcast_in_dim3A_10, %scan3A_806 = %broadcast_in_dim3A_10, %scan3A_807 = %broadcast_in_dim3A_10, %scan3A_808 = %broadcast_in_dim3A_10, %scan3A_809 = %broadcast_in_dim3A_10, %scan3A_810 = %broadcast_in_dim3A_10, %scan3A_811 = %broadcast_in_dim3A_10, %scan3A_812 = %broadcast_in_dim3A_10, %scan3A_813 = %broadcast_in_dim3A_10, %scan3A_814 = %broadcast_in_dim3A_10, %scan3A_815 = %broadcast_in_dim3A_10, %scan3A_816 = %broadcast_in_dim3A_10, %scan3A_817 = %broadcast_in_dim3A_10) -> (vector<16xf32>, vector<16xf32>, vector<16xf32>, vector<16xf32>, vector<16xf32>, vector<16xf32>, vector<16xf32>, vector<16xf32>, vector<16xf32>, vector<16xf32>, vector<16xf32>, vector<16xf32>, vector<16xf32>, vector<16xf32>, vector<16xf32>, vector<16xf32>)  : i32 {
        %mul3A_818 = arith.constant 512 : i32
        %mul3A_819 = arith.muli %scan3A_801, %mul3A_818 : i32
        %add3A_820 = arith.constant 0 : i32
        %add3A_821 = arith.addi %mul3A_819, %add3A_820 : i32
        %get3A = arith.index_cast %add3A_821 : i32 to index
        %get3A_822 = tpu.vector_load %arg4[%get3A] {strides = array<i32>} : memref<32768xf32, #tpu.memory_space<vmem>>, vector<16xf32>,
        %max3A_823 = arith.maximumf %scan3A_802, %get3A_822 : vector<16xf32>
        %add3A_824 = arith.constant 256 : i32
        %add3A_825 = arith.addi %mul3A_819, %add3A_824 : i32
        %add3A_826 = arith.constant 0 : i32
        %add3A_827 = arith.addi %add3A_825, %add3A_826 : i32
        %get3A_828 = arith.index_cast %add3A_827 : i32 to index
        %get3A_829 = tpu.vector_load %arg4[%get3A_828] {strides = array<i32>} : memref<32768xf32, #tpu.memory_space<vmem>>, vector<16xf32>,
        %max3A_830 = arith.maximumf %max3A_823, %get3A_829 : vector<16xf32>
        %add3A_831 = arith.constant 16 : i32
        %add3A_832 = arith.addi %mul3A_819, %add3A_831 : i32
        %get3A_833 = arith.index_cast %add3A_832 : i32 to index
        %get3A_834 = tpu.vector_load %arg4[%get3A_833] {strides = array<i32>} : memref<32768xf32, #tpu.memory_space<vmem>>, vector<16xf32>,
        %max3A_835 = arith.maximumf %scan3A_803, %get3A_834 : vector<16xf32>
        %add3A_836 = arith.constant 256 : i32
        %add3A_837 = arith.addi %mul3A_819, %add3A_836 : i32
        %add3A_838 = arith.constant 16 : i32
        %add3A_839 = arith.addi %add3A_837, %add3A_838 : i32
        %get3A_840 = arith.index_cast %add3A_839 : i32 to index
        %get3A_841 = tpu.vector_load %arg4[%get3A_840] {strides = array<i32>} : memref<32768xf32, #tpu.memory_space<vmem>>, vector<16xf32>,
        %max3A_842 = arith.maximumf %max3A_835, %get3A_841 : vector<16xf32>
        %add3A_843 = arith.constant 32 : i32
        %add3A_844 = arith.addi %mul3A_819, %add3A_843 : i32
        %get3A_845 = arith.index_cast %add3A_844 : i32 to index
        %get3A_846 = tpu.vector_load %arg4[%get3A_845] {strides = array<i32>} : memref<32768xf32, #tpu.memory_space<vmem>>, vector<16xf32>,
        %max3A_847 = arith.maximumf %scan3A_804, %get3A_846 : vector<16xf32>
        %add3A_848 = arith.constant 256 : i32
        %add3A_849 = arith.addi %mul3A_819, %add3A_848 : i32
        %add3A_850 = arith.constant 32 : i32
        %add3A_851 = arith.addi %add3A_849, %add3A_850 : i32
        %get3A_852 = arith.index_cast %add3A_851 : i32 to index
        %get3A_853 = tpu.vector_load %arg4[%get3A_852] {strides = array<i32>} : memref<32768xf32, #tpu.memory_space<vmem>>, vector<16xf32>,
        %max3A_854 = arith.maximumf %max3A_847, %get3A_853 : vector<16xf32>
        %add3A_855 = arith.constant 48 : i32
        %add3A_856 = arith.addi %mul3A_819, %add3A_855 : i32
        %get3A_857 = arith.index_cast %add3A_856 : i32 to index
        %get3A_858 = tpu.vector_load %arg4[%get3A_857] {strides = array<i32>} : memref<32768xf32, #tpu.memory_space<vmem>>, vector<16xf32>,
        %max3A_859 = arith.maximumf %scan3A_805, %get3A_858 : vector<16xf32>
        %add3A_860 = arith.constant 256 : i32
        %add3A_861 = arith.addi %mul3A_819, %add3A_860 : i32
        %add3A_862 = arith.constant 48 : i32
        %add3A_863 = arith.addi %add3A_861, %add3A_862 : i32
        %get3A_864 = arith.index_cast %add3A_863 : i32 to index
        %get3A_865 = tpu.vector_load %arg4[%get3A_864] {strides = array<i32>} : memref<32768xf32, #tpu.memory_space<vmem>>, vector<16xf32>,
        %max3A_866 = arith.maximumf %max3A_859, %get3A_865 : vector<16xf32>
        %add3A_867 = arith.constant 64 : i32
        %add3A_868 = arith.addi %mul3A_819, %add3A_867 : i32
        %get3A_869 = arith.index_cast %add3A_868 : i32 to index
        %get3A_870 = tpu.vector_load %arg4[%get3A_869] {strides = array<i32>} : memref<32768xf32, #tpu.memory_space<vmem>>, vector<16xf32>,
        %max3A_871 = arith.maximumf %scan3A_806, %get3A_870 : vector<16xf32>
        %add3A_872 = arith.constant 256 : i32
        %add3A_873 = arith.addi %mul3A_819, %add3A_872 : i32
        %add3A_874 = arith.constant 64 : i32
        %add3A_875 = arith.addi %add3A_873, %add3A_874 : i32
        %get3A_876 = arith.index_cast %add3A_875 : i32 to index
        %get3A_877 = tpu.vector_load %arg4[%get3A_876] {strides = array<i32>} : memref<32768xf32, #tpu.memory_space<vmem>>, vector<16xf32>,
        %max3A_878 = arith.maximumf %max3A_871, %get3A_877 : vector<16xf32>
        %add3A_879 = arith.constant 80 : i32
        %add3A_880 = arith.addi %mul3A_819, %add3A_879 : i32
        %get3A_881 = arith.index_cast %add3A_880 : i32 to index
        %get3A_882 = tpu.vector_load %arg4[%get3A_881] {strides = array<i32>} : memref<32768xf32, #tpu.memory_space<vmem>>, vector<16xf32>,
        %max3A_883 = arith.maximumf %scan3A_807, %get3A_882 : vector<16xf32>
        %add3A_884 = arith.constant 256 : i32
        %add3A_885 = arith.addi %mul3A_819, %add3A_884 : i32
        %add3A_886 = arith.constant 80 : i32
        %add3A_887 = arith.addi %add3A_885, %add3A_886 : i32
        %get3A_888 = arith.index_cast %add3A_887 : i32 to index
        %get3A_889 = tpu.vector_load %arg4[%get3A_888] {strides = array<i32>} : memref<32768xf32, #tpu.memory_space<vmem>>, vector<16xf32>,
        %max3A_890 = arith.maximumf %max3A_883, %get3A_889 : vector<16xf32>
        %add3A_891 = arith.constant 96 : i32
        %add3A_892 = arith.addi %mul3A_819, %add3A_891 : i32
        %get3A_893 = arith.index_cast %add3A_892 : i32 to index
        %get3A_894 = tpu.vector_load %arg4[%get3A_893] {strides = array<i32>} : memref<32768xf32, #tpu.memory_space<vmem>>, vector<16xf32>,
        %max3A_895 = arith.maximumf %scan3A_808, %get3A_894 : vector<16xf32>
        %add3A_896 = arith.constant 256 : i32
        %add3A_897 = arith.addi %mul3A_819, %add3A_896 : i32
        %add3A_898 = arith.constant 96 : i32
        %add3A_899 = arith.addi %add3A_897, %add3A_898 : i32
        %get3A_900 = arith.index_cast %add3A_899 : i32 to index
        %get3A_901 = tpu.vector_load %arg4[%get3A_900] {strides = array<i32>} : memref<32768xf32, #tpu.memory_space<vmem>>, vector<16xf32>,
        %max3A_902 = arith.maximumf %max3A_895, %get3A_901 : vector<16xf32>
        %add3A_903 = arith.constant 112 : i32
        %add3A_904 = arith.addi %mul3A_819, %add3A_903 : i32
        %get3A_905 = arith.index_cast %add3A_904 : i32 to index
        %get3A_906 = tpu.vector_load %arg4[%get3A_905] {strides = array<i32>} : memref<32768xf32, #tpu.memory_space<vmem>>, vector<16xf32>,
        %max3A_907 = arith.maximumf %scan3A_809, %get3A_906 : vector<16xf32>
        %add3A_908 = arith.constant 256 : i32
        %add3A_909 = arith.addi %mul3A_819, %add3A_908 : i32
        %add3A_910 = arith.constant 112 : i32
        %add3A_911 = arith.addi %add3A_909, %add3A_910 : i32
        %get3A_912 = arith.index_cast %add3A_911 : i32 to index
        %get3A_913 = tpu.vector_load %arg4[%get3A_912] {strides = array<i32>} : memref<32768xf32, #tpu.memory_space<vmem>>, vector<16xf32>,
        %max3A_914 = arith.maximumf %max3A_907, %get3A_913 : vector<16xf32>
        %add3A_915 = arith.constant 128 : i32
        %add3A_916 = arith.addi %mul3A_819, %add3A_915 : i32
        %get3A_917 = arith.index_cast %add3A_916 : i32 to index
        %get3A_918 = tpu.vector_load %arg4[%get3A_917] {strides = array<i32>} : memref<32768xf32, #tpu.memory_space<vmem>>, vector<16xf32>,
        %max3A_919 = arith.maximumf %scan3A_810, %get3A_918 : vector<16xf32>
        %add3A_920 = arith.constant 256 : i32
        %add3A_921 = arith.addi %mul3A_819, %add3A_920 : i32
        %add3A_922 = arith.constant 128 : i32
        %add3A_923 = arith.addi %add3A_921, %add3A_922 : i32
        %get3A_924 = arith.index_cast %add3A_923 : i32 to index
        %get3A_925 = tpu.vector_load %arg4[%get3A_924] {strides = array<i32>} : memref<32768xf32, #tpu.memory_space<vmem>>, vector<16xf32>,
        %max3A_926 = arith.maximumf %max3A_919, %get3A_925 : vector<16xf32>
        %add3A_927 = arith.constant 144 : i32
        %add3A_928 = arith.addi %mul3A_819, %add3A_927 : i32
        %get3A_929 = arith.index_cast %add3A_928 : i32 to index
        %get3A_930 = tpu.vector_load %arg4[%get3A_929] {strides = array<i32>} : memref<32768xf32, #tpu.memory_space<vmem>>, vector<16xf32>,
        %max3A_931 = arith.maximumf %scan3A_811, %get3A_930 : vector<16xf32>
        %add3A_932 = arith.constant 256 : i32
        %add3A_933 = arith.addi %mul3A_819, %add3A_932 : i32
        %add3A_934 = arith.constant 144 : i32
        %add3A_935 = arith.addi %add3A_933, %add3A_934 : i32
        %get3A_936 = arith.index_cast %add3A_935 : i32 to index
        %get3A_937 = tpu.vector_load %arg4[%get3A_936] {strides = array<i32>} : memref<32768xf32, #tpu.memory_space<vmem>>, vector<16xf32>,
        %max3A_938 = arith.maximumf %max3A_931, %get3A_937 : vector<16xf32>
        %add3A_939 = arith.constant 160 : i32
        %add3A_940 = arith.addi %mul3A_819, %add3A_939 : i32
        %get3A_941 = arith.index_cast %add3A_940 : i32 to index
        %get3A_942 = tpu.vector_load %arg4[%get3A_941] {strides = array<i32>} : memref<32768xf32, #tpu.memory_space<vmem>>, vector<16xf32>,
        %max3A_943 = arith.maximumf %scan3A_812, %get3A_942 : vector<16xf32>
        %add3A_944 = arith.constant 256 : i32
        %add3A_945 = arith.addi %mul3A_819, %add3A_944 : i32
        %add3A_946 = arith.constant 160 : i32
        %add3A_947 = arith.addi %add3A_945, %add3A_946 : i32
        %get3A_948 = arith.index_cast %add3A_947 : i32 to index
        %get3A_949 = tpu.vector_load %arg4[%get3A_948] {strides = array<i32>} : memref<32768xf32, #tpu.memory_space<vmem>>, vector<16xf32>,
        %max3A_950 = arith.maximumf %max3A_943, %get3A_949 : vector<16xf32>
        %add3A_951 = arith.constant 176 : i32
        %add3A_952 = arith.addi %mul3A_819, %add3A_951 : i32
        %get3A_953 = arith.index_cast %add3A_952 : i32 to index
        %get3A_954 = tpu.vector_load %arg4[%get3A_953] {strides = array<i32>} : memref<32768xf32, #tpu.memory_space<vmem>>, vector<16xf32>,
        %max3A_955 = arith.maximumf %scan3A_813, %get3A_954 : vector<16xf32>
        %add3A_956 = arith.constant 256 : i32
        %add3A_957 = arith.addi %mul3A_819, %add3A_956 : i32
        %add3A_958 = arith.constant 176 : i32
        %add3A_959 = arith.addi %add3A_957, %add3A_958 : i32
        %get3A_960 = arith.index_cast %add3A_959 : i32 to index
        %get3A_961 = tpu.vector_load %arg4[%get3A_960] {strides = array<i32>} : memref<32768xf32, #tpu.memory_space<vmem>>, vector<16xf32>,
        %max3A_962 = arith.maximumf %max3A_955, %get3A_961 : vector<16xf32>
        %add3A_963 = arith.constant 192 : i32
        %add3A_964 = arith.addi %mul3A_819, %add3A_963 : i32
        %get3A_965 = arith.index_cast %add3A_964 : i32 to index
        %get3A_966 = tpu.vector_load %arg4[%get3A_965] {strides = array<i32>} : memref<32768xf32, #tpu.memory_space<vmem>>, vector<16xf32>,
        %max3A_967 = arith.maximumf %scan3A_814, %get3A_966 : vector<16xf32>
        %add3A_968 = arith.constant 256 : i32
        %add3A_969 = arith.addi %mul3A_819, %add3A_968 : i32
        %add3A_970 = arith.constant 192 : i32
        %add3A_971 = arith.addi %add3A_969, %add3A_970 : i32
        %get3A_972 = arith.index_cast %add3A_971 : i32 to index
        %get3A_973 = tpu.vector_load %arg4[%get3A_972] {strides = array<i32>} : memref<32768xf32, #tpu.memory_space<vmem>>, vector<16xf32>,
        %max3A_974 = arith.maximumf %max3A_967, %get3A_973 : vector<16xf32>
        %add3A_975 = arith.constant 208 : i32
        %add3A_976 = arith.addi %mul3A_819, %add3A_975 : i32
        %get3A_977 = arith.index_cast %add3A_976 : i32 to index
        %get3A_978 = tpu.vector_load %arg4[%get3A_977] {strides = array<i32>} : memref<32768xf32, #tpu.memory_space<vmem>>, vector<16xf32>,
        %max3A_979 = arith.maximumf %scan3A_815, %get3A_978 : vector<16xf32>
        %add3A_980 = arith.constant 256 : i32
        %add3A_981 = arith.addi %mul3A_819, %add3A_980 : i32
        %add3A_982 = arith.constant 208 : i32
        %add3A_983 = arith.addi %add3A_981, %add3A_982 : i32
        %get3A_984 = arith.index_cast %add3A_983 : i32 to index
        %get3A_985 = tpu.vector_load %arg4[%get3A_984] {strides = array<i32>} : memref<32768xf32, #tpu.memory_space<vmem>>, vector<16xf32>,
        %max3A_986 = arith.maximumf %max3A_979, %get3A_985 : vector<16xf32>
        %add3A_987 = arith.constant 224 : i32
        %add3A_988 = arith.addi %mul3A_819, %add3A_987 : i32
        %get3A_989 = arith.index_cast %add3A_988 : i32 to index
        %get3A_990 = tpu.vector_load %arg4[%get3A_989] {strides = array<i32>} : memref<32768xf32, #tpu.memory_space<vmem>>, vector<16xf32>,
        %max3A_991 = arith.maximumf %scan3A_816, %get3A_990 : vector<16xf32>
        %add3A_992 = arith.constant 256 : i32
        %add3A_993 = arith.addi %mul3A_819, %add3A_992 : i32
        %add3A_994 = arith.constant 224 : i32
        %add3A_995 = arith.addi %add3A_993, %add3A_994 : i32
        %get3A_996 = arith.index_cast %add3A_995 : i32 to index
        %get3A_997 = tpu.vector_load %arg4[%get3A_996] {strides = array<i32>} : memref<32768xf32, #tpu.memory_space<vmem>>, vector<16xf32>,
        %max3A_998 = arith.maximumf %max3A_991, %get3A_997 : vector<16xf32>
        %add3A_999 = arith.constant 240 : i32
        %add3A_1000 = arith.addi %mul3A_819, %add3A_999 : i32
        %get3A_1001 = arith.index_cast %add3A_1000 : i32 to index
        %get3A_1002 = tpu.vector_load %arg4[%get3A_1001] {strides = array<i32>} : memref<32768xf32, #tpu.memory_space<vmem>>, vector<16xf32>,
        %max3A_1003 = arith.maximumf %scan3A_817, %get3A_1002 : vector<16xf32>
        %add3A_1004 = arith.constant 256 : i32
        %add3A_1005 = arith.addi %mul3A_819, %add3A_1004 : i32
        %add3A_1006 = arith.constant 240 : i32
        %add3A_1007 = arith.addi %add3A_1005, %add3A_1006 : i32
        %get3A_1008 = arith.index_cast %add3A_1007 : i32 to index
        %get3A_1009 = tpu.vector_load %arg4[%get3A_1008] {strides = array<i32>} : memref<32768xf32, #tpu.memory_space<vmem>>, vector<16xf32>,
        %max3A_1010 = arith.maximumf %max3A_1003, %get3A_1009 : vector<16xf32>
        scf.yield %max3A_830, %max3A_842, %max3A_854, %max3A_866, %max3A_878, %max3A_890, %max3A_902, %max3A_914, %max3A_926, %max3A_938, %max3A_950, %max3A_962, %max3A_974, %max3A_986, %max3A_998, %max3A_1010 : vector<16xf32>, vector<16xf32>, vector<16xf32>, vector<16xf32>, vector<16xf32>, vector<16xf32>, vector<16xf32>, vector<16xf32>, vector<16xf32>, vector<16xf32>, vector<16xf32>, vector<16xf32>, vector<16xf32>, vector<16xf32>, vector<16xf32>, vector<16xf32>
      }
      %scan3A_51 = arith.constant 64 : i32
      %bitcast3A = vector.bitcast %scan3A_50#0 : vector<16xf32> to vector<16xi32>
      %lt3A = arith.constant 0 : i32
      %lt3A_52 = vector.broadcast %lt3A : i32 to vector<16xi32>
      %lt3A_53 = arith.cmpi slt, %bitcast3A, %lt3A_52 : vector<16xi32>
      %xor3A = arith.constant 2147483647 : i32
      %xor3A_54 = vector.broadcast %xor3A : i32 to vector<16xi32>
      %xor3A_55 = arith.xori %bitcast3A, %xor3A_54 : vector<16xi32>
      %select_n3A = arith.select %lt3A_53, %xor3A_55, %bitcast3A : vector<16xi1>, vector<16xi32>
      %swap3A = arith.constant 0 : index
      %swap3A_56 = tpu.vector_load %arg7[%swap3A] {strides = array<i32>} : memref<16368xi32, #tpu.memory_space<vmem>>, vector<16xi32>,
      tpu.vector_store %arg7[%swap3A], %select_n3A {strides = array<i32>} : memref<16368xi32, #tpu.memory_space<vmem>>, vector<16xi32>,
      %bitcast3A_57 = vector.bitcast %scan3A_50#1 : vector<16xf32> to vector<16xi32>
      %lt3A_58 = arith.constant 0 : i32
      %lt3A_59 = vector.broadcast %lt3A_58 : i32 to vector<16xi32>
      %lt3A_60 = arith.cmpi slt, %bitcast3A_57, %lt3A_59 : vector<16xi32>
      %xor3A_61 = arith.constant 2147483647 : i32
      %xor3A_62 = vector.broadcast %xor3A_61 : i32 to vector<16xi32>
      %xor3A_63 = arith.xori %bitcast3A_57, %xor3A_62 : vector<16xi32>
      %select_n3A_64 = arith.select %lt3A_60, %xor3A_63, %bitcast3A_57 : vector<16xi1>, vector<16xi32>
      %min3A = arith.minsi %select_n3A, %select_n3A_64 : vector<16xi32>
      %max3A = arith.maxsi %select_n3A, %select_n3A_64 : vector<16xi32>
      %swap3A_65 = arith.constant 16 : index
      %swap3A_66 = tpu.vector_load %arg7[%swap3A_65] {strides = array<i32>} : memref<16368xi32, #tpu.memory_space<vmem>>, vector<16xi32>,
      tpu.vector_store %arg7[%swap3A_65], %select_n3A_64 {strides = array<i32>} : memref<16368xi32, #tpu.memory_space<vmem>>, vector<16xi32>,
      %bitcast3A_67 = vector.bitcast %scan3A_50#2 : vector<16xf32> to vector<16xi32>
      %lt3A_68 = arith.constant 0 : i32
      %lt3A_69 = vector.broadcast %lt3A_68 : i32 to vector<16xi32>
      %lt3A_70 = arith.cmpi slt, %bitcast3A_67, %lt3A_69 : vector<16xi32>
      %xor3A_71 = arith.constant 2147483647 : i32
      %xor3A_72 = vector.broadcast %xor3A_71 : i32 to vector<16xi32>
      %xor3A_73 = arith.xori %bitcast3A_67, %xor3A_72 : vector<16xi32>
      %select_n3A_74 = arith.select %lt3A_70, %xor3A_73, %bitcast3A_67 : vector<16xi1>, vector<16xi32>
      %min3A_75 = arith.minsi %min3A, %select_n3A_74 : vector<16xi32>
      %max3A_76 = arith.maxsi %max3A, %select_n3A_74 : vector<16xi32>
      %swap3A_77 = arith.constant 32 : index
      %swap3A_78 = tpu.vector_load %arg7[%swap3A_77] {strides = array<i32>} : memref<16368xi32, #tpu.memory_space<vmem>>, vector<16xi32>,
      tpu.vector_store %arg7[%swap3A_77], %select_n3A_74 {strides = array<i32>} : memref<16368xi32, #tpu.memory_space<vmem>>, vector<16xi32>,
      %bitcast3A_79 = vector.bitcast %scan3A_50#3 : vector<16xf32> to vector<16xi32>
      %lt3A_80 = arith.constant 0 : i32
      %lt3A_81 = vector.broadcast %lt3A_80 : i32 to vector<16xi32>
      %lt3A_82 = arith.cmpi slt, %bitcast3A_79, %lt3A_81 : vector<16xi32>
      %xor3A_83 = arith.constant 2147483647 : i32
      %xor3A_84 = vector.broadcast %xor3A_83 : i32 to vector<16xi32>
      %xor3A_85 = arith.xori %bitcast3A_79, %xor3A_84 : vector<16xi32>
      %select_n3A_86 = arith.select %lt3A_82, %xor3A_85, %bitcast3A_79 : vector<16xi1>, vector<16xi32>
      %min3A_87 = arith.minsi %min3A_75, %select_n3A_86 : vector<16xi32>
      %max3A_88 = arith.maxsi %max3A_76, %select_n3A_86 : vector<16xi32>
      %swap3A_89 = arith.constant 48 : index
      %swap3A_90 = tpu.vector_load %arg7[%swap3A_89] {strides = array<i32>} : memref<16368xi32, #tpu.memory_space<vmem>>, vector<16xi32>,
      tpu.vector_store %arg7[%swap3A_89], %select_n3A_86 {strides = array<i32>} : memref<16368xi32, #tpu.memory_space<vmem>>, vector<16xi32>,
      %bitcast3A_91 = vector.bitcast %scan3A_50#4 : vector<16xf32> to vector<16xi32>
      %lt3A_92 = arith.constant 0 : i32
      %lt3A_93 = vector.broadcast %lt3A_92 : i32 to vector<16xi32>
      %lt3A_94 = arith.cmpi slt, %bitcast3A_91, %lt3A_93 : vector<16xi32>
      %xor3A_95 = arith.constant 2147483647 : i32
      %xor3A_96 = vector.broadcast %xor3A_95 : i32 to vector<16xi32>
      %xor3A_97 = arith.xori %bitcast3A_91, %xor3A_96 : vector<16xi32>
      %select_n3A_98 = arith.select %lt3A_94, %xor3A_97, %bitcast3A_91 : vector<16xi1>, vector<16xi32>
      %min3A_99 = arith.minsi %min3A_87, %select_n3A_98 : vector<16xi32>
      %max3A_100 = arith.maxsi %max3A_88, %select_n3A_98 : vector<16xi32>
      %swap3A_101 = arith.constant 64 : index
      %swap3A_102 = tpu.vector_load %arg7[%swap3A_101] {strides = array<i32>} : memref<16368xi32, #tpu.memory_space<vmem>>, vector<16xi32>,
      tpu.vector_store %arg7[%swap3A_101], %select_n3A_98 {strides = array<i32>} : memref<16368xi32, #tpu.memory_space<vmem>>, vector<16xi32>,
      %bitcast3A_103 = vector.bitcast %scan3A_50#5 : vector<16xf32> to vector<16xi32>
      %lt3A_104 = arith.constant 0 : i32
      %lt3A_105 = vector.broadcast %lt3A_104 : i32 to vector<16xi32>
      %lt3A_106 = arith.cmpi slt, %bitcast3A_103, %lt3A_105 : vector<16xi32>
      %xor3A_107 = arith.constant 2147483647 : i32
      %xor3A_108 = vector.broadcast %xor3A_107 : i32 to vector<16xi32>
      %xor3A_109 = arith.xori %bitcast3A_103, %xor3A_108 : vector<16xi32>
      %select_n3A_110 = arith.select %lt3A_106, %xor3A_109, %bitcast3A_103 : vector<16xi1>, vector<16xi32>
      %min3A_111 = arith.minsi %min3A_99, %select_n3A_110 : vector<16xi32>
      %max3A_112 = arith.maxsi %max3A_100, %select_n3A_110 : vector<16xi32>
      %swap3A_113 = arith.constant 80 : index
      %swap3A_114 = tpu.vector_load %arg7[%swap3A_113] {strides = array<i32>} : memref<16368xi32, #tpu.memory_space<vmem>>, vector<16xi32>,
      tpu.vector_store %arg7[%swap3A_113], %select_n3A_110 {strides = array<i32>} : memref<16368xi32, #tpu.memory_space<vmem>>, vector<16xi32>,
      %bitcast3A_115 = vector.bitcast %scan3A_50#6 : vector<16xf32> to vector<16xi32>
      %lt3A_116 = arith.constant 0 : i32
      %lt3A_117 = vector.broadcast %lt3A_116 : i32 to vector<16xi32>
      %lt3A_118 = arith.cmpi slt, %bitcast3A_115, %lt3A_117 : vector<16xi32>
      %xor3A_119 = arith.constant 2147483647 : i32
      %xor3A_120 = vector.broadcast %xor3A_119 : i32 to vector<16xi32>
      %xor3A_121 = arith.xori %bitcast3A_115, %xor3A_120 : vector<16xi32>
      %select_n3A_122 = arith.select %lt3A_118, %xor3A_121, %bitcast3A_115 : vector<16xi1>, vector<16xi32>
      %min3A_123 = arith.minsi %min3A_111, %select_n3A_122 : vector<16xi32>
      %max3A_124 = arith.maxsi %max3A_112, %select_n3A_122 : vector<16xi32>
      %swap3A_125 = arith.constant 96 : index
      %swap3A_126 = tpu.vector_load %arg7[%swap3A_125] {strides = array<i32>} : memref<16368xi32, #tpu.memory_space<vmem>>, vector<16xi32>,
      tpu.vector_store %arg7[%swap3A_125], %select_n3A_122 {strides = array<i32>} : memref<16368xi32, #tpu.memory_space<vmem>>, vector<16xi32>,
      %bitcast3A_127 = vector.bitcast %scan3A_50#7 : vector<16xf32> to vector<16xi32>
      %lt3A_128 = arith.constant 0 : i32
      %lt3A_129 = vector.broadcast %lt3A_128 : i32 to vector<16xi32>
      %lt3A_130 = arith.cmpi slt, %bitcast3A_127, %lt3A_129 : vector<16xi32>
      %xor3A_131 = arith.constant 2147483647 : i32
      %xor3A_132 = vector.broadcast %xor3A_131 : i32 to vector<16xi32>
      %xor3A_133 = arith.xori %bitcast3A_127, %xor3A_132 : vector<16xi32>
      %select_n3A_134 = arith.select %lt3A_130, %xor3A_133, %bitcast3A_127 : vector<16xi1>, vector<16xi32>
      %min3A_135 = arith.minsi %min3A_123, %select_n3A_134 : vector<16xi32>
      %max3A_136 = arith.maxsi %max3A_124, %select_n3A_134 : vector<16xi32>
      %swap3A_137 = arith.constant 112 : index
      %swap3A_138 = tpu.vector_load %arg7[%swap3A_137] {strides = array<i32>} : memref<16368xi32, #tpu.memory_space<vmem>>, vector<16xi32>,
      tpu.vector_store %arg7[%swap3A_137], %select_n3A_134 {strides = array<i32>} : memref<16368xi32, #tpu.memory_space<vmem>>, vector<16xi32>,
      %bitcast3A_139 = vector.bitcast %scan3A_50#8 : vector<16xf32> to vector<16xi32>
      %lt3A_140 = arith.constant 0 : i32
      %lt3A_141 = vector.broadcast %lt3A_140 : i32 to vector<16xi32>
      %lt3A_142 = arith.cmpi slt, %bitcast3A_139, %lt3A_141 : vector<16xi32>
      %xor3A_143 = arith.constant 2147483647 : i32
      %xor3A_144 = vector.broadcast %xor3A_143 : i32 to vector<16xi32>
      %xor3A_145 = arith.xori %bitcast3A_139, %xor3A_144 : vector<16xi32>
      %select_n3A_146 = arith.select %lt3A_142, %xor3A_145, %bitcast3A_139 : vector<16xi1>, vector<16xi32>
      %min3A_147 = arith.minsi %min3A_135, %select_n3A_146 : vector<16xi32>
      %max3A_148 = arith.maxsi %max3A_136, %select_n3A_146 : vector<16xi32>
      %swap3A_149 = arith.constant 128 : index
      %swap3A_150 = tpu.vector_load %arg7[%swap3A_149] {strides = array<i32>} : memref<16368xi32, #tpu.memory_space<vmem>>, vector<16xi32>,
      tpu.vector_store %arg7[%swap3A_149], %select_n3A_146 {strides = array<i32>} : memref<16368xi32, #tpu.memory_space<vmem>>, vector<16xi32>,
      %bitcast3A_151 = vector.bitcast %scan3A_50#9 : vector<16xf32> to vector<16xi32>
      %lt3A_152 = arith.constant 0 : i32
      %lt3A_153 = vector.broadcast %lt3A_152 : i32 to vector<16xi32>
      %lt3A_154 = arith.cmpi slt, %bitcast3A_151, %lt3A_153 : vector<16xi32>
      %xor3A_155 = arith.constant 2147483647 : i32
      %xor3A_156 = vector.broadcast %xor3A_155 : i32 to vector<16xi32>
      %xor3A_157 = arith.xori %bitcast3A_151, %xor3A_156 : vector<16xi32>
      %select_n3A_158 = arith.select %lt3A_154, %xor3A_157, %bitcast3A_151 : vector<16xi1>, vector<16xi32>
      %min3A_159 = arith.minsi %min3A_147, %select_n3A_158 : vector<16xi32>
      %max3A_160 = arith.maxsi %max3A_148, %select_n3A_158 : vector<16xi32>
      %swap3A_161 = arith.constant 144 : index
      %swap3A_162 = tpu.vector_load %arg7[%swap3A_161] {strides = array<i32>} : memref<16368xi32, #tpu.memory_space<vmem>>, vector<16xi32>,
      tpu.vector_store %arg7[%swap3A_161], %select_n3A_158 {strides = array<i32>} : memref<16368xi32, #tpu.memory_space<vmem>>, vector<16xi32>,
      %bitcast3A_163 = vector.bitcast %scan3A_50#10 : vector<16xf32> to vector<16xi32>
      %lt3A_164 = arith.constant 0 : i32
      %lt3A_165 = vector.broadcast %lt3A_164 : i32 to vector<16xi32>
      %lt3A_166 = arith.cmpi slt, %bitcast3A_163, %lt3A_165 : vector<16xi32>
      %xor3A_167 = arith.constant 2147483647 : i32
      %xor3A_168 = vector.broadcast %xor3A_167 : i32 to vector<16xi32>
      %xor3A_169 = arith.xori %bitcast3A_163, %xor3A_168 : vector<16xi32>
      %select_n3A_170 = arith.select %lt3A_166, %xor3A_169, %bitcast3A_163 : vector<16xi1>, vector<16xi32>
      %min3A_171 = arith.minsi %min3A_159, %select_n3A_170 : vector<16xi32>
      %max3A_172 = arith.maxsi %max3A_160, %select_n3A_170 : vector<16xi32>
      %swap3A_173 = arith.constant 160 : index
      %swap3A_174 = tpu.vector_load %arg7[%swap3A_173] {strides = array<i32>} : memref<16368xi32, #tpu.memory_space<vmem>>, vector<16xi32>,
      tpu.vector_store %arg7[%swap3A_173], %select_n3A_170 {strides = array<i32>} : memref<16368xi32, #tpu.memory_space<vmem>>, vector<16xi32>,
      %bitcast3A_175 = vector.bitcast %scan3A_50#11 : vector<16xf32> to vector<16xi32>
      %lt3A_176 = arith.constant 0 : i32
      %lt3A_177 = vector.broadcast %lt3A_176 : i32 to vector<16xi32>
      %lt3A_178 = arith.cmpi slt, %bitcast3A_175, %lt3A_177 : vector<16xi32>
      %xor3A_179 = arith.constant 2147483647 : i32
      %xor3A_180 = vector.broadcast %xor3A_179 : i32 to vector<16xi32>
      %xor3A_181 = arith.xori %bitcast3A_175, %xor3A_180 : vector<16xi32>
      %select_n3A_182 = arith.select %lt3A_178, %xor3A_181, %bitcast3A_175 : vector<16xi1>, vector<16xi32>
      %min3A_183 = arith.minsi %min3A_171, %select_n3A_182 : vector<16xi32>
      %max3A_184 = arith.maxsi %max3A_172, %select_n3A_182 : vector<16xi32>
      %swap3A_185 = arith.constant 176 : index
      %swap3A_186 = tpu.vector_load %arg7[%swap3A_185] {strides = array<i32>} : memref<16368xi32, #tpu.memory_space<vmem>>, vector<16xi32>,
      tpu.vector_store %arg7[%swap3A_185], %select_n3A_182 {strides = array<i32>} : memref<16368xi32, #tpu.memory_space<vmem>>, vector<16xi32>,
      %bitcast3A_187 = vector.bitcast %scan3A_50#12 : vector<16xf32> to vector<16xi32>
      %lt3A_188 = arith.constant 0 : i32
      %lt3A_189 = vector.broadcast %lt3A_188 : i32 to vector<16xi32>
      %lt3A_190 = arith.cmpi slt, %bitcast3A_187, %lt3A_189 : vector<16xi32>
      %xor3A_191 = arith.constant 2147483647 : i32
      %xor3A_192 = vector.broadcast %xor3A_191 : i32 to vector<16xi32>
      %xor3A_193 = arith.xori %bitcast3A_187, %xor3A_192 : vector<16xi32>
      %select_n3A_194 = arith.select %lt3A_190, %xor3A_193, %bitcast3A_187 : vector<16xi1>, vector<16xi32>
      %min3A_195 = arith.minsi %min3A_183, %select_n3A_194 : vector<16xi32>
      %max3A_196 = arith.maxsi %max3A_184, %select_n3A_194 : vector<16xi32>
      %swap3A_197 = arith.constant 192 : index
      %swap3A_198 = tpu.vector_load %arg7[%swap3A_197] {strides = array<i32>} : memref<16368xi32, #tpu.memory_space<vmem>>, vector<16xi32>,
      tpu.vector_store %arg7[%swap3A_197], %select_n3A_194 {strides = array<i32>} : memref<16368xi32, #tpu.memory_space<vmem>>, vector<16xi32>,
      %bitcast3A_199 = vector.bitcast %scan3A_50#13 : vector<16xf32> to vector<16xi32>
      %lt3A_200 = arith.constant 0 : i32
      %lt3A_201 = vector.broadcast %lt3A_200 : i32 to vector<16xi32>
      %lt3A_202 = arith.cmpi slt, %bitcast3A_199, %lt3A_201 : vector<16xi32>
      %xor3A_203 = arith.constant 2147483647 : i32
      %xor3A_204 = vector.broadcast %xor3A_203 : i32 to vector<16xi32>
      %xor3A_205 = arith.xori %bitcast3A_199, %xor3A_204 : vector<16xi32>
      %select_n3A_206 = arith.select %lt3A_202, %xor3A_205, %bitcast3A_199 : vector<16xi1>, vector<16xi32>
      %min3A_207 = arith.minsi %min3A_195, %select_n3A_206 : vector<16xi32>
      %max3A_208 = arith.maxsi %max3A_196, %select_n3A_206 : vector<16xi32>
      %swap3A_209 = arith.constant 208 : index
      %swap3A_210 = tpu.vector_load %arg7[%swap3A_209] {strides = array<i32>} : memref<16368xi32, #tpu.memory_space<vmem>>, vector<16xi32>,
      tpu.vector_store %arg7[%swap3A_209], %select_n3A_206 {strides = array<i32>} : memref<16368xi32, #tpu.memory_space<vmem>>, vector<16xi32>,
      %bitcast3A_211 = vector.bitcast %scan3A_50#14 : vector<16xf32> to vector<16xi32>
      %lt3A_212 = arith.constant 0 : i32
      %lt3A_213 = vector.broadcast %lt3A_212 : i32 to vector<16xi32>
      %lt3A_214 = arith.cmpi slt, %bitcast3A_211, %lt3A_213 : vector<16xi32>
      %xor3A_215 = arith.constant 2147483647 : i32
      %xor3A_216 = vector.broadcast %xor3A_215 : i32 to vector<16xi32>
      %xor3A_217 = arith.xori %bitcast3A_211, %xor3A_216 : vector<16xi32>
      %select_n3A_218 = arith.select %lt3A_214, %xor3A_217, %bitcast3A_211 : vector<16xi1>, vector<16xi32>
      %min3A_219 = arith.minsi %min3A_207, %select_n3A_218 : vector<16xi32>
      %max3A_220 = arith.maxsi %max3A_208, %select_n3A_218 : vector<16xi32>
      %swap3A_221 = arith.constant 224 : index
      %swap3A_222 = tpu.vector_load %arg7[%swap3A_221] {strides = array<i32>} : memref<16368xi32, #tpu.memory_space<vmem>>, vector<16xi32>,
      tpu.vector_store %arg7[%swap3A_221], %select_n3A_218 {strides = array<i32>} : memref<16368xi32, #tpu.memory_space<vmem>>, vector<16xi32>,
      %bitcast3A_223 = vector.bitcast %scan3A_50#15 : vector<16xf32> to vector<16xi32>
      %lt3A_224 = arith.constant 0 : i32
      %lt3A_225 = vector.broadcast %lt3A_224 : i32 to vector<16xi32>
      %lt3A_226 = arith.cmpi slt, %bitcast3A_223, %lt3A_225 : vector<16xi32>
      %xor3A_227 = arith.constant 2147483647 : i32
      %xor3A_228 = vector.broadcast %xor3A_227 : i32 to vector<16xi32>
      %xor3A_229 = arith.xori %bitcast3A_223, %xor3A_228 : vector<16xi32>
      %select_n3A_230 = arith.select %lt3A_226, %xor3A_229, %bitcast3A_223 : vector<16xi1>, vector<16xi32>
      %min3A_231 = arith.minsi %min3A_219, %select_n3A_230 : vector<16xi32>
      %max3A_232 = arith.maxsi %max3A_220, %select_n3A_230 : vector<16xi32>
      %swap3A_233 = arith.constant 240 : index
      %swap3A_234 = tpu.vector_load %arg7[%swap3A_233] {strides = array<i32>} : memref<16368xi32, #tpu.memory_space<vmem>>, vector<16xi32>,
      tpu.vector_store %arg7[%swap3A_233], %select_n3A_230 {strides = array<i32>} : memref<16368xi32, #tpu.memory_space<vmem>>, vector<16xi32>,
      %reduce_min3A = arith.constant true
      %reduce_min3A_235 = vector.broadcast %reduce_min3A : i1 to vector<16xi1>
      %reduce_min3A_236 = arith.constant -2147483648 : i32
      %reduce_min3A_237 = vector.broadcast %reduce_min3A_236 : i32 to vector<16xi32>
      %reduce_min3A_238 = arith.xori %min3A_231, %reduce_min3A_237 : vector<16xi32>
      %reduce_min3A_239 = tpu.scan <min>, %reduce_min3A_238 masked %reduce_min3A_235 : vector<16xi32>, vector<16xi1> -> vector<16xi32>
      %reduce_min3A_240 = arith.xori %reduce_min3A_239, %reduce_min3A_237 : vector<16xi32>
      %reduce_min3A_241 = vector.extract %reduce_min3A_240[15] : i32 from vector<16xi32>
      %reduce_max3A = arith.constant true
      %reduce_max3A_242 = vector.broadcast %reduce_max3A : i1 to vector<16xi1>
      %reduce_max3A_243 = arith.constant -2147483648 : i32
      %reduce_max3A_244 = vector.broadcast %reduce_max3A_243 : i32 to vector<16xi32>
      %reduce_max3A_245 = arith.xori %max3A_232, %reduce_max3A_244 : vector<16xi32>
      %reduce_max3A_246 = tpu.scan <max>, %reduce_max3A_245 masked %reduce_max3A_242 : vector<16xi32>, vector<16xi1> -> vector<16xi32>
      %reduce_max3A_247 = arith.xori %reduce_max3A_246, %reduce_max3A_244 : vector<16xi32>
      %reduce_max3A_248 = vector.extract %reduce_max3A_247[15] : i32 from vector<16xi32>
      %xor3A_249 = arith.xori %reduce_max3A_248, %reduce_min3A_241 : i32
      %broadcast_in_dim3A_250 = vector.broadcast %xor3A_249 : i32 to vector<16xi32>
      %bitcast3A_251 = vector.bitcast %broadcast_in_dim3A_250 : vector<16xi32> to vector<16xi32>
      %convert_element_type3A = arith.uitofp %bitcast3A_251 : vector<16xi32> to vector<16xf32>
      %bitcast3A_252 = vector.bitcast %convert_element_type3A : vector<16xf32> to vector<16xi32>
      %shift_right_arithmetic3A = arith.constant 23 : i32
      %shift_right_arithmetic3A_253 = vector.broadcast %shift_right_arithmetic3A : i32 to vector<16xi32>
      %shift_right_arithmetic3A_254 = arith.shrsi %bitcast3A_252, %shift_right_arithmetic3A_253 : vector<16xi32>
      %sub3A = arith.constant 127 : i32
      %sub3A_255 = vector.broadcast %sub3A : i32 to vector<16xi32>
      %sub3A_256 = arith.subi %shift_right_arithmetic3A_254, %sub3A_255 : vector<16xi32>
      %min3A_257 = arith.constant 31 : i32
      %min3A_258 = vector.broadcast %min3A_257 : i32 to vector<16xi32>
      %min3A_259 = arith.minsi %sub3A_256, %min3A_258 : vector<16xi32>
      %broadcast_in_dim3A_260 = vector.broadcast %reduce_max3A_248 : i32 to vector<16xi32>
      %broadcast_in_dim3A_261 = arith.constant 2 : i32
      %broadcast_in_dim3A_262 = vector.broadcast %broadcast_in_dim3A_261 : i32 to vector<16xi32>
      %shift_left3A = arith.shli %broadcast_in_dim3A_262, %min3A_259 : vector<16xi32>
      %sub3A_263 = arith.constant 1 : i32
      %sub3A_264 = vector.broadcast %sub3A_263 : i32 to vector<16xi32>
      %sub3A_265 = arith.subi %shift_left3A, %sub3A_264 : vector<16xi32>
      %eq3A = arith.constant 0 : i32
      %eq3A_266 = vector.broadcast %eq3A : i32 to vector<16xi32>
      %eq3A_267 = arith.cmpi eq, %broadcast_in_dim3A_250, %eq3A_266 : vector<16xi32>
      %not3A = arith.constant dense<-1> : vector<16xi32>
      %not3A_268 = arith.xori %sub3A_265, %not3A : vector<16xi32>
      %and3A = arith.andi %broadcast_in_dim3A_260, %not3A_268 : vector<16xi32>
      %select_n3A_269 = arith.select %eq3A_267, %broadcast_in_dim3A_260, %and3A : vector<16xi1>, vector<16xi32>
      %ge3A = arith.constant 31 : i32
      %ge3A_270 = vector.broadcast %ge3A : i32 to vector<16xi32>
      %ge3A_271 = arith.cmpi sge, %min3A_259, %ge3A_270 : vector<16xi32>
      %broadcast_in_dim3A_272 = arith.constant -2147483648 : i32
      %broadcast_in_dim3A_273 = vector.broadcast %broadcast_in_dim3A_272 : i32 to vector<16xi32>
      %select_n3A_274 = arith.select %ge3A_271, %broadcast_in_dim3A_273, %select_n3A_269 : vector<16xi1>, vector<16xi32>
      %slice3A = vector.extract_strided_slice %min3A_259 {offsets = [0], sizes = [1], strides = [1]} : vector<16xi32> to vector<1xi32>
      %squeeze3A = vector.extract %slice3A[0] : i32 from vector<1xi32>
      %add3A_275 = arith.constant 1 : i32
      %add3A_276 = arith.addi %squeeze3A, %add3A_275 : i32
      %while3A = arith.constant 0 : i32
      %while3A_277 = arith.subi %add3A_276, %while3A : i32
      %while3A_278 = arith.addi %while3A, %while3A_277 : i32
      %while3A_279 = arith.constant 1 : i32
      %while3A_280 = arith.divsi %while3A_277, %while3A_279 : i32
      %while3A_281 = arith.muli %while3A_280, %while3A_279 : i32
      %while3A_282 = arith.addi %while3A, %while3A_281 : i32
      %while3A_283 = arith.constant 1 : i32
      %while3A_284 = scf.for %while3A_801 = %while3A to %while3A_282 step %while3A_283 iter_args(%while3A_802 = %select_n3A_274) -> (vector<16xi32>)  : i32 {
        %sub3A_803 = arith.subi %squeeze3A, %while3A_801 : i32
        %broadcast_in_dim3A_804 = vector.broadcast %sub3A_803 : i32 to vector<16xi32>
        %broadcast_in_dim3A_805 = arith.constant 1 : i32
        %broadcast_in_dim3A_806 = vector.broadcast %broadcast_in_dim3A_805 : i32 to vector<16xi32>
        %shift_left3A_807 = arith.shli %broadcast_in_dim3A_806, %broadcast_in_dim3A_804 : vector<16xi32>
        %eq3A_808 = arith.constant 31 : i32
        %eq3A_809 = vector.broadcast %eq3A_808 : i32 to vector<16xi32>
        %eq3A_810 = arith.cmpi eq, %broadcast_in_dim3A_804, %eq3A_809 : vector<16xi32>
        %broadcast_in_dim3A_811 = arith.constant -2147483648 : i32
        %broadcast_in_dim3A_812 = vector.broadcast %broadcast_in_dim3A_811 : i32 to vector<16xi32>
        %xor3A_813 = arith.xori %while3A_802, %broadcast_in_dim3A_812 : vector<16xi32>
        %or3A = arith.ori %while3A_802, %shift_left3A_807 : vector<16xi32>
        %select_n3A_814 = arith.select %eq3A_810, %xor3A_813, %or3A : vector<16xi1>, vector<16xi32>
        %scan3A_815 = arith.constant 0 : i32
        %scan3A_816 = arith.constant 16 : i32
        %scan3A_817 = arith.addi %scan3A_815, %scan3A_816 : i32
        %scan3A_818 = arith.constant 1 : i32
        %scan3A_819 = scf.for %scan3A_825 = %scan3A_815 to %scan3A_817 step %scan3A_818 iter_args(%scan3A_826 = %broadcast_in_dim3A_8) -> (vector<16xi32>)  : i32 {
          %mul3A_827 = arith.constant 16 : i32
          %mul3A_828 = arith.muli %scan3A_825, %mul3A_827 : i32
          %get3A = arith.index_cast %mul3A_828 : i32 to index
          %get3A_829 = tpu.vector_load %arg7[%get3A] {strides = array<i32>} : memref<16368xi32, #tpu.memory_space<vmem>>, vector<16xi32>,
          %ge3A_830 = arith.cmpi sge, %get3A_829, %select_n3A_814 : vector<16xi32>
          %all_reduce_population_count3A = tpu.all_reduce %ge3A_830 {dim = 0 : i64, kind = #tpu.reduction_kind<sum>} : vector<16xi1> -> vector<16xi32>
          %add3A_831 = arith.addi %scan3A_826, %all_reduce_population_count3A : vector<16xi32>
          scf.yield %add3A_831 : vector<16xi32>
        }
        %scan3A_820 = arith.constant 16 : i32
        %ge3A_821 = arith.constant 64 : i32
        %ge3A_822 = vector.broadcast %ge3A_821 : i32 to vector<16xi32>
        %ge3A_823 = arith.cmpi sge, %scan3A_819, %ge3A_822 : vector<16xi32>
        %select_n3A_824 = arith.select %ge3A_823, %select_n3A_814, %while3A_802 : vector<16xi1>, vector<16xi32>
        scf.yield %select_n3A_824 : vector<16xi32>
      }
      %while3A_285 = arith.constant 1 : i32
      %while3A_286 = scf.for %while3A_801 = %while3A_282 to %while3A_278 step %while3A_285 iter_args(%while3A_802 = %while3A_284) -> (vector<16xi32>)  : i32 {
        %sub3A_803 = arith.subi %squeeze3A, %while3A_801 : i32
        %broadcast_in_dim3A_804 = vector.broadcast %sub3A_803 : i32 to vector<16xi32>
        %broadcast_in_dim3A_805 = arith.constant 1 : i32
        %broadcast_in_dim3A_806 = vector.broadcast %broadcast_in_dim3A_805 : i32 to vector<16xi32>
        %shift_left3A_807 = arith.shli %broadcast_in_dim3A_806, %broadcast_in_dim3A_804 : vector<16xi32>
        %eq3A_808 = arith.constant 31 : i32
        %eq3A_809 = vector.broadcast %eq3A_808 : i32 to vector<16xi32>
        %eq3A_810 = arith.cmpi eq, %broadcast_in_dim3A_804, %eq3A_809 : vector<16xi32>
        %broadcast_in_dim3A_811 = arith.constant -2147483648 : i32
        %broadcast_in_dim3A_812 = vector.broadcast %broadcast_in_dim3A_811 : i32 to vector<16xi32>
        %xor3A_813 = arith.xori %while3A_802, %broadcast_in_dim3A_812 : vector<16xi32>
        %or3A = arith.ori %while3A_802, %shift_left3A_807 : vector<16xi32>
        %select_n3A_814 = arith.select %eq3A_810, %xor3A_813, %or3A : vector<16xi1>, vector<16xi32>
        %scan3A_815 = arith.constant 0 : i32
        %scan3A_816 = arith.constant 16 : i32
        %scan3A_817 = arith.addi %scan3A_815, %scan3A_816 : i32
        %scan3A_818 = arith.constant 1 : i32
        %scan3A_819 = scf.for %scan3A_825 = %scan3A_815 to %scan3A_817 step %scan3A_818 iter_args(%scan3A_826 = %broadcast_in_dim3A_8) -> (vector<16xi32>)  : i32 {
          %mul3A_827 = arith.constant 16 : i32
          %mul3A_828 = arith.muli %scan3A_825, %mul3A_827 : i32
          %get3A = arith.index_cast %mul3A_828 : i32 to index
          %get3A_829 = tpu.vector_load %arg7[%get3A] {strides = array<i32>} : memref<16368xi32, #tpu.memory_space<vmem>>, vector<16xi32>,
          %ge3A_830 = arith.cmpi sge, %get3A_829, %select_n3A_814 : vector<16xi32>
          %all_reduce_population_count3A = tpu.all_reduce %ge3A_830 {dim = 0 : i64, kind = #tpu.reduction_kind<sum>} : vector<16xi1> -> vector<16xi32>
          %add3A_831 = arith.addi %scan3A_826, %all_reduce_population_count3A : vector<16xi32>
          scf.yield %add3A_831 : vector<16xi32>
        }
        %scan3A_820 = arith.constant 16 : i32
        %ge3A_821 = arith.constant 64 : i32
        %ge3A_822 = vector.broadcast %ge3A_821 : i32 to vector<16xi32>
        %ge3A_823 = arith.cmpi sge, %scan3A_819, %ge3A_822 : vector<16xi32>
        %select_n3A_824 = arith.select %ge3A_823, %select_n3A_814, %while3A_802 : vector<16xi1>, vector<16xi32>
        scf.yield %select_n3A_824 : vector<16xi32>
      }
      %reduce_max3A_287 = arith.constant true
      %reduce_max3A_288 = vector.broadcast %reduce_max3A_287 : i1 to vector<16xi1>
      %reduce_max3A_289 = arith.constant -2147483648 : i32
      %reduce_max3A_290 = vector.broadcast %reduce_max3A_289 : i32 to vector<16xi32>
      %reduce_max3A_291 = arith.xori %scan3A_29, %reduce_max3A_290 : vector<16xi32>
      %reduce_max3A_292 = tpu.scan <max>, %reduce_max3A_291 masked %reduce_max3A_288 : vector<16xi32>, vector<16xi1> -> vector<16xi32>
      %reduce_max3A_293 = arith.xori %reduce_max3A_292, %reduce_max3A_290 : vector<16xi32>
      %reduce_max3A_294 = vector.extract %reduce_max3A_293[15] : i32 from vector<16xi32>
      %while3A_295 = arith.constant 0 : i32
      %while3A_296 = arith.constant 0 : i32
      %while3A_297 = arith.subi %reduce_max3A_294, %while3A_295 : i32
      %while3A_298 = arith.addi %while3A_295, %while3A_297 : i32
      %while3A_299 = arith.constant 1 : i32
      %while3A_300 = arith.divsi %while3A_297, %while3A_299 : i32
      %while3A_301 = arith.muli %while3A_300, %while3A_299 : i32
      %while3A_302 = arith.addi %while3A_295, %while3A_301 : i32
      %while3A_303 = arith.constant 1 : i32
      %while3A_304 = scf.for %while3A_801 = %while3A_295 to %while3A_302 step %while3A_303 iter_args(%while3A_802 = %while3A_296) -> (i32)  : i32 {
        %add3A_803 = vector.broadcast %while3A_801 : i32 to vector<16xi32>
        %add3A_804 = arith.addi %mul3A_5, %add3A_803 : vector<16xi32>
        %gather3A = tpu.vector_load_idx %arg8[%add3A_804] : memref<16368xi32, #tpu.memory_space<vmem>>[vector<16xi32>], vector<16xi32>,
        %gt3A_805 = vector.broadcast %while3A_801 : i32 to vector<16xi32>
        %gt3A_806 = arith.cmpi sgt, %scan3A_29, %gt3A_805 : vector<16xi32>
        tpu.vector_store_idx %arg6[%gather3A], %broadcast_in_dim3A_6 masked %gt3A_806 : memref<32768xf32, #tpu.memory_space<vmem>>[vector<16xi32>], vector<16xf32>, vector<16xi1>
        %while3A_807 = arith.constant 0 : i32
        scf.yield %while3A_807 : i32
      }
      %while3A_305 = arith.constant 1 : i32
      %while3A_306 = scf.for %while3A_801 = %while3A_302 to %while3A_298 step %while3A_305 iter_args(%while3A_802 = %while3A_304) -> (i32)  : i32 {
        %add3A_803 = vector.broadcast %while3A_801 : i32 to vector<16xi32>
        %add3A_804 = arith.addi %mul3A_5, %add3A_803 : vector<16xi32>
        %gather3A = tpu.vector_load_idx %arg8[%add3A_804] : memref<16368xi32, #tpu.memory_space<vmem>>[vector<16xi32>], vector<16xi32>,
        %gt3A_805 = vector.broadcast %while3A_801 : i32 to vector<16xi32>
        %gt3A_806 = arith.cmpi sgt, %scan3A_29, %gt3A_805 : vector<16xi32>
        tpu.vector_store_idx %arg6[%gather3A], %broadcast_in_dim3A_6 masked %gt3A_806 : memref<32768xf32, #tpu.memory_space<vmem>>[vector<16xi32>], vector<16xf32>, vector<16xi1>
        %while3A_807 = arith.constant 0 : i32
        scf.yield %while3A_807 : i32
      }
      %scan3A_307 = arith.constant 0 : i32
      %scan3A_308 = arith.constant 256 : i32
      %scan3A_309 = arith.addi %scan3A_307, %scan3A_308 : i32
      %scan3A_310 = arith.constant 1 : i32
      %scan3A_311 = scf.for %scan3A_801 = %scan3A_307 to %scan3A_309 step %scan3A_310 iter_args(%scan3A_802 = %broadcast_in_dim3A_8) -> (vector<16xi32>)  : i32 {
        %mul3A_803 = arith.constant 128 : i32
        %mul3A_804 = arith.muli %scan3A_801, %mul3A_803 : i32
        %add3A_805 = arith.constant 0 : i32
        %add3A_806 = arith.addi %mul3A_804, %add3A_805 : i32
        %get3A = arith.index_cast %add3A_806 : i32 to index
        %get3A_807 = tpu.vector_load %arg4[%get3A] {strides = array<i32>} : memref<32768xf32, #tpu.memory_space<vmem>>, vector<16xf32>,
        %add3A_808 = arith.constant 16 : i32
        %add3A_809 = arith.addi %mul3A_804, %add3A_808 : i32
        %get3A_810 = arith.index_cast %add3A_809 : i32 to index
        %get3A_811 = tpu.vector_load %arg4[%get3A_810] {strides = array<i32>} : memref<32768xf32, #tpu.memory_space<vmem>>, vector<16xf32>,
        %add3A_812 = arith.constant 32 : i32
        %add3A_813 = arith.addi %mul3A_804, %add3A_812 : i32
        %get3A_814 = arith.index_cast %add3A_813 : i32 to index
        %get3A_815 = tpu.vector_load %arg4[%get3A_814] {strides = array<i32>} : memref<32768xf32, #tpu.memory_space<vmem>>, vector<16xf32>,
        %add3A_816 = arith.constant 48 : i32
        %add3A_817 = arith.addi %mul3A_804, %add3A_816 : i32
        %get3A_818 = arith.index_cast %add3A_817 : i32 to index
        %get3A_819 = tpu.vector_load %arg4[%get3A_818] {strides = array<i32>} : memref<32768xf32, #tpu.memory_space<vmem>>, vector<16xf32>,
        %add3A_820 = arith.constant 64 : i32
        %add3A_821 = arith.addi %mul3A_804, %add3A_820 : i32
        %get3A_822 = arith.index_cast %add3A_821 : i32 to index
        %get3A_823 = tpu.vector_load %arg4[%get3A_822] {strides = array<i32>} : memref<32768xf32, #tpu.memory_space<vmem>>, vector<16xf32>,
        %add3A_824 = arith.constant 80 : i32
        %add3A_825 = arith.addi %mul3A_804, %add3A_824 : i32
        %get3A_826 = arith.index_cast %add3A_825 : i32 to index
        %get3A_827 = tpu.vector_load %arg4[%get3A_826] {strides = array<i32>} : memref<32768xf32, #tpu.memory_space<vmem>>, vector<16xf32>,
        %add3A_828 = arith.constant 96 : i32
        %add3A_829 = arith.addi %mul3A_804, %add3A_828 : i32
        %get3A_830 = arith.index_cast %add3A_829 : i32 to index
        %get3A_831 = tpu.vector_load %arg4[%get3A_830] {strides = array<i32>} : memref<32768xf32, #tpu.memory_space<vmem>>, vector<16xf32>,
        %add3A_832 = arith.constant 112 : i32
        %add3A_833 = arith.addi %mul3A_804, %add3A_832 : i32
        %get3A_834 = arith.index_cast %add3A_833 : i32 to index
        %get3A_835 = tpu.vector_load %arg4[%get3A_834] {strides = array<i32>} : memref<32768xf32, #tpu.memory_space<vmem>>, vector<16xf32>,
        %max3A_836 = arith.maximumf %get3A_807, %get3A_811 : vector<16xf32>
        %max3A_837 = arith.maximumf %max3A_836, %get3A_815 : vector<16xf32>
        %max3A_838 = arith.maximumf %max3A_837, %get3A_819 : vector<16xf32>
        %max3A_839 = arith.maximumf %max3A_838, %get3A_823 : vector<16xf32>
        %max3A_840 = arith.maximumf %max3A_839, %get3A_827 : vector<16xf32>
        %max3A_841 = arith.maximumf %max3A_840, %get3A_831 : vector<16xf32>
        %max3A_842 = arith.maximumf %max3A_841, %get3A_835 : vector<16xf32>
        %bitcast3A_843 = vector.bitcast %max3A_842 : vector<16xf32> to vector<16xi32>
        %lt3A_844 = arith.constant 0 : i32
        %lt3A_845 = vector.broadcast %lt3A_844 : i32 to vector<16xi32>
        %lt3A_846 = arith.cmpi slt, %bitcast3A_843, %lt3A_845 : vector<16xi32>
        %xor3A_847 = arith.constant 2147483647 : i32
        %xor3A_848 = vector.broadcast %xor3A_847 : i32 to vector<16xi32>
        %xor3A_849 = arith.xori %bitcast3A_843, %xor3A_848 : vector<16xi32>
        %select_n3A_850 = arith.select %lt3A_846, %xor3A_849, %bitcast3A_843 : vector<16xi1>, vector<16xi32>
        %ge3A_851 = arith.cmpi sge, %select_n3A_850, %while3A_286 : vector<16xi32>
        %reduce_or3A = arith.constant 1.000000e+00 : f32
        %reduce_or3A_852 = arith.constant 0.000000e+00 : f32
        %reduce_or3A_853 = vector.broadcast %reduce_or3A : f32 to vector<16xf32>
        %reduce_or3A_854 = vector.broadcast %reduce_or3A_852 : f32 to vector<16xf32>
        %reduce_or3A_855 = arith.select %ge3A_851, %reduce_or3A_853, %reduce_or3A_854 : vector<16xi1>, vector<16xf32>
        %reduce_or3A_856 = arith.constant true
        %reduce_or3A_857 = vector.broadcast %reduce_or3A_856 : i1 to vector<16xi1>
        %reduce_or3A_858 = tpu.scan <max>, %reduce_or3A_855 masked %reduce_or3A_857 : vector<16xf32>, vector<16xi1> -> vector<16xf32>
        %reduce_or3A_859 = vector.extract %reduce_or3A_858[15] : f32 from vector<16xf32>
        %reduce_or3A_860 = arith.constant 0.000000e+00 : f32
        %reduce_or3A_861 = arith.cmpf ogt, %reduce_or3A_859, %reduce_or3A_860 : f32
        %convert_element_type3A_862 = arith.extui %reduce_or3A_861 : i1 to i32
        %cond3A_863 = arith.constant 0 : i32
        %cond3A_864 = arith.cmpi ne, %convert_element_type3A_862, %cond3A_863 : i32
        %cond3A_865 = scf.if %cond3A_864 -> (vector<16xi32>) {
          %bitcast3A_866 = vector.bitcast %get3A_807 : vector<16xf32> to vector<16xi32>
          %lt3A_867 = arith.constant 0 : i32
          %lt3A_868 = vector.broadcast %lt3A_867 : i32 to vector<16xi32>
          %lt3A_869 = arith.cmpi slt, %bitcast3A_866, %lt3A_868 : vector<16xi32>
          %xor3A_870 = arith.constant 2147483647 : i32
          %xor3A_871 = vector.broadcast %xor3A_870 : i32 to vector<16xi32>
          %xor3A_872 = arith.xori %bitcast3A_866, %xor3A_871 : vector<16xi32>
          %select_n3A_873 = arith.select %lt3A_869, %xor3A_872, %bitcast3A_866 : vector<16xi1>, vector<16xi32>
          %ge3A_874 = arith.cmpi sge, %select_n3A_873, %while3A_286 : vector<16xi32>
          %add3A_875 = arith.addi %mul3A_5, %scan3A_802 : vector<16xi32>
          tpu.vector_store_idx %arg7[%add3A_875], %select_n3A_873 masked %ge3A_874 : memref<16368xi32, #tpu.memory_space<vmem>>[vector<16xi32>], vector<16xi32>, vector<16xi1>
          %add3A_876 = arith.constant 0 : i32
          %add3A_877 = arith.addi %mul3A_804, %add3A_876 : i32
          %add3A_878 = vector.broadcast %add3A_877 : i32 to vector<16xi32>
          %add3A_879 = arith.addi %iota3A, %add3A_878 : vector<16xi32>
          tpu.vector_store_idx %arg8[%add3A_875], %add3A_879 masked %ge3A_874 : memref<16368xi32, #tpu.memory_space<vmem>>[vector<16xi32>], vector<16xi32>, vector<16xi1>
          %convert_element_type3A_880 = arith.extui %ge3A_874 : vector<16xi1> to vector<16xi32>
          %add3A_881 = arith.addi %scan3A_802, %convert_element_type3A_880 : vector<16xi32>
          %bitcast3A_882 = vector.bitcast %get3A_811 : vector<16xf32> to vector<16xi32>
          %lt3A_883 = arith.constant 0 : i32
          %lt3A_884 = vector.broadcast %lt3A_883 : i32 to vector<16xi32>
          %lt3A_885 = arith.cmpi slt, %bitcast3A_882, %lt3A_884 : vector<16xi32>
          %xor3A_886 = arith.constant 2147483647 : i32
          %xor3A_887 = vector.broadcast %xor3A_886 : i32 to vector<16xi32>
          %xor3A_888 = arith.xori %bitcast3A_882, %xor3A_887 : vector<16xi32>
          %select_n3A_889 = arith.select %lt3A_885, %xor3A_888, %bitcast3A_882 : vector<16xi1>, vector<16xi32>
          %ge3A_890 = arith.cmpi sge, %select_n3A_889, %while3A_286 : vector<16xi32>
          %add3A_891 = arith.addi %mul3A_5, %add3A_881 : vector<16xi32>
          tpu.vector_store_idx %arg7[%add3A_891], %select_n3A_889 masked %ge3A_890 : memref<16368xi32, #tpu.memory_space<vmem>>[vector<16xi32>], vector<16xi32>, vector<16xi1>
          %add3A_892 = arith.constant 16 : i32
          %add3A_893 = arith.addi %mul3A_804, %add3A_892 : i32
          %add3A_894 = vector.broadcast %add3A_893 : i32 to vector<16xi32>
          %add3A_895 = arith.addi %iota3A, %add3A_894 : vector<16xi32>
          tpu.vector_store_idx %arg8[%add3A_891], %add3A_895 masked %ge3A_890 : memref<16368xi32, #tpu.memory_space<vmem>>[vector<16xi32>], vector<16xi32>, vector<16xi1>
          %convert_element_type3A_896 = arith.extui %ge3A_890 : vector<16xi1> to vector<16xi32>
          %add3A_897 = arith.addi %add3A_881, %convert_element_type3A_896 : vector<16xi32>
          %bitcast3A_898 = vector.bitcast %get3A_815 : vector<16xf32> to vector<16xi32>
          %lt3A_899 = arith.constant 0 : i32
          %lt3A_900 = vector.broadcast %lt3A_899 : i32 to vector<16xi32>
          %lt3A_901 = arith.cmpi slt, %bitcast3A_898, %lt3A_900 : vector<16xi32>
          %xor3A_902 = arith.constant 2147483647 : i32
          %xor3A_903 = vector.broadcast %xor3A_902 : i32 to vector<16xi32>
          %xor3A_904 = arith.xori %bitcast3A_898, %xor3A_903 : vector<16xi32>
          %select_n3A_905 = arith.select %lt3A_901, %xor3A_904, %bitcast3A_898 : vector<16xi1>, vector<16xi32>
          %ge3A_906 = arith.cmpi sge, %select_n3A_905, %while3A_286 : vector<16xi32>
          %add3A_907 = arith.addi %mul3A_5, %add3A_897 : vector<16xi32>
          tpu.vector_store_idx %arg7[%add3A_907], %select_n3A_905 masked %ge3A_906 : memref<16368xi32, #tpu.memory_space<vmem>>[vector<16xi32>], vector<16xi32>, vector<16xi1>
          %add3A_908 = arith.constant 32 : i32
          %add3A_909 = arith.addi %mul3A_804, %add3A_908 : i32
          %add3A_910 = vector.broadcast %add3A_909 : i32 to vector<16xi32>
          %add3A_911 = arith.addi %iota3A, %add3A_910 : vector<16xi32>
          tpu.vector_store_idx %arg8[%add3A_907], %add3A_911 masked %ge3A_906 : memref<16368xi32, #tpu.memory_space<vmem>>[vector<16xi32>], vector<16xi32>, vector<16xi1>
          %convert_element_type3A_912 = arith.extui %ge3A_906 : vector<16xi1> to vector<16xi32>
          %add3A_913 = arith.addi %add3A_897, %convert_element_type3A_912 : vector<16xi32>
          %bitcast3A_914 = vector.bitcast %get3A_819 : vector<16xf32> to vector<16xi32>
          %lt3A_915 = arith.constant 0 : i32
          %lt3A_916 = vector.broadcast %lt3A_915 : i32 to vector<16xi32>
          %lt3A_917 = arith.cmpi slt, %bitcast3A_914, %lt3A_916 : vector<16xi32>
          %xor3A_918 = arith.constant 2147483647 : i32
          %xor3A_919 = vector.broadcast %xor3A_918 : i32 to vector<16xi32>
          %xor3A_920 = arith.xori %bitcast3A_914, %xor3A_919 : vector<16xi32>
          %select_n3A_921 = arith.select %lt3A_917, %xor3A_920, %bitcast3A_914 : vector<16xi1>, vector<16xi32>
          %ge3A_922 = arith.cmpi sge, %select_n3A_921, %while3A_286 : vector<16xi32>
          %add3A_923 = arith.addi %mul3A_5, %add3A_913 : vector<16xi32>
          tpu.vector_store_idx %arg7[%add3A_923], %select_n3A_921 masked %ge3A_922 : memref<16368xi32, #tpu.memory_space<vmem>>[vector<16xi32>], vector<16xi32>, vector<16xi1>
          %add3A_924 = arith.constant 48 : i32
          %add3A_925 = arith.addi %mul3A_804, %add3A_924 : i32
          %add3A_926 = vector.broadcast %add3A_925 : i32 to vector<16xi32>
          %add3A_927 = arith.addi %iota3A, %add3A_926 : vector<16xi32>
          tpu.vector_store_idx %arg8[%add3A_923], %add3A_927 masked %ge3A_922 : memref<16368xi32, #tpu.memory_space<vmem>>[vector<16xi32>], vector<16xi32>, vector<16xi1>
          %convert_element_type3A_928 = arith.extui %ge3A_922 : vector<16xi1> to vector<16xi32>
          %add3A_929 = arith.addi %add3A_913, %convert_element_type3A_928 : vector<16xi32>
          %bitcast3A_930 = vector.bitcast %get3A_823 : vector<16xf32> to vector<16xi32>
          %lt3A_931 = arith.constant 0 : i32
          %lt3A_932 = vector.broadcast %lt3A_931 : i32 to vector<16xi32>
          %lt3A_933 = arith.cmpi slt, %bitcast3A_930, %lt3A_932 : vector<16xi32>
          %xor3A_934 = arith.constant 2147483647 : i32
          %xor3A_935 = vector.broadcast %xor3A_934 : i32 to vector<16xi32>
          %xor3A_936 = arith.xori %bitcast3A_930, %xor3A_935 : vector<16xi32>
          %select_n3A_937 = arith.select %lt3A_933, %xor3A_936, %bitcast3A_930 : vector<16xi1>, vector<16xi32>
          %ge3A_938 = arith.cmpi sge, %select_n3A_937, %while3A_286 : vector<16xi32>
          %add3A_939 = arith.addi %mul3A_5, %add3A_929 : vector<16xi32>
          tpu.vector_store_idx %arg7[%add3A_939], %select_n3A_937 masked %ge3A_938 : memref<16368xi32, #tpu.memory_space<vmem>>[vector<16xi32>], vector<16xi32>, vector<16xi1>
          %add3A_940 = arith.constant 64 : i32
          %add3A_941 = arith.addi %mul3A_804, %add3A_940 : i32
          %add3A_942 = vector.broadcast %add3A_941 : i32 to vector<16xi32>
          %add3A_943 = arith.addi %iota3A, %add3A_942 : vector<16xi32>
          tpu.vector_store_idx %arg8[%add3A_939], %add3A_943 masked %ge3A_938 : memref<16368xi32, #tpu.memory_space<vmem>>[vector<16xi32>], vector<16xi32>, vector<16xi1>
          %convert_element_type3A_944 = arith.extui %ge3A_938 : vector<16xi1> to vector<16xi32>
          %add3A_945 = arith.addi %add3A_929, %convert_element_type3A_944 : vector<16xi32>
          %bitcast3A_946 = vector.bitcast %get3A_827 : vector<16xf32> to vector<16xi32>
          %lt3A_947 = arith.constant 0 : i32
          %lt3A_948 = vector.broadcast %lt3A_947 : i32 to vector<16xi32>
          %lt3A_949 = arith.cmpi slt, %bitcast3A_946, %lt3A_948 : vector<16xi32>
          %xor3A_950 = arith.constant 2147483647 : i32
          %xor3A_951 = vector.broadcast %xor3A_950 : i32 to vector<16xi32>
          %xor3A_952 = arith.xori %bitcast3A_946, %xor3A_951 : vector<16xi32>
          %select_n3A_953 = arith.select %lt3A_949, %xor3A_952, %bitcast3A_946 : vector<16xi1>, vector<16xi32>
          %ge3A_954 = arith.cmpi sge, %select_n3A_953, %while3A_286 : vector<16xi32>
          %add3A_955 = arith.addi %mul3A_5, %add3A_945 : vector<16xi32>
          tpu.vector_store_idx %arg7[%add3A_955], %select_n3A_953 masked %ge3A_954 : memref<16368xi32, #tpu.memory_space<vmem>>[vector<16xi32>], vector<16xi32>, vector<16xi1>
          %add3A_956 = arith.constant 80 : i32
          %add3A_957 = arith.addi %mul3A_804, %add3A_956 : i32
          %add3A_958 = vector.broadcast %add3A_957 : i32 to vector<16xi32>
          %add3A_959 = arith.addi %iota3A, %add3A_958 : vector<16xi32>
          tpu.vector_store_idx %arg8[%add3A_955], %add3A_959 masked %ge3A_954 : memref<16368xi32, #tpu.memory_space<vmem>>[vector<16xi32>], vector<16xi32>, vector<16xi1>
          %convert_element_type3A_960 = arith.extui %ge3A_954 : vector<16xi1> to vector<16xi32>
          %add3A_961 = arith.addi %add3A_945, %convert_element_type3A_960 : vector<16xi32>
          %bitcast3A_962 = vector.bitcast %get3A_831 : vector<16xf32> to vector<16xi32>
          %lt3A_963 = arith.constant 0 : i32
          %lt3A_964 = vector.broadcast %lt3A_963 : i32 to vector<16xi32>
          %lt3A_965 = arith.cmpi slt, %bitcast3A_962, %lt3A_964 : vector<16xi32>
          %xor3A_966 = arith.constant 2147483647 : i32
          %xor3A_967 = vector.broadcast %xor3A_966 : i32 to vector<16xi32>
          %xor3A_968 = arith.xori %bitcast3A_962, %xor3A_967 : vector<16xi32>
          %select_n3A_969 = arith.select %lt3A_965, %xor3A_968, %bitcast3A_962 : vector<16xi1>, vector<16xi32>
          %ge3A_970 = arith.cmpi sge, %select_n3A_969, %while3A_286 : vector<16xi32>
          %add3A_971 = arith.addi %mul3A_5, %add3A_961 : vector<16xi32>
          tpu.vector_store_idx %arg7[%add3A_971], %select_n3A_969 masked %ge3A_970 : memref<16368xi32, #tpu.memory_space<vmem>>[vector<16xi32>], vector<16xi32>, vector<16xi1>
          %add3A_972 = arith.constant 96 : i32
          %add3A_973 = arith.addi %mul3A_804, %add3A_972 : i32
          %add3A_974 = vector.broadcast %add3A_973 : i32 to vector<16xi32>
          %add3A_975 = arith.addi %iota3A, %add3A_974 : vector<16xi32>
          tpu.vector_store_idx %arg8[%add3A_971], %add3A_975 masked %ge3A_970 : memref<16368xi32, #tpu.memory_space<vmem>>[vector<16xi32>], vector<16xi32>, vector<16xi1>
          %convert_element_type3A_976 = arith.extui %ge3A_970 : vector<16xi1> to vector<16xi32>
          %add3A_977 = arith.addi %add3A_961, %convert_element_type3A_976 : vector<16xi32>
          %bitcast3A_978 = vector.bitcast %get3A_835 : vector<16xf32> to vector<16xi32>
          %lt3A_979 = arith.constant 0 : i32
          %lt3A_980 = vector.broadcast %lt3A_979 : i32 to vector<16xi32>
          %lt3A_981 = arith.cmpi slt, %bitcast3A_978, %lt3A_980 : vector<16xi32>
          %xor3A_982 = arith.constant 2147483647 : i32
          %xor3A_983 = vector.broadcast %xor3A_982 : i32 to vector<16xi32>
          %xor3A_984 = arith.xori %bitcast3A_978, %xor3A_983 : vector<16xi32>
          %select_n3A_985 = arith.select %lt3A_981, %xor3A_984, %bitcast3A_978 : vector<16xi1>, vector<16xi32>
          %ge3A_986 = arith.cmpi sge, %select_n3A_985, %while3A_286 : vector<16xi32>
          %add3A_987 = arith.addi %mul3A_5, %add3A_977 : vector<16xi32>
          tpu.vector_store_idx %arg7[%add3A_987], %select_n3A_985 masked %ge3A_986 : memref<16368xi32, #tpu.memory_space<vmem>>[vector<16xi32>], vector<16xi32>, vector<16xi1>
          %add3A_988 = arith.constant 112 : i32
          %add3A_989 = arith.addi %mul3A_804, %add3A_988 : i32
          %add3A_990 = vector.broadcast %add3A_989 : i32 to vector<16xi32>
          %add3A_991 = arith.addi %iota3A, %add3A_990 : vector<16xi32>
          tpu.vector_store_idx %arg8[%add3A_987], %add3A_991 masked %ge3A_986 : memref<16368xi32, #tpu.memory_space<vmem>>[vector<16xi32>], vector<16xi32>, vector<16xi1>
          %convert_element_type3A_992 = arith.extui %ge3A_986 : vector<16xi1> to vector<16xi32>
          %add3A_993 = arith.addi %add3A_977, %convert_element_type3A_992 : vector<16xi32>
          scf.yield %add3A_993 : vector<16xi32>
        } else {
          scf.yield %scan3A_802 : vector<16xi32>
        }
        scf.yield %cond3A_865 : vector<16xi32>
      }
      %scan3A_312 = arith.constant 256 : i32
      %reduce_max3A_313 = arith.constant true
      %reduce_max3A_314 = vector.broadcast %reduce_max3A_313 : i1 to vector<16xi1>
      %reduce_max3A_315 = arith.constant -2147483648 : i32
      %reduce_max3A_316 = vector.broadcast %reduce_max3A_315 : i32 to vector<16xi32>
      %reduce_max3A_317 = arith.xori %scan3A_311, %reduce_max3A_316 : vector<16xi32>
      %reduce_max3A_318 = tpu.scan <max>, %reduce_max3A_317 masked %reduce_max3A_314 : vector<16xi32>, vector<16xi1> -> vector<16xi32>
      %reduce_max3A_319 = arith.xori %reduce_max3A_318, %reduce_max3A_316 : vector<16xi32>
      %reduce_max3A_320 = vector.extract %reduce_max3A_319[15] : i32 from vector<16xi32>
      %slice3A_321 = vector.extract_strided_slice %while3A_286 {offsets = [0], sizes = [1], strides = [1]} : vector<16xi32> to vector<1xi32>
      %squeeze3A_322 = vector.extract %slice3A_321[0] : i32 from vector<1xi32>
      %xor3A_323 = arith.xori %reduce_max3A_248, %squeeze3A_322 : i32
      %broadcast_in_dim3A_324 = vector.broadcast %xor3A_323 : i32 to vector<16xi32>
      %bitcast3A_325 = vector.bitcast %broadcast_in_dim3A_324 : vector<16xi32> to vector<16xi32>
      %convert_element_type3A_326 = arith.uitofp %bitcast3A_325 : vector<16xi32> to vector<16xf32>
      %bitcast3A_327 = vector.bitcast %convert_element_type3A_326 : vector<16xf32> to vector<16xi32>
      %shift_right_arithmetic3A_328 = arith.constant 23 : i32
      %shift_right_arithmetic3A_329 = vector.broadcast %shift_right_arithmetic3A_328 : i32 to vector<16xi32>
      %shift_right_arithmetic3A_330 = arith.shrsi %bitcast3A_327, %shift_right_arithmetic3A_329 : vector<16xi32>
      %sub3A_331 = arith.constant 127 : i32
      %sub3A_332 = vector.broadcast %sub3A_331 : i32 to vector<16xi32>
      %sub3A_333 = arith.subi %shift_right_arithmetic3A_330, %sub3A_332 : vector<16xi32>
      %min3A_334 = arith.constant 31 : i32
      %min3A_335 = vector.broadcast %min3A_334 : i32 to vector<16xi32>
      %min3A_336 = arith.minsi %sub3A_333, %min3A_335 : vector<16xi32>
      %broadcast_in_dim3A_337 = vector.broadcast %reduce_max3A_248 : i32 to vector<16xi32>
      %broadcast_in_dim3A_338 = arith.constant 2 : i32
      %broadcast_in_dim3A_339 = vector.broadcast %broadcast_in_dim3A_338 : i32 to vector<16xi32>
      %shift_left3A_340 = arith.shli %broadcast_in_dim3A_339, %min3A_336 : vector<16xi32>
      %sub3A_341 = arith.constant 1 : i32
      %sub3A_342 = vector.broadcast %sub3A_341 : i32 to vector<16xi32>
      %sub3A_343 = arith.subi %shift_left3A_340, %sub3A_342 : vector<16xi32>
      %eq3A_344 = arith.constant 0 : i32
      %eq3A_345 = vector.broadcast %eq3A_344 : i32 to vector<16xi32>
      %eq3A_346 = arith.cmpi eq, %broadcast_in_dim3A_324, %eq3A_345 : vector<16xi32>
      %not3A_347 = arith.constant dense<-1> : vector<16xi32>
      %not3A_348 = arith.xori %sub3A_343, %not3A_347 : vector<16xi32>
      %and3A_349 = arith.andi %broadcast_in_dim3A_337, %not3A_348 : vector<16xi32>
      %select_n3A_350 = arith.select %eq3A_346, %broadcast_in_dim3A_337, %and3A_349 : vector<16xi1>, vector<16xi32>
      %ge3A_351 = arith.constant 31 : i32
      %ge3A_352 = vector.broadcast %ge3A_351 : i32 to vector<16xi32>
      %ge3A_353 = arith.cmpi sge, %min3A_336, %ge3A_352 : vector<16xi32>
      %broadcast_in_dim3A_354 = arith.constant -2147483648 : i32
      %broadcast_in_dim3A_355 = vector.broadcast %broadcast_in_dim3A_354 : i32 to vector<16xi32>
      %select_n3A_356 = arith.select %ge3A_353, %broadcast_in_dim3A_355, %select_n3A_350 : vector<16xi1>, vector<16xi32>
      %slice3A_357 = vector.extract_strided_slice %min3A_336 {offsets = [0], sizes = [1], strides = [1]} : vector<16xi32> to vector<1xi32>
      %squeeze3A_358 = vector.extract %slice3A_357[0] : i32 from vector<1xi32>
      %add3A_359 = arith.constant 1 : i32
      %add3A_360 = arith.addi %squeeze3A_358, %add3A_359 : i32
      %while3A_361 = arith.constant 0 : i32
      %while3A_362 = arith.subi %add3A_360, %while3A_361 : i32
      %while3A_363 = arith.addi %while3A_361, %while3A_362 : i32
      %while3A_364 = arith.constant 1 : i32
      %while3A_365 = arith.divsi %while3A_362, %while3A_364 : i32
      %while3A_366 = arith.muli %while3A_365, %while3A_364 : i32
      %while3A_367 = arith.addi %while3A_361, %while3A_366 : i32
      %while3A_368 = arith.constant 1 : i32
      %while3A_369 = scf.for %while3A_801 = %while3A_361 to %while3A_367 step %while3A_368 iter_args(%while3A_802 = %select_n3A_356) -> (vector<16xi32>)  : i32 {
        %sub3A_803 = arith.subi %squeeze3A_358, %while3A_801 : i32
        %broadcast_in_dim3A_804 = vector.broadcast %sub3A_803 : i32 to vector<16xi32>
        %broadcast_in_dim3A_805 = arith.constant 1 : i32
        %broadcast_in_dim3A_806 = vector.broadcast %broadcast_in_dim3A_805 : i32 to vector<16xi32>
        %shift_left3A_807 = arith.shli %broadcast_in_dim3A_806, %broadcast_in_dim3A_804 : vector<16xi32>
        %eq3A_808 = arith.constant 31 : i32
        %eq3A_809 = vector.broadcast %eq3A_808 : i32 to vector<16xi32>
        %eq3A_810 = arith.cmpi eq, %broadcast_in_dim3A_804, %eq3A_809 : vector<16xi32>
        %broadcast_in_dim3A_811 = arith.constant -2147483648 : i32
        %broadcast_in_dim3A_812 = vector.broadcast %broadcast_in_dim3A_811 : i32 to vector<16xi32>
        %xor3A_813 = arith.xori %while3A_802, %broadcast_in_dim3A_812 : vector<16xi32>
        %or3A = arith.ori %while3A_802, %shift_left3A_807 : vector<16xi32>
        %select_n3A_814 = arith.select %eq3A_810, %xor3A_813, %or3A : vector<16xi1>, vector<16xi32>
        %while3A_815 = arith.constant 0 : i32
        %while3A_816 = arith.subi %reduce_max3A_320, %while3A_815 : i32
        %while3A_817 = arith.addi %while3A_815, %while3A_816 : i32
        %while3A_818 = arith.constant 1 : i32
        %while3A_819 = arith.divsi %while3A_816, %while3A_818 : i32
        %while3A_820 = arith.muli %while3A_819, %while3A_818 : i32
        %while3A_821 = arith.addi %while3A_815, %while3A_820 : i32
        %while3A_822 = arith.constant 1 : i32
        %while3A_823 = scf.for %while3A_830 = %while3A_815 to %while3A_821 step %while3A_822 iter_args(%while3A_831 = %broadcast_in_dim3A_8) -> (vector<16xi32>)  : i32 {
          %add3A_832 = vector.broadcast %while3A_830 : i32 to vector<16xi32>
          %add3A_833 = arith.addi %mul3A_5, %add3A_832 : vector<16xi32>
          %gather3A = tpu.vector_load_idx %arg7[%add3A_833] : memref<16368xi32, #tpu.memory_space<vmem>>[vector<16xi32>], vector<16xi32>,
          %ge3A_834 = arith.cmpi sge, %gather3A, %select_n3A_814 : vector<16xi32>
          %gt3A_835 = vector.broadcast %while3A_830 : i32 to vector<16xi32>
          %gt3A_836 = arith.cmpi sgt, %scan3A_311, %gt3A_835 : vector<16xi32>
          %and3A_837 = arith.andi %ge3A_834, %gt3A_836 : vector<16xi1>
          %all_reduce_population_count3A = tpu.all_reduce %and3A_837 {dim = 0 : i64, kind = #tpu.reduction_kind<sum>} : vector<16xi1> -> vector<16xi32>
          %add3A_838 = arith.addi %while3A_831, %all_reduce_population_count3A : vector<16xi32>
          scf.yield %add3A_838 : vector<16xi32>
        }
        %while3A_824 = arith.constant 1 : i32
        %while3A_825 = scf.for %while3A_830 = %while3A_821 to %while3A_817 step %while3A_824 iter_args(%while3A_831 = %while3A_823) -> (vector<16xi32>)  : i32 {
          %add3A_832 = vector.broadcast %while3A_830 : i32 to vector<16xi32>
          %add3A_833 = arith.addi %mul3A_5, %add3A_832 : vector<16xi32>
          %gather3A = tpu.vector_load_idx %arg7[%add3A_833] : memref<16368xi32, #tpu.memory_space<vmem>>[vector<16xi32>], vector<16xi32>,
          %ge3A_834 = arith.cmpi sge, %gather3A, %select_n3A_814 : vector<16xi32>
          %gt3A_835 = vector.broadcast %while3A_830 : i32 to vector<16xi32>
          %gt3A_836 = arith.cmpi sgt, %scan3A_311, %gt3A_835 : vector<16xi32>
          %and3A_837 = arith.andi %ge3A_834, %gt3A_836 : vector<16xi1>
          %all_reduce_population_count3A = tpu.all_reduce %and3A_837 {dim = 0 : i64, kind = #tpu.reduction_kind<sum>} : vector<16xi1> -> vector<16xi32>
          %add3A_838 = arith.addi %while3A_831, %all_reduce_population_count3A : vector<16xi32>
          scf.yield %add3A_838 : vector<16xi32>
        }
        %ge3A_826 = arith.constant 64 : i32
        %ge3A_827 = vector.broadcast %ge3A_826 : i32 to vector<16xi32>
        %ge3A_828 = arith.cmpi sge, %while3A_825, %ge3A_827 : vector<16xi32>
        %select_n3A_829 = arith.select %ge3A_828, %select_n3A_814, %while3A_802 : vector<16xi1>, vector<16xi32>
        scf.yield %select_n3A_829 : vector<16xi32>
      }
      %while3A_370 = arith.constant 1 : i32
      %while3A_371 = scf.for %while3A_801 = %while3A_367 to %while3A_363 step %while3A_370 iter_args(%while3A_802 = %while3A_369) -> (vector<16xi32>)  : i32 {
        %sub3A_803 = arith.subi %squeeze3A_358, %while3A_801 : i32
        %broadcast_in_dim3A_804 = vector.broadcast %sub3A_803 : i32 to vector<16xi32>
        %broadcast_in_dim3A_805 = arith.constant 1 : i32
        %broadcast_in_dim3A_806 = vector.broadcast %broadcast_in_dim3A_805 : i32 to vector<16xi32>
        %shift_left3A_807 = arith.shli %broadcast_in_dim3A_806, %broadcast_in_dim3A_804 : vector<16xi32>
        %eq3A_808 = arith.constant 31 : i32
        %eq3A_809 = vector.broadcast %eq3A_808 : i32 to vector<16xi32>
        %eq3A_810 = arith.cmpi eq, %broadcast_in_dim3A_804, %eq3A_809 : vector<16xi32>
        %broadcast_in_dim3A_811 = arith.constant -2147483648 : i32
        %broadcast_in_dim3A_812 = vector.broadcast %broadcast_in_dim3A_811 : i32 to vector<16xi32>
        %xor3A_813 = arith.xori %while3A_802, %broadcast_in_dim3A_812 : vector<16xi32>
        %or3A = arith.ori %while3A_802, %shift_left3A_807 : vector<16xi32>
        %select_n3A_814 = arith.select %eq3A_810, %xor3A_813, %or3A : vector<16xi1>, vector<16xi32>
        %while3A_815 = arith.constant 0 : i32
        %while3A_816 = arith.subi %reduce_max3A_320, %while3A_815 : i32
        %while3A_817 = arith.addi %while3A_815, %while3A_816 : i32
        %while3A_818 = arith.constant 1 : i32
        %while3A_819 = arith.divsi %while3A_816, %while3A_818 : i32
        %while3A_820 = arith.muli %while3A_819, %while3A_818 : i32
        %while3A_821 = arith.addi %while3A_815, %while3A_820 : i32
        %while3A_822 = arith.constant 1 : i32
        %while3A_823 = scf.for %while3A_830 = %while3A_815 to %while3A_821 step %while3A_822 iter_args(%while3A_831 = %broadcast_in_dim3A_8) -> (vector<16xi32>)  : i32 {
          %add3A_832 = vector.broadcast %while3A_830 : i32 to vector<16xi32>
          %add3A_833 = arith.addi %mul3A_5, %add3A_832 : vector<16xi32>
          %gather3A = tpu.vector_load_idx %arg7[%add3A_833] : memref<16368xi32, #tpu.memory_space<vmem>>[vector<16xi32>], vector<16xi32>,
          %ge3A_834 = arith.cmpi sge, %gather3A, %select_n3A_814 : vector<16xi32>
          %gt3A_835 = vector.broadcast %while3A_830 : i32 to vector<16xi32>
          %gt3A_836 = arith.cmpi sgt, %scan3A_311, %gt3A_835 : vector<16xi32>
          %and3A_837 = arith.andi %ge3A_834, %gt3A_836 : vector<16xi1>
          %all_reduce_population_count3A = tpu.all_reduce %and3A_837 {dim = 0 : i64, kind = #tpu.reduction_kind<sum>} : vector<16xi1> -> vector<16xi32>
          %add3A_838 = arith.addi %while3A_831, %all_reduce_population_count3A : vector<16xi32>
          scf.yield %add3A_838 : vector<16xi32>
        }
        %while3A_824 = arith.constant 1 : i32
        %while3A_825 = scf.for %while3A_830 = %while3A_821 to %while3A_817 step %while3A_824 iter_args(%while3A_831 = %while3A_823) -> (vector<16xi32>)  : i32 {
          %add3A_832 = vector.broadcast %while3A_830 : i32 to vector<16xi32>
          %add3A_833 = arith.addi %mul3A_5, %add3A_832 : vector<16xi32>
          %gather3A = tpu.vector_load_idx %arg7[%add3A_833] : memref<16368xi32, #tpu.memory_space<vmem>>[vector<16xi32>], vector<16xi32>,
          %ge3A_834 = arith.cmpi sge, %gather3A, %select_n3A_814 : vector<16xi32>
          %gt3A_835 = vector.broadcast %while3A_830 : i32 to vector<16xi32>
          %gt3A_836 = arith.cmpi sgt, %scan3A_311, %gt3A_835 : vector<16xi32>
          %and3A_837 = arith.andi %ge3A_834, %gt3A_836 : vector<16xi1>
          %all_reduce_population_count3A = tpu.all_reduce %and3A_837 {dim = 0 : i64, kind = #tpu.reduction_kind<sum>} : vector<16xi1> -> vector<16xi32>
          %add3A_838 = arith.addi %while3A_831, %all_reduce_population_count3A : vector<16xi32>
          scf.yield %add3A_838 : vector<16xi32>
        }
        %ge3A_826 = arith.constant 64 : i32
        %ge3A_827 = vector.broadcast %ge3A_826 : i32 to vector<16xi32>
        %ge3A_828 = arith.cmpi sge, %while3A_825, %ge3A_827 : vector<16xi32>
        %select_n3A_829 = arith.select %ge3A_828, %select_n3A_814, %while3A_802 : vector<16xi1>, vector<16xi32>
        scf.yield %select_n3A_829 : vector<16xi32>
      }
      %while3A_372 = arith.constant 0 : i32
      %while3A_373 = arith.subi %reduce_max3A_320, %while3A_372 : i32
      %while3A_374 = arith.addi %while3A_372, %while3A_373 : i32
      %while3A_375 = arith.constant 1 : i32
      %while3A_376 = arith.divsi %while3A_373, %while3A_375 : i32
      %while3A_377 = arith.muli %while3A_376, %while3A_375 : i32
      %while3A_378 = arith.addi %while3A_372, %while3A_377 : i32
      %while3A_379 = arith.constant 1 : i32
      %while3A_380:2 = scf.for %while3A_801 = %while3A_372 to %while3A_378 step %while3A_379 iter_args(%while3A_802 = %broadcast_in_dim3A_8, %while3A_803 = %broadcast_in_dim3A_8) -> (vector<16xi32>, vector<16xi32>)  : i32 {
        %add3A_804 = vector.broadcast %while3A_801 : i32 to vector<16xi32>
        %add3A_805 = arith.addi %mul3A_5, %add3A_804 : vector<16xi32>
        %gather3A = tpu.vector_load_idx %arg7[%add3A_805] : memref<16368xi32, #tpu.memory_space<vmem>>[vector<16xi32>], vector<16xi32>,
        %gt3A_806 = vector.broadcast %while3A_801 : i32 to vector<16xi32>
        %gt3A_807 = arith.cmpi sgt, %scan3A_311, %gt3A_806 : vector<16xi32>
        %gt3A_808 = arith.cmpi sgt, %gather3A, %while3A_371 : vector<16xi32>
        %and3A_809 = arith.andi %gt3A_808, %gt3A_807 : vector<16xi1>
        %all_reduce_population_count3A = tpu.all_reduce %and3A_809 {dim = 0 : i64, kind = #tpu.reduction_kind<sum>} : vector<16xi1> -> vector<16xi32>
        %add3A_810 = arith.addi %while3A_802, %all_reduce_population_count3A : vector<16xi32>
        %eq3A_811 = arith.cmpi eq, %gather3A, %while3A_371 : vector<16xi32>
        %and3A_812 = arith.andi %eq3A_811, %gt3A_807 : vector<16xi1>
        %all_reduce_population_count3A_813 = tpu.all_reduce %and3A_812 {dim = 0 : i64, kind = #tpu.reduction_kind<sum>} : vector<16xi1> -> vector<16xi32>
        %add3A_814 = arith.addi %while3A_803, %all_reduce_population_count3A_813 : vector<16xi32>
        scf.yield %add3A_810, %add3A_814 : vector<16xi32>, vector<16xi32>
      }
      %while3A_381 = arith.constant 1 : i32
      %while3A_382:2 = scf.for %while3A_801 = %while3A_378 to %while3A_374 step %while3A_381 iter_args(%while3A_802 = %while3A_380#0, %while3A_803 = %while3A_380#1) -> (vector<16xi32>, vector<16xi32>)  : i32 {
        %add3A_804 = vector.broadcast %while3A_801 : i32 to vector<16xi32>
        %add3A_805 = arith.addi %mul3A_5, %add3A_804 : vector<16xi32>
        %gather3A = tpu.vector_load_idx %arg7[%add3A_805] : memref<16368xi32, #tpu.memory_space<vmem>>[vector<16xi32>], vector<16xi32>,
        %gt3A_806 = vector.broadcast %while3A_801 : i32 to vector<16xi32>
        %gt3A_807 = arith.cmpi sgt, %scan3A_311, %gt3A_806 : vector<16xi32>
        %gt3A_808 = arith.cmpi sgt, %gather3A, %while3A_371 : vector<16xi32>
        %and3A_809 = arith.andi %gt3A_808, %gt3A_807 : vector<16xi1>
        %all_reduce_population_count3A = tpu.all_reduce %and3A_809 {dim = 0 : i64, kind = #tpu.reduction_kind<sum>} : vector<16xi1> -> vector<16xi32>
        %add3A_810 = arith.addi %while3A_802, %all_reduce_population_count3A : vector<16xi32>
        %eq3A_811 = arith.cmpi eq, %gather3A, %while3A_371 : vector<16xi32>
        %and3A_812 = arith.andi %eq3A_811, %gt3A_807 : vector<16xi1>
        %all_reduce_population_count3A_813 = tpu.all_reduce %and3A_812 {dim = 0 : i64, kind = #tpu.reduction_kind<sum>} : vector<16xi1> -> vector<16xi32>
        %add3A_814 = arith.addi %while3A_803, %all_reduce_population_count3A_813 : vector<16xi32>
        scf.yield %add3A_810, %add3A_814 : vector<16xi32>, vector<16xi32>
      }
      %slice3A_383 = vector.extract_strided_slice %while3A_382#0 {offsets = [0], sizes = [1], strides = [1]} : vector<16xi32> to vector<1xi32>
      %squeeze3A_384 = vector.extract %slice3A_383[0] : i32 from vector<1xi32>
      %slice3A_385 = vector.extract_strided_slice %while3A_382#1 {offsets = [0], sizes = [1], strides = [1]} : vector<16xi32> to vector<1xi32>
      %squeeze3A_386 = vector.extract %slice3A_385[0] : i32 from vector<1xi32>
      %add3A_387 = arith.addi %squeeze3A_384, %squeeze3A_386 : i32
      %gt3A = arith.constant 64 : i32
      %gt3A_388 = arith.cmpi sgt, %add3A_387, %gt3A : i32
      %convert_element_type3A_389 = arith.extui %gt3A_388 : i1 to i32
      %cond3A = arith.constant 0 : i32
      %cond3A_390 = arith.constant 0 : i32
      %cond3A_391 = arith.cmpi ne, %convert_element_type3A_389, %cond3A_390 : i32
      %cond3A_392 = scf.if %cond3A_391 -> (vector<16xi32>) {
        %add3A_801 = arith.constant 16384 : i32
        %add3A_802 = vector.broadcast %add3A_801 : i32 to vector<16xi32>
        %add3A_803 = arith.addi %broadcast_in_dim3A_8, %add3A_802 : vector<16xi32>
        %sub3A_804 = arith.constant 1 : i32
        %sub3A_805 = vector.broadcast %sub3A_804 : i32 to vector<16xi32>
        %sub3A_806 = arith.subi %add3A_803, %sub3A_805 : vector<16xi32>
        %while3A_807 = arith.constant 0 : i32
        %while3A_808 = arith.subi %reduce_max3A_320, %while3A_807 : i32
        %while3A_809 = arith.addi %while3A_807, %while3A_808 : i32
        %while3A_810 = arith.constant 1 : i32
        %while3A_811 = arith.divsi %while3A_808, %while3A_810 : i32
        %while3A_812 = arith.muli %while3A_811, %while3A_810 : i32
        %while3A_813 = arith.addi %while3A_807, %while3A_812 : i32
        %while3A_814 = arith.constant 1 : i32
        %while3A_815 = scf.for %while3A_1131 = %while3A_807 to %while3A_813 step %while3A_814 iter_args(%while3A_1132 = %broadcast_in_dim3A_8) -> (vector<16xi32>)  : i32 {
          %add3A_1133 = vector.broadcast %while3A_1131 : i32 to vector<16xi32>
          %add3A_1134 = arith.addi %mul3A_5, %add3A_1133 : vector<16xi32>
          %gather3A = tpu.vector_load_idx %arg7[%add3A_1134] : memref<16368xi32, #tpu.memory_space<vmem>>[vector<16xi32>], vector<16xi32>,
          %add3A_1135 = vector.broadcast %while3A_1131 : i32 to vector<16xi32>
          %add3A_1136 = arith.addi %mul3A_5, %add3A_1135 : vector<16xi32>
          %gather3A_1137 = tpu.vector_load_idx %arg8[%add3A_1136] : memref<16368xi32, #tpu.memory_space<vmem>>[vector<16xi32>], vector<16xi32>,
          %eq3A_1138 = arith.cmpi eq, %gather3A, %while3A_371 : vector<16xi32>
          %le3A = arith.cmpi sle, %gather3A_1137, %sub3A_806 : vector<16xi32>
          %and3A_1139 = arith.andi %eq3A_1138, %le3A : vector<16xi1>
          %gt3A_1140 = vector.broadcast %while3A_1131 : i32 to vector<16xi32>
          %gt3A_1141 = arith.cmpi sgt, %scan3A_311, %gt3A_1140 : vector<16xi32>
          %and3A_1142 = arith.andi %and3A_1139, %gt3A_1141 : vector<16xi1>
          %all_reduce_population_count3A = tpu.all_reduce %and3A_1142 {dim = 0 : i64, kind = #tpu.reduction_kind<sum>} : vector<16xi1> -> vector<16xi32>
          %add3A_1143 = arith.addi %while3A_1132, %all_reduce_population_count3A : vector<16xi32>
          scf.yield %add3A_1143 : vector<16xi32>
        }
        %while3A_816 = arith.constant 1 : i32
        %while3A_817 = scf.for %while3A_1131 = %while3A_813 to %while3A_809 step %while3A_816 iter_args(%while3A_1132 = %while3A_815) -> (vector<16xi32>)  : i32 {
          %add3A_1133 = vector.broadcast %while3A_1131 : i32 to vector<16xi32>
          %add3A_1134 = arith.addi %mul3A_5, %add3A_1133 : vector<16xi32>
          %gather3A = tpu.vector_load_idx %arg7[%add3A_1134] : memref<16368xi32, #tpu.memory_space<vmem>>[vector<16xi32>], vector<16xi32>,
          %add3A_1135 = vector.broadcast %while3A_1131 : i32 to vector<16xi32>
          %add3A_1136 = arith.addi %mul3A_5, %add3A_1135 : vector<16xi32>
          %gather3A_1137 = tpu.vector_load_idx %arg8[%add3A_1136] : memref<16368xi32, #tpu.memory_space<vmem>>[vector<16xi32>], vector<16xi32>,
          %eq3A_1138 = arith.cmpi eq, %gather3A, %while3A_371 : vector<16xi32>
          %le3A = arith.cmpi sle, %gather3A_1137, %sub3A_806 : vector<16xi32>
          %and3A_1139 = arith.andi %eq3A_1138, %le3A : vector<16xi1>
          %gt3A_1140 = vector.broadcast %while3A_1131 : i32 to vector<16xi32>
          %gt3A_1141 = arith.cmpi sgt, %scan3A_311, %gt3A_1140 : vector<16xi32>
          %and3A_1142 = arith.andi %and3A_1139, %gt3A_1141 : vector<16xi1>
          %all_reduce_population_count3A = tpu.all_reduce %and3A_1142 {dim = 0 : i64, kind = #tpu.reduction_kind<sum>} : vector<16xi1> -> vector<16xi32>
          %add3A_1143 = arith.addi %while3A_1132, %all_reduce_population_count3A : vector<16xi32>
          scf.yield %add3A_1143 : vector<16xi32>
        }
        %add3A_818 = arith.addi %while3A_382#0, %while3A_817 : vector<16xi32>
        %lt3A_819 = arith.constant 64 : i32
        %lt3A_820 = vector.broadcast %lt3A_819 : i32 to vector<16xi32>
        %lt3A_821 = arith.cmpi slt, %add3A_818, %lt3A_820 : vector<16xi32>
        %select_n3A_822 = arith.select %lt3A_821, %add3A_803, %broadcast_in_dim3A_8 : vector<16xi1>, vector<16xi32>
        %add3A_823 = arith.constant 8192 : i32
        %add3A_824 = vector.broadcast %add3A_823 : i32 to vector<16xi32>
        %add3A_825 = arith.addi %select_n3A_822, %add3A_824 : vector<16xi32>
        %sub3A_826 = arith.constant 1 : i32
        %sub3A_827 = vector.broadcast %sub3A_826 : i32 to vector<16xi32>
        %sub3A_828 = arith.subi %add3A_825, %sub3A_827 : vector<16xi32>
        %while3A_829 = arith.constant 0 : i32
        %while3A_830 = arith.subi %reduce_max3A_320, %while3A_829 : i32
        %while3A_831 = arith.addi %while3A_829, %while3A_830 : i32
        %while3A_832 = arith.constant 1 : i32
        %while3A_833 = arith.divsi %while3A_830, %while3A_832 : i32
        %while3A_834 = arith.muli %while3A_833, %while3A_832 : i32
        %while3A_835 = arith.addi %while3A_829, %while3A_834 : i32
        %while3A_836 = arith.constant 1 : i32
        %while3A_837 = scf.for %while3A_1131 = %while3A_829 to %while3A_835 step %while3A_836 iter_args(%while3A_1132 = %broadcast_in_dim3A_8) -> (vector<16xi32>)  : i32 {
          %add3A_1133 = vector.broadcast %while3A_1131 : i32 to vector<16xi32>
          %add3A_1134 = arith.addi %mul3A_5, %add3A_1133 : vector<16xi32>
          %gather3A = tpu.vector_load_idx %arg7[%add3A_1134] : memref<16368xi32, #tpu.memory_space<vmem>>[vector<16xi32>], vector<16xi32>,
          %add3A_1135 = vector.broadcast %while3A_1131 : i32 to vector<16xi32>
          %add3A_1136 = arith.addi %mul3A_5, %add3A_1135 : vector<16xi32>
          %gather3A_1137 = tpu.vector_load_idx %arg8[%add3A_1136] : memref<16368xi32, #tpu.memory_space<vmem>>[vector<16xi32>], vector<16xi32>,
          %eq3A_1138 = arith.cmpi eq, %gather3A, %while3A_371 : vector<16xi32>
          %le3A = arith.cmpi sle, %gather3A_1137, %sub3A_828 : vector<16xi32>
          %and3A_1139 = arith.andi %eq3A_1138, %le3A : vector<16xi1>
          %gt3A_1140 = vector.broadcast %while3A_1131 : i32 to vector<16xi32>
          %gt3A_1141 = arith.cmpi sgt, %scan3A_311, %gt3A_1140 : vector<16xi32>
          %and3A_1142 = arith.andi %and3A_1139, %gt3A_1141 : vector<16xi1>
          %all_reduce_population_count3A = tpu.all_reduce %and3A_1142 {dim = 0 : i64, kind = #tpu.reduction_kind<sum>} : vector<16xi1> -> vector<16xi32>
          %add3A_1143 = arith.addi %while3A_1132, %all_reduce_population_count3A : vector<16xi32>
          scf.yield %add3A_1143 : vector<16xi32>
        }
        %while3A_838 = arith.constant 1 : i32
        %while3A_839 = scf.for %while3A_1131 = %while3A_835 to %while3A_831 step %while3A_838 iter_args(%while3A_1132 = %while3A_837) -> (vector<16xi32>)  : i32 {
          %add3A_1133 = vector.broadcast %while3A_1131 : i32 to vector<16xi32>
          %add3A_1134 = arith.addi %mul3A_5, %add3A_1133 : vector<16xi32>
          %gather3A = tpu.vector_load_idx %arg7[%add3A_1134] : memref<16368xi32, #tpu.memory_space<vmem>>[vector<16xi32>], vector<16xi32>,
          %add3A_1135 = vector.broadcast %while3A_1131 : i32 to vector<16xi32>
          %add3A_1136 = arith.addi %mul3A_5, %add3A_1135 : vector<16xi32>
          %gather3A_1137 = tpu.vector_load_idx %arg8[%add3A_1136] : memref<16368xi32, #tpu.memory_space<vmem>>[vector<16xi32>], vector<16xi32>,
          %eq3A_1138 = arith.cmpi eq, %gather3A, %while3A_371 : vector<16xi32>
          %le3A = arith.cmpi sle, %gather3A_1137, %sub3A_828 : vector<16xi32>
          %and3A_1139 = arith.andi %eq3A_1138, %le3A : vector<16xi1>
          %gt3A_1140 = vector.broadcast %while3A_1131 : i32 to vector<16xi32>
          %gt3A_1141 = arith.cmpi sgt, %scan3A_311, %gt3A_1140 : vector<16xi32>
          %and3A_1142 = arith.andi %and3A_1139, %gt3A_1141 : vector<16xi1>
          %all_reduce_population_count3A = tpu.all_reduce %and3A_1142 {dim = 0 : i64, kind = #tpu.reduction_kind<sum>} : vector<16xi1> -> vector<16xi32>
          %add3A_1143 = arith.addi %while3A_1132, %all_reduce_population_count3A : vector<16xi32>
          scf.yield %add3A_1143 : vector<16xi32>
        }
        %add3A_840 = arith.addi %while3A_382#0, %while3A_839 : vector<16xi32>
        %lt3A_841 = arith.constant 64 : i32
        %lt3A_842 = vector.broadcast %lt3A_841 : i32 to vector<16xi32>
        %lt3A_843 = arith.cmpi slt, %add3A_840, %lt3A_842 : vector<16xi32>
        %select_n3A_844 = arith.select %lt3A_843, %add3A_825, %select_n3A_822 : vector<16xi1>, vector<16xi32>
        %add3A_845 = arith.constant 4096 : i32
        %add3A_846 = vector.broadcast %add3A_845 : i32 to vector<16xi32>
        %add3A_847 = arith.addi %select_n3A_844, %add3A_846 : vector<16xi32>
        %sub3A_848 = arith.constant 1 : i32
        %sub3A_849 = vector.broadcast %sub3A_848 : i32 to vector<16xi32>
        %sub3A_850 = arith.subi %add3A_847, %sub3A_849 : vector<16xi32>
        %while3A_851 = arith.constant 0 : i32
        %while3A_852 = arith.subi %reduce_max3A_320, %while3A_851 : i32
        %while3A_853 = arith.addi %while3A_851, %while3A_852 : i32
        %while3A_854 = arith.constant 1 : i32
        %while3A_855 = arith.divsi %while3A_852, %while3A_854 : i32
        %while3A_856 = arith.muli %while3A_855, %while3A_854 : i32
        %while3A_857 = arith.addi %while3A_851, %while3A_856 : i32
        %while3A_858 = arith.constant 1 : i32
        %while3A_859 = scf.for %while3A_1131 = %while3A_851 to %while3A_857 step %while3A_858 iter_args(%while3A_1132 = %broadcast_in_dim3A_8) -> (vector<16xi32>)  : i32 {
          %add3A_1133 = vector.broadcast %while3A_1131 : i32 to vector<16xi32>
          %add3A_1134 = arith.addi %mul3A_5, %add3A_1133 : vector<16xi32>
          %gather3A = tpu.vector_load_idx %arg7[%add3A_1134] : memref<16368xi32, #tpu.memory_space<vmem>>[vector<16xi32>], vector<16xi32>,
          %add3A_1135 = vector.broadcast %while3A_1131 : i32 to vector<16xi32>
          %add3A_1136 = arith.addi %mul3A_5, %add3A_1135 : vector<16xi32>
          %gather3A_1137 = tpu.vector_load_idx %arg8[%add3A_1136] : memref<16368xi32, #tpu.memory_space<vmem>>[vector<16xi32>], vector<16xi32>,
          %eq3A_1138 = arith.cmpi eq, %gather3A, %while3A_371 : vector<16xi32>
          %le3A = arith.cmpi sle, %gather3A_1137, %sub3A_850 : vector<16xi32>
          %and3A_1139 = arith.andi %eq3A_1138, %le3A : vector<16xi1>
          %gt3A_1140 = vector.broadcast %while3A_1131 : i32 to vector<16xi32>
          %gt3A_1141 = arith.cmpi sgt, %scan3A_311, %gt3A_1140 : vector<16xi32>
          %and3A_1142 = arith.andi %and3A_1139, %gt3A_1141 : vector<16xi1>
          %all_reduce_population_count3A = tpu.all_reduce %and3A_1142 {dim = 0 : i64, kind = #tpu.reduction_kind<sum>} : vector<16xi1> -> vector<16xi32>
          %add3A_1143 = arith.addi %while3A_1132, %all_reduce_population_count3A : vector<16xi32>
          scf.yield %add3A_1143 : vector<16xi32>
        }
        %while3A_860 = arith.constant 1 : i32
        %while3A_861 = scf.for %while3A_1131 = %while3A_857 to %while3A_853 step %while3A_860 iter_args(%while3A_1132 = %while3A_859) -> (vector<16xi32>)  : i32 {
          %add3A_1133 = vector.broadcast %while3A_1131 : i32 to vector<16xi32>
          %add3A_1134 = arith.addi %mul3A_5, %add3A_1133 : vector<16xi32>
          %gather3A = tpu.vector_load_idx %arg7[%add3A_1134] : memref<16368xi32, #tpu.memory_space<vmem>>[vector<16xi32>], vector<16xi32>,
          %add3A_1135 = vector.broadcast %while3A_1131 : i32 to vector<16xi32>
          %add3A_1136 = arith.addi %mul3A_5, %add3A_1135 : vector<16xi32>
          %gather3A_1137 = tpu.vector_load_idx %arg8[%add3A_1136] : memref<16368xi32, #tpu.memory_space<vmem>>[vector<16xi32>], vector<16xi32>,
          %eq3A_1138 = arith.cmpi eq, %gather3A, %while3A_371 : vector<16xi32>
          %le3A = arith.cmpi sle, %gather3A_1137, %sub3A_850 : vector<16xi32>
          %and3A_1139 = arith.andi %eq3A_1138, %le3A : vector<16xi1>
          %gt3A_1140 = vector.broadcast %while3A_1131 : i32 to vector<16xi32>
          %gt3A_1141 = arith.cmpi sgt, %scan3A_311, %gt3A_1140 : vector<16xi32>
          %and3A_1142 = arith.andi %and3A_1139, %gt3A_1141 : vector<16xi1>
          %all_reduce_population_count3A = tpu.all_reduce %and3A_1142 {dim = 0 : i64, kind = #tpu.reduction_kind<sum>} : vector<16xi1> -> vector<16xi32>
          %add3A_1143 = arith.addi %while3A_1132, %all_reduce_population_count3A : vector<16xi32>
          scf.yield %add3A_1143 : vector<16xi32>
        }
        %add3A_862 = arith.addi %while3A_382#0, %while3A_861 : vector<16xi32>
        %lt3A_863 = arith.constant 64 : i32
        %lt3A_864 = vector.broadcast %lt3A_863 : i32 to vector<16xi32>
        %lt3A_865 = arith.cmpi slt, %add3A_862, %lt3A_864 : vector<16xi32>
        %select_n3A_866 = arith.select %lt3A_865, %add3A_847, %select_n3A_844 : vector<16xi1>, vector<16xi32>
        %add3A_867 = arith.constant 2048 : i32
        %add3A_868 = vector.broadcast %add3A_867 : i32 to vector<16xi32>
        %add3A_869 = arith.addi %select_n3A_866, %add3A_868 : vector<16xi32>
        %sub3A_870 = arith.constant 1 : i32
        %sub3A_871 = vector.broadcast %sub3A_870 : i32 to vector<16xi32>
        %sub3A_872 = arith.subi %add3A_869, %sub3A_871 : vector<16xi32>
        %while3A_873 = arith.constant 0 : i32
        %while3A_874 = arith.subi %reduce_max3A_320, %while3A_873 : i32
        %while3A_875 = arith.addi %while3A_873, %while3A_874 : i32
        %while3A_876 = arith.constant 1 : i32
        %while3A_877 = arith.divsi %while3A_874, %while3A_876 : i32
        %while3A_878 = arith.muli %while3A_877, %while3A_876 : i32
        %while3A_879 = arith.addi %while3A_873, %while3A_878 : i32
        %while3A_880 = arith.constant 1 : i32
        %while3A_881 = scf.for %while3A_1131 = %while3A_873 to %while3A_879 step %while3A_880 iter_args(%while3A_1132 = %broadcast_in_dim3A_8) -> (vector<16xi32>)  : i32 {
          %add3A_1133 = vector.broadcast %while3A_1131 : i32 to vector<16xi32>
          %add3A_1134 = arith.addi %mul3A_5, %add3A_1133 : vector<16xi32>
          %gather3A = tpu.vector_load_idx %arg7[%add3A_1134] : memref<16368xi32, #tpu.memory_space<vmem>>[vector<16xi32>], vector<16xi32>,
          %add3A_1135 = vector.broadcast %while3A_1131 : i32 to vector<16xi32>
          %add3A_1136 = arith.addi %mul3A_5, %add3A_1135 : vector<16xi32>
          %gather3A_1137 = tpu.vector_load_idx %arg8[%add3A_1136] : memref<16368xi32, #tpu.memory_space<vmem>>[vector<16xi32>], vector<16xi32>,
          %eq3A_1138 = arith.cmpi eq, %gather3A, %while3A_371 : vector<16xi32>
          %le3A = arith.cmpi sle, %gather3A_1137, %sub3A_872 : vector<16xi32>
          %and3A_1139 = arith.andi %eq3A_1138, %le3A : vector<16xi1>
          %gt3A_1140 = vector.broadcast %while3A_1131 : i32 to vector<16xi32>
          %gt3A_1141 = arith.cmpi sgt, %scan3A_311, %gt3A_1140 : vector<16xi32>
          %and3A_1142 = arith.andi %and3A_1139, %gt3A_1141 : vector<16xi1>
          %all_reduce_population_count3A = tpu.all_reduce %and3A_1142 {dim = 0 : i64, kind = #tpu.reduction_kind<sum>} : vector<16xi1> -> vector<16xi32>
          %add3A_1143 = arith.addi %while3A_1132, %all_reduce_population_count3A : vector<16xi32>
          scf.yield %add3A_1143 : vector<16xi32>
        }
        %while3A_882 = arith.constant 1 : i32
        %while3A_883 = scf.for %while3A_1131 = %while3A_879 to %while3A_875 step %while3A_882 iter_args(%while3A_1132 = %while3A_881) -> (vector<16xi32>)  : i32 {
          %add3A_1133 = vector.broadcast %while3A_1131 : i32 to vector<16xi32>
          %add3A_1134 = arith.addi %mul3A_5, %add3A_1133 : vector<16xi32>
          %gather3A = tpu.vector_load_idx %arg7[%add3A_1134] : memref<16368xi32, #tpu.memory_space<vmem>>[vector<16xi32>], vector<16xi32>,
          %add3A_1135 = vector.broadcast %while3A_1131 : i32 to vector<16xi32>
          %add3A_1136 = arith.addi %mul3A_5, %add3A_1135 : vector<16xi32>
          %gather3A_1137 = tpu.vector_load_idx %arg8[%add3A_1136] : memref<16368xi32, #tpu.memory_space<vmem>>[vector<16xi32>], vector<16xi32>,
          %eq3A_1138 = arith.cmpi eq, %gather3A, %while3A_371 : vector<16xi32>
          %le3A = arith.cmpi sle, %gather3A_1137, %sub3A_872 : vector<16xi32>
          %and3A_1139 = arith.andi %eq3A_1138, %le3A : vector<16xi1>
          %gt3A_1140 = vector.broadcast %while3A_1131 : i32 to vector<16xi32>
          %gt3A_1141 = arith.cmpi sgt, %scan3A_311, %gt3A_1140 : vector<16xi32>
          %and3A_1142 = arith.andi %and3A_1139, %gt3A_1141 : vector<16xi1>
          %all_reduce_population_count3A = tpu.all_reduce %and3A_1142 {dim = 0 : i64, kind = #tpu.reduction_kind<sum>} : vector<16xi1> -> vector<16xi32>
          %add3A_1143 = arith.addi %while3A_1132, %all_reduce_population_count3A : vector<16xi32>
          scf.yield %add3A_1143 : vector<16xi32>
        }
        %add3A_884 = arith.addi %while3A_382#0, %while3A_883 : vector<16xi32>
        %lt3A_885 = arith.constant 64 : i32
        %lt3A_886 = vector.broadcast %lt3A_885 : i32 to vector<16xi32>
        %lt3A_887 = arith.cmpi slt, %add3A_884, %lt3A_886 : vector<16xi32>
        %select_n3A_888 = arith.select %lt3A_887, %add3A_869, %select_n3A_866 : vector<16xi1>, vector<16xi32>
        %add3A_889 = arith.constant 1024 : i32
        %add3A_890 = vector.broadcast %add3A_889 : i32 to vector<16xi32>
        %add3A_891 = arith.addi %select_n3A_888, %add3A_890 : vector<16xi32>
        %sub3A_892 = arith.constant 1 : i32
        %sub3A_893 = vector.broadcast %sub3A_892 : i32 to vector<16xi32>
        %sub3A_894 = arith.subi %add3A_891, %sub3A_893 : vector<16xi32>
        %while3A_895 = arith.constant 0 : i32
        %while3A_896 = arith.subi %reduce_max3A_320, %while3A_895 : i32
        %while3A_897 = arith.addi %while3A_895, %while3A_896 : i32
        %while3A_898 = arith.constant 1 : i32
        %while3A_899 = arith.divsi %while3A_896, %while3A_898 : i32
        %while3A_900 = arith.muli %while3A_899, %while3A_898 : i32
        %while3A_901 = arith.addi %while3A_895, %while3A_900 : i32
        %while3A_902 = arith.constant 1 : i32
        %while3A_903 = scf.for %while3A_1131 = %while3A_895 to %while3A_901 step %while3A_902 iter_args(%while3A_1132 = %broadcast_in_dim3A_8) -> (vector<16xi32>)  : i32 {
          %add3A_1133 = vector.broadcast %while3A_1131 : i32 to vector<16xi32>
          %add3A_1134 = arith.addi %mul3A_5, %add3A_1133 : vector<16xi32>
          %gather3A = tpu.vector_load_idx %arg7[%add3A_1134] : memref<16368xi32, #tpu.memory_space<vmem>>[vector<16xi32>], vector<16xi32>,
          %add3A_1135 = vector.broadcast %while3A_1131 : i32 to vector<16xi32>
          %add3A_1136 = arith.addi %mul3A_5, %add3A_1135 : vector<16xi32>
          %gather3A_1137 = tpu.vector_load_idx %arg8[%add3A_1136] : memref<16368xi32, #tpu.memory_space<vmem>>[vector<16xi32>], vector<16xi32>,
          %eq3A_1138 = arith.cmpi eq, %gather3A, %while3A_371 : vector<16xi32>
          %le3A = arith.cmpi sle, %gather3A_1137, %sub3A_894 : vector<16xi32>
          %and3A_1139 = arith.andi %eq3A_1138, %le3A : vector<16xi1>
          %gt3A_1140 = vector.broadcast %while3A_1131 : i32 to vector<16xi32>
          %gt3A_1141 = arith.cmpi sgt, %scan3A_311, %gt3A_1140 : vector<16xi32>
          %and3A_1142 = arith.andi %and3A_1139, %gt3A_1141 : vector<16xi1>
          %all_reduce_population_count3A = tpu.all_reduce %and3A_1142 {dim = 0 : i64, kind = #tpu.reduction_kind<sum>} : vector<16xi1> -> vector<16xi32>
          %add3A_1143 = arith.addi %while3A_1132, %all_reduce_population_count3A : vector<16xi32>
          scf.yield %add3A_1143 : vector<16xi32>
        }
        %while3A_904 = arith.constant 1 : i32
        %while3A_905 = scf.for %while3A_1131 = %while3A_901 to %while3A_897 step %while3A_904 iter_args(%while3A_1132 = %while3A_903) -> (vector<16xi32>)  : i32 {
          %add3A_1133 = vector.broadcast %while3A_1131 : i32 to vector<16xi32>
          %add3A_1134 = arith.addi %mul3A_5, %add3A_1133 : vector<16xi32>
          %gather3A = tpu.vector_load_idx %arg7[%add3A_1134] : memref<16368xi32, #tpu.memory_space<vmem>>[vector<16xi32>], vector<16xi32>,
          %add3A_1135 = vector.broadcast %while3A_1131 : i32 to vector<16xi32>
          %add3A_1136 = arith.addi %mul3A_5, %add3A_1135 : vector<16xi32>
          %gather3A_1137 = tpu.vector_load_idx %arg8[%add3A_1136] : memref<16368xi32, #tpu.memory_space<vmem>>[vector<16xi32>], vector<16xi32>,
          %eq3A_1138 = arith.cmpi eq, %gather3A, %while3A_371 : vector<16xi32>
          %le3A = arith.cmpi sle, %gather3A_1137, %sub3A_894 : vector<16xi32>
          %and3A_1139 = arith.andi %eq3A_1138, %le3A : vector<16xi1>
          %gt3A_1140 = vector.broadcast %while3A_1131 : i32 to vector<16xi32>
          %gt3A_1141 = arith.cmpi sgt, %scan3A_311, %gt3A_1140 : vector<16xi32>
          %and3A_1142 = arith.andi %and3A_1139, %gt3A_1141 : vector<16xi1>
          %all_reduce_population_count3A = tpu.all_reduce %and3A_1142 {dim = 0 : i64, kind = #tpu.reduction_kind<sum>} : vector<16xi1> -> vector<16xi32>
          %add3A_1143 = arith.addi %while3A_1132, %all_reduce_population_count3A : vector<16xi32>
          scf.yield %add3A_1143 : vector<16xi32>
        }
        %add3A_906 = arith.addi %while3A_382#0, %while3A_905 : vector<16xi32>
        %lt3A_907 = arith.constant 64 : i32
        %lt3A_908 = vector.broadcast %lt3A_907 : i32 to vector<16xi32>
        %lt3A_909 = arith.cmpi slt, %add3A_906, %lt3A_908 : vector<16xi32>
        %select_n3A_910 = arith.select %lt3A_909, %add3A_891, %select_n3A_888 : vector<16xi1>, vector<16xi32>
        %add3A_911 = arith.constant 512 : i32
        %add3A_912 = vector.broadcast %add3A_911 : i32 to vector<16xi32>
        %add3A_913 = arith.addi %select_n3A_910, %add3A_912 : vector<16xi32>
        %sub3A_914 = arith.constant 1 : i32
        %sub3A_915 = vector.broadcast %sub3A_914 : i32 to vector<16xi32>
        %sub3A_916 = arith.subi %add3A_913, %sub3A_915 : vector<16xi32>
        %while3A_917 = arith.constant 0 : i32
        %while3A_918 = arith.subi %reduce_max3A_320, %while3A_917 : i32
        %while3A_919 = arith.addi %while3A_917, %while3A_918 : i32
        %while3A_920 = arith.constant 1 : i32
        %while3A_921 = arith.divsi %while3A_918, %while3A_920 : i32
        %while3A_922 = arith.muli %while3A_921, %while3A_920 : i32
        %while3A_923 = arith.addi %while3A_917, %while3A_922 : i32
        %while3A_924 = arith.constant 1 : i32
        %while3A_925 = scf.for %while3A_1131 = %while3A_917 to %while3A_923 step %while3A_924 iter_args(%while3A_1132 = %broadcast_in_dim3A_8) -> (vector<16xi32>)  : i32 {
          %add3A_1133 = vector.broadcast %while3A_1131 : i32 to vector<16xi32>
          %add3A_1134 = arith.addi %mul3A_5, %add3A_1133 : vector<16xi32>
          %gather3A = tpu.vector_load_idx %arg7[%add3A_1134] : memref<16368xi32, #tpu.memory_space<vmem>>[vector<16xi32>], vector<16xi32>,
          %add3A_1135 = vector.broadcast %while3A_1131 : i32 to vector<16xi32>
          %add3A_1136 = arith.addi %mul3A_5, %add3A_1135 : vector<16xi32>
          %gather3A_1137 = tpu.vector_load_idx %arg8[%add3A_1136] : memref<16368xi32, #tpu.memory_space<vmem>>[vector<16xi32>], vector<16xi32>,
          %eq3A_1138 = arith.cmpi eq, %gather3A, %while3A_371 : vector<16xi32>
          %le3A = arith.cmpi sle, %gather3A_1137, %sub3A_916 : vector<16xi32>
          %and3A_1139 = arith.andi %eq3A_1138, %le3A : vector<16xi1>
          %gt3A_1140 = vector.broadcast %while3A_1131 : i32 to vector<16xi32>
          %gt3A_1141 = arith.cmpi sgt, %scan3A_311, %gt3A_1140 : vector<16xi32>
          %and3A_1142 = arith.andi %and3A_1139, %gt3A_1141 : vector<16xi1>
          %all_reduce_population_count3A = tpu.all_reduce %and3A_1142 {dim = 0 : i64, kind = #tpu.reduction_kind<sum>} : vector<16xi1> -> vector<16xi32>
          %add3A_1143 = arith.addi %while3A_1132, %all_reduce_population_count3A : vector<16xi32>
          scf.yield %add3A_1143 : vector<16xi32>
        }
        %while3A_926 = arith.constant 1 : i32
        %while3A_927 = scf.for %while3A_1131 = %while3A_923 to %while3A_919 step %while3A_926 iter_args(%while3A_1132 = %while3A_925) -> (vector<16xi32>)  : i32 {
          %add3A_1133 = vector.broadcast %while3A_1131 : i32 to vector<16xi32>
          %add3A_1134 = arith.addi %mul3A_5, %add3A_1133 : vector<16xi32>
          %gather3A = tpu.vector_load_idx %arg7[%add3A_1134] : memref<16368xi32, #tpu.memory_space<vmem>>[vector<16xi32>], vector<16xi32>,
          %add3A_1135 = vector.broadcast %while3A_1131 : i32 to vector<16xi32>
          %add3A_1136 = arith.addi %mul3A_5, %add3A_1135 : vector<16xi32>
          %gather3A_1137 = tpu.vector_load_idx %arg8[%add3A_1136] : memref<16368xi32, #tpu.memory_space<vmem>>[vector<16xi32>], vector<16xi32>,
          %eq3A_1138 = arith.cmpi eq, %gather3A, %while3A_371 : vector<16xi32>
          %le3A = arith.cmpi sle, %gather3A_1137, %sub3A_916 : vector<16xi32>
          %and3A_1139 = arith.andi %eq3A_1138, %le3A : vector<16xi1>
          %gt3A_1140 = vector.broadcast %while3A_1131 : i32 to vector<16xi32>
          %gt3A_1141 = arith.cmpi sgt, %scan3A_311, %gt3A_1140 : vector<16xi32>
          %and3A_1142 = arith.andi %and3A_1139, %gt3A_1141 : vector<16xi1>
          %all_reduce_population_count3A = tpu.all_reduce %and3A_1142 {dim = 0 : i64, kind = #tpu.reduction_kind<sum>} : vector<16xi1> -> vector<16xi32>
          %add3A_1143 = arith.addi %while3A_1132, %all_reduce_population_count3A : vector<16xi32>
          scf.yield %add3A_1143 : vector<16xi32>
        }
        %add3A_928 = arith.addi %while3A_382#0, %while3A_927 : vector<16xi32>
        %lt3A_929 = arith.constant 64 : i32
        %lt3A_930 = vector.broadcast %lt3A_929 : i32 to vector<16xi32>
        %lt3A_931 = arith.cmpi slt, %add3A_928, %lt3A_930 : vector<16xi32>
        %select_n3A_932 = arith.select %lt3A_931, %add3A_913, %select_n3A_910 : vector<16xi1>, vector<16xi32>
        %add3A_933 = arith.constant 256 : i32
        %add3A_934 = vector.broadcast %add3A_933 : i32 to vector<16xi32>
        %add3A_935 = arith.addi %select_n3A_932, %add3A_934 : vector<16xi32>
        %sub3A_936 = arith.constant 1 : i32
        %sub3A_937 = vector.broadcast %sub3A_936 : i32 to vector<16xi32>
        %sub3A_938 = arith.subi %add3A_935, %sub3A_937 : vector<16xi32>
        %while3A_939 = arith.constant 0 : i32
        %while3A_940 = arith.subi %reduce_max3A_320, %while3A_939 : i32
        %while3A_941 = arith.addi %while3A_939, %while3A_940 : i32
        %while3A_942 = arith.constant 1 : i32
        %while3A_943 = arith.divsi %while3A_940, %while3A_942 : i32
        %while3A_944 = arith.muli %while3A_943, %while3A_942 : i32
        %while3A_945 = arith.addi %while3A_939, %while3A_944 : i32
        %while3A_946 = arith.constant 1 : i32
        %while3A_947 = scf.for %while3A_1131 = %while3A_939 to %while3A_945 step %while3A_946 iter_args(%while3A_1132 = %broadcast_in_dim3A_8) -> (vector<16xi32>)  : i32 {
          %add3A_1133 = vector.broadcast %while3A_1131 : i32 to vector<16xi32>
          %add3A_1134 = arith.addi %mul3A_5, %add3A_1133 : vector<16xi32>
          %gather3A = tpu.vector_load_idx %arg7[%add3A_1134] : memref<16368xi32, #tpu.memory_space<vmem>>[vector<16xi32>], vector<16xi32>,
          %add3A_1135 = vector.broadcast %while3A_1131 : i32 to vector<16xi32>
          %add3A_1136 = arith.addi %mul3A_5, %add3A_1135 : vector<16xi32>
          %gather3A_1137 = tpu.vector_load_idx %arg8[%add3A_1136] : memref<16368xi32, #tpu.memory_space<vmem>>[vector<16xi32>], vector<16xi32>,
          %eq3A_1138 = arith.cmpi eq, %gather3A, %while3A_371 : vector<16xi32>
          %le3A = arith.cmpi sle, %gather3A_1137, %sub3A_938 : vector<16xi32>
          %and3A_1139 = arith.andi %eq3A_1138, %le3A : vector<16xi1>
          %gt3A_1140 = vector.broadcast %while3A_1131 : i32 to vector<16xi32>
          %gt3A_1141 = arith.cmpi sgt, %scan3A_311, %gt3A_1140 : vector<16xi32>
          %and3A_1142 = arith.andi %and3A_1139, %gt3A_1141 : vector<16xi1>
          %all_reduce_population_count3A = tpu.all_reduce %and3A_1142 {dim = 0 : i64, kind = #tpu.reduction_kind<sum>} : vector<16xi1> -> vector<16xi32>
          %add3A_1143 = arith.addi %while3A_1132, %all_reduce_population_count3A : vector<16xi32>
          scf.yield %add3A_1143 : vector<16xi32>
        }
        %while3A_948 = arith.constant 1 : i32
        %while3A_949 = scf.for %while3A_1131 = %while3A_945 to %while3A_941 step %while3A_948 iter_args(%while3A_1132 = %while3A_947) -> (vector<16xi32>)  : i32 {
          %add3A_1133 = vector.broadcast %while3A_1131 : i32 to vector<16xi32>
          %add3A_1134 = arith.addi %mul3A_5, %add3A_1133 : vector<16xi32>
          %gather3A = tpu.vector_load_idx %arg7[%add3A_1134] : memref<16368xi32, #tpu.memory_space<vmem>>[vector<16xi32>], vector<16xi32>,
          %add3A_1135 = vector.broadcast %while3A_1131 : i32 to vector<16xi32>
          %add3A_1136 = arith.addi %mul3A_5, %add3A_1135 : vector<16xi32>
          %gather3A_1137 = tpu.vector_load_idx %arg8[%add3A_1136] : memref<16368xi32, #tpu.memory_space<vmem>>[vector<16xi32>], vector<16xi32>,
          %eq3A_1138 = arith.cmpi eq, %gather3A, %while3A_371 : vector<16xi32>
          %le3A = arith.cmpi sle, %gather3A_1137, %sub3A_938 : vector<16xi32>
          %and3A_1139 = arith.andi %eq3A_1138, %le3A : vector<16xi1>
          %gt3A_1140 = vector.broadcast %while3A_1131 : i32 to vector<16xi32>
          %gt3A_1141 = arith.cmpi sgt, %scan3A_311, %gt3A_1140 : vector<16xi32>
          %and3A_1142 = arith.andi %and3A_1139, %gt3A_1141 : vector<16xi1>
          %all_reduce_population_count3A = tpu.all_reduce %and3A_1142 {dim = 0 : i64, kind = #tpu.reduction_kind<sum>} : vector<16xi1> -> vector<16xi32>
          %add3A_1143 = arith.addi %while3A_1132, %all_reduce_population_count3A : vector<16xi32>
          scf.yield %add3A_1143 : vector<16xi32>
        }
        %add3A_950 = arith.addi %while3A_382#0, %while3A_949 : vector<16xi32>
        %lt3A_951 = arith.constant 64 : i32
        %lt3A_952 = vector.broadcast %lt3A_951 : i32 to vector<16xi32>
        %lt3A_953 = arith.cmpi slt, %add3A_950, %lt3A_952 : vector<16xi32>
        %select_n3A_954 = arith.select %lt3A_953, %add3A_935, %select_n3A_932 : vector<16xi1>, vector<16xi32>
        %add3A_955 = arith.constant 128 : i32
        %add3A_956 = vector.broadcast %add3A_955 : i32 to vector<16xi32>
        %add3A_957 = arith.addi %select_n3A_954, %add3A_956 : vector<16xi32>
        %sub3A_958 = arith.constant 1 : i32
        %sub3A_959 = vector.broadcast %sub3A_958 : i32 to vector<16xi32>
        %sub3A_960 = arith.subi %add3A_957, %sub3A_959 : vector<16xi32>
        %while3A_961 = arith.constant 0 : i32
        %while3A_962 = arith.subi %reduce_max3A_320, %while3A_961 : i32
        %while3A_963 = arith.addi %while3A_961, %while3A_962 : i32
        %while3A_964 = arith.constant 1 : i32
        %while3A_965 = arith.divsi %while3A_962, %while3A_964 : i32
        %while3A_966 = arith.muli %while3A_965, %while3A_964 : i32
        %while3A_967 = arith.addi %while3A_961, %while3A_966 : i32
        %while3A_968 = arith.constant 1 : i32
        %while3A_969 = scf.for %while3A_1131 = %while3A_961 to %while3A_967 step %while3A_968 iter_args(%while3A_1132 = %broadcast_in_dim3A_8) -> (vector<16xi32>)  : i32 {
          %add3A_1133 = vector.broadcast %while3A_1131 : i32 to vector<16xi32>
          %add3A_1134 = arith.addi %mul3A_5, %add3A_1133 : vector<16xi32>
          %gather3A = tpu.vector_load_idx %arg7[%add3A_1134] : memref<16368xi32, #tpu.memory_space<vmem>>[vector<16xi32>], vector<16xi32>,
          %add3A_1135 = vector.broadcast %while3A_1131 : i32 to vector<16xi32>
          %add3A_1136 = arith.addi %mul3A_5, %add3A_1135 : vector<16xi32>
          %gather3A_1137 = tpu.vector_load_idx %arg8[%add3A_1136] : memref<16368xi32, #tpu.memory_space<vmem>>[vector<16xi32>], vector<16xi32>,
          %eq3A_1138 = arith.cmpi eq, %gather3A, %while3A_371 : vector<16xi32>
          %le3A = arith.cmpi sle, %gather3A_1137, %sub3A_960 : vector<16xi32>
          %and3A_1139 = arith.andi %eq3A_1138, %le3A : vector<16xi1>
          %gt3A_1140 = vector.broadcast %while3A_1131 : i32 to vector<16xi32>
          %gt3A_1141 = arith.cmpi sgt, %scan3A_311, %gt3A_1140 : vector<16xi32>
          %and3A_1142 = arith.andi %and3A_1139, %gt3A_1141 : vector<16xi1>
          %all_reduce_population_count3A = tpu.all_reduce %and3A_1142 {dim = 0 : i64, kind = #tpu.reduction_kind<sum>} : vector<16xi1> -> vector<16xi32>
          %add3A_1143 = arith.addi %while3A_1132, %all_reduce_population_count3A : vector<16xi32>
          scf.yield %add3A_1143 : vector<16xi32>
        }
        %while3A_970 = arith.constant 1 : i32
        %while3A_971 = scf.for %while3A_1131 = %while3A_967 to %while3A_963 step %while3A_970 iter_args(%while3A_1132 = %while3A_969) -> (vector<16xi32>)  : i32 {
          %add3A_1133 = vector.broadcast %while3A_1131 : i32 to vector<16xi32>
          %add3A_1134 = arith.addi %mul3A_5, %add3A_1133 : vector<16xi32>
          %gather3A = tpu.vector_load_idx %arg7[%add3A_1134] : memref<16368xi32, #tpu.memory_space<vmem>>[vector<16xi32>], vector<16xi32>,
          %add3A_1135 = vector.broadcast %while3A_1131 : i32 to vector<16xi32>
          %add3A_1136 = arith.addi %mul3A_5, %add3A_1135 : vector<16xi32>
          %gather3A_1137 = tpu.vector_load_idx %arg8[%add3A_1136] : memref<16368xi32, #tpu.memory_space<vmem>>[vector<16xi32>], vector<16xi32>,
          %eq3A_1138 = arith.cmpi eq, %gather3A, %while3A_371 : vector<16xi32>
          %le3A = arith.cmpi sle, %gather3A_1137, %sub3A_960 : vector<16xi32>
          %and3A_1139 = arith.andi %eq3A_1138, %le3A : vector<16xi1>
          %gt3A_1140 = vector.broadcast %while3A_1131 : i32 to vector<16xi32>
          %gt3A_1141 = arith.cmpi sgt, %scan3A_311, %gt3A_1140 : vector<16xi32>
          %and3A_1142 = arith.andi %and3A_1139, %gt3A_1141 : vector<16xi1>
          %all_reduce_population_count3A = tpu.all_reduce %and3A_1142 {dim = 0 : i64, kind = #tpu.reduction_kind<sum>} : vector<16xi1> -> vector<16xi32>
          %add3A_1143 = arith.addi %while3A_1132, %all_reduce_population_count3A : vector<16xi32>
          scf.yield %add3A_1143 : vector<16xi32>
        }
        %add3A_972 = arith.addi %while3A_382#0, %while3A_971 : vector<16xi32>
        %lt3A_973 = arith.constant 64 : i32
        %lt3A_974 = vector.broadcast %lt3A_973 : i32 to vector<16xi32>
        %lt3A_975 = arith.cmpi slt, %add3A_972, %lt3A_974 : vector<16xi32>
        %select_n3A_976 = arith.select %lt3A_975, %add3A_957, %select_n3A_954 : vector<16xi1>, vector<16xi32>
        %add3A_977 = arith.constant 64 : i32
        %add3A_978 = vector.broadcast %add3A_977 : i32 to vector<16xi32>
        %add3A_979 = arith.addi %select_n3A_976, %add3A_978 : vector<16xi32>
        %sub3A_980 = arith.constant 1 : i32
        %sub3A_981 = vector.broadcast %sub3A_980 : i32 to vector<16xi32>
        %sub3A_982 = arith.subi %add3A_979, %sub3A_981 : vector<16xi32>
        %while3A_983 = arith.constant 0 : i32
        %while3A_984 = arith.subi %reduce_max3A_320, %while3A_983 : i32
        %while3A_985 = arith.addi %while3A_983, %while3A_984 : i32
        %while3A_986 = arith.constant 1 : i32
        %while3A_987 = arith.divsi %while3A_984, %while3A_986 : i32
        %while3A_988 = arith.muli %while3A_987, %while3A_986 : i32
        %while3A_989 = arith.addi %while3A_983, %while3A_988 : i32
        %while3A_990 = arith.constant 1 : i32
        %while3A_991 = scf.for %while3A_1131 = %while3A_983 to %while3A_989 step %while3A_990 iter_args(%while3A_1132 = %broadcast_in_dim3A_8) -> (vector<16xi32>)  : i32 {
          %add3A_1133 = vector.broadcast %while3A_1131 : i32 to vector<16xi32>
          %add3A_1134 = arith.addi %mul3A_5, %add3A_1133 : vector<16xi32>
          %gather3A = tpu.vector_load_idx %arg7[%add3A_1134] : memref<16368xi32, #tpu.memory_space<vmem>>[vector<16xi32>], vector<16xi32>,
          %add3A_1135 = vector.broadcast %while3A_1131 : i32 to vector<16xi32>
          %add3A_1136 = arith.addi %mul3A_5, %add3A_1135 : vector<16xi32>
          %gather3A_1137 = tpu.vector_load_idx %arg8[%add3A_1136] : memref<16368xi32, #tpu.memory_space<vmem>>[vector<16xi32>], vector<16xi32>,
          %eq3A_1138 = arith.cmpi eq, %gather3A, %while3A_371 : vector<16xi32>
          %le3A = arith.cmpi sle, %gather3A_1137, %sub3A_982 : vector<16xi32>
          %and3A_1139 = arith.andi %eq3A_1138, %le3A : vector<16xi1>
          %gt3A_1140 = vector.broadcast %while3A_1131 : i32 to vector<16xi32>
          %gt3A_1141 = arith.cmpi sgt, %scan3A_311, %gt3A_1140 : vector<16xi32>
          %and3A_1142 = arith.andi %and3A_1139, %gt3A_1141 : vector<16xi1>
          %all_reduce_population_count3A = tpu.all_reduce %and3A_1142 {dim = 0 : i64, kind = #tpu.reduction_kind<sum>} : vector<16xi1> -> vector<16xi32>
          %add3A_1143 = arith.addi %while3A_1132, %all_reduce_population_count3A : vector<16xi32>
          scf.yield %add3A_1143 : vector<16xi32>
        }
        %while3A_992 = arith.constant 1 : i32
        %while3A_993 = scf.for %while3A_1131 = %while3A_989 to %while3A_985 step %while3A_992 iter_args(%while3A_1132 = %while3A_991) -> (vector<16xi32>)  : i32 {
          %add3A_1133 = vector.broadcast %while3A_1131 : i32 to vector<16xi32>
          %add3A_1134 = arith.addi %mul3A_5, %add3A_1133 : vector<16xi32>
          %gather3A = tpu.vector_load_idx %arg7[%add3A_1134] : memref<16368xi32, #tpu.memory_space<vmem>>[vector<16xi32>], vector<16xi32>,
          %add3A_1135 = vector.broadcast %while3A_1131 : i32 to vector<16xi32>
          %add3A_1136 = arith.addi %mul3A_5, %add3A_1135 : vector<16xi32>
          %gather3A_1137 = tpu.vector_load_idx %arg8[%add3A_1136] : memref<16368xi32, #tpu.memory_space<vmem>>[vector<16xi32>], vector<16xi32>,
          %eq3A_1138 = arith.cmpi eq, %gather3A, %while3A_371 : vector<16xi32>
          %le3A = arith.cmpi sle, %gather3A_1137, %sub3A_982 : vector<16xi32>
          %and3A_1139 = arith.andi %eq3A_1138, %le3A : vector<16xi1>
          %gt3A_1140 = vector.broadcast %while3A_1131 : i32 to vector<16xi32>
          %gt3A_1141 = arith.cmpi sgt, %scan3A_311, %gt3A_1140 : vector<16xi32>
          %and3A_1142 = arith.andi %and3A_1139, %gt3A_1141 : vector<16xi1>
          %all_reduce_population_count3A = tpu.all_reduce %and3A_1142 {dim = 0 : i64, kind = #tpu.reduction_kind<sum>} : vector<16xi1> -> vector<16xi32>
          %add3A_1143 = arith.addi %while3A_1132, %all_reduce_population_count3A : vector<16xi32>
          scf.yield %add3A_1143 : vector<16xi32>
        }
        %add3A_994 = arith.addi %while3A_382#0, %while3A_993 : vector<16xi32>
        %lt3A_995 = arith.constant 64 : i32
        %lt3A_996 = vector.broadcast %lt3A_995 : i32 to vector<16xi32>
        %lt3A_997 = arith.cmpi slt, %add3A_994, %lt3A_996 : vector<16xi32>
        %select_n3A_998 = arith.select %lt3A_997, %add3A_979, %select_n3A_976 : vector<16xi1>, vector<16xi32>
        %add3A_999 = arith.constant 32 : i32
        %add3A_1000 = vector.broadcast %add3A_999 : i32 to vector<16xi32>
        %add3A_1001 = arith.addi %select_n3A_998, %add3A_1000 : vector<16xi32>
        %sub3A_1002 = arith.constant 1 : i32
        %sub3A_1003 = vector.broadcast %sub3A_1002 : i32 to vector<16xi32>
        %sub3A_1004 = arith.subi %add3A_1001, %sub3A_1003 : vector<16xi32>
        %while3A_1005 = arith.constant 0 : i32
        %while3A_1006 = arith.subi %reduce_max3A_320, %while3A_1005 : i32
        %while3A_1007 = arith.addi %while3A_1005, %while3A_1006 : i32
        %while3A_1008 = arith.constant 1 : i32
        %while3A_1009 = arith.divsi %while3A_1006, %while3A_1008 : i32
        %while3A_1010 = arith.muli %while3A_1009, %while3A_1008 : i32
        %while3A_1011 = arith.addi %while3A_1005, %while3A_1010 : i32
        %while3A_1012 = arith.constant 1 : i32
        %while3A_1013 = scf.for %while3A_1131 = %while3A_1005 to %while3A_1011 step %while3A_1012 iter_args(%while3A_1132 = %broadcast_in_dim3A_8) -> (vector<16xi32>)  : i32 {
          %add3A_1133 = vector.broadcast %while3A_1131 : i32 to vector<16xi32>
          %add3A_1134 = arith.addi %mul3A_5, %add3A_1133 : vector<16xi32>
          %gather3A = tpu.vector_load_idx %arg7[%add3A_1134] : memref<16368xi32, #tpu.memory_space<vmem>>[vector<16xi32>], vector<16xi32>,
          %add3A_1135 = vector.broadcast %while3A_1131 : i32 to vector<16xi32>
          %add3A_1136 = arith.addi %mul3A_5, %add3A_1135 : vector<16xi32>
          %gather3A_1137 = tpu.vector_load_idx %arg8[%add3A_1136] : memref<16368xi32, #tpu.memory_space<vmem>>[vector<16xi32>], vector<16xi32>,
          %eq3A_1138 = arith.cmpi eq, %gather3A, %while3A_371 : vector<16xi32>
          %le3A = arith.cmpi sle, %gather3A_1137, %sub3A_1004 : vector<16xi32>
          %and3A_1139 = arith.andi %eq3A_1138, %le3A : vector<16xi1>
          %gt3A_1140 = vector.broadcast %while3A_1131 : i32 to vector<16xi32>
          %gt3A_1141 = arith.cmpi sgt, %scan3A_311, %gt3A_1140 : vector<16xi32>
          %and3A_1142 = arith.andi %and3A_1139, %gt3A_1141 : vector<16xi1>
          %all_reduce_population_count3A = tpu.all_reduce %and3A_1142 {dim = 0 : i64, kind = #tpu.reduction_kind<sum>} : vector<16xi1> -> vector<16xi32>
          %add3A_1143 = arith.addi %while3A_1132, %all_reduce_population_count3A : vector<16xi32>
          scf.yield %add3A_1143 : vector<16xi32>
        }
        %while3A_1014 = arith.constant 1 : i32
        %while3A_1015 = scf.for %while3A_1131 = %while3A_1011 to %while3A_1007 step %while3A_1014 iter_args(%while3A_1132 = %while3A_1013) -> (vector<16xi32>)  : i32 {
          %add3A_1133 = vector.broadcast %while3A_1131 : i32 to vector<16xi32>
          %add3A_1134 = arith.addi %mul3A_5, %add3A_1133 : vector<16xi32>
          %gather3A = tpu.vector_load_idx %arg7[%add3A_1134] : memref<16368xi32, #tpu.memory_space<vmem>>[vector<16xi32>], vector<16xi32>,
          %add3A_1135 = vector.broadcast %while3A_1131 : i32 to vector<16xi32>
          %add3A_1136 = arith.addi %mul3A_5, %add3A_1135 : vector<16xi32>
          %gather3A_1137 = tpu.vector_load_idx %arg8[%add3A_1136] : memref<16368xi32, #tpu.memory_space<vmem>>[vector<16xi32>], vector<16xi32>,
          %eq3A_1138 = arith.cmpi eq, %gather3A, %while3A_371 : vector<16xi32>
          %le3A = arith.cmpi sle, %gather3A_1137, %sub3A_1004 : vector<16xi32>
          %and3A_1139 = arith.andi %eq3A_1138, %le3A : vector<16xi1>
          %gt3A_1140 = vector.broadcast %while3A_1131 : i32 to vector<16xi32>
          %gt3A_1141 = arith.cmpi sgt, %scan3A_311, %gt3A_1140 : vector<16xi32>
          %and3A_1142 = arith.andi %and3A_1139, %gt3A_1141 : vector<16xi1>
          %all_reduce_population_count3A = tpu.all_reduce %and3A_1142 {dim = 0 : i64, kind = #tpu.reduction_kind<sum>} : vector<16xi1> -> vector<16xi32>
          %add3A_1143 = arith.addi %while3A_1132, %all_reduce_population_count3A : vector<16xi32>
          scf.yield %add3A_1143 : vector<16xi32>
        }
        %add3A_1016 = arith.addi %while3A_382#0, %while3A_1015 : vector<16xi32>
        %lt3A_1017 = arith.constant 64 : i32
        %lt3A_1018 = vector.broadcast %lt3A_1017 : i32 to vector<16xi32>
        %lt3A_1019 = arith.cmpi slt, %add3A_1016, %lt3A_1018 : vector<16xi32>
        %select_n3A_1020 = arith.select %lt3A_1019, %add3A_1001, %select_n3A_998 : vector<16xi1>, vector<16xi32>
        %add3A_1021 = arith.constant 16 : i32
        %add3A_1022 = vector.broadcast %add3A_1021 : i32 to vector<16xi32>
        %add3A_1023 = arith.addi %select_n3A_1020, %add3A_1022 : vector<16xi32>
        %sub3A_1024 = arith.constant 1 : i32
        %sub3A_1025 = vector.broadcast %sub3A_1024 : i32 to vector<16xi32>
        %sub3A_1026 = arith.subi %add3A_1023, %sub3A_1025 : vector<16xi32>
        %while3A_1027 = arith.constant 0 : i32
        %while3A_1028 = arith.subi %reduce_max3A_320, %while3A_1027 : i32
        %while3A_1029 = arith.addi %while3A_1027, %while3A_1028 : i32
        %while3A_1030 = arith.constant 1 : i32
        %while3A_1031 = arith.divsi %while3A_1028, %while3A_1030 : i32
        %while3A_1032 = arith.muli %while3A_1031, %while3A_1030 : i32
        %while3A_1033 = arith.addi %while3A_1027, %while3A_1032 : i32
        %while3A_1034 = arith.constant 1 : i32
        %while3A_1035 = scf.for %while3A_1131 = %while3A_1027 to %while3A_1033 step %while3A_1034 iter_args(%while3A_1132 = %broadcast_in_dim3A_8) -> (vector<16xi32>)  : i32 {
          %add3A_1133 = vector.broadcast %while3A_1131 : i32 to vector<16xi32>
          %add3A_1134 = arith.addi %mul3A_5, %add3A_1133 : vector<16xi32>
          %gather3A = tpu.vector_load_idx %arg7[%add3A_1134] : memref<16368xi32, #tpu.memory_space<vmem>>[vector<16xi32>], vector<16xi32>,
          %add3A_1135 = vector.broadcast %while3A_1131 : i32 to vector<16xi32>
          %add3A_1136 = arith.addi %mul3A_5, %add3A_1135 : vector<16xi32>
          %gather3A_1137 = tpu.vector_load_idx %arg8[%add3A_1136] : memref<16368xi32, #tpu.memory_space<vmem>>[vector<16xi32>], vector<16xi32>,
          %eq3A_1138 = arith.cmpi eq, %gather3A, %while3A_371 : vector<16xi32>
          %le3A = arith.cmpi sle, %gather3A_1137, %sub3A_1026 : vector<16xi32>
          %and3A_1139 = arith.andi %eq3A_1138, %le3A : vector<16xi1>
          %gt3A_1140 = vector.broadcast %while3A_1131 : i32 to vector<16xi32>
          %gt3A_1141 = arith.cmpi sgt, %scan3A_311, %gt3A_1140 : vector<16xi32>
          %and3A_1142 = arith.andi %and3A_1139, %gt3A_1141 : vector<16xi1>
          %all_reduce_population_count3A = tpu.all_reduce %and3A_1142 {dim = 0 : i64, kind = #tpu.reduction_kind<sum>} : vector<16xi1> -> vector<16xi32>
          %add3A_1143 = arith.addi %while3A_1132, %all_reduce_population_count3A : vector<16xi32>
          scf.yield %add3A_1143 : vector<16xi32>
        }
        %while3A_1036 = arith.constant 1 : i32
        %while3A_1037 = scf.for %while3A_1131 = %while3A_1033 to %while3A_1029 step %while3A_1036 iter_args(%while3A_1132 = %while3A_1035) -> (vector<16xi32>)  : i32 {
          %add3A_1133 = vector.broadcast %while3A_1131 : i32 to vector<16xi32>
          %add3A_1134 = arith.addi %mul3A_5, %add3A_1133 : vector<16xi32>
          %gather3A = tpu.vector_load_idx %arg7[%add3A_1134] : memref<16368xi32, #tpu.memory_space<vmem>>[vector<16xi32>], vector<16xi32>,
          %add3A_1135 = vector.broadcast %while3A_1131 : i32 to vector<16xi32>
          %add3A_1136 = arith.addi %mul3A_5, %add3A_1135 : vector<16xi32>
          %gather3A_1137 = tpu.vector_load_idx %arg8[%add3A_1136] : memref<16368xi32, #tpu.memory_space<vmem>>[vector<16xi32>], vector<16xi32>,
          %eq3A_1138 = arith.cmpi eq, %gather3A, %while3A_371 : vector<16xi32>
          %le3A = arith.cmpi sle, %gather3A_1137, %sub3A_1026 : vector<16xi32>
          %and3A_1139 = arith.andi %eq3A_1138, %le3A : vector<16xi1>
          %gt3A_1140 = vector.broadcast %while3A_1131 : i32 to vector<16xi32>
          %gt3A_1141 = arith.cmpi sgt, %scan3A_311, %gt3A_1140 : vector<16xi32>
          %and3A_1142 = arith.andi %and3A_1139, %gt3A_1141 : vector<16xi1>
          %all_reduce_population_count3A = tpu.all_reduce %and3A_1142 {dim = 0 : i64, kind = #tpu.reduction_kind<sum>} : vector<16xi1> -> vector<16xi32>
          %add3A_1143 = arith.addi %while3A_1132, %all_reduce_population_count3A : vector<16xi32>
          scf.yield %add3A_1143 : vector<16xi32>
        }
        %add3A_1038 = arith.addi %while3A_382#0, %while3A_1037 : vector<16xi32>
        %lt3A_1039 = arith.constant 64 : i32
        %lt3A_1040 = vector.broadcast %lt3A_1039 : i32 to vector<16xi32>
        %lt3A_1041 = arith.cmpi slt, %add3A_1038, %lt3A_1040 : vector<16xi32>
        %select_n3A_1042 = arith.select %lt3A_1041, %add3A_1023, %select_n3A_1020 : vector<16xi1>, vector<16xi32>
        %add3A_1043 = arith.constant 8 : i32
        %add3A_1044 = vector.broadcast %add3A_1043 : i32 to vector<16xi32>
        %add3A_1045 = arith.addi %select_n3A_1042, %add3A_1044 : vector<16xi32>
        %sub3A_1046 = arith.constant 1 : i32
        %sub3A_1047 = vector.broadcast %sub3A_1046 : i32 to vector<16xi32>
        %sub3A_1048 = arith.subi %add3A_1045, %sub3A_1047 : vector<16xi32>
        %while3A_1049 = arith.constant 0 : i32
        %while3A_1050 = arith.subi %reduce_max3A_320, %while3A_1049 : i32
        %while3A_1051 = arith.addi %while3A_1049, %while3A_1050 : i32
        %while3A_1052 = arith.constant 1 : i32
        %while3A_1053 = arith.divsi %while3A_1050, %while3A_1052 : i32
        %while3A_1054 = arith.muli %while3A_1053, %while3A_1052 : i32
        %while3A_1055 = arith.addi %while3A_1049, %while3A_1054 : i32
        %while3A_1056 = arith.constant 1 : i32
        %while3A_1057 = scf.for %while3A_1131 = %while3A_1049 to %while3A_1055 step %while3A_1056 iter_args(%while3A_1132 = %broadcast_in_dim3A_8) -> (vector<16xi32>)  : i32 {
          %add3A_1133 = vector.broadcast %while3A_1131 : i32 to vector<16xi32>
          %add3A_1134 = arith.addi %mul3A_5, %add3A_1133 : vector<16xi32>
          %gather3A = tpu.vector_load_idx %arg7[%add3A_1134] : memref<16368xi32, #tpu.memory_space<vmem>>[vector<16xi32>], vector<16xi32>,
          %add3A_1135 = vector.broadcast %while3A_1131 : i32 to vector<16xi32>
          %add3A_1136 = arith.addi %mul3A_5, %add3A_1135 : vector<16xi32>
          %gather3A_1137 = tpu.vector_load_idx %arg8[%add3A_1136] : memref<16368xi32, #tpu.memory_space<vmem>>[vector<16xi32>], vector<16xi32>,
          %eq3A_1138 = arith.cmpi eq, %gather3A, %while3A_371 : vector<16xi32>
          %le3A = arith.cmpi sle, %gather3A_1137, %sub3A_1048 : vector<16xi32>
          %and3A_1139 = arith.andi %eq3A_1138, %le3A : vector<16xi1>
          %gt3A_1140 = vector.broadcast %while3A_1131 : i32 to vector<16xi32>
          %gt3A_1141 = arith.cmpi sgt, %scan3A_311, %gt3A_1140 : vector<16xi32>
          %and3A_1142 = arith.andi %and3A_1139, %gt3A_1141 : vector<16xi1>
          %all_reduce_population_count3A = tpu.all_reduce %and3A_1142 {dim = 0 : i64, kind = #tpu.reduction_kind<sum>} : vector<16xi1> -> vector<16xi32>
          %add3A_1143 = arith.addi %while3A_1132, %all_reduce_population_count3A : vector<16xi32>
          scf.yield %add3A_1143 : vector<16xi32>
        }
        %while3A_1058 = arith.constant 1 : i32
        %while3A_1059 = scf.for %while3A_1131 = %while3A_1055 to %while3A_1051 step %while3A_1058 iter_args(%while3A_1132 = %while3A_1057) -> (vector<16xi32>)  : i32 {
          %add3A_1133 = vector.broadcast %while3A_1131 : i32 to vector<16xi32>
          %add3A_1134 = arith.addi %mul3A_5, %add3A_1133 : vector<16xi32>
          %gather3A = tpu.vector_load_idx %arg7[%add3A_1134] : memref<16368xi32, #tpu.memory_space<vmem>>[vector<16xi32>], vector<16xi32>,
          %add3A_1135 = vector.broadcast %while3A_1131 : i32 to vector<16xi32>
          %add3A_1136 = arith.addi %mul3A_5, %add3A_1135 : vector<16xi32>
          %gather3A_1137 = tpu.vector_load_idx %arg8[%add3A_1136] : memref<16368xi32, #tpu.memory_space<vmem>>[vector<16xi32>], vector<16xi32>,
          %eq3A_1138 = arith.cmpi eq, %gather3A, %while3A_371 : vector<16xi32>
          %le3A = arith.cmpi sle, %gather3A_1137, %sub3A_1048 : vector<16xi32>
          %and3A_1139 = arith.andi %eq3A_1138, %le3A : vector<16xi1>
          %gt3A_1140 = vector.broadcast %while3A_1131 : i32 to vector<16xi32>
          %gt3A_1141 = arith.cmpi sgt, %scan3A_311, %gt3A_1140 : vector<16xi32>
          %and3A_1142 = arith.andi %and3A_1139, %gt3A_1141 : vector<16xi1>
          %all_reduce_population_count3A = tpu.all_reduce %and3A_1142 {dim = 0 : i64, kind = #tpu.reduction_kind<sum>} : vector<16xi1> -> vector<16xi32>
          %add3A_1143 = arith.addi %while3A_1132, %all_reduce_population_count3A : vector<16xi32>
          scf.yield %add3A_1143 : vector<16xi32>
        }
        %add3A_1060 = arith.addi %while3A_382#0, %while3A_1059 : vector<16xi32>
        %lt3A_1061 = arith.constant 64 : i32
        %lt3A_1062 = vector.broadcast %lt3A_1061 : i32 to vector<16xi32>
        %lt3A_1063 = arith.cmpi slt, %add3A_1060, %lt3A_1062 : vector<16xi32>
        %select_n3A_1064 = arith.select %lt3A_1063, %add3A_1045, %select_n3A_1042 : vector<16xi1>, vector<16xi32>
        %add3A_1065 = arith.constant 4 : i32
        %add3A_1066 = vector.broadcast %add3A_1065 : i32 to vector<16xi32>
        %add3A_1067 = arith.addi %select_n3A_1064, %add3A_1066 : vector<16xi32>
        %sub3A_1068 = arith.constant 1 : i32
        %sub3A_1069 = vector.broadcast %sub3A_1068 : i32 to vector<16xi32>
        %sub3A_1070 = arith.subi %add3A_1067, %sub3A_1069 : vector<16xi32>
        %while3A_1071 = arith.constant 0 : i32
        %while3A_1072 = arith.subi %reduce_max3A_320, %while3A_1071 : i32
        %while3A_1073 = arith.addi %while3A_1071, %while3A_1072 : i32
        %while3A_1074 = arith.constant 1 : i32
        %while3A_1075 = arith.divsi %while3A_1072, %while3A_1074 : i32
        %while3A_1076 = arith.muli %while3A_1075, %while3A_1074 : i32
        %while3A_1077 = arith.addi %while3A_1071, %while3A_1076 : i32
        %while3A_1078 = arith.constant 1 : i32
        %while3A_1079 = scf.for %while3A_1131 = %while3A_1071 to %while3A_1077 step %while3A_1078 iter_args(%while3A_1132 = %broadcast_in_dim3A_8) -> (vector<16xi32>)  : i32 {
          %add3A_1133 = vector.broadcast %while3A_1131 : i32 to vector<16xi32>
          %add3A_1134 = arith.addi %mul3A_5, %add3A_1133 : vector<16xi32>
          %gather3A = tpu.vector_load_idx %arg7[%add3A_1134] : memref<16368xi32, #tpu.memory_space<vmem>>[vector<16xi32>], vector<16xi32>,
          %add3A_1135 = vector.broadcast %while3A_1131 : i32 to vector<16xi32>
          %add3A_1136 = arith.addi %mul3A_5, %add3A_1135 : vector<16xi32>
          %gather3A_1137 = tpu.vector_load_idx %arg8[%add3A_1136] : memref<16368xi32, #tpu.memory_space<vmem>>[vector<16xi32>], vector<16xi32>,
          %eq3A_1138 = arith.cmpi eq, %gather3A, %while3A_371 : vector<16xi32>
          %le3A = arith.cmpi sle, %gather3A_1137, %sub3A_1070 : vector<16xi32>
          %and3A_1139 = arith.andi %eq3A_1138, %le3A : vector<16xi1>
          %gt3A_1140 = vector.broadcast %while3A_1131 : i32 to vector<16xi32>
          %gt3A_1141 = arith.cmpi sgt, %scan3A_311, %gt3A_1140 : vector<16xi32>
          %and3A_1142 = arith.andi %and3A_1139, %gt3A_1141 : vector<16xi1>
          %all_reduce_population_count3A = tpu.all_reduce %and3A_1142 {dim = 0 : i64, kind = #tpu.reduction_kind<sum>} : vector<16xi1> -> vector<16xi32>
          %add3A_1143 = arith.addi %while3A_1132, %all_reduce_population_count3A : vector<16xi32>
          scf.yield %add3A_1143 : vector<16xi32>
        }
        %while3A_1080 = arith.constant 1 : i32
        %while3A_1081 = scf.for %while3A_1131 = %while3A_1077 to %while3A_1073 step %while3A_1080 iter_args(%while3A_1132 = %while3A_1079) -> (vector<16xi32>)  : i32 {
          %add3A_1133 = vector.broadcast %while3A_1131 : i32 to vector<16xi32>
          %add3A_1134 = arith.addi %mul3A_5, %add3A_1133 : vector<16xi32>
          %gather3A = tpu.vector_load_idx %arg7[%add3A_1134] : memref<16368xi32, #tpu.memory_space<vmem>>[vector<16xi32>], vector<16xi32>,
          %add3A_1135 = vector.broadcast %while3A_1131 : i32 to vector<16xi32>
          %add3A_1136 = arith.addi %mul3A_5, %add3A_1135 : vector<16xi32>
          %gather3A_1137 = tpu.vector_load_idx %arg8[%add3A_1136] : memref<16368xi32, #tpu.memory_space<vmem>>[vector<16xi32>], vector<16xi32>,
          %eq3A_1138 = arith.cmpi eq, %gather3A, %while3A_371 : vector<16xi32>
          %le3A = arith.cmpi sle, %gather3A_1137, %sub3A_1070 : vector<16xi32>
          %and3A_1139 = arith.andi %eq3A_1138, %le3A : vector<16xi1>
          %gt3A_1140 = vector.broadcast %while3A_1131 : i32 to vector<16xi32>
          %gt3A_1141 = arith.cmpi sgt, %scan3A_311, %gt3A_1140 : vector<16xi32>
          %and3A_1142 = arith.andi %and3A_1139, %gt3A_1141 : vector<16xi1>
          %all_reduce_population_count3A = tpu.all_reduce %and3A_1142 {dim = 0 : i64, kind = #tpu.reduction_kind<sum>} : vector<16xi1> -> vector<16xi32>
          %add3A_1143 = arith.addi %while3A_1132, %all_reduce_population_count3A : vector<16xi32>
          scf.yield %add3A_1143 : vector<16xi32>
        }
        %add3A_1082 = arith.addi %while3A_382#0, %while3A_1081 : vector<16xi32>
        %lt3A_1083 = arith.constant 64 : i32
        %lt3A_1084 = vector.broadcast %lt3A_1083 : i32 to vector<16xi32>
        %lt3A_1085 = arith.cmpi slt, %add3A_1082, %lt3A_1084 : vector<16xi32>
        %select_n3A_1086 = arith.select %lt3A_1085, %add3A_1067, %select_n3A_1064 : vector<16xi1>, vector<16xi32>
        %add3A_1087 = arith.constant 2 : i32
        %add3A_1088 = vector.broadcast %add3A_1087 : i32 to vector<16xi32>
        %add3A_1089 = arith.addi %select_n3A_1086, %add3A_1088 : vector<16xi32>
        %sub3A_1090 = arith.constant 1 : i32
        %sub3A_1091 = vector.broadcast %sub3A_1090 : i32 to vector<16xi32>
        %sub3A_1092 = arith.subi %add3A_1089, %sub3A_1091 : vector<16xi32>
        %while3A_1093 = arith.constant 0 : i32
        %while3A_1094 = arith.subi %reduce_max3A_320, %while3A_1093 : i32
        %while3A_1095 = arith.addi %while3A_1093, %while3A_1094 : i32
        %while3A_1096 = arith.constant 1 : i32
        %while3A_1097 = arith.divsi %while3A_1094, %while3A_1096 : i32
        %while3A_1098 = arith.muli %while3A_1097, %while3A_1096 : i32
        %while3A_1099 = arith.addi %while3A_1093, %while3A_1098 : i32
        %while3A_1100 = arith.constant 1 : i32
        %while3A_1101 = scf.for %while3A_1131 = %while3A_1093 to %while3A_1099 step %while3A_1100 iter_args(%while3A_1132 = %broadcast_in_dim3A_8) -> (vector<16xi32>)  : i32 {
          %add3A_1133 = vector.broadcast %while3A_1131 : i32 to vector<16xi32>
          %add3A_1134 = arith.addi %mul3A_5, %add3A_1133 : vector<16xi32>
          %gather3A = tpu.vector_load_idx %arg7[%add3A_1134] : memref<16368xi32, #tpu.memory_space<vmem>>[vector<16xi32>], vector<16xi32>,
          %add3A_1135 = vector.broadcast %while3A_1131 : i32 to vector<16xi32>
          %add3A_1136 = arith.addi %mul3A_5, %add3A_1135 : vector<16xi32>
          %gather3A_1137 = tpu.vector_load_idx %arg8[%add3A_1136] : memref<16368xi32, #tpu.memory_space<vmem>>[vector<16xi32>], vector<16xi32>,
          %eq3A_1138 = arith.cmpi eq, %gather3A, %while3A_371 : vector<16xi32>
          %le3A = arith.cmpi sle, %gather3A_1137, %sub3A_1092 : vector<16xi32>
          %and3A_1139 = arith.andi %eq3A_1138, %le3A : vector<16xi1>
          %gt3A_1140 = vector.broadcast %while3A_1131 : i32 to vector<16xi32>
          %gt3A_1141 = arith.cmpi sgt, %scan3A_311, %gt3A_1140 : vector<16xi32>
          %and3A_1142 = arith.andi %and3A_1139, %gt3A_1141 : vector<16xi1>
          %all_reduce_population_count3A = tpu.all_reduce %and3A_1142 {dim = 0 : i64, kind = #tpu.reduction_kind<sum>} : vector<16xi1> -> vector<16xi32>
          %add3A_1143 = arith.addi %while3A_1132, %all_reduce_population_count3A : vector<16xi32>
          scf.yield %add3A_1143 : vector<16xi32>
        }
        %while3A_1102 = arith.constant 1 : i32
        %while3A_1103 = scf.for %while3A_1131 = %while3A_1099 to %while3A_1095 step %while3A_1102 iter_args(%while3A_1132 = %while3A_1101) -> (vector<16xi32>)  : i32 {
          %add3A_1133 = vector.broadcast %while3A_1131 : i32 to vector<16xi32>
          %add3A_1134 = arith.addi %mul3A_5, %add3A_1133 : vector<16xi32>
          %gather3A = tpu.vector_load_idx %arg7[%add3A_1134] : memref<16368xi32, #tpu.memory_space<vmem>>[vector<16xi32>], vector<16xi32>,
          %add3A_1135 = vector.broadcast %while3A_1131 : i32 to vector<16xi32>
          %add3A_1136 = arith.addi %mul3A_5, %add3A_1135 : vector<16xi32>
          %gather3A_1137 = tpu.vector_load_idx %arg8[%add3A_1136] : memref<16368xi32, #tpu.memory_space<vmem>>[vector<16xi32>], vector<16xi32>,
          %eq3A_1138 = arith.cmpi eq, %gather3A, %while3A_371 : vector<16xi32>
          %le3A = arith.cmpi sle, %gather3A_1137, %sub3A_1092 : vector<16xi32>
          %and3A_1139 = arith.andi %eq3A_1138, %le3A : vector<16xi1>
          %gt3A_1140 = vector.broadcast %while3A_1131 : i32 to vector<16xi32>
          %gt3A_1141 = arith.cmpi sgt, %scan3A_311, %gt3A_1140 : vector<16xi32>
          %and3A_1142 = arith.andi %and3A_1139, %gt3A_1141 : vector<16xi1>
          %all_reduce_population_count3A = tpu.all_reduce %and3A_1142 {dim = 0 : i64, kind = #tpu.reduction_kind<sum>} : vector<16xi1> -> vector<16xi32>
          %add3A_1143 = arith.addi %while3A_1132, %all_reduce_population_count3A : vector<16xi32>
          scf.yield %add3A_1143 : vector<16xi32>
        }
        %add3A_1104 = arith.addi %while3A_382#0, %while3A_1103 : vector<16xi32>
        %lt3A_1105 = arith.constant 64 : i32
        %lt3A_1106 = vector.broadcast %lt3A_1105 : i32 to vector<16xi32>
        %lt3A_1107 = arith.cmpi slt, %add3A_1104, %lt3A_1106 : vector<16xi32>
        %select_n3A_1108 = arith.select %lt3A_1107, %add3A_1089, %select_n3A_1086 : vector<16xi1>, vector<16xi32>
        %add3A_1109 = arith.constant 1 : i32
        %add3A_1110 = vector.broadcast %add3A_1109 : i32 to vector<16xi32>
        %add3A_1111 = arith.addi %select_n3A_1108, %add3A_1110 : vector<16xi32>
        %sub3A_1112 = arith.constant 1 : i32
        %sub3A_1113 = vector.broadcast %sub3A_1112 : i32 to vector<16xi32>
        %sub3A_1114 = arith.subi %add3A_1111, %sub3A_1113 : vector<16xi32>
        %while3A_1115 = arith.constant 0 : i32
        %while3A_1116 = arith.subi %reduce_max3A_320, %while3A_1115 : i32
        %while3A_1117 = arith.addi %while3A_1115, %while3A_1116 : i32
        %while3A_1118 = arith.constant 1 : i32
        %while3A_1119 = arith.divsi %while3A_1116, %while3A_1118 : i32
        %while3A_1120 = arith.muli %while3A_1119, %while3A_1118 : i32
        %while3A_1121 = arith.addi %while3A_1115, %while3A_1120 : i32
        %while3A_1122 = arith.constant 1 : i32
        %while3A_1123 = scf.for %while3A_1131 = %while3A_1115 to %while3A_1121 step %while3A_1122 iter_args(%while3A_1132 = %broadcast_in_dim3A_8) -> (vector<16xi32>)  : i32 {
          %add3A_1133 = vector.broadcast %while3A_1131 : i32 to vector<16xi32>
          %add3A_1134 = arith.addi %mul3A_5, %add3A_1133 : vector<16xi32>
          %gather3A = tpu.vector_load_idx %arg7[%add3A_1134] : memref<16368xi32, #tpu.memory_space<vmem>>[vector<16xi32>], vector<16xi32>,
          %add3A_1135 = vector.broadcast %while3A_1131 : i32 to vector<16xi32>
          %add3A_1136 = arith.addi %mul3A_5, %add3A_1135 : vector<16xi32>
          %gather3A_1137 = tpu.vector_load_idx %arg8[%add3A_1136] : memref<16368xi32, #tpu.memory_space<vmem>>[vector<16xi32>], vector<16xi32>,
          %eq3A_1138 = arith.cmpi eq, %gather3A, %while3A_371 : vector<16xi32>
          %le3A = arith.cmpi sle, %gather3A_1137, %sub3A_1114 : vector<16xi32>
          %and3A_1139 = arith.andi %eq3A_1138, %le3A : vector<16xi1>
          %gt3A_1140 = vector.broadcast %while3A_1131 : i32 to vector<16xi32>
          %gt3A_1141 = arith.cmpi sgt, %scan3A_311, %gt3A_1140 : vector<16xi32>
          %and3A_1142 = arith.andi %and3A_1139, %gt3A_1141 : vector<16xi1>
          %all_reduce_population_count3A = tpu.all_reduce %and3A_1142 {dim = 0 : i64, kind = #tpu.reduction_kind<sum>} : vector<16xi1> -> vector<16xi32>
          %add3A_1143 = arith.addi %while3A_1132, %all_reduce_population_count3A : vector<16xi32>
          scf.yield %add3A_1143 : vector<16xi32>
        }
        %while3A_1124 = arith.constant 1 : i32
        %while3A_1125 = scf.for %while3A_1131 = %while3A_1121 to %while3A_1117 step %while3A_1124 iter_args(%while3A_1132 = %while3A_1123) -> (vector<16xi32>)  : i32 {
          %add3A_1133 = vector.broadcast %while3A_1131 : i32 to vector<16xi32>
          %add3A_1134 = arith.addi %mul3A_5, %add3A_1133 : vector<16xi32>
          %gather3A = tpu.vector_load_idx %arg7[%add3A_1134] : memref<16368xi32, #tpu.memory_space<vmem>>[vector<16xi32>], vector<16xi32>,
          %add3A_1135 = vector.broadcast %while3A_1131 : i32 to vector<16xi32>
          %add3A_1136 = arith.addi %mul3A_5, %add3A_1135 : vector<16xi32>
          %gather3A_1137 = tpu.vector_load_idx %arg8[%add3A_1136] : memref<16368xi32, #tpu.memory_space<vmem>>[vector<16xi32>], vector<16xi32>,
          %eq3A_1138 = arith.cmpi eq, %gather3A, %while3A_371 : vector<16xi32>
          %le3A = arith.cmpi sle, %gather3A_1137, %sub3A_1114 : vector<16xi32>
          %and3A_1139 = arith.andi %eq3A_1138, %le3A : vector<16xi1>
          %gt3A_1140 = vector.broadcast %while3A_1131 : i32 to vector<16xi32>
          %gt3A_1141 = arith.cmpi sgt, %scan3A_311, %gt3A_1140 : vector<16xi32>
          %and3A_1142 = arith.andi %and3A_1139, %gt3A_1141 : vector<16xi1>
          %all_reduce_population_count3A = tpu.all_reduce %and3A_1142 {dim = 0 : i64, kind = #tpu.reduction_kind<sum>} : vector<16xi1> -> vector<16xi32>
          %add3A_1143 = arith.addi %while3A_1132, %all_reduce_population_count3A : vector<16xi32>
          scf.yield %add3A_1143 : vector<16xi32>
        }
        %add3A_1126 = arith.addi %while3A_382#0, %while3A_1125 : vector<16xi32>
        %lt3A_1127 = arith.constant 64 : i32
        %lt3A_1128 = vector.broadcast %lt3A_1127 : i32 to vector<16xi32>
        %lt3A_1129 = arith.cmpi slt, %add3A_1126, %lt3A_1128 : vector<16xi32>
        %select_n3A_1130 = arith.select %lt3A_1129, %add3A_1111, %select_n3A_1108 : vector<16xi1>, vector<16xi32>
        scf.yield %select_n3A_1130 : vector<16xi32>
      } else {
        %broadcast_in_dim3A_801 = arith.constant 32767 : i32
        %broadcast_in_dim3A_802 = vector.broadcast %broadcast_in_dim3A_801 : i32 to vector<16xi32>
        scf.yield %broadcast_in_dim3A_802 : vector<16xi32>
      }
      %while3A_393 = arith.constant 0 : i32
      %while3A_394 = arith.constant 0 : i32
      %while3A_395 = arith.subi %reduce_max3A_320, %while3A_393 : i32
      %while3A_396 = arith.addi %while3A_393, %while3A_395 : i32
      %while3A_397 = arith.constant 1 : i32
      %while3A_398 = arith.divsi %while3A_395, %while3A_397 : i32
      %while3A_399 = arith.muli %while3A_398, %while3A_397 : i32
      %while3A_400 = arith.addi %while3A_393, %while3A_399 : i32
      %while3A_401 = arith.constant 1 : i32
      %while3A_402 = scf.for %while3A_801 = %while3A_393 to %while3A_400 step %while3A_401 iter_args(%while3A_802 = %while3A_394) -> (i32)  : i32 {
        %add3A_803 = vector.broadcast %while3A_801 : i32 to vector<16xi32>
        %add3A_804 = arith.addi %mul3A_5, %add3A_803 : vector<16xi32>
        %gather3A = tpu.vector_load_idx %arg7[%add3A_804] : memref<16368xi32, #tpu.memory_space<vmem>>[vector<16xi32>], vector<16xi32>,
        %add3A_805 = vector.broadcast %while3A_801 : i32 to vector<16xi32>
        %add3A_806 = arith.addi %mul3A_5, %add3A_805 : vector<16xi32>
        %gather3A_807 = tpu.vector_load_idx %arg8[%add3A_806] : memref<16368xi32, #tpu.memory_space<vmem>>[vector<16xi32>], vector<16xi32>,
        %gt3A_808 = arith.cmpi sgt, %gather3A, %while3A_371 : vector<16xi32>
        %eq3A_809 = arith.cmpi eq, %gather3A, %while3A_371 : vector<16xi32>
        %le3A = arith.cmpi sle, %gather3A_807, %cond3A_392 : vector<16xi32>
        %and3A_810 = arith.andi %eq3A_809, %le3A : vector<16xi1>
        %or3A = arith.ori %gt3A_808, %and3A_810 : vector<16xi1>
        %gt3A_811 = vector.broadcast %while3A_801 : i32 to vector<16xi32>
        %gt3A_812 = arith.cmpi sgt, %scan3A_311, %gt3A_811 : vector<16xi32>
        %and3A_813 = arith.andi %or3A, %gt3A_812 : vector<16xi1>
        %ge3A_814 = arith.constant 0 : i32
        %ge3A_815 = vector.broadcast %ge3A_814 : i32 to vector<16xi32>
        %ge3A_816 = arith.cmpi sge, %gather3A, %ge3A_815 : vector<16xi32>
        %bitcast3A_817 = vector.bitcast %gather3A : vector<16xi32> to vector<16xf32>
        %jit3A = arith.constant 0.000000e+00 : f32
        %broadcast_in_dim3A_818 = vector.broadcast %jit3A : f32 to vector<16xf32>
        %select_n3A_819 = arith.select %ge3A_816, %bitcast3A_817, %broadcast_in_dim3A_818 : vector<16xi1>, vector<16xf32>
        tpu.vector_store_idx %arg6[%gather3A_807], %select_n3A_819 masked %and3A_813 : memref<32768xf32, #tpu.memory_space<vmem>>[vector<16xi32>], vector<16xf32>, vector<16xi1>
        %while3A_820 = arith.constant 0 : i32
        scf.yield %while3A_820 : i32
      }
      %while3A_403 = arith.constant 1 : i32
      %while3A_404 = scf.for %while3A_801 = %while3A_400 to %while3A_396 step %while3A_403 iter_args(%while3A_802 = %while3A_402) -> (i32)  : i32 {
        %add3A_803 = vector.broadcast %while3A_801 : i32 to vector<16xi32>
        %add3A_804 = arith.addi %mul3A_5, %add3A_803 : vector<16xi32>
        %gather3A = tpu.vector_load_idx %arg7[%add3A_804] : memref<16368xi32, #tpu.memory_space<vmem>>[vector<16xi32>], vector<16xi32>,
        %add3A_805 = vector.broadcast %while3A_801 : i32 to vector<16xi32>
        %add3A_806 = arith.addi %mul3A_5, %add3A_805 : vector<16xi32>
        %gather3A_807 = tpu.vector_load_idx %arg8[%add3A_806] : memref<16368xi32, #tpu.memory_space<vmem>>[vector<16xi32>], vector<16xi32>,
        %gt3A_808 = arith.cmpi sgt, %gather3A, %while3A_371 : vector<16xi32>
        %eq3A_809 = arith.cmpi eq, %gather3A, %while3A_371 : vector<16xi32>
        %le3A = arith.cmpi sle, %gather3A_807, %cond3A_392 : vector<16xi32>
        %and3A_810 = arith.andi %eq3A_809, %le3A : vector<16xi1>
        %or3A = arith.ori %gt3A_808, %and3A_810 : vector<16xi1>
        %gt3A_811 = vector.broadcast %while3A_801 : i32 to vector<16xi32>
        %gt3A_812 = arith.cmpi sgt, %scan3A_311, %gt3A_811 : vector<16xi32>
        %and3A_813 = arith.andi %or3A, %gt3A_812 : vector<16xi1>
        %ge3A_814 = arith.constant 0 : i32
        %ge3A_815 = vector.broadcast %ge3A_814 : i32 to vector<16xi32>
        %ge3A_816 = arith.cmpi sge, %gather3A, %ge3A_815 : vector<16xi32>
        %bitcast3A_817 = vector.bitcast %gather3A : vector<16xi32> to vector<16xf32>
        %jit3A = arith.constant 0.000000e+00 : f32
        %broadcast_in_dim3A_818 = vector.broadcast %jit3A : f32 to vector<16xf32>
        %select_n3A_819 = arith.select %ge3A_816, %bitcast3A_817, %broadcast_in_dim3A_818 : vector<16xi1>, vector<16xf32>
        tpu.vector_store_idx %arg6[%gather3A_807], %select_n3A_819 masked %and3A_813 : memref<32768xf32, #tpu.memory_space<vmem>>[vector<16xi32>], vector<16xf32>, vector<16xi1>
        %while3A_820 = arith.constant 0 : i32
        scf.yield %while3A_820 : i32
      }
      "tpu.region"() ({
        %run_scoped3A = tpu.sem_alloc : memref<!tpu.dma_semaphore, #tpu.memory_space<semaphore_mem>>
        %dma_start3A_801 = arith.constant 0 : i32
        %dma_start3A_802 = tpu.memref_slice %arg3[%add3A_32, %dma_start3A_801] : memref<128x32768xf32, #tpu.memory_space<hbm>> -> memref<1x32768xf32, #tpu.memory_space<hbm>>
        %dma_start3A_803 = tpu.memref_squeeze %dma_start3A_802 : memref<1x32768xf32, #tpu.memory_space<hbm>> -> memref<32768xf32, #tpu.memory_space<hbm>>
        %dma_start3A_804 = arith.constant 0 : i32
        %dma_start3A_805 = tpu.memref_slice %arg3[%add3A_32, %dma_start3A_804] : memref<128x32768xf32, #tpu.memory_space<hbm>> -> memref<1x32768xf32, #tpu.memory_space<hbm>>
        %dma_start3A_806 = tpu.memref_squeeze %dma_start3A_805 : memref<1x32768xf32, #tpu.memory_space<hbm>> -> memref<32768xf32, #tpu.memory_space<hbm>>
        tpu.enqueue_dma source(%arg6 : memref<32768xf32, #tpu.memory_space<vmem>>) target(%dma_start3A_806 : memref<32768xf32, #tpu.memory_space<hbm>>) target_semaphore(%run_scoped3A : memref<!tpu.dma_semaphore, #tpu.memory_space<semaphore_mem>>)
        %dma_wait3A_807 = arith.constant 0 : i32
        %dma_wait3A_808 = tpu.memref_slice %arg3[%add3A_32, %dma_wait3A_807] : memref<128x32768xf32, #tpu.memory_space<hbm>> -> memref<1x32768xf32, #tpu.memory_space<hbm>>
        %dma_wait3A_809 = tpu.memref_squeeze %dma_wait3A_808 : memref<1x32768xf32, #tpu.memory_space<hbm>> -> memref<32768xf32, #tpu.memory_space<hbm>>
        %dma_wait3A_810 = arith.constant 0 : i32
        %dma_wait3A_811 = tpu.memref_slice %arg3[%add3A_32, %dma_wait3A_810] : memref<128x32768xf32, #tpu.memory_space<hbm>> -> memref<1x32768xf32, #tpu.memory_space<hbm>>
        %dma_wait3A_812 = tpu.memref_squeeze %dma_wait3A_811 : memref<1x32768xf32, #tpu.memory_space<hbm>> -> memref<32768xf32, #tpu.memory_space<hbm>>
        tpu.wait_dma2 semaphore(%run_scoped3A : memref<!tpu.dma_semaphore, #tpu.memory_space<semaphore_mem>>) src(%arg6 : memref<32768xf32, #tpu.memory_space<vmem>>) dst(%dma_wait3A_812 : memref<32768xf32, #tpu.memory_space<hbm>>)
        tpu.yield
      }) : () -> ()
      %add3A_405 = arith.constant 1 : i32
      %add3A_406 = arith.addi %add3A_32, %add3A_405 : i32
      %dma_wait3A_407 = arith.constant 0 : i32
      %dma_wait3A_408 = tpu.memref_slice %arg2[%add3A_406, %dma_wait3A_407] : memref<128x32768xf32, #tpu.memory_space<hbm>> -> memref<1x32768xf32, #tpu.memory_space<hbm>>
      %dma_wait3A_409 = tpu.memref_squeeze %dma_wait3A_408 : memref<1x32768xf32, #tpu.memory_space<hbm>> -> memref<32768xf32, #tpu.memory_space<hbm>>
      %dma_wait3A_410 = arith.constant 0 : i32
      %dma_wait3A_411 = tpu.memref_slice %arg2[%add3A_406, %dma_wait3A_410] : memref<128x32768xf32, #tpu.memory_space<hbm>> -> memref<1x32768xf32, #tpu.memory_space<hbm>>
      %dma_wait3A_412 = tpu.memref_squeeze %dma_wait3A_411 : memref<1x32768xf32, #tpu.memory_space<hbm>> -> memref<32768xf32, #tpu.memory_space<hbm>>
      tpu.wait_dma2 semaphore(%arg10 : memref<!tpu.dma_semaphore, #tpu.memory_space<semaphore_mem>>) src(%dma_wait3A_412 : memref<32768xf32, #tpu.memory_space<hbm>>) dst(%arg5 : memref<32768xf32, #tpu.memory_space<vmem>>)
      %eq3A_413 = arith.constant 0 : i32
      %eq3A_414 = arith.cmpi eq, %scan3A_28, %eq3A_413 : i32
      %convert_element_type3A_415 = arith.extui %eq3A_414 : i1 to i32
      %cond3A_416 = arith.constant 0 : i32
      %cond3A_417 = arith.cmpi ne, %convert_element_type3A_415, %cond3A_416 : i32
      scf.if %cond3A_417 {
        %add3A_801 = arith.constant 2 : i32
        %add3A_802 = arith.addi %add3A_32, %add3A_801 : i32
        %dma_start3A_803 = arith.constant 0 : i32
        %dma_start3A_804 = tpu.memref_slice %arg2[%add3A_802, %dma_start3A_803] : memref<128x32768xf32, #tpu.memory_space<hbm>> -> memref<1x32768xf32, #tpu.memory_space<hbm>>
        %dma_start3A_805 = tpu.memref_squeeze %dma_start3A_804 : memref<1x32768xf32, #tpu.memory_space<hbm>> -> memref<32768xf32, #tpu.memory_space<hbm>>
        %dma_start3A_806 = arith.constant 0 : i32
        %dma_start3A_807 = tpu.memref_slice %arg2[%add3A_802, %dma_start3A_806] : memref<128x32768xf32, #tpu.memory_space<hbm>> -> memref<1x32768xf32, #tpu.memory_space<hbm>>
        %dma_start3A_808 = tpu.memref_squeeze %dma_start3A_807 : memref<1x32768xf32, #tpu.memory_space<hbm>> -> memref<32768xf32, #tpu.memory_space<hbm>>
        tpu.enqueue_dma source(%dma_start3A_808 : memref<32768xf32, #tpu.memory_space<hbm>>) target(%arg4 : memref<32768xf32, #tpu.memory_space<vmem>>) target_semaphore(%arg9 : memref<!tpu.dma_semaphore, #tpu.memory_space<semaphore_mem>>)
      } else {
      }
      %scan3A_418 = arith.constant 0 : i32
      %scan3A_419 = arith.constant 64 : i32
      %scan3A_420 = arith.addi %scan3A_418, %scan3A_419 : i32
      %scan3A_421 = arith.constant 1 : i32
      %scan3A_422:16 = scf.for %scan3A_801 = %scan3A_418 to %scan3A_420 step %scan3A_421 iter_args(%scan3A_802 = %broadcast_in_dim3A_10, %scan3A_803 = %broadcast_in_dim3A_10, %scan3A_804 = %broadcast_in_dim3A_10, %scan3A_805 = %broadcast_in_dim3A_10, %scan3A_806 = %broadcast_in_dim3A_10, %scan3A_807 = %broadcast_in_dim3A_10, %scan3A_808 = %broadcast_in_dim3A_10, %scan3A_809 = %broadcast_in_dim3A_10, %scan3A_810 = %broadcast_in_dim3A_10, %scan3A_811 = %broadcast_in_dim3A_10, %scan3A_812 = %broadcast_in_dim3A_10, %scan3A_813 = %broadcast_in_dim3A_10, %scan3A_814 = %broadcast_in_dim3A_10, %scan3A_815 = %broadcast_in_dim3A_10, %scan3A_816 = %broadcast_in_dim3A_10, %scan3A_817 = %broadcast_in_dim3A_10) -> (vector<16xf32>, vector<16xf32>, vector<16xf32>, vector<16xf32>, vector<16xf32>, vector<16xf32>, vector<16xf32>, vector<16xf32>, vector<16xf32>, vector<16xf32>, vector<16xf32>, vector<16xf32>, vector<16xf32>, vector<16xf32>, vector<16xf32>, vector<16xf32>)  : i32 {
        %mul3A_818 = arith.constant 512 : i32
        %mul3A_819 = arith.muli %scan3A_801, %mul3A_818 : i32
        %add3A_820 = arith.constant 0 : i32
        %add3A_821 = arith.addi %mul3A_819, %add3A_820 : i32
        %get3A = arith.index_cast %add3A_821 : i32 to index
        %get3A_822 = tpu.vector_load %arg5[%get3A] {strides = array<i32>} : memref<32768xf32, #tpu.memory_space<vmem>>, vector<16xf32>,
        %max3A_823 = arith.maximumf %scan3A_802, %get3A_822 : vector<16xf32>
        %add3A_824 = arith.constant 256 : i32
        %add3A_825 = arith.addi %mul3A_819, %add3A_824 : i32
        %add3A_826 = arith.constant 0 : i32
        %add3A_827 = arith.addi %add3A_825, %add3A_826 : i32
        %get3A_828 = arith.index_cast %add3A_827 : i32 to index
        %get3A_829 = tpu.vector_load %arg5[%get3A_828] {strides = array<i32>} : memref<32768xf32, #tpu.memory_space<vmem>>, vector<16xf32>,
        %max3A_830 = arith.maximumf %max3A_823, %get3A_829 : vector<16xf32>
        %add3A_831 = arith.constant 16 : i32
        %add3A_832 = arith.addi %mul3A_819, %add3A_831 : i32
        %get3A_833 = arith.index_cast %add3A_832 : i32 to index
        %get3A_834 = tpu.vector_load %arg5[%get3A_833] {strides = array<i32>} : memref<32768xf32, #tpu.memory_space<vmem>>, vector<16xf32>,
        %max3A_835 = arith.maximumf %scan3A_803, %get3A_834 : vector<16xf32>
        %add3A_836 = arith.constant 256 : i32
        %add3A_837 = arith.addi %mul3A_819, %add3A_836 : i32
        %add3A_838 = arith.constant 16 : i32
        %add3A_839 = arith.addi %add3A_837, %add3A_838 : i32
        %get3A_840 = arith.index_cast %add3A_839 : i32 to index
        %get3A_841 = tpu.vector_load %arg5[%get3A_840] {strides = array<i32>} : memref<32768xf32, #tpu.memory_space<vmem>>, vector<16xf32>,
        %max3A_842 = arith.maximumf %max3A_835, %get3A_841 : vector<16xf32>
        %add3A_843 = arith.constant 32 : i32
        %add3A_844 = arith.addi %mul3A_819, %add3A_843 : i32
        %get3A_845 = arith.index_cast %add3A_844 : i32 to index
        %get3A_846 = tpu.vector_load %arg5[%get3A_845] {strides = array<i32>} : memref<32768xf32, #tpu.memory_space<vmem>>, vector<16xf32>,
        %max3A_847 = arith.maximumf %scan3A_804, %get3A_846 : vector<16xf32>
        %add3A_848 = arith.constant 256 : i32
        %add3A_849 = arith.addi %mul3A_819, %add3A_848 : i32
        %add3A_850 = arith.constant 32 : i32
        %add3A_851 = arith.addi %add3A_849, %add3A_850 : i32
        %get3A_852 = arith.index_cast %add3A_851 : i32 to index
        %get3A_853 = tpu.vector_load %arg5[%get3A_852] {strides = array<i32>} : memref<32768xf32, #tpu.memory_space<vmem>>, vector<16xf32>,
        %max3A_854 = arith.maximumf %max3A_847, %get3A_853 : vector<16xf32>
        %add3A_855 = arith.constant 48 : i32
        %add3A_856 = arith.addi %mul3A_819, %add3A_855 : i32
        %get3A_857 = arith.index_cast %add3A_856 : i32 to index
        %get3A_858 = tpu.vector_load %arg5[%get3A_857] {strides = array<i32>} : memref<32768xf32, #tpu.memory_space<vmem>>, vector<16xf32>,
        %max3A_859 = arith.maximumf %scan3A_805, %get3A_858 : vector<16xf32>
        %add3A_860 = arith.constant 256 : i32
        %add3A_861 = arith.addi %mul3A_819, %add3A_860 : i32
        %add3A_862 = arith.constant 48 : i32
        %add3A_863 = arith.addi %add3A_861, %add3A_862 : i32
        %get3A_864 = arith.index_cast %add3A_863 : i32 to index
        %get3A_865 = tpu.vector_load %arg5[%get3A_864] {strides = array<i32>} : memref<32768xf32, #tpu.memory_space<vmem>>, vector<16xf32>,
        %max3A_866 = arith.maximumf %max3A_859, %get3A_865 : vector<16xf32>
        %add3A_867 = arith.constant 64 : i32
        %add3A_868 = arith.addi %mul3A_819, %add3A_867 : i32
        %get3A_869 = arith.index_cast %add3A_868 : i32 to index
        %get3A_870 = tpu.vector_load %arg5[%get3A_869] {strides = array<i32>} : memref<32768xf32, #tpu.memory_space<vmem>>, vector<16xf32>,
        %max3A_871 = arith.maximumf %scan3A_806, %get3A_870 : vector<16xf32>
        %add3A_872 = arith.constant 256 : i32
        %add3A_873 = arith.addi %mul3A_819, %add3A_872 : i32
        %add3A_874 = arith.constant 64 : i32
        %add3A_875 = arith.addi %add3A_873, %add3A_874 : i32
        %get3A_876 = arith.index_cast %add3A_875 : i32 to index
        %get3A_877 = tpu.vector_load %arg5[%get3A_876] {strides = array<i32>} : memref<32768xf32, #tpu.memory_space<vmem>>, vector<16xf32>,
        %max3A_878 = arith.maximumf %max3A_871, %get3A_877 : vector<16xf32>
        %add3A_879 = arith.constant 80 : i32
        %add3A_880 = arith.addi %mul3A_819, %add3A_879 : i32
        %get3A_881 = arith.index_cast %add3A_880 : i32 to index
        %get3A_882 = tpu.vector_load %arg5[%get3A_881] {strides = array<i32>} : memref<32768xf32, #tpu.memory_space<vmem>>, vector<16xf32>,
        %max3A_883 = arith.maximumf %scan3A_807, %get3A_882 : vector<16xf32>
        %add3A_884 = arith.constant 256 : i32
        %add3A_885 = arith.addi %mul3A_819, %add3A_884 : i32
        %add3A_886 = arith.constant 80 : i32
        %add3A_887 = arith.addi %add3A_885, %add3A_886 : i32
        %get3A_888 = arith.index_cast %add3A_887 : i32 to index
        %get3A_889 = tpu.vector_load %arg5[%get3A_888] {strides = array<i32>} : memref<32768xf32, #tpu.memory_space<vmem>>, vector<16xf32>,
        %max3A_890 = arith.maximumf %max3A_883, %get3A_889 : vector<16xf32>
        %add3A_891 = arith.constant 96 : i32
        %add3A_892 = arith.addi %mul3A_819, %add3A_891 : i32
        %get3A_893 = arith.index_cast %add3A_892 : i32 to index
        %get3A_894 = tpu.vector_load %arg5[%get3A_893] {strides = array<i32>} : memref<32768xf32, #tpu.memory_space<vmem>>, vector<16xf32>,
        %max3A_895 = arith.maximumf %scan3A_808, %get3A_894 : vector<16xf32>
        %add3A_896 = arith.constant 256 : i32
        %add3A_897 = arith.addi %mul3A_819, %add3A_896 : i32
        %add3A_898 = arith.constant 96 : i32
        %add3A_899 = arith.addi %add3A_897, %add3A_898 : i32
        %get3A_900 = arith.index_cast %add3A_899 : i32 to index
        %get3A_901 = tpu.vector_load %arg5[%get3A_900] {strides = array<i32>} : memref<32768xf32, #tpu.memory_space<vmem>>, vector<16xf32>,
        %max3A_902 = arith.maximumf %max3A_895, %get3A_901 : vector<16xf32>
        %add3A_903 = arith.constant 112 : i32
        %add3A_904 = arith.addi %mul3A_819, %add3A_903 : i32
        %get3A_905 = arith.index_cast %add3A_904 : i32 to index
        %get3A_906 = tpu.vector_load %arg5[%get3A_905] {strides = array<i32>} : memref<32768xf32, #tpu.memory_space<vmem>>, vector<16xf32>,
        %max3A_907 = arith.maximumf %scan3A_809, %get3A_906 : vector<16xf32>
        %add3A_908 = arith.constant 256 : i32
        %add3A_909 = arith.addi %mul3A_819, %add3A_908 : i32
        %add3A_910 = arith.constant 112 : i32
        %add3A_911 = arith.addi %add3A_909, %add3A_910 : i32
        %get3A_912 = arith.index_cast %add3A_911 : i32 to index
        %get3A_913 = tpu.vector_load %arg5[%get3A_912] {strides = array<i32>} : memref<32768xf32, #tpu.memory_space<vmem>>, vector<16xf32>,
        %max3A_914 = arith.maximumf %max3A_907, %get3A_913 : vector<16xf32>
        %add3A_915 = arith.constant 128 : i32
        %add3A_916 = arith.addi %mul3A_819, %add3A_915 : i32
        %get3A_917 = arith.index_cast %add3A_916 : i32 to index
        %get3A_918 = tpu.vector_load %arg5[%get3A_917] {strides = array<i32>} : memref<32768xf32, #tpu.memory_space<vmem>>, vector<16xf32>,
        %max3A_919 = arith.maximumf %scan3A_810, %get3A_918 : vector<16xf32>
        %add3A_920 = arith.constant 256 : i32
        %add3A_921 = arith.addi %mul3A_819, %add3A_920 : i32
        %add3A_922 = arith.constant 128 : i32
        %add3A_923 = arith.addi %add3A_921, %add3A_922 : i32
        %get3A_924 = arith.index_cast %add3A_923 : i32 to index
        %get3A_925 = tpu.vector_load %arg5[%get3A_924] {strides = array<i32>} : memref<32768xf32, #tpu.memory_space<vmem>>, vector<16xf32>,
        %max3A_926 = arith.maximumf %max3A_919, %get3A_925 : vector<16xf32>
        %add3A_927 = arith.constant 144 : i32
        %add3A_928 = arith.addi %mul3A_819, %add3A_927 : i32
        %get3A_929 = arith.index_cast %add3A_928 : i32 to index
        %get3A_930 = tpu.vector_load %arg5[%get3A_929] {strides = array<i32>} : memref<32768xf32, #tpu.memory_space<vmem>>, vector<16xf32>,
        %max3A_931 = arith.maximumf %scan3A_811, %get3A_930 : vector<16xf32>
        %add3A_932 = arith.constant 256 : i32
        %add3A_933 = arith.addi %mul3A_819, %add3A_932 : i32
        %add3A_934 = arith.constant 144 : i32
        %add3A_935 = arith.addi %add3A_933, %add3A_934 : i32
        %get3A_936 = arith.index_cast %add3A_935 : i32 to index
        %get3A_937 = tpu.vector_load %arg5[%get3A_936] {strides = array<i32>} : memref<32768xf32, #tpu.memory_space<vmem>>, vector<16xf32>,
        %max3A_938 = arith.maximumf %max3A_931, %get3A_937 : vector<16xf32>
        %add3A_939 = arith.constant 160 : i32
        %add3A_940 = arith.addi %mul3A_819, %add3A_939 : i32
        %get3A_941 = arith.index_cast %add3A_940 : i32 to index
        %get3A_942 = tpu.vector_load %arg5[%get3A_941] {strides = array<i32>} : memref<32768xf32, #tpu.memory_space<vmem>>, vector<16xf32>,
        %max3A_943 = arith.maximumf %scan3A_812, %get3A_942 : vector<16xf32>
        %add3A_944 = arith.constant 256 : i32
        %add3A_945 = arith.addi %mul3A_819, %add3A_944 : i32
        %add3A_946 = arith.constant 160 : i32
        %add3A_947 = arith.addi %add3A_945, %add3A_946 : i32
        %get3A_948 = arith.index_cast %add3A_947 : i32 to index
        %get3A_949 = tpu.vector_load %arg5[%get3A_948] {strides = array<i32>} : memref<32768xf32, #tpu.memory_space<vmem>>, vector<16xf32>,
        %max3A_950 = arith.maximumf %max3A_943, %get3A_949 : vector<16xf32>
        %add3A_951 = arith.constant 176 : i32
        %add3A_952 = arith.addi %mul3A_819, %add3A_951 : i32
        %get3A_953 = arith.index_cast %add3A_952 : i32 to index
        %get3A_954 = tpu.vector_load %arg5[%get3A_953] {strides = array<i32>} : memref<32768xf32, #tpu.memory_space<vmem>>, vector<16xf32>,
        %max3A_955 = arith.maximumf %scan3A_813, %get3A_954 : vector<16xf32>
        %add3A_956 = arith.constant 256 : i32
        %add3A_957 = arith.addi %mul3A_819, %add3A_956 : i32
        %add3A_958 = arith.constant 176 : i32
        %add3A_959 = arith.addi %add3A_957, %add3A_958 : i32
        %get3A_960 = arith.index_cast %add3A_959 : i32 to index
        %get3A_961 = tpu.vector_load %arg5[%get3A_960] {strides = array<i32>} : memref<32768xf32, #tpu.memory_space<vmem>>, vector<16xf32>,
        %max3A_962 = arith.maximumf %max3A_955, %get3A_961 : vector<16xf32>
        %add3A_963 = arith.constant 192 : i32
        %add3A_964 = arith.addi %mul3A_819, %add3A_963 : i32
        %get3A_965 = arith.index_cast %add3A_964 : i32 to index
        %get3A_966 = tpu.vector_load %arg5[%get3A_965] {strides = array<i32>} : memref<32768xf32, #tpu.memory_space<vmem>>, vector<16xf32>,
        %max3A_967 = arith.maximumf %scan3A_814, %get3A_966 : vector<16xf32>
        %add3A_968 = arith.constant 256 : i32
        %add3A_969 = arith.addi %mul3A_819, %add3A_968 : i32
        %add3A_970 = arith.constant 192 : i32
        %add3A_971 = arith.addi %add3A_969, %add3A_970 : i32
        %get3A_972 = arith.index_cast %add3A_971 : i32 to index
        %get3A_973 = tpu.vector_load %arg5[%get3A_972] {strides = array<i32>} : memref<32768xf32, #tpu.memory_space<vmem>>, vector<16xf32>,
        %max3A_974 = arith.maximumf %max3A_967, %get3A_973 : vector<16xf32>
        %add3A_975 = arith.constant 208 : i32
        %add3A_976 = arith.addi %mul3A_819, %add3A_975 : i32
        %get3A_977 = arith.index_cast %add3A_976 : i32 to index
        %get3A_978 = tpu.vector_load %arg5[%get3A_977] {strides = array<i32>} : memref<32768xf32, #tpu.memory_space<vmem>>, vector<16xf32>,
        %max3A_979 = arith.maximumf %scan3A_815, %get3A_978 : vector<16xf32>
        %add3A_980 = arith.constant 256 : i32
        %add3A_981 = arith.addi %mul3A_819, %add3A_980 : i32
        %add3A_982 = arith.constant 208 : i32
        %add3A_983 = arith.addi %add3A_981, %add3A_982 : i32
        %get3A_984 = arith.index_cast %add3A_983 : i32 to index
        %get3A_985 = tpu.vector_load %arg5[%get3A_984] {strides = array<i32>} : memref<32768xf32, #tpu.memory_space<vmem>>, vector<16xf32>,
        %max3A_986 = arith.maximumf %max3A_979, %get3A_985 : vector<16xf32>
        %add3A_987 = arith.constant 224 : i32
        %add3A_988 = arith.addi %mul3A_819, %add3A_987 : i32
        %get3A_989 = arith.index_cast %add3A_988 : i32 to index
        %get3A_990 = tpu.vector_load %arg5[%get3A_989] {strides = array<i32>} : memref<32768xf32, #tpu.memory_space<vmem>>, vector<16xf32>,
        %max3A_991 = arith.maximumf %scan3A_816, %get3A_990 : vector<16xf32>
        %add3A_992 = arith.constant 256 : i32
        %add3A_993 = arith.addi %mul3A_819, %add3A_992 : i32
        %add3A_994 = arith.constant 224 : i32
        %add3A_995 = arith.addi %add3A_993, %add3A_994 : i32
        %get3A_996 = arith.index_cast %add3A_995 : i32 to index
        %get3A_997 = tpu.vector_load %arg5[%get3A_996] {strides = array<i32>} : memref<32768xf32, #tpu.memory_space<vmem>>, vector<16xf32>,
        %max3A_998 = arith.maximumf %max3A_991, %get3A_997 : vector<16xf32>
        %add3A_999 = arith.constant 240 : i32
        %add3A_1000 = arith.addi %mul3A_819, %add3A_999 : i32
        %get3A_1001 = arith.index_cast %add3A_1000 : i32 to index
        %get3A_1002 = tpu.vector_load %arg5[%get3A_1001] {strides = array<i32>} : memref<32768xf32, #tpu.memory_space<vmem>>, vector<16xf32>,
        %max3A_1003 = arith.maximumf %scan3A_817, %get3A_1002 : vector<16xf32>
        %add3A_1004 = arith.constant 256 : i32
        %add3A_1005 = arith.addi %mul3A_819, %add3A_1004 : i32
        %add3A_1006 = arith.constant 240 : i32
        %add3A_1007 = arith.addi %add3A_1005, %add3A_1006 : i32
        %get3A_1008 = arith.index_cast %add3A_1007 : i32 to index
        %get3A_1009 = tpu.vector_load %arg5[%get3A_1008] {strides = array<i32>} : memref<32768xf32, #tpu.memory_space<vmem>>, vector<16xf32>,
        %max3A_1010 = arith.maximumf %max3A_1003, %get3A_1009 : vector<16xf32>
        scf.yield %max3A_830, %max3A_842, %max3A_854, %max3A_866, %max3A_878, %max3A_890, %max3A_902, %max3A_914, %max3A_926, %max3A_938, %max3A_950, %max3A_962, %max3A_974, %max3A_986, %max3A_998, %max3A_1010 : vector<16xf32>, vector<16xf32>, vector<16xf32>, vector<16xf32>, vector<16xf32>, vector<16xf32>, vector<16xf32>, vector<16xf32>, vector<16xf32>, vector<16xf32>, vector<16xf32>, vector<16xf32>, vector<16xf32>, vector<16xf32>, vector<16xf32>, vector<16xf32>
      }
      %scan3A_423 = arith.constant 64 : i32
      %bitcast3A_424 = vector.bitcast %scan3A_422#0 : vector<16xf32> to vector<16xi32>
      %lt3A_425 = arith.constant 0 : i32
      %lt3A_426 = vector.broadcast %lt3A_425 : i32 to vector<16xi32>
      %lt3A_427 = arith.cmpi slt, %bitcast3A_424, %lt3A_426 : vector<16xi32>
      %xor3A_428 = arith.constant 2147483647 : i32
      %xor3A_429 = vector.broadcast %xor3A_428 : i32 to vector<16xi32>
      %xor3A_430 = arith.xori %bitcast3A_424, %xor3A_429 : vector<16xi32>
      %select_n3A_431 = arith.select %lt3A_427, %xor3A_430, %bitcast3A_424 : vector<16xi1>, vector<16xi32>
      %swap3A_432 = arith.constant 0 : index
      %swap3A_433 = tpu.vector_load %arg7[%swap3A_432] {strides = array<i32>} : memref<16368xi32, #tpu.memory_space<vmem>>, vector<16xi32>,
      tpu.vector_store %arg7[%swap3A_432], %select_n3A_431 {strides = array<i32>} : memref<16368xi32, #tpu.memory_space<vmem>>, vector<16xi32>,
      %bitcast3A_434 = vector.bitcast %scan3A_422#1 : vector<16xf32> to vector<16xi32>
      %lt3A_435 = arith.constant 0 : i32
      %lt3A_436 = vector.broadcast %lt3A_435 : i32 to vector<16xi32>
      %lt3A_437 = arith.cmpi slt, %bitcast3A_434, %lt3A_436 : vector<16xi32>
      %xor3A_438 = arith.constant 2147483647 : i32
      %xor3A_439 = vector.broadcast %xor3A_438 : i32 to vector<16xi32>
      %xor3A_440 = arith.xori %bitcast3A_434, %xor3A_439 : vector<16xi32>
      %select_n3A_441 = arith.select %lt3A_437, %xor3A_440, %bitcast3A_434 : vector<16xi1>, vector<16xi32>
      %min3A_442 = arith.minsi %select_n3A_431, %select_n3A_441 : vector<16xi32>
      %max3A_443 = arith.maxsi %select_n3A_431, %select_n3A_441 : vector<16xi32>
      %swap3A_444 = arith.constant 16 : index
      %swap3A_445 = tpu.vector_load %arg7[%swap3A_444] {strides = array<i32>} : memref<16368xi32, #tpu.memory_space<vmem>>, vector<16xi32>,
      tpu.vector_store %arg7[%swap3A_444], %select_n3A_441 {strides = array<i32>} : memref<16368xi32, #tpu.memory_space<vmem>>, vector<16xi32>,
      %bitcast3A_446 = vector.bitcast %scan3A_422#2 : vector<16xf32> to vector<16xi32>
      %lt3A_447 = arith.constant 0 : i32
      %lt3A_448 = vector.broadcast %lt3A_447 : i32 to vector<16xi32>
      %lt3A_449 = arith.cmpi slt, %bitcast3A_446, %lt3A_448 : vector<16xi32>
      %xor3A_450 = arith.constant 2147483647 : i32
      %xor3A_451 = vector.broadcast %xor3A_450 : i32 to vector<16xi32>
      %xor3A_452 = arith.xori %bitcast3A_446, %xor3A_451 : vector<16xi32>
      %select_n3A_453 = arith.select %lt3A_449, %xor3A_452, %bitcast3A_446 : vector<16xi1>, vector<16xi32>
      %min3A_454 = arith.minsi %min3A_442, %select_n3A_453 : vector<16xi32>
      %max3A_455 = arith.maxsi %max3A_443, %select_n3A_453 : vector<16xi32>
      %swap3A_456 = arith.constant 32 : index
      %swap3A_457 = tpu.vector_load %arg7[%swap3A_456] {strides = array<i32>} : memref<16368xi32, #tpu.memory_space<vmem>>, vector<16xi32>,
      tpu.vector_store %arg7[%swap3A_456], %select_n3A_453 {strides = array<i32>} : memref<16368xi32, #tpu.memory_space<vmem>>, vector<16xi32>,
      %bitcast3A_458 = vector.bitcast %scan3A_422#3 : vector<16xf32> to vector<16xi32>
      %lt3A_459 = arith.constant 0 : i32
      %lt3A_460 = vector.broadcast %lt3A_459 : i32 to vector<16xi32>
      %lt3A_461 = arith.cmpi slt, %bitcast3A_458, %lt3A_460 : vector<16xi32>
      %xor3A_462 = arith.constant 2147483647 : i32
      %xor3A_463 = vector.broadcast %xor3A_462 : i32 to vector<16xi32>
      %xor3A_464 = arith.xori %bitcast3A_458, %xor3A_463 : vector<16xi32>
      %select_n3A_465 = arith.select %lt3A_461, %xor3A_464, %bitcast3A_458 : vector<16xi1>, vector<16xi32>
      %min3A_466 = arith.minsi %min3A_454, %select_n3A_465 : vector<16xi32>
      %max3A_467 = arith.maxsi %max3A_455, %select_n3A_465 : vector<16xi32>
      %swap3A_468 = arith.constant 48 : index
      %swap3A_469 = tpu.vector_load %arg7[%swap3A_468] {strides = array<i32>} : memref<16368xi32, #tpu.memory_space<vmem>>, vector<16xi32>,
      tpu.vector_store %arg7[%swap3A_468], %select_n3A_465 {strides = array<i32>} : memref<16368xi32, #tpu.memory_space<vmem>>, vector<16xi32>,
      %bitcast3A_470 = vector.bitcast %scan3A_422#4 : vector<16xf32> to vector<16xi32>
      %lt3A_471 = arith.constant 0 : i32
      %lt3A_472 = vector.broadcast %lt3A_471 : i32 to vector<16xi32>
      %lt3A_473 = arith.cmpi slt, %bitcast3A_470, %lt3A_472 : vector<16xi32>
      %xor3A_474 = arith.constant 2147483647 : i32
      %xor3A_475 = vector.broadcast %xor3A_474 : i32 to vector<16xi32>
      %xor3A_476 = arith.xori %bitcast3A_470, %xor3A_475 : vector<16xi32>
      %select_n3A_477 = arith.select %lt3A_473, %xor3A_476, %bitcast3A_470 : vector<16xi1>, vector<16xi32>
      %min3A_478 = arith.minsi %min3A_466, %select_n3A_477 : vector<16xi32>
      %max3A_479 = arith.maxsi %max3A_467, %select_n3A_477 : vector<16xi32>
      %swap3A_480 = arith.constant 64 : index
      %swap3A_481 = tpu.vector_load %arg7[%swap3A_480] {strides = array<i32>} : memref<16368xi32, #tpu.memory_space<vmem>>, vector<16xi32>,
      tpu.vector_store %arg7[%swap3A_480], %select_n3A_477 {strides = array<i32>} : memref<16368xi32, #tpu.memory_space<vmem>>, vector<16xi32>,
      %bitcast3A_482 = vector.bitcast %scan3A_422#5 : vector<16xf32> to vector<16xi32>
      %lt3A_483 = arith.constant 0 : i32
      %lt3A_484 = vector.broadcast %lt3A_483 : i32 to vector<16xi32>
      %lt3A_485 = arith.cmpi slt, %bitcast3A_482, %lt3A_484 : vector<16xi32>
      %xor3A_486 = arith.constant 2147483647 : i32
      %xor3A_487 = vector.broadcast %xor3A_486 : i32 to vector<16xi32>
      %xor3A_488 = arith.xori %bitcast3A_482, %xor3A_487 : vector<16xi32>
      %select_n3A_489 = arith.select %lt3A_485, %xor3A_488, %bitcast3A_482 : vector<16xi1>, vector<16xi32>
      %min3A_490 = arith.minsi %min3A_478, %select_n3A_489 : vector<16xi32>
      %max3A_491 = arith.maxsi %max3A_479, %select_n3A_489 : vector<16xi32>
      %swap3A_492 = arith.constant 80 : index
      %swap3A_493 = tpu.vector_load %arg7[%swap3A_492] {strides = array<i32>} : memref<16368xi32, #tpu.memory_space<vmem>>, vector<16xi32>,
      tpu.vector_store %arg7[%swap3A_492], %select_n3A_489 {strides = array<i32>} : memref<16368xi32, #tpu.memory_space<vmem>>, vector<16xi32>,
      %bitcast3A_494 = vector.bitcast %scan3A_422#6 : vector<16xf32> to vector<16xi32>
      %lt3A_495 = arith.constant 0 : i32
      %lt3A_496 = vector.broadcast %lt3A_495 : i32 to vector<16xi32>
      %lt3A_497 = arith.cmpi slt, %bitcast3A_494, %lt3A_496 : vector<16xi32>
      %xor3A_498 = arith.constant 2147483647 : i32
      %xor3A_499 = vector.broadcast %xor3A_498 : i32 to vector<16xi32>
      %xor3A_500 = arith.xori %bitcast3A_494, %xor3A_499 : vector<16xi32>
      %select_n3A_501 = arith.select %lt3A_497, %xor3A_500, %bitcast3A_494 : vector<16xi1>, vector<16xi32>
      %min3A_502 = arith.minsi %min3A_490, %select_n3A_501 : vector<16xi32>
      %max3A_503 = arith.maxsi %max3A_491, %select_n3A_501 : vector<16xi32>
      %swap3A_504 = arith.constant 96 : index
      %swap3A_505 = tpu.vector_load %arg7[%swap3A_504] {strides = array<i32>} : memref<16368xi32, #tpu.memory_space<vmem>>, vector<16xi32>,
      tpu.vector_store %arg7[%swap3A_504], %select_n3A_501 {strides = array<i32>} : memref<16368xi32, #tpu.memory_space<vmem>>, vector<16xi32>,
      %bitcast3A_506 = vector.bitcast %scan3A_422#7 : vector<16xf32> to vector<16xi32>
      %lt3A_507 = arith.constant 0 : i32
      %lt3A_508 = vector.broadcast %lt3A_507 : i32 to vector<16xi32>
      %lt3A_509 = arith.cmpi slt, %bitcast3A_506, %lt3A_508 : vector<16xi32>
      %xor3A_510 = arith.constant 2147483647 : i32
      %xor3A_511 = vector.broadcast %xor3A_510 : i32 to vector<16xi32>
      %xor3A_512 = arith.xori %bitcast3A_506, %xor3A_511 : vector<16xi32>
      %select_n3A_513 = arith.select %lt3A_509, %xor3A_512, %bitcast3A_506 : vector<16xi1>, vector<16xi32>
      %min3A_514 = arith.minsi %min3A_502, %select_n3A_513 : vector<16xi32>
      %max3A_515 = arith.maxsi %max3A_503, %select_n3A_513 : vector<16xi32>
      %swap3A_516 = arith.constant 112 : index
      %swap3A_517 = tpu.vector_load %arg7[%swap3A_516] {strides = array<i32>} : memref<16368xi32, #tpu.memory_space<vmem>>, vector<16xi32>,
      tpu.vector_store %arg7[%swap3A_516], %select_n3A_513 {strides = array<i32>} : memref<16368xi32, #tpu.memory_space<vmem>>, vector<16xi32>,
      %bitcast3A_518 = vector.bitcast %scan3A_422#8 : vector<16xf32> to vector<16xi32>
      %lt3A_519 = arith.constant 0 : i32
      %lt3A_520 = vector.broadcast %lt3A_519 : i32 to vector<16xi32>
      %lt3A_521 = arith.cmpi slt, %bitcast3A_518, %lt3A_520 : vector<16xi32>
      %xor3A_522 = arith.constant 2147483647 : i32
      %xor3A_523 = vector.broadcast %xor3A_522 : i32 to vector<16xi32>
      %xor3A_524 = arith.xori %bitcast3A_518, %xor3A_523 : vector<16xi32>
      %select_n3A_525 = arith.select %lt3A_521, %xor3A_524, %bitcast3A_518 : vector<16xi1>, vector<16xi32>
      %min3A_526 = arith.minsi %min3A_514, %select_n3A_525 : vector<16xi32>
      %max3A_527 = arith.maxsi %max3A_515, %select_n3A_525 : vector<16xi32>
      %swap3A_528 = arith.constant 128 : index
      %swap3A_529 = tpu.vector_load %arg7[%swap3A_528] {strides = array<i32>} : memref<16368xi32, #tpu.memory_space<vmem>>, vector<16xi32>,
      tpu.vector_store %arg7[%swap3A_528], %select_n3A_525 {strides = array<i32>} : memref<16368xi32, #tpu.memory_space<vmem>>, vector<16xi32>,
      %bitcast3A_530 = vector.bitcast %scan3A_422#9 : vector<16xf32> to vector<16xi32>
      %lt3A_531 = arith.constant 0 : i32
      %lt3A_532 = vector.broadcast %lt3A_531 : i32 to vector<16xi32>
      %lt3A_533 = arith.cmpi slt, %bitcast3A_530, %lt3A_532 : vector<16xi32>
      %xor3A_534 = arith.constant 2147483647 : i32
      %xor3A_535 = vector.broadcast %xor3A_534 : i32 to vector<16xi32>
      %xor3A_536 = arith.xori %bitcast3A_530, %xor3A_535 : vector<16xi32>
      %select_n3A_537 = arith.select %lt3A_533, %xor3A_536, %bitcast3A_530 : vector<16xi1>, vector<16xi32>
      %min3A_538 = arith.minsi %min3A_526, %select_n3A_537 : vector<16xi32>
      %max3A_539 = arith.maxsi %max3A_527, %select_n3A_537 : vector<16xi32>
      %swap3A_540 = arith.constant 144 : index
      %swap3A_541 = tpu.vector_load %arg7[%swap3A_540] {strides = array<i32>} : memref<16368xi32, #tpu.memory_space<vmem>>, vector<16xi32>,
      tpu.vector_store %arg7[%swap3A_540], %select_n3A_537 {strides = array<i32>} : memref<16368xi32, #tpu.memory_space<vmem>>, vector<16xi32>,
      %bitcast3A_542 = vector.bitcast %scan3A_422#10 : vector<16xf32> to vector<16xi32>
      %lt3A_543 = arith.constant 0 : i32
      %lt3A_544 = vector.broadcast %lt3A_543 : i32 to vector<16xi32>
      %lt3A_545 = arith.cmpi slt, %bitcast3A_542, %lt3A_544 : vector<16xi32>
      %xor3A_546 = arith.constant 2147483647 : i32
      %xor3A_547 = vector.broadcast %xor3A_546 : i32 to vector<16xi32>
      %xor3A_548 = arith.xori %bitcast3A_542, %xor3A_547 : vector<16xi32>
      %select_n3A_549 = arith.select %lt3A_545, %xor3A_548, %bitcast3A_542 : vector<16xi1>, vector<16xi32>
      %min3A_550 = arith.minsi %min3A_538, %select_n3A_549 : vector<16xi32>
      %max3A_551 = arith.maxsi %max3A_539, %select_n3A_549 : vector<16xi32>
      %swap3A_552 = arith.constant 160 : index
      %swap3A_553 = tpu.vector_load %arg7[%swap3A_552] {strides = array<i32>} : memref<16368xi32, #tpu.memory_space<vmem>>, vector<16xi32>,
      tpu.vector_store %arg7[%swap3A_552], %select_n3A_549 {strides = array<i32>} : memref<16368xi32, #tpu.memory_space<vmem>>, vector<16xi32>,
      %bitcast3A_554 = vector.bitcast %scan3A_422#11 : vector<16xf32> to vector<16xi32>
      %lt3A_555 = arith.constant 0 : i32
      %lt3A_556 = vector.broadcast %lt3A_555 : i32 to vector<16xi32>
      %lt3A_557 = arith.cmpi slt, %bitcast3A_554, %lt3A_556 : vector<16xi32>
      %xor3A_558 = arith.constant 2147483647 : i32
      %xor3A_559 = vector.broadcast %xor3A_558 : i32 to vector<16xi32>
      %xor3A_560 = arith.xori %bitcast3A_554, %xor3A_559 : vector<16xi32>
      %select_n3A_561 = arith.select %lt3A_557, %xor3A_560, %bitcast3A_554 : vector<16xi1>, vector<16xi32>
      %min3A_562 = arith.minsi %min3A_550, %select_n3A_561 : vector<16xi32>
      %max3A_563 = arith.maxsi %max3A_551, %select_n3A_561 : vector<16xi32>
      %swap3A_564 = arith.constant 176 : index
      %swap3A_565 = tpu.vector_load %arg7[%swap3A_564] {strides = array<i32>} : memref<16368xi32, #tpu.memory_space<vmem>>, vector<16xi32>,
      tpu.vector_store %arg7[%swap3A_564], %select_n3A_561 {strides = array<i32>} : memref<16368xi32, #tpu.memory_space<vmem>>, vector<16xi32>,
      %bitcast3A_566 = vector.bitcast %scan3A_422#12 : vector<16xf32> to vector<16xi32>
      %lt3A_567 = arith.constant 0 : i32
      %lt3A_568 = vector.broadcast %lt3A_567 : i32 to vector<16xi32>
      %lt3A_569 = arith.cmpi slt, %bitcast3A_566, %lt3A_568 : vector<16xi32>
      %xor3A_570 = arith.constant 2147483647 : i32
      %xor3A_571 = vector.broadcast %xor3A_570 : i32 to vector<16xi32>
      %xor3A_572 = arith.xori %bitcast3A_566, %xor3A_571 : vector<16xi32>
      %select_n3A_573 = arith.select %lt3A_569, %xor3A_572, %bitcast3A_566 : vector<16xi1>, vector<16xi32>
      %min3A_574 = arith.minsi %min3A_562, %select_n3A_573 : vector<16xi32>
      %max3A_575 = arith.maxsi %max3A_563, %select_n3A_573 : vector<16xi32>
      %swap3A_576 = arith.constant 192 : index
      %swap3A_577 = tpu.vector_load %arg7[%swap3A_576] {strides = array<i32>} : memref<16368xi32, #tpu.memory_space<vmem>>, vector<16xi32>,
      tpu.vector_store %arg7[%swap3A_576], %select_n3A_573 {strides = array<i32>} : memref<16368xi32, #tpu.memory_space<vmem>>, vector<16xi32>,
      %bitcast3A_578 = vector.bitcast %scan3A_422#13 : vector<16xf32> to vector<16xi32>
      %lt3A_579 = arith.constant 0 : i32
      %lt3A_580 = vector.broadcast %lt3A_579 : i32 to vector<16xi32>
      %lt3A_581 = arith.cmpi slt, %bitcast3A_578, %lt3A_580 : vector<16xi32>
      %xor3A_582 = arith.constant 2147483647 : i32
      %xor3A_583 = vector.broadcast %xor3A_582 : i32 to vector<16xi32>
      %xor3A_584 = arith.xori %bitcast3A_578, %xor3A_583 : vector<16xi32>
      %select_n3A_585 = arith.select %lt3A_581, %xor3A_584, %bitcast3A_578 : vector<16xi1>, vector<16xi32>
      %min3A_586 = arith.minsi %min3A_574, %select_n3A_585 : vector<16xi32>
      %max3A_587 = arith.maxsi %max3A_575, %select_n3A_585 : vector<16xi32>
      %swap3A_588 = arith.constant 208 : index
      %swap3A_589 = tpu.vector_load %arg7[%swap3A_588] {strides = array<i32>} : memref<16368xi32, #tpu.memory_space<vmem>>, vector<16xi32>,
      tpu.vector_store %arg7[%swap3A_588], %select_n3A_585 {strides = array<i32>} : memref<16368xi32, #tpu.memory_space<vmem>>, vector<16xi32>,
      %bitcast3A_590 = vector.bitcast %scan3A_422#14 : vector<16xf32> to vector<16xi32>
      %lt3A_591 = arith.constant 0 : i32
      %lt3A_592 = vector.broadcast %lt3A_591 : i32 to vector<16xi32>
      %lt3A_593 = arith.cmpi slt, %bitcast3A_590, %lt3A_592 : vector<16xi32>
      %xor3A_594 = arith.constant 2147483647 : i32
      %xor3A_595 = vector.broadcast %xor3A_594 : i32 to vector<16xi32>
      %xor3A_596 = arith.xori %bitcast3A_590, %xor3A_595 : vector<16xi32>
      %select_n3A_597 = arith.select %lt3A_593, %xor3A_596, %bitcast3A_590 : vector<16xi1>, vector<16xi32>
      %min3A_598 = arith.minsi %min3A_586, %select_n3A_597 : vector<16xi32>
      %max3A_599 = arith.maxsi %max3A_587, %select_n3A_597 : vector<16xi32>
      %swap3A_600 = arith.constant 224 : index
      %swap3A_601 = tpu.vector_load %arg7[%swap3A_600] {strides = array<i32>} : memref<16368xi32, #tpu.memory_space<vmem>>, vector<16xi32>,
      tpu.vector_store %arg7[%swap3A_600], %select_n3A_597 {strides = array<i32>} : memref<16368xi32, #tpu.memory_space<vmem>>, vector<16xi32>,
      %bitcast3A_602 = vector.bitcast %scan3A_422#15 : vector<16xf32> to vector<16xi32>
      %lt3A_603 = arith.constant 0 : i32
      %lt3A_604 = vector.broadcast %lt3A_603 : i32 to vector<16xi32>
      %lt3A_605 = arith.cmpi slt, %bitcast3A_602, %lt3A_604 : vector<16xi32>
      %xor3A_606 = arith.constant 2147483647 : i32
      %xor3A_607 = vector.broadcast %xor3A_606 : i32 to vector<16xi32>
      %xor3A_608 = arith.xori %bitcast3A_602, %xor3A_607 : vector<16xi32>
      %select_n3A_609 = arith.select %lt3A_605, %xor3A_608, %bitcast3A_602 : vector<16xi1>, vector<16xi32>
      %min3A_610 = arith.minsi %min3A_598, %select_n3A_609 : vector<16xi32>
      %max3A_611 = arith.maxsi %max3A_599, %select_n3A_609 : vector<16xi32>
      %swap3A_612 = arith.constant 240 : index
      %swap3A_613 = tpu.vector_load %arg7[%swap3A_612] {strides = array<i32>} : memref<16368xi32, #tpu.memory_space<vmem>>, vector<16xi32>,
      tpu.vector_store %arg7[%swap3A_612], %select_n3A_609 {strides = array<i32>} : memref<16368xi32, #tpu.memory_space<vmem>>, vector<16xi32>,
      %reduce_min3A_614 = arith.constant true
      %reduce_min3A_615 = vector.broadcast %reduce_min3A_614 : i1 to vector<16xi1>
      %reduce_min3A_616 = arith.constant -2147483648 : i32
      %reduce_min3A_617 = vector.broadcast %reduce_min3A_616 : i32 to vector<16xi32>
      %reduce_min3A_618 = arith.xori %min3A_610, %reduce_min3A_617 : vector<16xi32>
      %reduce_min3A_619 = tpu.scan <min>, %reduce_min3A_618 masked %reduce_min3A_615 : vector<16xi32>, vector<16xi1> -> vector<16xi32>
      %reduce_min3A_620 = arith.xori %reduce_min3A_619, %reduce_min3A_617 : vector<16xi32>
      %reduce_min3A_621 = vector.extract %reduce_min3A_620[15] : i32 from vector<16xi32>
      %reduce_max3A_622 = arith.constant true
      %reduce_max3A_623 = vector.broadcast %reduce_max3A_622 : i1 to vector<16xi1>
      %reduce_max3A_624 = arith.constant -2147483648 : i32
      %reduce_max3A_625 = vector.broadcast %reduce_max3A_624 : i32 to vector<16xi32>
      %reduce_max3A_626 = arith.xori %max3A_611, %reduce_max3A_625 : vector<16xi32>
      %reduce_max3A_627 = tpu.scan <max>, %reduce_max3A_626 masked %reduce_max3A_623 : vector<16xi32>, vector<16xi1> -> vector<16xi32>
      %reduce_max3A_628 = arith.xori %reduce_max3A_627, %reduce_max3A_625 : vector<16xi32>
      %reduce_max3A_629 = vector.extract %reduce_max3A_628[15] : i32 from vector<16xi32>
      %xor3A_630 = arith.xori %reduce_max3A_629, %reduce_min3A_621 : i32
      %broadcast_in_dim3A_631 = vector.broadcast %xor3A_630 : i32 to vector<16xi32>
      %bitcast3A_632 = vector.bitcast %broadcast_in_dim3A_631 : vector<16xi32> to vector<16xi32>
      %convert_element_type3A_633 = arith.uitofp %bitcast3A_632 : vector<16xi32> to vector<16xf32>
      %bitcast3A_634 = vector.bitcast %convert_element_type3A_633 : vector<16xf32> to vector<16xi32>
      %shift_right_arithmetic3A_635 = arith.constant 23 : i32
      %shift_right_arithmetic3A_636 = vector.broadcast %shift_right_arithmetic3A_635 : i32 to vector<16xi32>
      %shift_right_arithmetic3A_637 = arith.shrsi %bitcast3A_634, %shift_right_arithmetic3A_636 : vector<16xi32>
      %sub3A_638 = arith.constant 127 : i32
      %sub3A_639 = vector.broadcast %sub3A_638 : i32 to vector<16xi32>
      %sub3A_640 = arith.subi %shift_right_arithmetic3A_637, %sub3A_639 : vector<16xi32>
      %min3A_641 = arith.constant 31 : i32
      %min3A_642 = vector.broadcast %min3A_641 : i32 to vector<16xi32>
      %min3A_643 = arith.minsi %sub3A_640, %min3A_642 : vector<16xi32>
      %broadcast_in_dim3A_644 = vector.broadcast %reduce_max3A_629 : i32 to vector<16xi32>
      %broadcast_in_dim3A_645 = arith.constant 2 : i32
      %broadcast_in_dim3A_646 = vector.broadcast %broadcast_in_dim3A_645 : i32 to vector<16xi32>
      %shift_left3A_647 = arith.shli %broadcast_in_dim3A_646, %min3A_643 : vector<16xi32>
      %sub3A_648 = arith.constant 1 : i32
      %sub3A_649 = vector.broadcast %sub3A_648 : i32 to vector<16xi32>
      %sub3A_650 = arith.subi %shift_left3A_647, %sub3A_649 : vector<16xi32>
      %eq3A_651 = arith.constant 0 : i32
      %eq3A_652 = vector.broadcast %eq3A_651 : i32 to vector<16xi32>
      %eq3A_653 = arith.cmpi eq, %broadcast_in_dim3A_631, %eq3A_652 : vector<16xi32>
      %not3A_654 = arith.constant dense<-1> : vector<16xi32>
      %not3A_655 = arith.xori %sub3A_650, %not3A_654 : vector<16xi32>
      %and3A_656 = arith.andi %broadcast_in_dim3A_644, %not3A_655 : vector<16xi32>
      %select_n3A_657 = arith.select %eq3A_653, %broadcast_in_dim3A_644, %and3A_656 : vector<16xi1>, vector<16xi32>
      %ge3A_658 = arith.constant 31 : i32
      %ge3A_659 = vector.broadcast %ge3A_658 : i32 to vector<16xi32>
      %ge3A_660 = arith.cmpi sge, %min3A_643, %ge3A_659 : vector<16xi32>
      %broadcast_in_dim3A_661 = arith.constant -2147483648 : i32
      %broadcast_in_dim3A_662 = vector.broadcast %broadcast_in_dim3A_661 : i32 to vector<16xi32>
      %select_n3A_663 = arith.select %ge3A_660, %broadcast_in_dim3A_662, %select_n3A_657 : vector<16xi1>, vector<16xi32>
      %slice3A_664 = vector.extract_strided_slice %min3A_643 {offsets = [0], sizes = [1], strides = [1]} : vector<16xi32> to vector<1xi32>
      %squeeze3A_665 = vector.extract %slice3A_664[0] : i32 from vector<1xi32>
      %add3A_666 = arith.constant 1 : i32
      %add3A_667 = arith.addi %squeeze3A_665, %add3A_666 : i32
      %while3A_668 = arith.constant 0 : i32
      %while3A_669 = arith.subi %add3A_667, %while3A_668 : i32
      %while3A_670 = arith.addi %while3A_668, %while3A_669 : i32
      %while3A_671 = arith.constant 1 : i32
      %while3A_672 = arith.divsi %while3A_669, %while3A_671 : i32
      %while3A_673 = arith.muli %while3A_672, %while3A_671 : i32
      %while3A_674 = arith.addi %while3A_668, %while3A_673 : i32
      %while3A_675 = arith.constant 1 : i32
      %while3A_676 = scf.for %while3A_801 = %while3A_668 to %while3A_674 step %while3A_675 iter_args(%while3A_802 = %select_n3A_663) -> (vector<16xi32>)  : i32 {
        %sub3A_803 = arith.subi %squeeze3A_665, %while3A_801 : i32
        %broadcast_in_dim3A_804 = vector.broadcast %sub3A_803 : i32 to vector<16xi32>
        %broadcast_in_dim3A_805 = arith.constant 1 : i32
        %broadcast_in_dim3A_806 = vector.broadcast %broadcast_in_dim3A_805 : i32 to vector<16xi32>
        %shift_left3A_807 = arith.shli %broadcast_in_dim3A_806, %broadcast_in_dim3A_804 : vector<16xi32>
        %eq3A_808 = arith.constant 31 : i32
        %eq3A_809 = vector.broadcast %eq3A_808 : i32 to vector<16xi32>
        %eq3A_810 = arith.cmpi eq, %broadcast_in_dim3A_804, %eq3A_809 : vector<16xi32>
        %broadcast_in_dim3A_811 = arith.constant -2147483648 : i32
        %broadcast_in_dim3A_812 = vector.broadcast %broadcast_in_dim3A_811 : i32 to vector<16xi32>
        %xor3A_813 = arith.xori %while3A_802, %broadcast_in_dim3A_812 : vector<16xi32>
        %or3A = arith.ori %while3A_802, %shift_left3A_807 : vector<16xi32>
        %select_n3A_814 = arith.select %eq3A_810, %xor3A_813, %or3A : vector<16xi1>, vector<16xi32>
        %scan3A_815 = arith.constant 0 : i32
        %scan3A_816 = arith.constant 16 : i32
        %scan3A_817 = arith.addi %scan3A_815, %scan3A_816 : i32
        %scan3A_818 = arith.constant 1 : i32
        %scan3A_819 = scf.for %scan3A_825 = %scan3A_815 to %scan3A_817 step %scan3A_818 iter_args(%scan3A_826 = %broadcast_in_dim3A_8) -> (vector<16xi32>)  : i32 {
          %mul3A_827 = arith.constant 16 : i32
          %mul3A_828 = arith.muli %scan3A_825, %mul3A_827 : i32
          %get3A = arith.index_cast %mul3A_828 : i32 to index
          %get3A_829 = tpu.vector_load %arg7[%get3A] {strides = array<i32>} : memref<16368xi32, #tpu.memory_space<vmem>>, vector<16xi32>,
          %ge3A_830 = arith.cmpi sge, %get3A_829, %select_n3A_814 : vector<16xi32>
          %all_reduce_population_count3A = tpu.all_reduce %ge3A_830 {dim = 0 : i64, kind = #tpu.reduction_kind<sum>} : vector<16xi1> -> vector<16xi32>
          %add3A_831 = arith.addi %scan3A_826, %all_reduce_population_count3A : vector<16xi32>
          scf.yield %add3A_831 : vector<16xi32>
        }
        %scan3A_820 = arith.constant 16 : i32
        %ge3A_821 = arith.constant 64 : i32
        %ge3A_822 = vector.broadcast %ge3A_821 : i32 to vector<16xi32>
        %ge3A_823 = arith.cmpi sge, %scan3A_819, %ge3A_822 : vector<16xi32>
        %select_n3A_824 = arith.select %ge3A_823, %select_n3A_814, %while3A_802 : vector<16xi1>, vector<16xi32>
        scf.yield %select_n3A_824 : vector<16xi32>
      }
      %while3A_677 = arith.constant 1 : i32
      %while3A_678 = scf.for %while3A_801 = %while3A_674 to %while3A_670 step %while3A_677 iter_args(%while3A_802 = %while3A_676) -> (vector<16xi32>)  : i32 {
        %sub3A_803 = arith.subi %squeeze3A_665, %while3A_801 : i32
        %broadcast_in_dim3A_804 = vector.broadcast %sub3A_803 : i32 to vector<16xi32>
        %broadcast_in_dim3A_805 = arith.constant 1 : i32
        %broadcast_in_dim3A_806 = vector.broadcast %broadcast_in_dim3A_805 : i32 to vector<16xi32>
        %shift_left3A_807 = arith.shli %broadcast_in_dim3A_806, %broadcast_in_dim3A_804 : vector<16xi32>
        %eq3A_808 = arith.constant 31 : i32
        %eq3A_809 = vector.broadcast %eq3A_808 : i32 to vector<16xi32>
        %eq3A_810 = arith.cmpi eq, %broadcast_in_dim3A_804, %eq3A_809 : vector<16xi32>
        %broadcast_in_dim3A_811 = arith.constant -2147483648 : i32
        %broadcast_in_dim3A_812 = vector.broadcast %broadcast_in_dim3A_811 : i32 to vector<16xi32>
        %xor3A_813 = arith.xori %while3A_802, %broadcast_in_dim3A_812 : vector<16xi32>
        %or3A = arith.ori %while3A_802, %shift_left3A_807 : vector<16xi32>
        %select_n3A_814 = arith.select %eq3A_810, %xor3A_813, %or3A : vector<16xi1>, vector<16xi32>
        %scan3A_815 = arith.constant 0 : i32
        %scan3A_816 = arith.constant 16 : i32
        %scan3A_817 = arith.addi %scan3A_815, %scan3A_816 : i32
        %scan3A_818 = arith.constant 1 : i32
        %scan3A_819 = scf.for %scan3A_825 = %scan3A_815 to %scan3A_817 step %scan3A_818 iter_args(%scan3A_826 = %broadcast_in_dim3A_8) -> (vector<16xi32>)  : i32 {
          %mul3A_827 = arith.constant 16 : i32
          %mul3A_828 = arith.muli %scan3A_825, %mul3A_827 : i32
          %get3A = arith.index_cast %mul3A_828 : i32 to index
          %get3A_829 = tpu.vector_load %arg7[%get3A] {strides = array<i32>} : memref<16368xi32, #tpu.memory_space<vmem>>, vector<16xi32>,
          %ge3A_830 = arith.cmpi sge, %get3A_829, %select_n3A_814 : vector<16xi32>
          %all_reduce_population_count3A = tpu.all_reduce %ge3A_830 {dim = 0 : i64, kind = #tpu.reduction_kind<sum>} : vector<16xi1> -> vector<16xi32>
          %add3A_831 = arith.addi %scan3A_826, %all_reduce_population_count3A : vector<16xi32>
          scf.yield %add3A_831 : vector<16xi32>
        }
        %scan3A_820 = arith.constant 16 : i32
        %ge3A_821 = arith.constant 64 : i32
        %ge3A_822 = vector.broadcast %ge3A_821 : i32 to vector<16xi32>
        %ge3A_823 = arith.cmpi sge, %scan3A_819, %ge3A_822 : vector<16xi32>
        %select_n3A_824 = arith.select %ge3A_823, %select_n3A_814, %while3A_802 : vector<16xi1>, vector<16xi32>
        scf.yield %select_n3A_824 : vector<16xi32>
      }
      %reduce_max3A_679 = arith.constant true
      %reduce_max3A_680 = vector.broadcast %reduce_max3A_679 : i1 to vector<16xi1>
      %reduce_max3A_681 = arith.constant -2147483648 : i32
      %reduce_max3A_682 = vector.broadcast %reduce_max3A_681 : i32 to vector<16xi32>
      %reduce_max3A_683 = arith.xori %scan3A_311, %reduce_max3A_682 : vector<16xi32>
      %reduce_max3A_684 = tpu.scan <max>, %reduce_max3A_683 masked %reduce_max3A_680 : vector<16xi32>, vector<16xi1> -> vector<16xi32>
      %reduce_max3A_685 = arith.xori %reduce_max3A_684, %reduce_max3A_682 : vector<16xi32>
      %reduce_max3A_686 = vector.extract %reduce_max3A_685[15] : i32 from vector<16xi32>
      %while3A_687 = arith.constant 0 : i32
      %while3A_688 = arith.constant 0 : i32
      %while3A_689 = arith.subi %reduce_max3A_686, %while3A_687 : i32
      %while3A_690 = arith.addi %while3A_687, %while3A_689 : i32
      %while3A_691 = arith.constant 1 : i32
      %while3A_692 = arith.divsi %while3A_689, %while3A_691 : i32
      %while3A_693 = arith.muli %while3A_692, %while3A_691 : i32
      %while3A_694 = arith.addi %while3A_687, %while3A_693 : i32
      %while3A_695 = arith.constant 1 : i32
      %while3A_696 = scf.for %while3A_801 = %while3A_687 to %while3A_694 step %while3A_695 iter_args(%while3A_802 = %while3A_688) -> (i32)  : i32 {
        %add3A_803 = vector.broadcast %while3A_801 : i32 to vector<16xi32>
        %add3A_804 = arith.addi %mul3A_5, %add3A_803 : vector<16xi32>
        %gather3A = tpu.vector_load_idx %arg8[%add3A_804] : memref<16368xi32, #tpu.memory_space<vmem>>[vector<16xi32>], vector<16xi32>,
        %gt3A_805 = vector.broadcast %while3A_801 : i32 to vector<16xi32>
        %gt3A_806 = arith.cmpi sgt, %scan3A_311, %gt3A_805 : vector<16xi32>
        tpu.vector_store_idx %arg6[%gather3A], %broadcast_in_dim3A_6 masked %gt3A_806 : memref<32768xf32, #tpu.memory_space<vmem>>[vector<16xi32>], vector<16xf32>, vector<16xi1>
        %while3A_807 = arith.constant 0 : i32
        scf.yield %while3A_807 : i32
      }
      %while3A_697 = arith.constant 1 : i32
      %while3A_698 = scf.for %while3A_801 = %while3A_694 to %while3A_690 step %while3A_697 iter_args(%while3A_802 = %while3A_696) -> (i32)  : i32 {
        %add3A_803 = vector.broadcast %while3A_801 : i32 to vector<16xi32>
        %add3A_804 = arith.addi %mul3A_5, %add3A_803 : vector<16xi32>
        %gather3A = tpu.vector_load_idx %arg8[%add3A_804] : memref<16368xi32, #tpu.memory_space<vmem>>[vector<16xi32>], vector<16xi32>,
        %gt3A_805 = vector.broadcast %while3A_801 : i32 to vector<16xi32>
        %gt3A_806 = arith.cmpi sgt, %scan3A_311, %gt3A_805 : vector<16xi32>
        tpu.vector_store_idx %arg6[%gather3A], %broadcast_in_dim3A_6 masked %gt3A_806 : memref<32768xf32, #tpu.memory_space<vmem>>[vector<16xi32>], vector<16xf32>, vector<16xi1>
        %while3A_807 = arith.constant 0 : i32
        scf.yield %while3A_807 : i32
      }
      %add3A_699 = arith.constant 1 : i32
      %add3A_700 = arith.addi %add3A_32, %add3A_699 : i32
      %scan3A_701 = arith.constant 0 : i32
      %scan3A_702 = arith.constant 256 : i32
      %scan3A_703 = arith.addi %scan3A_701, %scan3A_702 : i32
      %scan3A_704 = arith.constant 1 : i32
      %scan3A_705 = scf.for %scan3A_801 = %scan3A_701 to %scan3A_703 step %scan3A_704 iter_args(%scan3A_802 = %broadcast_in_dim3A_8) -> (vector<16xi32>)  : i32 {
        %mul3A_803 = arith.constant 128 : i32
        %mul3A_804 = arith.muli %scan3A_801, %mul3A_803 : i32
        %add3A_805 = arith.constant 0 : i32
        %add3A_806 = arith.addi %mul3A_804, %add3A_805 : i32
        %get3A = arith.index_cast %add3A_806 : i32 to index
        %get3A_807 = tpu.vector_load %arg5[%get3A] {strides = array<i32>} : memref<32768xf32, #tpu.memory_space<vmem>>, vector<16xf32>,
        %add3A_808 = arith.constant 16 : i32
        %add3A_809 = arith.addi %mul3A_804, %add3A_808 : i32
        %get3A_810 = arith.index_cast %add3A_809 : i32 to index
        %get3A_811 = tpu.vector_load %arg5[%get3A_810] {strides = array<i32>} : memref<32768xf32, #tpu.memory_space<vmem>>, vector<16xf32>,
        %add3A_812 = arith.constant 32 : i32
        %add3A_813 = arith.addi %mul3A_804, %add3A_812 : i32
        %get3A_814 = arith.index_cast %add3A_813 : i32 to index
        %get3A_815 = tpu.vector_load %arg5[%get3A_814] {strides = array<i32>} : memref<32768xf32, #tpu.memory_space<vmem>>, vector<16xf32>,
        %add3A_816 = arith.constant 48 : i32
        %add3A_817 = arith.addi %mul3A_804, %add3A_816 : i32
        %get3A_818 = arith.index_cast %add3A_817 : i32 to index
        %get3A_819 = tpu.vector_load %arg5[%get3A_818] {strides = array<i32>} : memref<32768xf32, #tpu.memory_space<vmem>>, vector<16xf32>,
        %add3A_820 = arith.constant 64 : i32
        %add3A_821 = arith.addi %mul3A_804, %add3A_820 : i32
        %get3A_822 = arith.index_cast %add3A_821 : i32 to index
        %get3A_823 = tpu.vector_load %arg5[%get3A_822] {strides = array<i32>} : memref<32768xf32, #tpu.memory_space<vmem>>, vector<16xf32>,
        %add3A_824 = arith.constant 80 : i32
        %add3A_825 = arith.addi %mul3A_804, %add3A_824 : i32
        %get3A_826 = arith.index_cast %add3A_825 : i32 to index
        %get3A_827 = tpu.vector_load %arg5[%get3A_826] {strides = array<i32>} : memref<32768xf32, #tpu.memory_space<vmem>>, vector<16xf32>,
        %add3A_828 = arith.constant 96 : i32
        %add3A_829 = arith.addi %mul3A_804, %add3A_828 : i32
        %get3A_830 = arith.index_cast %add3A_829 : i32 to index
        %get3A_831 = tpu.vector_load %arg5[%get3A_830] {strides = array<i32>} : memref<32768xf32, #tpu.memory_space<vmem>>, vector<16xf32>,
        %add3A_832 = arith.constant 112 : i32
        %add3A_833 = arith.addi %mul3A_804, %add3A_832 : i32
        %get3A_834 = arith.index_cast %add3A_833 : i32 to index
        %get3A_835 = tpu.vector_load %arg5[%get3A_834] {strides = array<i32>} : memref<32768xf32, #tpu.memory_space<vmem>>, vector<16xf32>,
        %max3A_836 = arith.maximumf %get3A_807, %get3A_811 : vector<16xf32>
        %max3A_837 = arith.maximumf %max3A_836, %get3A_815 : vector<16xf32>
        %max3A_838 = arith.maximumf %max3A_837, %get3A_819 : vector<16xf32>
        %max3A_839 = arith.maximumf %max3A_838, %get3A_823 : vector<16xf32>
        %max3A_840 = arith.maximumf %max3A_839, %get3A_827 : vector<16xf32>
        %max3A_841 = arith.maximumf %max3A_840, %get3A_831 : vector<16xf32>
        %max3A_842 = arith.maximumf %max3A_841, %get3A_835 : vector<16xf32>
        %bitcast3A_843 = vector.bitcast %max3A_842 : vector<16xf32> to vector<16xi32>
        %lt3A_844 = arith.constant 0 : i32
        %lt3A_845 = vector.broadcast %lt3A_844 : i32 to vector<16xi32>
        %lt3A_846 = arith.cmpi slt, %bitcast3A_843, %lt3A_845 : vector<16xi32>
        %xor3A_847 = arith.constant 2147483647 : i32
        %xor3A_848 = vector.broadcast %xor3A_847 : i32 to vector<16xi32>
        %xor3A_849 = arith.xori %bitcast3A_843, %xor3A_848 : vector<16xi32>
        %select_n3A_850 = arith.select %lt3A_846, %xor3A_849, %bitcast3A_843 : vector<16xi1>, vector<16xi32>
        %ge3A_851 = arith.cmpi sge, %select_n3A_850, %while3A_678 : vector<16xi32>
        %reduce_or3A = arith.constant 1.000000e+00 : f32
        %reduce_or3A_852 = arith.constant 0.000000e+00 : f32
        %reduce_or3A_853 = vector.broadcast %reduce_or3A : f32 to vector<16xf32>
        %reduce_or3A_854 = vector.broadcast %reduce_or3A_852 : f32 to vector<16xf32>
        %reduce_or3A_855 = arith.select %ge3A_851, %reduce_or3A_853, %reduce_or3A_854 : vector<16xi1>, vector<16xf32>
        %reduce_or3A_856 = arith.constant true
        %reduce_or3A_857 = vector.broadcast %reduce_or3A_856 : i1 to vector<16xi1>
        %reduce_or3A_858 = tpu.scan <max>, %reduce_or3A_855 masked %reduce_or3A_857 : vector<16xf32>, vector<16xi1> -> vector<16xf32>
        %reduce_or3A_859 = vector.extract %reduce_or3A_858[15] : f32 from vector<16xf32>
        %reduce_or3A_860 = arith.constant 0.000000e+00 : f32
        %reduce_or3A_861 = arith.cmpf ogt, %reduce_or3A_859, %reduce_or3A_860 : f32
        %convert_element_type3A_862 = arith.extui %reduce_or3A_861 : i1 to i32
        %cond3A_863 = arith.constant 0 : i32
        %cond3A_864 = arith.cmpi ne, %convert_element_type3A_862, %cond3A_863 : i32
        %cond3A_865 = scf.if %cond3A_864 -> (vector<16xi32>) {
          %bitcast3A_866 = vector.bitcast %get3A_807 : vector<16xf32> to vector<16xi32>
          %lt3A_867 = arith.constant 0 : i32
          %lt3A_868 = vector.broadcast %lt3A_867 : i32 to vector<16xi32>
          %lt3A_869 = arith.cmpi slt, %bitcast3A_866, %lt3A_868 : vector<16xi32>
          %xor3A_870 = arith.constant 2147483647 : i32
          %xor3A_871 = vector.broadcast %xor3A_870 : i32 to vector<16xi32>
          %xor3A_872 = arith.xori %bitcast3A_866, %xor3A_871 : vector<16xi32>
          %select_n3A_873 = arith.select %lt3A_869, %xor3A_872, %bitcast3A_866 : vector<16xi1>, vector<16xi32>
          %ge3A_874 = arith.cmpi sge, %select_n3A_873, %while3A_678 : vector<16xi32>
          %add3A_875 = arith.addi %mul3A_5, %scan3A_802 : vector<16xi32>
          tpu.vector_store_idx %arg7[%add3A_875], %select_n3A_873 masked %ge3A_874 : memref<16368xi32, #tpu.memory_space<vmem>>[vector<16xi32>], vector<16xi32>, vector<16xi1>
          %add3A_876 = arith.constant 0 : i32
          %add3A_877 = arith.addi %mul3A_804, %add3A_876 : i32
          %add3A_878 = vector.broadcast %add3A_877 : i32 to vector<16xi32>
          %add3A_879 = arith.addi %iota3A, %add3A_878 : vector<16xi32>
          tpu.vector_store_idx %arg8[%add3A_875], %add3A_879 masked %ge3A_874 : memref<16368xi32, #tpu.memory_space<vmem>>[vector<16xi32>], vector<16xi32>, vector<16xi1>
          %convert_element_type3A_880 = arith.extui %ge3A_874 : vector<16xi1> to vector<16xi32>
          %add3A_881 = arith.addi %scan3A_802, %convert_element_type3A_880 : vector<16xi32>
          %bitcast3A_882 = vector.bitcast %get3A_811 : vector<16xf32> to vector<16xi32>
          %lt3A_883 = arith.constant 0 : i32
          %lt3A_884 = vector.broadcast %lt3A_883 : i32 to vector<16xi32>
          %lt3A_885 = arith.cmpi slt, %bitcast3A_882, %lt3A_884 : vector<16xi32>
          %xor3A_886 = arith.constant 2147483647 : i32
          %xor3A_887 = vector.broadcast %xor3A_886 : i32 to vector<16xi32>
          %xor3A_888 = arith.xori %bitcast3A_882, %xor3A_887 : vector<16xi32>
          %select_n3A_889 = arith.select %lt3A_885, %xor3A_888, %bitcast3A_882 : vector<16xi1>, vector<16xi32>
          %ge3A_890 = arith.cmpi sge, %select_n3A_889, %while3A_678 : vector<16xi32>
          %add3A_891 = arith.addi %mul3A_5, %add3A_881 : vector<16xi32>
          tpu.vector_store_idx %arg7[%add3A_891], %select_n3A_889 masked %ge3A_890 : memref<16368xi32, #tpu.memory_space<vmem>>[vector<16xi32>], vector<16xi32>, vector<16xi1>
          %add3A_892 = arith.constant 16 : i32
          %add3A_893 = arith.addi %mul3A_804, %add3A_892 : i32
          %add3A_894 = vector.broadcast %add3A_893 : i32 to vector<16xi32>
          %add3A_895 = arith.addi %iota3A, %add3A_894 : vector<16xi32>
          tpu.vector_store_idx %arg8[%add3A_891], %add3A_895 masked %ge3A_890 : memref<16368xi32, #tpu.memory_space<vmem>>[vector<16xi32>], vector<16xi32>, vector<16xi1>
          %convert_element_type3A_896 = arith.extui %ge3A_890 : vector<16xi1> to vector<16xi32>
          %add3A_897 = arith.addi %add3A_881, %convert_element_type3A_896 : vector<16xi32>
          %bitcast3A_898 = vector.bitcast %get3A_815 : vector<16xf32> to vector<16xi32>
          %lt3A_899 = arith.constant 0 : i32
          %lt3A_900 = vector.broadcast %lt3A_899 : i32 to vector<16xi32>
          %lt3A_901 = arith.cmpi slt, %bitcast3A_898, %lt3A_900 : vector<16xi32>
          %xor3A_902 = arith.constant 2147483647 : i32
          %xor3A_903 = vector.broadcast %xor3A_902 : i32 to vector<16xi32>
          %xor3A_904 = arith.xori %bitcast3A_898, %xor3A_903 : vector<16xi32>
          %select_n3A_905 = arith.select %lt3A_901, %xor3A_904, %bitcast3A_898 : vector<16xi1>, vector<16xi32>
          %ge3A_906 = arith.cmpi sge, %select_n3A_905, %while3A_678 : vector<16xi32>
          %add3A_907 = arith.addi %mul3A_5, %add3A_897 : vector<16xi32>
          tpu.vector_store_idx %arg7[%add3A_907], %select_n3A_905 masked %ge3A_906 : memref<16368xi32, #tpu.memory_space<vmem>>[vector<16xi32>], vector<16xi32>, vector<16xi1>
          %add3A_908 = arith.constant 32 : i32
          %add3A_909 = arith.addi %mul3A_804, %add3A_908 : i32
          %add3A_910 = vector.broadcast %add3A_909 : i32 to vector<16xi32>
          %add3A_911 = arith.addi %iota3A, %add3A_910 : vector<16xi32>
          tpu.vector_store_idx %arg8[%add3A_907], %add3A_911 masked %ge3A_906 : memref<16368xi32, #tpu.memory_space<vmem>>[vector<16xi32>], vector<16xi32>, vector<16xi1>
          %convert_element_type3A_912 = arith.extui %ge3A_906 : vector<16xi1> to vector<16xi32>
          %add3A_913 = arith.addi %add3A_897, %convert_element_type3A_912 : vector<16xi32>
          %bitcast3A_914 = vector.bitcast %get3A_819 : vector<16xf32> to vector<16xi32>
          %lt3A_915 = arith.constant 0 : i32
          %lt3A_916 = vector.broadcast %lt3A_915 : i32 to vector<16xi32>
          %lt3A_917 = arith.cmpi slt, %bitcast3A_914, %lt3A_916 : vector<16xi32>
          %xor3A_918 = arith.constant 2147483647 : i32
          %xor3A_919 = vector.broadcast %xor3A_918 : i32 to vector<16xi32>
          %xor3A_920 = arith.xori %bitcast3A_914, %xor3A_919 : vector<16xi32>
          %select_n3A_921 = arith.select %lt3A_917, %xor3A_920, %bitcast3A_914 : vector<16xi1>, vector<16xi32>
          %ge3A_922 = arith.cmpi sge, %select_n3A_921, %while3A_678 : vector<16xi32>
          %add3A_923 = arith.addi %mul3A_5, %add3A_913 : vector<16xi32>
          tpu.vector_store_idx %arg7[%add3A_923], %select_n3A_921 masked %ge3A_922 : memref<16368xi32, #tpu.memory_space<vmem>>[vector<16xi32>], vector<16xi32>, vector<16xi1>
          %add3A_924 = arith.constant 48 : i32
          %add3A_925 = arith.addi %mul3A_804, %add3A_924 : i32
          %add3A_926 = vector.broadcast %add3A_925 : i32 to vector<16xi32>
          %add3A_927 = arith.addi %iota3A, %add3A_926 : vector<16xi32>
          tpu.vector_store_idx %arg8[%add3A_923], %add3A_927 masked %ge3A_922 : memref<16368xi32, #tpu.memory_space<vmem>>[vector<16xi32>], vector<16xi32>, vector<16xi1>
          %convert_element_type3A_928 = arith.extui %ge3A_922 : vector<16xi1> to vector<16xi32>
          %add3A_929 = arith.addi %add3A_913, %convert_element_type3A_928 : vector<16xi32>
          %bitcast3A_930 = vector.bitcast %get3A_823 : vector<16xf32> to vector<16xi32>
          %lt3A_931 = arith.constant 0 : i32
          %lt3A_932 = vector.broadcast %lt3A_931 : i32 to vector<16xi32>
          %lt3A_933 = arith.cmpi slt, %bitcast3A_930, %lt3A_932 : vector<16xi32>
          %xor3A_934 = arith.constant 2147483647 : i32
          %xor3A_935 = vector.broadcast %xor3A_934 : i32 to vector<16xi32>
          %xor3A_936 = arith.xori %bitcast3A_930, %xor3A_935 : vector<16xi32>
          %select_n3A_937 = arith.select %lt3A_933, %xor3A_936, %bitcast3A_930 : vector<16xi1>, vector<16xi32>
          %ge3A_938 = arith.cmpi sge, %select_n3A_937, %while3A_678 : vector<16xi32>
          %add3A_939 = arith.addi %mul3A_5, %add3A_929 : vector<16xi32>
          tpu.vector_store_idx %arg7[%add3A_939], %select_n3A_937 masked %ge3A_938 : memref<16368xi32, #tpu.memory_space<vmem>>[vector<16xi32>], vector<16xi32>, vector<16xi1>
          %add3A_940 = arith.constant 64 : i32
          %add3A_941 = arith.addi %mul3A_804, %add3A_940 : i32
          %add3A_942 = vector.broadcast %add3A_941 : i32 to vector<16xi32>
          %add3A_943 = arith.addi %iota3A, %add3A_942 : vector<16xi32>
          tpu.vector_store_idx %arg8[%add3A_939], %add3A_943 masked %ge3A_938 : memref<16368xi32, #tpu.memory_space<vmem>>[vector<16xi32>], vector<16xi32>, vector<16xi1>
          %convert_element_type3A_944 = arith.extui %ge3A_938 : vector<16xi1> to vector<16xi32>
          %add3A_945 = arith.addi %add3A_929, %convert_element_type3A_944 : vector<16xi32>
          %bitcast3A_946 = vector.bitcast %get3A_827 : vector<16xf32> to vector<16xi32>
          %lt3A_947 = arith.constant 0 : i32
          %lt3A_948 = vector.broadcast %lt3A_947 : i32 to vector<16xi32>
          %lt3A_949 = arith.cmpi slt, %bitcast3A_946, %lt3A_948 : vector<16xi32>
          %xor3A_950 = arith.constant 2147483647 : i32
          %xor3A_951 = vector.broadcast %xor3A_950 : i32 to vector<16xi32>
          %xor3A_952 = arith.xori %bitcast3A_946, %xor3A_951 : vector<16xi32>
          %select_n3A_953 = arith.select %lt3A_949, %xor3A_952, %bitcast3A_946 : vector<16xi1>, vector<16xi32>
          %ge3A_954 = arith.cmpi sge, %select_n3A_953, %while3A_678 : vector<16xi32>
          %add3A_955 = arith.addi %mul3A_5, %add3A_945 : vector<16xi32>
          tpu.vector_store_idx %arg7[%add3A_955], %select_n3A_953 masked %ge3A_954 : memref<16368xi32, #tpu.memory_space<vmem>>[vector<16xi32>], vector<16xi32>, vector<16xi1>
          %add3A_956 = arith.constant 80 : i32
          %add3A_957 = arith.addi %mul3A_804, %add3A_956 : i32
          %add3A_958 = vector.broadcast %add3A_957 : i32 to vector<16xi32>
          %add3A_959 = arith.addi %iota3A, %add3A_958 : vector<16xi32>
          tpu.vector_store_idx %arg8[%add3A_955], %add3A_959 masked %ge3A_954 : memref<16368xi32, #tpu.memory_space<vmem>>[vector<16xi32>], vector<16xi32>, vector<16xi1>
          %convert_element_type3A_960 = arith.extui %ge3A_954 : vector<16xi1> to vector<16xi32>
          %add3A_961 = arith.addi %add3A_945, %convert_element_type3A_960 : vector<16xi32>
          %bitcast3A_962 = vector.bitcast %get3A_831 : vector<16xf32> to vector<16xi32>
          %lt3A_963 = arith.constant 0 : i32
          %lt3A_964 = vector.broadcast %lt3A_963 : i32 to vector<16xi32>
          %lt3A_965 = arith.cmpi slt, %bitcast3A_962, %lt3A_964 : vector<16xi32>
          %xor3A_966 = arith.constant 2147483647 : i32
          %xor3A_967 = vector.broadcast %xor3A_966 : i32 to vector<16xi32>
          %xor3A_968 = arith.xori %bitcast3A_962, %xor3A_967 : vector<16xi32>
          %select_n3A_969 = arith.select %lt3A_965, %xor3A_968, %bitcast3A_962 : vector<16xi1>, vector<16xi32>
          %ge3A_970 = arith.cmpi sge, %select_n3A_969, %while3A_678 : vector<16xi32>
          %add3A_971 = arith.addi %mul3A_5, %add3A_961 : vector<16xi32>
          tpu.vector_store_idx %arg7[%add3A_971], %select_n3A_969 masked %ge3A_970 : memref<16368xi32, #tpu.memory_space<vmem>>[vector<16xi32>], vector<16xi32>, vector<16xi1>
          %add3A_972 = arith.constant 96 : i32
          %add3A_973 = arith.addi %mul3A_804, %add3A_972 : i32
          %add3A_974 = vector.broadcast %add3A_973 : i32 to vector<16xi32>
          %add3A_975 = arith.addi %iota3A, %add3A_974 : vector<16xi32>
          tpu.vector_store_idx %arg8[%add3A_971], %add3A_975 masked %ge3A_970 : memref<16368xi32, #tpu.memory_space<vmem>>[vector<16xi32>], vector<16xi32>, vector<16xi1>
          %convert_element_type3A_976 = arith.extui %ge3A_970 : vector<16xi1> to vector<16xi32>
          %add3A_977 = arith.addi %add3A_961, %convert_element_type3A_976 : vector<16xi32>
          %bitcast3A_978 = vector.bitcast %get3A_835 : vector<16xf32> to vector<16xi32>
          %lt3A_979 = arith.constant 0 : i32
          %lt3A_980 = vector.broadcast %lt3A_979 : i32 to vector<16xi32>
          %lt3A_981 = arith.cmpi slt, %bitcast3A_978, %lt3A_980 : vector<16xi32>
          %xor3A_982 = arith.constant 2147483647 : i32
          %xor3A_983 = vector.broadcast %xor3A_982 : i32 to vector<16xi32>
          %xor3A_984 = arith.xori %bitcast3A_978, %xor3A_983 : vector<16xi32>
          %select_n3A_985 = arith.select %lt3A_981, %xor3A_984, %bitcast3A_978 : vector<16xi1>, vector<16xi32>
          %ge3A_986 = arith.cmpi sge, %select_n3A_985, %while3A_678 : vector<16xi32>
          %add3A_987 = arith.addi %mul3A_5, %add3A_977 : vector<16xi32>
          tpu.vector_store_idx %arg7[%add3A_987], %select_n3A_985 masked %ge3A_986 : memref<16368xi32, #tpu.memory_space<vmem>>[vector<16xi32>], vector<16xi32>, vector<16xi1>
          %add3A_988 = arith.constant 112 : i32
          %add3A_989 = arith.addi %mul3A_804, %add3A_988 : i32
          %add3A_990 = vector.broadcast %add3A_989 : i32 to vector<16xi32>
          %add3A_991 = arith.addi %iota3A, %add3A_990 : vector<16xi32>
          tpu.vector_store_idx %arg8[%add3A_987], %add3A_991 masked %ge3A_986 : memref<16368xi32, #tpu.memory_space<vmem>>[vector<16xi32>], vector<16xi32>, vector<16xi1>
          %convert_element_type3A_992 = arith.extui %ge3A_986 : vector<16xi1> to vector<16xi32>
          %add3A_993 = arith.addi %add3A_977, %convert_element_type3A_992 : vector<16xi32>
          scf.yield %add3A_993 : vector<16xi32>
        } else {
          scf.yield %scan3A_802 : vector<16xi32>
        }
        scf.yield %cond3A_865 : vector<16xi32>
      }
      %scan3A_706 = arith.constant 256 : i32
      %reduce_max3A_707 = arith.constant true
      %reduce_max3A_708 = vector.broadcast %reduce_max3A_707 : i1 to vector<16xi1>
      %reduce_max3A_709 = arith.constant -2147483648 : i32
      %reduce_max3A_710 = vector.broadcast %reduce_max3A_709 : i32 to vector<16xi32>
      %reduce_max3A_711 = arith.xori %scan3A_705, %reduce_max3A_710 : vector<16xi32>
      %reduce_max3A_712 = tpu.scan <max>, %reduce_max3A_711 masked %reduce_max3A_708 : vector<16xi32>, vector<16xi1> -> vector<16xi32>
      %reduce_max3A_713 = arith.xori %reduce_max3A_712, %reduce_max3A_710 : vector<16xi32>
      %reduce_max3A_714 = vector.extract %reduce_max3A_713[15] : i32 from vector<16xi32>
      %slice3A_715 = vector.extract_strided_slice %while3A_678 {offsets = [0], sizes = [1], strides = [1]} : vector<16xi32> to vector<1xi32>
      %squeeze3A_716 = vector.extract %slice3A_715[0] : i32 from vector<1xi32>
      %xor3A_717 = arith.xori %reduce_max3A_629, %squeeze3A_716 : i32
      %broadcast_in_dim3A_718 = vector.broadcast %xor3A_717 : i32 to vector<16xi32>
      %bitcast3A_719 = vector.bitcast %broadcast_in_dim3A_718 : vector<16xi32> to vector<16xi32>
      %convert_element_type3A_720 = arith.uitofp %bitcast3A_719 : vector<16xi32> to vector<16xf32>
      %bitcast3A_721 = vector.bitcast %convert_element_type3A_720 : vector<16xf32> to vector<16xi32>
      %shift_right_arithmetic3A_722 = arith.constant 23 : i32
      %shift_right_arithmetic3A_723 = vector.broadcast %shift_right_arithmetic3A_722 : i32 to vector<16xi32>
      %shift_right_arithmetic3A_724 = arith.shrsi %bitcast3A_721, %shift_right_arithmetic3A_723 : vector<16xi32>
      %sub3A_725 = arith.constant 127 : i32
      %sub3A_726 = vector.broadcast %sub3A_725 : i32 to vector<16xi32>
      %sub3A_727 = arith.subi %shift_right_arithmetic3A_724, %sub3A_726 : vector<16xi32>
      %min3A_728 = arith.constant 31 : i32
      %min3A_729 = vector.broadcast %min3A_728 : i32 to vector<16xi32>
      %min3A_730 = arith.minsi %sub3A_727, %min3A_729 : vector<16xi32>
      %broadcast_in_dim3A_731 = vector.broadcast %reduce_max3A_629 : i32 to vector<16xi32>
      %broadcast_in_dim3A_732 = arith.constant 2 : i32
      %broadcast_in_dim3A_733 = vector.broadcast %broadcast_in_dim3A_732 : i32 to vector<16xi32>
      %shift_left3A_734 = arith.shli %broadcast_in_dim3A_733, %min3A_730 : vector<16xi32>
      %sub3A_735 = arith.constant 1 : i32
      %sub3A_736 = vector.broadcast %sub3A_735 : i32 to vector<16xi32>
      %sub3A_737 = arith.subi %shift_left3A_734, %sub3A_736 : vector<16xi32>
      %eq3A_738 = arith.constant 0 : i32
      %eq3A_739 = vector.broadcast %eq3A_738 : i32 to vector<16xi32>
      %eq3A_740 = arith.cmpi eq, %broadcast_in_dim3A_718, %eq3A_739 : vector<16xi32>
      %not3A_741 = arith.constant dense<-1> : vector<16xi32>
      %not3A_742 = arith.xori %sub3A_737, %not3A_741 : vector<16xi32>
      %and3A_743 = arith.andi %broadcast_in_dim3A_731, %not3A_742 : vector<16xi32>
      %select_n3A_744 = arith.select %eq3A_740, %broadcast_in_dim3A_731, %and3A_743 : vector<16xi1>, vector<16xi32>
      %ge3A_745 = arith.constant 31 : i32
      %ge3A_746 = vector.broadcast %ge3A_745 : i32 to vector<16xi32>
      %ge3A_747 = arith.cmpi sge, %min3A_730, %ge3A_746 : vector<16xi32>
      %broadcast_in_dim3A_748 = arith.constant -2147483648 : i32
      %broadcast_in_dim3A_749 = vector.broadcast %broadcast_in_dim3A_748 : i32 to vector<16xi32>
      %select_n3A_750 = arith.select %ge3A_747, %broadcast_in_dim3A_749, %select_n3A_744 : vector<16xi1>, vector<16xi32>
      %slice3A_751 = vector.extract_strided_slice %min3A_730 {offsets = [0], sizes = [1], strides = [1]} : vector<16xi32> to vector<1xi32>
      %squeeze3A_752 = vector.extract %slice3A_751[0] : i32 from vector<1xi32>
      %add3A_753 = arith.constant 1 : i32
      %add3A_754 = arith.addi %squeeze3A_752, %add3A_753 : i32
      %while3A_755 = arith.constant 0 : i32
      %while3A_756 = arith.subi %add3A_754, %while3A_755 : i32
      %while3A_757 = arith.addi %while3A_755, %while3A_756 : i32
      %while3A_758 = arith.constant 1 : i32
      %while3A_759 = arith.divsi %while3A_756, %while3A_758 : i32
      %while3A_760 = arith.muli %while3A_759, %while3A_758 : i32
      %while3A_761 = arith.addi %while3A_755, %while3A_760 : i32
      %while3A_762 = arith.constant 1 : i32
      %while3A_763 = scf.for %while3A_801 = %while3A_755 to %while3A_761 step %while3A_762 iter_args(%while3A_802 = %select_n3A_750) -> (vector<16xi32>)  : i32 {
        %sub3A_803 = arith.subi %squeeze3A_752, %while3A_801 : i32
        %broadcast_in_dim3A_804 = vector.broadcast %sub3A_803 : i32 to vector<16xi32>
        %broadcast_in_dim3A_805 = arith.constant 1 : i32
        %broadcast_in_dim3A_806 = vector.broadcast %broadcast_in_dim3A_805 : i32 to vector<16xi32>
        %shift_left3A_807 = arith.shli %broadcast_in_dim3A_806, %broadcast_in_dim3A_804 : vector<16xi32>
        %eq3A_808 = arith.constant 31 : i32
        %eq3A_809 = vector.broadcast %eq3A_808 : i32 to vector<16xi32>
        %eq3A_810 = arith.cmpi eq, %broadcast_in_dim3A_804, %eq3A_809 : vector<16xi32>
        %broadcast_in_dim3A_811 = arith.constant -2147483648 : i32
        %broadcast_in_dim3A_812 = vector.broadcast %broadcast_in_dim3A_811 : i32 to vector<16xi32>
        %xor3A_813 = arith.xori %while3A_802, %broadcast_in_dim3A_812 : vector<16xi32>
        %or3A = arith.ori %while3A_802, %shift_left3A_807 : vector<16xi32>
        %select_n3A_814 = arith.select %eq3A_810, %xor3A_813, %or3A : vector<16xi1>, vector<16xi32>
        %while3A_815 = arith.constant 0 : i32
        %while3A_816 = arith.subi %reduce_max3A_714, %while3A_815 : i32
        %while3A_817 = arith.addi %while3A_815, %while3A_816 : i32
        %while3A_818 = arith.constant 1 : i32
        %while3A_819 = arith.divsi %while3A_816, %while3A_818 : i32
        %while3A_820 = arith.muli %while3A_819, %while3A_818 : i32
        %while3A_821 = arith.addi %while3A_815, %while3A_820 : i32
        %while3A_822 = arith.constant 1 : i32
        %while3A_823 = scf.for %while3A_830 = %while3A_815 to %while3A_821 step %while3A_822 iter_args(%while3A_831 = %broadcast_in_dim3A_8) -> (vector<16xi32>)  : i32 {
          %add3A_832 = vector.broadcast %while3A_830 : i32 to vector<16xi32>
          %add3A_833 = arith.addi %mul3A_5, %add3A_832 : vector<16xi32>
          %gather3A = tpu.vector_load_idx %arg7[%add3A_833] : memref<16368xi32, #tpu.memory_space<vmem>>[vector<16xi32>], vector<16xi32>,
          %ge3A_834 = arith.cmpi sge, %gather3A, %select_n3A_814 : vector<16xi32>
          %gt3A_835 = vector.broadcast %while3A_830 : i32 to vector<16xi32>
          %gt3A_836 = arith.cmpi sgt, %scan3A_705, %gt3A_835 : vector<16xi32>
          %and3A_837 = arith.andi %ge3A_834, %gt3A_836 : vector<16xi1>
          %all_reduce_population_count3A = tpu.all_reduce %and3A_837 {dim = 0 : i64, kind = #tpu.reduction_kind<sum>} : vector<16xi1> -> vector<16xi32>
          %add3A_838 = arith.addi %while3A_831, %all_reduce_population_count3A : vector<16xi32>
          scf.yield %add3A_838 : vector<16xi32>
        }
        %while3A_824 = arith.constant 1 : i32
        %while3A_825 = scf.for %while3A_830 = %while3A_821 to %while3A_817 step %while3A_824 iter_args(%while3A_831 = %while3A_823) -> (vector<16xi32>)  : i32 {
          %add3A_832 = vector.broadcast %while3A_830 : i32 to vector<16xi32>
          %add3A_833 = arith.addi %mul3A_5, %add3A_832 : vector<16xi32>
          %gather3A = tpu.vector_load_idx %arg7[%add3A_833] : memref<16368xi32, #tpu.memory_space<vmem>>[vector<16xi32>], vector<16xi32>,
          %ge3A_834 = arith.cmpi sge, %gather3A, %select_n3A_814 : vector<16xi32>
          %gt3A_835 = vector.broadcast %while3A_830 : i32 to vector<16xi32>
          %gt3A_836 = arith.cmpi sgt, %scan3A_705, %gt3A_835 : vector<16xi32>
          %and3A_837 = arith.andi %ge3A_834, %gt3A_836 : vector<16xi1>
          %all_reduce_population_count3A = tpu.all_reduce %and3A_837 {dim = 0 : i64, kind = #tpu.reduction_kind<sum>} : vector<16xi1> -> vector<16xi32>
          %add3A_838 = arith.addi %while3A_831, %all_reduce_population_count3A : vector<16xi32>
          scf.yield %add3A_838 : vector<16xi32>
        }
        %ge3A_826 = arith.constant 64 : i32
        %ge3A_827 = vector.broadcast %ge3A_826 : i32 to vector<16xi32>
        %ge3A_828 = arith.cmpi sge, %while3A_825, %ge3A_827 : vector<16xi32>
        %select_n3A_829 = arith.select %ge3A_828, %select_n3A_814, %while3A_802 : vector<16xi1>, vector<16xi32>
        scf.yield %select_n3A_829 : vector<16xi32>
      }
      %while3A_764 = arith.constant 1 : i32
      %while3A_765 = scf.for %while3A_801 = %while3A_761 to %while3A_757 step %while3A_764 iter_args(%while3A_802 = %while3A_763) -> (vector<16xi32>)  : i32 {
        %sub3A_803 = arith.subi %squeeze3A_752, %while3A_801 : i32
        %broadcast_in_dim3A_804 = vector.broadcast %sub3A_803 : i32 to vector<16xi32>
        %broadcast_in_dim3A_805 = arith.constant 1 : i32
        %broadcast_in_dim3A_806 = vector.broadcast %broadcast_in_dim3A_805 : i32 to vector<16xi32>
        %shift_left3A_807 = arith.shli %broadcast_in_dim3A_806, %broadcast_in_dim3A_804 : vector<16xi32>
        %eq3A_808 = arith.constant 31 : i32
        %eq3A_809 = vector.broadcast %eq3A_808 : i32 to vector<16xi32>
        %eq3A_810 = arith.cmpi eq, %broadcast_in_dim3A_804, %eq3A_809 : vector<16xi32>
        %broadcast_in_dim3A_811 = arith.constant -2147483648 : i32
        %broadcast_in_dim3A_812 = vector.broadcast %broadcast_in_dim3A_811 : i32 to vector<16xi32>
        %xor3A_813 = arith.xori %while3A_802, %broadcast_in_dim3A_812 : vector<16xi32>
        %or3A = arith.ori %while3A_802, %shift_left3A_807 : vector<16xi32>
        %select_n3A_814 = arith.select %eq3A_810, %xor3A_813, %or3A : vector<16xi1>, vector<16xi32>
        %while3A_815 = arith.constant 0 : i32
        %while3A_816 = arith.subi %reduce_max3A_714, %while3A_815 : i32
        %while3A_817 = arith.addi %while3A_815, %while3A_816 : i32
        %while3A_818 = arith.constant 1 : i32
        %while3A_819 = arith.divsi %while3A_816, %while3A_818 : i32
        %while3A_820 = arith.muli %while3A_819, %while3A_818 : i32
        %while3A_821 = arith.addi %while3A_815, %while3A_820 : i32
        %while3A_822 = arith.constant 1 : i32
        %while3A_823 = scf.for %while3A_830 = %while3A_815 to %while3A_821 step %while3A_822 iter_args(%while3A_831 = %broadcast_in_dim3A_8) -> (vector<16xi32>)  : i32 {
          %add3A_832 = vector.broadcast %while3A_830 : i32 to vector<16xi32>
          %add3A_833 = arith.addi %mul3A_5, %add3A_832 : vector<16xi32>
          %gather3A = tpu.vector_load_idx %arg7[%add3A_833] : memref<16368xi32, #tpu.memory_space<vmem>>[vector<16xi32>], vector<16xi32>,
          %ge3A_834 = arith.cmpi sge, %gather3A, %select_n3A_814 : vector<16xi32>
          %gt3A_835 = vector.broadcast %while3A_830 : i32 to vector<16xi32>
          %gt3A_836 = arith.cmpi sgt, %scan3A_705, %gt3A_835 : vector<16xi32>
          %and3A_837 = arith.andi %ge3A_834, %gt3A_836 : vector<16xi1>
          %all_reduce_population_count3A = tpu.all_reduce %and3A_837 {dim = 0 : i64, kind = #tpu.reduction_kind<sum>} : vector<16xi1> -> vector<16xi32>
          %add3A_838 = arith.addi %while3A_831, %all_reduce_population_count3A : vector<16xi32>
          scf.yield %add3A_838 : vector<16xi32>
        }
        %while3A_824 = arith.constant 1 : i32
        %while3A_825 = scf.for %while3A_830 = %while3A_821 to %while3A_817 step %while3A_824 iter_args(%while3A_831 = %while3A_823) -> (vector<16xi32>)  : i32 {
          %add3A_832 = vector.broadcast %while3A_830 : i32 to vector<16xi32>
          %add3A_833 = arith.addi %mul3A_5, %add3A_832 : vector<16xi32>
          %gather3A = tpu.vector_load_idx %arg7[%add3A_833] : memref<16368xi32, #tpu.memory_space<vmem>>[vector<16xi32>], vector<16xi32>,
          %ge3A_834 = arith.cmpi sge, %gather3A, %select_n3A_814 : vector<16xi32>
          %gt3A_835 = vector.broadcast %while3A_830 : i32 to vector<16xi32>
          %gt3A_836 = arith.cmpi sgt, %scan3A_705, %gt3A_835 : vector<16xi32>
          %and3A_837 = arith.andi %ge3A_834, %gt3A_836 : vector<16xi1>
          %all_reduce_population_count3A = tpu.all_reduce %and3A_837 {dim = 0 : i64, kind = #tpu.reduction_kind<sum>} : vector<16xi1> -> vector<16xi32>
          %add3A_838 = arith.addi %while3A_831, %all_reduce_population_count3A : vector<16xi32>
          scf.yield %add3A_838 : vector<16xi32>
        }
        %ge3A_826 = arith.constant 64 : i32
        %ge3A_827 = vector.broadcast %ge3A_826 : i32 to vector<16xi32>
        %ge3A_828 = arith.cmpi sge, %while3A_825, %ge3A_827 : vector<16xi32>
        %select_n3A_829 = arith.select %ge3A_828, %select_n3A_814, %while3A_802 : vector<16xi1>, vector<16xi32>
        scf.yield %select_n3A_829 : vector<16xi32>
      }
      %while3A_766 = arith.constant 0 : i32
      %while3A_767 = arith.subi %reduce_max3A_714, %while3A_766 : i32
      %while3A_768 = arith.addi %while3A_766, %while3A_767 : i32
      %while3A_769 = arith.constant 1 : i32
      %while3A_770 = arith.divsi %while3A_767, %while3A_769 : i32
      %while3A_771 = arith.muli %while3A_770, %while3A_769 : i32
      %while3A_772 = arith.addi %while3A_766, %while3A_771 : i32
      %while3A_773 = arith.constant 1 : i32
      %while3A_774:2 = scf.for %while3A_801 = %while3A_766 to %while3A_772 step %while3A_773 iter_args(%while3A_802 = %broadcast_in_dim3A_8, %while3A_803 = %broadcast_in_dim3A_8) -> (vector<16xi32>, vector<16xi32>)  : i32 {
        %add3A_804 = vector.broadcast %while3A_801 : i32 to vector<16xi32>
        %add3A_805 = arith.addi %mul3A_5, %add3A_804 : vector<16xi32>
        %gather3A = tpu.vector_load_idx %arg7[%add3A_805] : memref<16368xi32, #tpu.memory_space<vmem>>[vector<16xi32>], vector<16xi32>,
        %gt3A_806 = vector.broadcast %while3A_801 : i32 to vector<16xi32>
        %gt3A_807 = arith.cmpi sgt, %scan3A_705, %gt3A_806 : vector<16xi32>
        %gt3A_808 = arith.cmpi sgt, %gather3A, %while3A_765 : vector<16xi32>
        %and3A_809 = arith.andi %gt3A_808, %gt3A_807 : vector<16xi1>
        %all_reduce_population_count3A = tpu.all_reduce %and3A_809 {dim = 0 : i64, kind = #tpu.reduction_kind<sum>} : vector<16xi1> -> vector<16xi32>
        %add3A_810 = arith.addi %while3A_802, %all_reduce_population_count3A : vector<16xi32>
        %eq3A_811 = arith.cmpi eq, %gather3A, %while3A_765 : vector<16xi32>
        %and3A_812 = arith.andi %eq3A_811, %gt3A_807 : vector<16xi1>
        %all_reduce_population_count3A_813 = tpu.all_reduce %and3A_812 {dim = 0 : i64, kind = #tpu.reduction_kind<sum>} : vector<16xi1> -> vector<16xi32>
        %add3A_814 = arith.addi %while3A_803, %all_reduce_population_count3A_813 : vector<16xi32>
        scf.yield %add3A_810, %add3A_814 : vector<16xi32>, vector<16xi32>
      }
      %while3A_775 = arith.constant 1 : i32
      %while3A_776:2 = scf.for %while3A_801 = %while3A_772 to %while3A_768 step %while3A_775 iter_args(%while3A_802 = %while3A_774#0, %while3A_803 = %while3A_774#1) -> (vector<16xi32>, vector<16xi32>)  : i32 {
        %add3A_804 = vector.broadcast %while3A_801 : i32 to vector<16xi32>
        %add3A_805 = arith.addi %mul3A_5, %add3A_804 : vector<16xi32>
        %gather3A = tpu.vector_load_idx %arg7[%add3A_805] : memref<16368xi32, #tpu.memory_space<vmem>>[vector<16xi32>], vector<16xi32>,
        %gt3A_806 = vector.broadcast %while3A_801 : i32 to vector<16xi32>
        %gt3A_807 = arith.cmpi sgt, %scan3A_705, %gt3A_806 : vector<16xi32>
        %gt3A_808 = arith.cmpi sgt, %gather3A, %while3A_765 : vector<16xi32>
        %and3A_809 = arith.andi %gt3A_808, %gt3A_807 : vector<16xi1>
        %all_reduce_population_count3A = tpu.all_reduce %and3A_809 {dim = 0 : i64, kind = #tpu.reduction_kind<sum>} : vector<16xi1> -> vector<16xi32>
        %add3A_810 = arith.addi %while3A_802, %all_reduce_population_count3A : vector<16xi32>
        %eq3A_811 = arith.cmpi eq, %gather3A, %while3A_765 : vector<16xi32>
        %and3A_812 = arith.andi %eq3A_811, %gt3A_807 : vector<16xi1>
        %all_reduce_population_count3A_813 = tpu.all_reduce %and3A_812 {dim = 0 : i64, kind = #tpu.reduction_kind<sum>} : vector<16xi1> -> vector<16xi32>
        %add3A_814 = arith.addi %while3A_803, %all_reduce_population_count3A_813 : vector<16xi32>
        scf.yield %add3A_810, %add3A_814 : vector<16xi32>, vector<16xi32>
      }
      %slice3A_777 = vector.extract_strided_slice %while3A_776#0 {offsets = [0], sizes = [1], strides = [1]} : vector<16xi32> to vector<1xi32>
      %squeeze3A_778 = vector.extract %slice3A_777[0] : i32 from vector<1xi32>
      %slice3A_779 = vector.extract_strided_slice %while3A_776#1 {offsets = [0], sizes = [1], strides = [1]} : vector<16xi32> to vector<1xi32>
      %squeeze3A_780 = vector.extract %slice3A_779[0] : i32 from vector<1xi32>
      %add3A_781 = arith.addi %squeeze3A_778, %squeeze3A_780 : i32
      %gt3A_782 = arith.constant 64 : i32
      %gt3A_783 = arith.cmpi sgt, %add3A_781, %gt3A_782 : i32
      %convert_element_type3A_784 = arith.extui %gt3A_783 : i1 to i32
      %cond3A_785 = arith.constant 0 : i32
      %cond3A_786 = arith.constant 0 : i32
      %cond3A_787 = arith.cmpi ne, %convert_element_type3A_784, %cond3A_786 : i32
      %cond3A_788 = scf.if %cond3A_787 -> (vector<16xi32>) {
        %add3A_801 = arith.constant 16384 : i32
        %add3A_802 = vector.broadcast %add3A_801 : i32 to vector<16xi32>
        %add3A_803 = arith.addi %broadcast_in_dim3A_8, %add3A_802 : vector<16xi32>
        %sub3A_804 = arith.constant 1 : i32
        %sub3A_805 = vector.broadcast %sub3A_804 : i32 to vector<16xi32>
        %sub3A_806 = arith.subi %add3A_803, %sub3A_805 : vector<16xi32>
        %while3A_807 = arith.constant 0 : i32
        %while3A_808 = arith.subi %reduce_max3A_714, %while3A_807 : i32
        %while3A_809 = arith.addi %while3A_807, %while3A_808 : i32
        %while3A_810 = arith.constant 1 : i32
        %while3A_811 = arith.divsi %while3A_808, %while3A_810 : i32
        %while3A_812 = arith.muli %while3A_811, %while3A_810 : i32
        %while3A_813 = arith.addi %while3A_807, %while3A_812 : i32
        %while3A_814 = arith.constant 1 : i32
        %while3A_815 = scf.for %while3A_1131 = %while3A_807 to %while3A_813 step %while3A_814 iter_args(%while3A_1132 = %broadcast_in_dim3A_8) -> (vector<16xi32>)  : i32 {
          %add3A_1133 = vector.broadcast %while3A_1131 : i32 to vector<16xi32>
          %add3A_1134 = arith.addi %mul3A_5, %add3A_1133 : vector<16xi32>
          %gather3A = tpu.vector_load_idx %arg7[%add3A_1134] : memref<16368xi32, #tpu.memory_space<vmem>>[vector<16xi32>], vector<16xi32>,
          %add3A_1135 = vector.broadcast %while3A_1131 : i32 to vector<16xi32>
          %add3A_1136 = arith.addi %mul3A_5, %add3A_1135 : vector<16xi32>
          %gather3A_1137 = tpu.vector_load_idx %arg8[%add3A_1136] : memref<16368xi32, #tpu.memory_space<vmem>>[vector<16xi32>], vector<16xi32>,
          %eq3A_1138 = arith.cmpi eq, %gather3A, %while3A_765 : vector<16xi32>
          %le3A = arith.cmpi sle, %gather3A_1137, %sub3A_806 : vector<16xi32>
          %and3A_1139 = arith.andi %eq3A_1138, %le3A : vector<16xi1>
          %gt3A_1140 = vector.broadcast %while3A_1131 : i32 to vector<16xi32>
          %gt3A_1141 = arith.cmpi sgt, %scan3A_705, %gt3A_1140 : vector<16xi32>
          %and3A_1142 = arith.andi %and3A_1139, %gt3A_1141 : vector<16xi1>
          %all_reduce_population_count3A = tpu.all_reduce %and3A_1142 {dim = 0 : i64, kind = #tpu.reduction_kind<sum>} : vector<16xi1> -> vector<16xi32>
          %add3A_1143 = arith.addi %while3A_1132, %all_reduce_population_count3A : vector<16xi32>
          scf.yield %add3A_1143 : vector<16xi32>
        }
        %while3A_816 = arith.constant 1 : i32
        %while3A_817 = scf.for %while3A_1131 = %while3A_813 to %while3A_809 step %while3A_816 iter_args(%while3A_1132 = %while3A_815) -> (vector<16xi32>)  : i32 {
          %add3A_1133 = vector.broadcast %while3A_1131 : i32 to vector<16xi32>
          %add3A_1134 = arith.addi %mul3A_5, %add3A_1133 : vector<16xi32>
          %gather3A = tpu.vector_load_idx %arg7[%add3A_1134] : memref<16368xi32, #tpu.memory_space<vmem>>[vector<16xi32>], vector<16xi32>,
          %add3A_1135 = vector.broadcast %while3A_1131 : i32 to vector<16xi32>
          %add3A_1136 = arith.addi %mul3A_5, %add3A_1135 : vector<16xi32>
          %gather3A_1137 = tpu.vector_load_idx %arg8[%add3A_1136] : memref<16368xi32, #tpu.memory_space<vmem>>[vector<16xi32>], vector<16xi32>,
          %eq3A_1138 = arith.cmpi eq, %gather3A, %while3A_765 : vector<16xi32>
          %le3A = arith.cmpi sle, %gather3A_1137, %sub3A_806 : vector<16xi32>
          %and3A_1139 = arith.andi %eq3A_1138, %le3A : vector<16xi1>
          %gt3A_1140 = vector.broadcast %while3A_1131 : i32 to vector<16xi32>
          %gt3A_1141 = arith.cmpi sgt, %scan3A_705, %gt3A_1140 : vector<16xi32>
          %and3A_1142 = arith.andi %and3A_1139, %gt3A_1141 : vector<16xi1>
          %all_reduce_population_count3A = tpu.all_reduce %and3A_1142 {dim = 0 : i64, kind = #tpu.reduction_kind<sum>} : vector<16xi1> -> vector<16xi32>
          %add3A_1143 = arith.addi %while3A_1132, %all_reduce_population_count3A : vector<16xi32>
          scf.yield %add3A_1143 : vector<16xi32>
        }
        %add3A_818 = arith.addi %while3A_776#0, %while3A_817 : vector<16xi32>
        %lt3A_819 = arith.constant 64 : i32
        %lt3A_820 = vector.broadcast %lt3A_819 : i32 to vector<16xi32>
        %lt3A_821 = arith.cmpi slt, %add3A_818, %lt3A_820 : vector<16xi32>
        %select_n3A_822 = arith.select %lt3A_821, %add3A_803, %broadcast_in_dim3A_8 : vector<16xi1>, vector<16xi32>
        %add3A_823 = arith.constant 8192 : i32
        %add3A_824 = vector.broadcast %add3A_823 : i32 to vector<16xi32>
        %add3A_825 = arith.addi %select_n3A_822, %add3A_824 : vector<16xi32>
        %sub3A_826 = arith.constant 1 : i32
        %sub3A_827 = vector.broadcast %sub3A_826 : i32 to vector<16xi32>
        %sub3A_828 = arith.subi %add3A_825, %sub3A_827 : vector<16xi32>
        %while3A_829 = arith.constant 0 : i32
        %while3A_830 = arith.subi %reduce_max3A_714, %while3A_829 : i32
        %while3A_831 = arith.addi %while3A_829, %while3A_830 : i32
        %while3A_832 = arith.constant 1 : i32
        %while3A_833 = arith.divsi %while3A_830, %while3A_832 : i32
        %while3A_834 = arith.muli %while3A_833, %while3A_832 : i32
        %while3A_835 = arith.addi %while3A_829, %while3A_834 : i32
        %while3A_836 = arith.constant 1 : i32
        %while3A_837 = scf.for %while3A_1131 = %while3A_829 to %while3A_835 step %while3A_836 iter_args(%while3A_1132 = %broadcast_in_dim3A_8) -> (vector<16xi32>)  : i32 {
          %add3A_1133 = vector.broadcast %while3A_1131 : i32 to vector<16xi32>
          %add3A_1134 = arith.addi %mul3A_5, %add3A_1133 : vector<16xi32>
          %gather3A = tpu.vector_load_idx %arg7[%add3A_1134] : memref<16368xi32, #tpu.memory_space<vmem>>[vector<16xi32>], vector<16xi32>,
          %add3A_1135 = vector.broadcast %while3A_1131 : i32 to vector<16xi32>
          %add3A_1136 = arith.addi %mul3A_5, %add3A_1135 : vector<16xi32>
          %gather3A_1137 = tpu.vector_load_idx %arg8[%add3A_1136] : memref<16368xi32, #tpu.memory_space<vmem>>[vector<16xi32>], vector<16xi32>,
          %eq3A_1138 = arith.cmpi eq, %gather3A, %while3A_765 : vector<16xi32>
          %le3A = arith.cmpi sle, %gather3A_1137, %sub3A_828 : vector<16xi32>
          %and3A_1139 = arith.andi %eq3A_1138, %le3A : vector<16xi1>
          %gt3A_1140 = vector.broadcast %while3A_1131 : i32 to vector<16xi32>
          %gt3A_1141 = arith.cmpi sgt, %scan3A_705, %gt3A_1140 : vector<16xi32>
          %and3A_1142 = arith.andi %and3A_1139, %gt3A_1141 : vector<16xi1>
          %all_reduce_population_count3A = tpu.all_reduce %and3A_1142 {dim = 0 : i64, kind = #tpu.reduction_kind<sum>} : vector<16xi1> -> vector<16xi32>
          %add3A_1143 = arith.addi %while3A_1132, %all_reduce_population_count3A : vector<16xi32>
          scf.yield %add3A_1143 : vector<16xi32>
        }
        %while3A_838 = arith.constant 1 : i32
        %while3A_839 = scf.for %while3A_1131 = %while3A_835 to %while3A_831 step %while3A_838 iter_args(%while3A_1132 = %while3A_837) -> (vector<16xi32>)  : i32 {
          %add3A_1133 = vector.broadcast %while3A_1131 : i32 to vector<16xi32>
          %add3A_1134 = arith.addi %mul3A_5, %add3A_1133 : vector<16xi32>
          %gather3A = tpu.vector_load_idx %arg7[%add3A_1134] : memref<16368xi32, #tpu.memory_space<vmem>>[vector<16xi32>], vector<16xi32>,
          %add3A_1135 = vector.broadcast %while3A_1131 : i32 to vector<16xi32>
          %add3A_1136 = arith.addi %mul3A_5, %add3A_1135 : vector<16xi32>
          %gather3A_1137 = tpu.vector_load_idx %arg8[%add3A_1136] : memref<16368xi32, #tpu.memory_space<vmem>>[vector<16xi32>], vector<16xi32>,
          %eq3A_1138 = arith.cmpi eq, %gather3A, %while3A_765 : vector<16xi32>
          %le3A = arith.cmpi sle, %gather3A_1137, %sub3A_828 : vector<16xi32>
          %and3A_1139 = arith.andi %eq3A_1138, %le3A : vector<16xi1>
          %gt3A_1140 = vector.broadcast %while3A_1131 : i32 to vector<16xi32>
          %gt3A_1141 = arith.cmpi sgt, %scan3A_705, %gt3A_1140 : vector<16xi32>
          %and3A_1142 = arith.andi %and3A_1139, %gt3A_1141 : vector<16xi1>
          %all_reduce_population_count3A = tpu.all_reduce %and3A_1142 {dim = 0 : i64, kind = #tpu.reduction_kind<sum>} : vector<16xi1> -> vector<16xi32>
          %add3A_1143 = arith.addi %while3A_1132, %all_reduce_population_count3A : vector<16xi32>
          scf.yield %add3A_1143 : vector<16xi32>
        }
        %add3A_840 = arith.addi %while3A_776#0, %while3A_839 : vector<16xi32>
        %lt3A_841 = arith.constant 64 : i32
        %lt3A_842 = vector.broadcast %lt3A_841 : i32 to vector<16xi32>
        %lt3A_843 = arith.cmpi slt, %add3A_840, %lt3A_842 : vector<16xi32>
        %select_n3A_844 = arith.select %lt3A_843, %add3A_825, %select_n3A_822 : vector<16xi1>, vector<16xi32>
        %add3A_845 = arith.constant 4096 : i32
        %add3A_846 = vector.broadcast %add3A_845 : i32 to vector<16xi32>
        %add3A_847 = arith.addi %select_n3A_844, %add3A_846 : vector<16xi32>
        %sub3A_848 = arith.constant 1 : i32
        %sub3A_849 = vector.broadcast %sub3A_848 : i32 to vector<16xi32>
        %sub3A_850 = arith.subi %add3A_847, %sub3A_849 : vector<16xi32>
        %while3A_851 = arith.constant 0 : i32
        %while3A_852 = arith.subi %reduce_max3A_714, %while3A_851 : i32
        %while3A_853 = arith.addi %while3A_851, %while3A_852 : i32
        %while3A_854 = arith.constant 1 : i32
        %while3A_855 = arith.divsi %while3A_852, %while3A_854 : i32
        %while3A_856 = arith.muli %while3A_855, %while3A_854 : i32
        %while3A_857 = arith.addi %while3A_851, %while3A_856 : i32
        %while3A_858 = arith.constant 1 : i32
        %while3A_859 = scf.for %while3A_1131 = %while3A_851 to %while3A_857 step %while3A_858 iter_args(%while3A_1132 = %broadcast_in_dim3A_8) -> (vector<16xi32>)  : i32 {
          %add3A_1133 = vector.broadcast %while3A_1131 : i32 to vector<16xi32>
          %add3A_1134 = arith.addi %mul3A_5, %add3A_1133 : vector<16xi32>
          %gather3A = tpu.vector_load_idx %arg7[%add3A_1134] : memref<16368xi32, #tpu.memory_space<vmem>>[vector<16xi32>], vector<16xi32>,
          %add3A_1135 = vector.broadcast %while3A_1131 : i32 to vector<16xi32>
          %add3A_1136 = arith.addi %mul3A_5, %add3A_1135 : vector<16xi32>
          %gather3A_1137 = tpu.vector_load_idx %arg8[%add3A_1136] : memref<16368xi32, #tpu.memory_space<vmem>>[vector<16xi32>], vector<16xi32>,
          %eq3A_1138 = arith.cmpi eq, %gather3A, %while3A_765 : vector<16xi32>
          %le3A = arith.cmpi sle, %gather3A_1137, %sub3A_850 : vector<16xi32>
          %and3A_1139 = arith.andi %eq3A_1138, %le3A : vector<16xi1>
          %gt3A_1140 = vector.broadcast %while3A_1131 : i32 to vector<16xi32>
          %gt3A_1141 = arith.cmpi sgt, %scan3A_705, %gt3A_1140 : vector<16xi32>
          %and3A_1142 = arith.andi %and3A_1139, %gt3A_1141 : vector<16xi1>
          %all_reduce_population_count3A = tpu.all_reduce %and3A_1142 {dim = 0 : i64, kind = #tpu.reduction_kind<sum>} : vector<16xi1> -> vector<16xi32>
          %add3A_1143 = arith.addi %while3A_1132, %all_reduce_population_count3A : vector<16xi32>
          scf.yield %add3A_1143 : vector<16xi32>
        }
        %while3A_860 = arith.constant 1 : i32
        %while3A_861 = scf.for %while3A_1131 = %while3A_857 to %while3A_853 step %while3A_860 iter_args(%while3A_1132 = %while3A_859) -> (vector<16xi32>)  : i32 {
          %add3A_1133 = vector.broadcast %while3A_1131 : i32 to vector<16xi32>
          %add3A_1134 = arith.addi %mul3A_5, %add3A_1133 : vector<16xi32>
          %gather3A = tpu.vector_load_idx %arg7[%add3A_1134] : memref<16368xi32, #tpu.memory_space<vmem>>[vector<16xi32>], vector<16xi32>,
          %add3A_1135 = vector.broadcast %while3A_1131 : i32 to vector<16xi32>
          %add3A_1136 = arith.addi %mul3A_5, %add3A_1135 : vector<16xi32>
          %gather3A_1137 = tpu.vector_load_idx %arg8[%add3A_1136] : memref<16368xi32, #tpu.memory_space<vmem>>[vector<16xi32>], vector<16xi32>,
          %eq3A_1138 = arith.cmpi eq, %gather3A, %while3A_765 : vector<16xi32>
          %le3A = arith.cmpi sle, %gather3A_1137, %sub3A_850 : vector<16xi32>
          %and3A_1139 = arith.andi %eq3A_1138, %le3A : vector<16xi1>
          %gt3A_1140 = vector.broadcast %while3A_1131 : i32 to vector<16xi32>
          %gt3A_1141 = arith.cmpi sgt, %scan3A_705, %gt3A_1140 : vector<16xi32>
          %and3A_1142 = arith.andi %and3A_1139, %gt3A_1141 : vector<16xi1>
          %all_reduce_population_count3A = tpu.all_reduce %and3A_1142 {dim = 0 : i64, kind = #tpu.reduction_kind<sum>} : vector<16xi1> -> vector<16xi32>
          %add3A_1143 = arith.addi %while3A_1132, %all_reduce_population_count3A : vector<16xi32>
          scf.yield %add3A_1143 : vector<16xi32>
        }
        %add3A_862 = arith.addi %while3A_776#0, %while3A_861 : vector<16xi32>
        %lt3A_863 = arith.constant 64 : i32
        %lt3A_864 = vector.broadcast %lt3A_863 : i32 to vector<16xi32>
        %lt3A_865 = arith.cmpi slt, %add3A_862, %lt3A_864 : vector<16xi32>
        %select_n3A_866 = arith.select %lt3A_865, %add3A_847, %select_n3A_844 : vector<16xi1>, vector<16xi32>
        %add3A_867 = arith.constant 2048 : i32
        %add3A_868 = vector.broadcast %add3A_867 : i32 to vector<16xi32>
        %add3A_869 = arith.addi %select_n3A_866, %add3A_868 : vector<16xi32>
        %sub3A_870 = arith.constant 1 : i32
        %sub3A_871 = vector.broadcast %sub3A_870 : i32 to vector<16xi32>
        %sub3A_872 = arith.subi %add3A_869, %sub3A_871 : vector<16xi32>
        %while3A_873 = arith.constant 0 : i32
        %while3A_874 = arith.subi %reduce_max3A_714, %while3A_873 : i32
        %while3A_875 = arith.addi %while3A_873, %while3A_874 : i32
        %while3A_876 = arith.constant 1 : i32
        %while3A_877 = arith.divsi %while3A_874, %while3A_876 : i32
        %while3A_878 = arith.muli %while3A_877, %while3A_876 : i32
        %while3A_879 = arith.addi %while3A_873, %while3A_878 : i32
        %while3A_880 = arith.constant 1 : i32
        %while3A_881 = scf.for %while3A_1131 = %while3A_873 to %while3A_879 step %while3A_880 iter_args(%while3A_1132 = %broadcast_in_dim3A_8) -> (vector<16xi32>)  : i32 {
          %add3A_1133 = vector.broadcast %while3A_1131 : i32 to vector<16xi32>
          %add3A_1134 = arith.addi %mul3A_5, %add3A_1133 : vector<16xi32>
          %gather3A = tpu.vector_load_idx %arg7[%add3A_1134] : memref<16368xi32, #tpu.memory_space<vmem>>[vector<16xi32>], vector<16xi32>,
          %add3A_1135 = vector.broadcast %while3A_1131 : i32 to vector<16xi32>
          %add3A_1136 = arith.addi %mul3A_5, %add3A_1135 : vector<16xi32>
          %gather3A_1137 = tpu.vector_load_idx %arg8[%add3A_1136] : memref<16368xi32, #tpu.memory_space<vmem>>[vector<16xi32>], vector<16xi32>,
          %eq3A_1138 = arith.cmpi eq, %gather3A, %while3A_765 : vector<16xi32>
          %le3A = arith.cmpi sle, %gather3A_1137, %sub3A_872 : vector<16xi32>
          %and3A_1139 = arith.andi %eq3A_1138, %le3A : vector<16xi1>
          %gt3A_1140 = vector.broadcast %while3A_1131 : i32 to vector<16xi32>
          %gt3A_1141 = arith.cmpi sgt, %scan3A_705, %gt3A_1140 : vector<16xi32>
          %and3A_1142 = arith.andi %and3A_1139, %gt3A_1141 : vector<16xi1>
          %all_reduce_population_count3A = tpu.all_reduce %and3A_1142 {dim = 0 : i64, kind = #tpu.reduction_kind<sum>} : vector<16xi1> -> vector<16xi32>
          %add3A_1143 = arith.addi %while3A_1132, %all_reduce_population_count3A : vector<16xi32>
          scf.yield %add3A_1143 : vector<16xi32>
        }
        %while3A_882 = arith.constant 1 : i32
        %while3A_883 = scf.for %while3A_1131 = %while3A_879 to %while3A_875 step %while3A_882 iter_args(%while3A_1132 = %while3A_881) -> (vector<16xi32>)  : i32 {
          %add3A_1133 = vector.broadcast %while3A_1131 : i32 to vector<16xi32>
          %add3A_1134 = arith.addi %mul3A_5, %add3A_1133 : vector<16xi32>
          %gather3A = tpu.vector_load_idx %arg7[%add3A_1134] : memref<16368xi32, #tpu.memory_space<vmem>>[vector<16xi32>], vector<16xi32>,
          %add3A_1135 = vector.broadcast %while3A_1131 : i32 to vector<16xi32>
          %add3A_1136 = arith.addi %mul3A_5, %add3A_1135 : vector<16xi32>
          %gather3A_1137 = tpu.vector_load_idx %arg8[%add3A_1136] : memref<16368xi32, #tpu.memory_space<vmem>>[vector<16xi32>], vector<16xi32>,
          %eq3A_1138 = arith.cmpi eq, %gather3A, %while3A_765 : vector<16xi32>
          %le3A = arith.cmpi sle, %gather3A_1137, %sub3A_872 : vector<16xi32>
          %and3A_1139 = arith.andi %eq3A_1138, %le3A : vector<16xi1>
          %gt3A_1140 = vector.broadcast %while3A_1131 : i32 to vector<16xi32>
          %gt3A_1141 = arith.cmpi sgt, %scan3A_705, %gt3A_1140 : vector<16xi32>
          %and3A_1142 = arith.andi %and3A_1139, %gt3A_1141 : vector<16xi1>
          %all_reduce_population_count3A = tpu.all_reduce %and3A_1142 {dim = 0 : i64, kind = #tpu.reduction_kind<sum>} : vector<16xi1> -> vector<16xi32>
          %add3A_1143 = arith.addi %while3A_1132, %all_reduce_population_count3A : vector<16xi32>
          scf.yield %add3A_1143 : vector<16xi32>
        }
        %add3A_884 = arith.addi %while3A_776#0, %while3A_883 : vector<16xi32>
        %lt3A_885 = arith.constant 64 : i32
        %lt3A_886 = vector.broadcast %lt3A_885 : i32 to vector<16xi32>
        %lt3A_887 = arith.cmpi slt, %add3A_884, %lt3A_886 : vector<16xi32>
        %select_n3A_888 = arith.select %lt3A_887, %add3A_869, %select_n3A_866 : vector<16xi1>, vector<16xi32>
        %add3A_889 = arith.constant 1024 : i32
        %add3A_890 = vector.broadcast %add3A_889 : i32 to vector<16xi32>
        %add3A_891 = arith.addi %select_n3A_888, %add3A_890 : vector<16xi32>
        %sub3A_892 = arith.constant 1 : i32
        %sub3A_893 = vector.broadcast %sub3A_892 : i32 to vector<16xi32>
        %sub3A_894 = arith.subi %add3A_891, %sub3A_893 : vector<16xi32>
        %while3A_895 = arith.constant 0 : i32
        %while3A_896 = arith.subi %reduce_max3A_714, %while3A_895 : i32
        %while3A_897 = arith.addi %while3A_895, %while3A_896 : i32
        %while3A_898 = arith.constant 1 : i32
        %while3A_899 = arith.divsi %while3A_896, %while3A_898 : i32
        %while3A_900 = arith.muli %while3A_899, %while3A_898 : i32
        %while3A_901 = arith.addi %while3A_895, %while3A_900 : i32
        %while3A_902 = arith.constant 1 : i32
        %while3A_903 = scf.for %while3A_1131 = %while3A_895 to %while3A_901 step %while3A_902 iter_args(%while3A_1132 = %broadcast_in_dim3A_8) -> (vector<16xi32>)  : i32 {
          %add3A_1133 = vector.broadcast %while3A_1131 : i32 to vector<16xi32>
          %add3A_1134 = arith.addi %mul3A_5, %add3A_1133 : vector<16xi32>
          %gather3A = tpu.vector_load_idx %arg7[%add3A_1134] : memref<16368xi32, #tpu.memory_space<vmem>>[vector<16xi32>], vector<16xi32>,
          %add3A_1135 = vector.broadcast %while3A_1131 : i32 to vector<16xi32>
          %add3A_1136 = arith.addi %mul3A_5, %add3A_1135 : vector<16xi32>
          %gather3A_1137 = tpu.vector_load_idx %arg8[%add3A_1136] : memref<16368xi32, #tpu.memory_space<vmem>>[vector<16xi32>], vector<16xi32>,
          %eq3A_1138 = arith.cmpi eq, %gather3A, %while3A_765 : vector<16xi32>
          %le3A = arith.cmpi sle, %gather3A_1137, %sub3A_894 : vector<16xi32>
          %and3A_1139 = arith.andi %eq3A_1138, %le3A : vector<16xi1>
          %gt3A_1140 = vector.broadcast %while3A_1131 : i32 to vector<16xi32>
          %gt3A_1141 = arith.cmpi sgt, %scan3A_705, %gt3A_1140 : vector<16xi32>
          %and3A_1142 = arith.andi %and3A_1139, %gt3A_1141 : vector<16xi1>
          %all_reduce_population_count3A = tpu.all_reduce %and3A_1142 {dim = 0 : i64, kind = #tpu.reduction_kind<sum>} : vector<16xi1> -> vector<16xi32>
          %add3A_1143 = arith.addi %while3A_1132, %all_reduce_population_count3A : vector<16xi32>
          scf.yield %add3A_1143 : vector<16xi32>
        }
        %while3A_904 = arith.constant 1 : i32
        %while3A_905 = scf.for %while3A_1131 = %while3A_901 to %while3A_897 step %while3A_904 iter_args(%while3A_1132 = %while3A_903) -> (vector<16xi32>)  : i32 {
          %add3A_1133 = vector.broadcast %while3A_1131 : i32 to vector<16xi32>
          %add3A_1134 = arith.addi %mul3A_5, %add3A_1133 : vector<16xi32>
          %gather3A = tpu.vector_load_idx %arg7[%add3A_1134] : memref<16368xi32, #tpu.memory_space<vmem>>[vector<16xi32>], vector<16xi32>,
          %add3A_1135 = vector.broadcast %while3A_1131 : i32 to vector<16xi32>
          %add3A_1136 = arith.addi %mul3A_5, %add3A_1135 : vector<16xi32>
          %gather3A_1137 = tpu.vector_load_idx %arg8[%add3A_1136] : memref<16368xi32, #tpu.memory_space<vmem>>[vector<16xi32>], vector<16xi32>,
          %eq3A_1138 = arith.cmpi eq, %gather3A, %while3A_765 : vector<16xi32>
          %le3A = arith.cmpi sle, %gather3A_1137, %sub3A_894 : vector<16xi32>
          %and3A_1139 = arith.andi %eq3A_1138, %le3A : vector<16xi1>
          %gt3A_1140 = vector.broadcast %while3A_1131 : i32 to vector<16xi32>
          %gt3A_1141 = arith.cmpi sgt, %scan3A_705, %gt3A_1140 : vector<16xi32>
          %and3A_1142 = arith.andi %and3A_1139, %gt3A_1141 : vector<16xi1>
          %all_reduce_population_count3A = tpu.all_reduce %and3A_1142 {dim = 0 : i64, kind = #tpu.reduction_kind<sum>} : vector<16xi1> -> vector<16xi32>
          %add3A_1143 = arith.addi %while3A_1132, %all_reduce_population_count3A : vector<16xi32>
          scf.yield %add3A_1143 : vector<16xi32>
        }
        %add3A_906 = arith.addi %while3A_776#0, %while3A_905 : vector<16xi32>
        %lt3A_907 = arith.constant 64 : i32
        %lt3A_908 = vector.broadcast %lt3A_907 : i32 to vector<16xi32>
        %lt3A_909 = arith.cmpi slt, %add3A_906, %lt3A_908 : vector<16xi32>
        %select_n3A_910 = arith.select %lt3A_909, %add3A_891, %select_n3A_888 : vector<16xi1>, vector<16xi32>
        %add3A_911 = arith.constant 512 : i32
        %add3A_912 = vector.broadcast %add3A_911 : i32 to vector<16xi32>
        %add3A_913 = arith.addi %select_n3A_910, %add3A_912 : vector<16xi32>
        %sub3A_914 = arith.constant 1 : i32
        %sub3A_915 = vector.broadcast %sub3A_914 : i32 to vector<16xi32>
        %sub3A_916 = arith.subi %add3A_913, %sub3A_915 : vector<16xi32>
        %while3A_917 = arith.constant 0 : i32
        %while3A_918 = arith.subi %reduce_max3A_714, %while3A_917 : i32
        %while3A_919 = arith.addi %while3A_917, %while3A_918 : i32
        %while3A_920 = arith.constant 1 : i32
        %while3A_921 = arith.divsi %while3A_918, %while3A_920 : i32
        %while3A_922 = arith.muli %while3A_921, %while3A_920 : i32
        %while3A_923 = arith.addi %while3A_917, %while3A_922 : i32
        %while3A_924 = arith.constant 1 : i32
        %while3A_925 = scf.for %while3A_1131 = %while3A_917 to %while3A_923 step %while3A_924 iter_args(%while3A_1132 = %broadcast_in_dim3A_8) -> (vector<16xi32>)  : i32 {
          %add3A_1133 = vector.broadcast %while3A_1131 : i32 to vector<16xi32>
          %add3A_1134 = arith.addi %mul3A_5, %add3A_1133 : vector<16xi32>
          %gather3A = tpu.vector_load_idx %arg7[%add3A_1134] : memref<16368xi32, #tpu.memory_space<vmem>>[vector<16xi32>], vector<16xi32>,
          %add3A_1135 = vector.broadcast %while3A_1131 : i32 to vector<16xi32>
          %add3A_1136 = arith.addi %mul3A_5, %add3A_1135 : vector<16xi32>
          %gather3A_1137 = tpu.vector_load_idx %arg8[%add3A_1136] : memref<16368xi32, #tpu.memory_space<vmem>>[vector<16xi32>], vector<16xi32>,
          %eq3A_1138 = arith.cmpi eq, %gather3A, %while3A_765 : vector<16xi32>
          %le3A = arith.cmpi sle, %gather3A_1137, %sub3A_916 : vector<16xi32>
          %and3A_1139 = arith.andi %eq3A_1138, %le3A : vector<16xi1>
          %gt3A_1140 = vector.broadcast %while3A_1131 : i32 to vector<16xi32>
          %gt3A_1141 = arith.cmpi sgt, %scan3A_705, %gt3A_1140 : vector<16xi32>
          %and3A_1142 = arith.andi %and3A_1139, %gt3A_1141 : vector<16xi1>
          %all_reduce_population_count3A = tpu.all_reduce %and3A_1142 {dim = 0 : i64, kind = #tpu.reduction_kind<sum>} : vector<16xi1> -> vector<16xi32>
          %add3A_1143 = arith.addi %while3A_1132, %all_reduce_population_count3A : vector<16xi32>
          scf.yield %add3A_1143 : vector<16xi32>
        }
        %while3A_926 = arith.constant 1 : i32
        %while3A_927 = scf.for %while3A_1131 = %while3A_923 to %while3A_919 step %while3A_926 iter_args(%while3A_1132 = %while3A_925) -> (vector<16xi32>)  : i32 {
          %add3A_1133 = vector.broadcast %while3A_1131 : i32 to vector<16xi32>
          %add3A_1134 = arith.addi %mul3A_5, %add3A_1133 : vector<16xi32>
          %gather3A = tpu.vector_load_idx %arg7[%add3A_1134] : memref<16368xi32, #tpu.memory_space<vmem>>[vector<16xi32>], vector<16xi32>,
          %add3A_1135 = vector.broadcast %while3A_1131 : i32 to vector<16xi32>
          %add3A_1136 = arith.addi %mul3A_5, %add3A_1135 : vector<16xi32>
          %gather3A_1137 = tpu.vector_load_idx %arg8[%add3A_1136] : memref<16368xi32, #tpu.memory_space<vmem>>[vector<16xi32>], vector<16xi32>,
          %eq3A_1138 = arith.cmpi eq, %gather3A, %while3A_765 : vector<16xi32>
          %le3A = arith.cmpi sle, %gather3A_1137, %sub3A_916 : vector<16xi32>
          %and3A_1139 = arith.andi %eq3A_1138, %le3A : vector<16xi1>
          %gt3A_1140 = vector.broadcast %while3A_1131 : i32 to vector<16xi32>
          %gt3A_1141 = arith.cmpi sgt, %scan3A_705, %gt3A_1140 : vector<16xi32>
          %and3A_1142 = arith.andi %and3A_1139, %gt3A_1141 : vector<16xi1>
          %all_reduce_population_count3A = tpu.all_reduce %and3A_1142 {dim = 0 : i64, kind = #tpu.reduction_kind<sum>} : vector<16xi1> -> vector<16xi32>
          %add3A_1143 = arith.addi %while3A_1132, %all_reduce_population_count3A : vector<16xi32>
          scf.yield %add3A_1143 : vector<16xi32>
        }
        %add3A_928 = arith.addi %while3A_776#0, %while3A_927 : vector<16xi32>
        %lt3A_929 = arith.constant 64 : i32
        %lt3A_930 = vector.broadcast %lt3A_929 : i32 to vector<16xi32>
        %lt3A_931 = arith.cmpi slt, %add3A_928, %lt3A_930 : vector<16xi32>
        %select_n3A_932 = arith.select %lt3A_931, %add3A_913, %select_n3A_910 : vector<16xi1>, vector<16xi32>
        %add3A_933 = arith.constant 256 : i32
        %add3A_934 = vector.broadcast %add3A_933 : i32 to vector<16xi32>
        %add3A_935 = arith.addi %select_n3A_932, %add3A_934 : vector<16xi32>
        %sub3A_936 = arith.constant 1 : i32
        %sub3A_937 = vector.broadcast %sub3A_936 : i32 to vector<16xi32>
        %sub3A_938 = arith.subi %add3A_935, %sub3A_937 : vector<16xi32>
        %while3A_939 = arith.constant 0 : i32
        %while3A_940 = arith.subi %reduce_max3A_714, %while3A_939 : i32
        %while3A_941 = arith.addi %while3A_939, %while3A_940 : i32
        %while3A_942 = arith.constant 1 : i32
        %while3A_943 = arith.divsi %while3A_940, %while3A_942 : i32
        %while3A_944 = arith.muli %while3A_943, %while3A_942 : i32
        %while3A_945 = arith.addi %while3A_939, %while3A_944 : i32
        %while3A_946 = arith.constant 1 : i32
        %while3A_947 = scf.for %while3A_1131 = %while3A_939 to %while3A_945 step %while3A_946 iter_args(%while3A_1132 = %broadcast_in_dim3A_8) -> (vector<16xi32>)  : i32 {
          %add3A_1133 = vector.broadcast %while3A_1131 : i32 to vector<16xi32>
          %add3A_1134 = arith.addi %mul3A_5, %add3A_1133 : vector<16xi32>
          %gather3A = tpu.vector_load_idx %arg7[%add3A_1134] : memref<16368xi32, #tpu.memory_space<vmem>>[vector<16xi32>], vector<16xi32>,
          %add3A_1135 = vector.broadcast %while3A_1131 : i32 to vector<16xi32>
          %add3A_1136 = arith.addi %mul3A_5, %add3A_1135 : vector<16xi32>
          %gather3A_1137 = tpu.vector_load_idx %arg8[%add3A_1136] : memref<16368xi32, #tpu.memory_space<vmem>>[vector<16xi32>], vector<16xi32>,
          %eq3A_1138 = arith.cmpi eq, %gather3A, %while3A_765 : vector<16xi32>
          %le3A = arith.cmpi sle, %gather3A_1137, %sub3A_938 : vector<16xi32>
          %and3A_1139 = arith.andi %eq3A_1138, %le3A : vector<16xi1>
          %gt3A_1140 = vector.broadcast %while3A_1131 : i32 to vector<16xi32>
          %gt3A_1141 = arith.cmpi sgt, %scan3A_705, %gt3A_1140 : vector<16xi32>
          %and3A_1142 = arith.andi %and3A_1139, %gt3A_1141 : vector<16xi1>
          %all_reduce_population_count3A = tpu.all_reduce %and3A_1142 {dim = 0 : i64, kind = #tpu.reduction_kind<sum>} : vector<16xi1> -> vector<16xi32>
          %add3A_1143 = arith.addi %while3A_1132, %all_reduce_population_count3A : vector<16xi32>
          scf.yield %add3A_1143 : vector<16xi32>
        }
        %while3A_948 = arith.constant 1 : i32
        %while3A_949 = scf.for %while3A_1131 = %while3A_945 to %while3A_941 step %while3A_948 iter_args(%while3A_1132 = %while3A_947) -> (vector<16xi32>)  : i32 {
          %add3A_1133 = vector.broadcast %while3A_1131 : i32 to vector<16xi32>
          %add3A_1134 = arith.addi %mul3A_5, %add3A_1133 : vector<16xi32>
          %gather3A = tpu.vector_load_idx %arg7[%add3A_1134] : memref<16368xi32, #tpu.memory_space<vmem>>[vector<16xi32>], vector<16xi32>,
          %add3A_1135 = vector.broadcast %while3A_1131 : i32 to vector<16xi32>
          %add3A_1136 = arith.addi %mul3A_5, %add3A_1135 : vector<16xi32>
          %gather3A_1137 = tpu.vector_load_idx %arg8[%add3A_1136] : memref<16368xi32, #tpu.memory_space<vmem>>[vector<16xi32>], vector<16xi32>,
          %eq3A_1138 = arith.cmpi eq, %gather3A, %while3A_765 : vector<16xi32>
          %le3A = arith.cmpi sle, %gather3A_1137, %sub3A_938 : vector<16xi32>
          %and3A_1139 = arith.andi %eq3A_1138, %le3A : vector<16xi1>
          %gt3A_1140 = vector.broadcast %while3A_1131 : i32 to vector<16xi32>
          %gt3A_1141 = arith.cmpi sgt, %scan3A_705, %gt3A_1140 : vector<16xi32>
          %and3A_1142 = arith.andi %and3A_1139, %gt3A_1141 : vector<16xi1>
          %all_reduce_population_count3A = tpu.all_reduce %and3A_1142 {dim = 0 : i64, kind = #tpu.reduction_kind<sum>} : vector<16xi1> -> vector<16xi32>
          %add3A_1143 = arith.addi %while3A_1132, %all_reduce_population_count3A : vector<16xi32>
          scf.yield %add3A_1143 : vector<16xi32>
        }
        %add3A_950 = arith.addi %while3A_776#0, %while3A_949 : vector<16xi32>
        %lt3A_951 = arith.constant 64 : i32
        %lt3A_952 = vector.broadcast %lt3A_951 : i32 to vector<16xi32>
        %lt3A_953 = arith.cmpi slt, %add3A_950, %lt3A_952 : vector<16xi32>
        %select_n3A_954 = arith.select %lt3A_953, %add3A_935, %select_n3A_932 : vector<16xi1>, vector<16xi32>
        %add3A_955 = arith.constant 128 : i32
        %add3A_956 = vector.broadcast %add3A_955 : i32 to vector<16xi32>
        %add3A_957 = arith.addi %select_n3A_954, %add3A_956 : vector<16xi32>
        %sub3A_958 = arith.constant 1 : i32
        %sub3A_959 = vector.broadcast %sub3A_958 : i32 to vector<16xi32>
        %sub3A_960 = arith.subi %add3A_957, %sub3A_959 : vector<16xi32>
        %while3A_961 = arith.constant 0 : i32
        %while3A_962 = arith.subi %reduce_max3A_714, %while3A_961 : i32
        %while3A_963 = arith.addi %while3A_961, %while3A_962 : i32
        %while3A_964 = arith.constant 1 : i32
        %while3A_965 = arith.divsi %while3A_962, %while3A_964 : i32
        %while3A_966 = arith.muli %while3A_965, %while3A_964 : i32
        %while3A_967 = arith.addi %while3A_961, %while3A_966 : i32
        %while3A_968 = arith.constant 1 : i32
        %while3A_969 = scf.for %while3A_1131 = %while3A_961 to %while3A_967 step %while3A_968 iter_args(%while3A_1132 = %broadcast_in_dim3A_8) -> (vector<16xi32>)  : i32 {
          %add3A_1133 = vector.broadcast %while3A_1131 : i32 to vector<16xi32>
          %add3A_1134 = arith.addi %mul3A_5, %add3A_1133 : vector<16xi32>
          %gather3A = tpu.vector_load_idx %arg7[%add3A_1134] : memref<16368xi32, #tpu.memory_space<vmem>>[vector<16xi32>], vector<16xi32>,
          %add3A_1135 = vector.broadcast %while3A_1131 : i32 to vector<16xi32>
          %add3A_1136 = arith.addi %mul3A_5, %add3A_1135 : vector<16xi32>
          %gather3A_1137 = tpu.vector_load_idx %arg8[%add3A_1136] : memref<16368xi32, #tpu.memory_space<vmem>>[vector<16xi32>], vector<16xi32>,
          %eq3A_1138 = arith.cmpi eq, %gather3A, %while3A_765 : vector<16xi32>
          %le3A = arith.cmpi sle, %gather3A_1137, %sub3A_960 : vector<16xi32>
          %and3A_1139 = arith.andi %eq3A_1138, %le3A : vector<16xi1>
          %gt3A_1140 = vector.broadcast %while3A_1131 : i32 to vector<16xi32>
          %gt3A_1141 = arith.cmpi sgt, %scan3A_705, %gt3A_1140 : vector<16xi32>
          %and3A_1142 = arith.andi %and3A_1139, %gt3A_1141 : vector<16xi1>
          %all_reduce_population_count3A = tpu.all_reduce %and3A_1142 {dim = 0 : i64, kind = #tpu.reduction_kind<sum>} : vector<16xi1> -> vector<16xi32>
          %add3A_1143 = arith.addi %while3A_1132, %all_reduce_population_count3A : vector<16xi32>
          scf.yield %add3A_1143 : vector<16xi32>
        }
        %while3A_970 = arith.constant 1 : i32
        %while3A_971 = scf.for %while3A_1131 = %while3A_967 to %while3A_963 step %while3A_970 iter_args(%while3A_1132 = %while3A_969) -> (vector<16xi32>)  : i32 {
          %add3A_1133 = vector.broadcast %while3A_1131 : i32 to vector<16xi32>
          %add3A_1134 = arith.addi %mul3A_5, %add3A_1133 : vector<16xi32>
          %gather3A = tpu.vector_load_idx %arg7[%add3A_1134] : memref<16368xi32, #tpu.memory_space<vmem>>[vector<16xi32>], vector<16xi32>,
          %add3A_1135 = vector.broadcast %while3A_1131 : i32 to vector<16xi32>
          %add3A_1136 = arith.addi %mul3A_5, %add3A_1135 : vector<16xi32>
          %gather3A_1137 = tpu.vector_load_idx %arg8[%add3A_1136] : memref<16368xi32, #tpu.memory_space<vmem>>[vector<16xi32>], vector<16xi32>,
          %eq3A_1138 = arith.cmpi eq, %gather3A, %while3A_765 : vector<16xi32>
          %le3A = arith.cmpi sle, %gather3A_1137, %sub3A_960 : vector<16xi32>
          %and3A_1139 = arith.andi %eq3A_1138, %le3A : vector<16xi1>
          %gt3A_1140 = vector.broadcast %while3A_1131 : i32 to vector<16xi32>
          %gt3A_1141 = arith.cmpi sgt, %scan3A_705, %gt3A_1140 : vector<16xi32>
          %and3A_1142 = arith.andi %and3A_1139, %gt3A_1141 : vector<16xi1>
          %all_reduce_population_count3A = tpu.all_reduce %and3A_1142 {dim = 0 : i64, kind = #tpu.reduction_kind<sum>} : vector<16xi1> -> vector<16xi32>
          %add3A_1143 = arith.addi %while3A_1132, %all_reduce_population_count3A : vector<16xi32>
          scf.yield %add3A_1143 : vector<16xi32>
        }
        %add3A_972 = arith.addi %while3A_776#0, %while3A_971 : vector<16xi32>
        %lt3A_973 = arith.constant 64 : i32
        %lt3A_974 = vector.broadcast %lt3A_973 : i32 to vector<16xi32>
        %lt3A_975 = arith.cmpi slt, %add3A_972, %lt3A_974 : vector<16xi32>
        %select_n3A_976 = arith.select %lt3A_975, %add3A_957, %select_n3A_954 : vector<16xi1>, vector<16xi32>
        %add3A_977 = arith.constant 64 : i32
        %add3A_978 = vector.broadcast %add3A_977 : i32 to vector<16xi32>
        %add3A_979 = arith.addi %select_n3A_976, %add3A_978 : vector<16xi32>
        %sub3A_980 = arith.constant 1 : i32
        %sub3A_981 = vector.broadcast %sub3A_980 : i32 to vector<16xi32>
        %sub3A_982 = arith.subi %add3A_979, %sub3A_981 : vector<16xi32>
        %while3A_983 = arith.constant 0 : i32
        %while3A_984 = arith.subi %reduce_max3A_714, %while3A_983 : i32
        %while3A_985 = arith.addi %while3A_983, %while3A_984 : i32
        %while3A_986 = arith.constant 1 : i32
        %while3A_987 = arith.divsi %while3A_984, %while3A_986 : i32
        %while3A_988 = arith.muli %while3A_987, %while3A_986 : i32
        %while3A_989 = arith.addi %while3A_983, %while3A_988 : i32
        %while3A_990 = arith.constant 1 : i32
        %while3A_991 = scf.for %while3A_1131 = %while3A_983 to %while3A_989 step %while3A_990 iter_args(%while3A_1132 = %broadcast_in_dim3A_8) -> (vector<16xi32>)  : i32 {
          %add3A_1133 = vector.broadcast %while3A_1131 : i32 to vector<16xi32>
          %add3A_1134 = arith.addi %mul3A_5, %add3A_1133 : vector<16xi32>
          %gather3A = tpu.vector_load_idx %arg7[%add3A_1134] : memref<16368xi32, #tpu.memory_space<vmem>>[vector<16xi32>], vector<16xi32>,
          %add3A_1135 = vector.broadcast %while3A_1131 : i32 to vector<16xi32>
          %add3A_1136 = arith.addi %mul3A_5, %add3A_1135 : vector<16xi32>
          %gather3A_1137 = tpu.vector_load_idx %arg8[%add3A_1136] : memref<16368xi32, #tpu.memory_space<vmem>>[vector<16xi32>], vector<16xi32>,
          %eq3A_1138 = arith.cmpi eq, %gather3A, %while3A_765 : vector<16xi32>
          %le3A = arith.cmpi sle, %gather3A_1137, %sub3A_982 : vector<16xi32>
          %and3A_1139 = arith.andi %eq3A_1138, %le3A : vector<16xi1>
          %gt3A_1140 = vector.broadcast %while3A_1131 : i32 to vector<16xi32>
          %gt3A_1141 = arith.cmpi sgt, %scan3A_705, %gt3A_1140 : vector<16xi32>
          %and3A_1142 = arith.andi %and3A_1139, %gt3A_1141 : vector<16xi1>
          %all_reduce_population_count3A = tpu.all_reduce %and3A_1142 {dim = 0 : i64, kind = #tpu.reduction_kind<sum>} : vector<16xi1> -> vector<16xi32>
          %add3A_1143 = arith.addi %while3A_1132, %all_reduce_population_count3A : vector<16xi32>
          scf.yield %add3A_1143 : vector<16xi32>
        }
        %while3A_992 = arith.constant 1 : i32
        %while3A_993 = scf.for %while3A_1131 = %while3A_989 to %while3A_985 step %while3A_992 iter_args(%while3A_1132 = %while3A_991) -> (vector<16xi32>)  : i32 {
          %add3A_1133 = vector.broadcast %while3A_1131 : i32 to vector<16xi32>
          %add3A_1134 = arith.addi %mul3A_5, %add3A_1133 : vector<16xi32>
          %gather3A = tpu.vector_load_idx %arg7[%add3A_1134] : memref<16368xi32, #tpu.memory_space<vmem>>[vector<16xi32>], vector<16xi32>,
          %add3A_1135 = vector.broadcast %while3A_1131 : i32 to vector<16xi32>
          %add3A_1136 = arith.addi %mul3A_5, %add3A_1135 : vector<16xi32>
          %gather3A_1137 = tpu.vector_load_idx %arg8[%add3A_1136] : memref<16368xi32, #tpu.memory_space<vmem>>[vector<16xi32>], vector<16xi32>,
          %eq3A_1138 = arith.cmpi eq, %gather3A, %while3A_765 : vector<16xi32>
          %le3A = arith.cmpi sle, %gather3A_1137, %sub3A_982 : vector<16xi32>
          %and3A_1139 = arith.andi %eq3A_1138, %le3A : vector<16xi1>
          %gt3A_1140 = vector.broadcast %while3A_1131 : i32 to vector<16xi32>
          %gt3A_1141 = arith.cmpi sgt, %scan3A_705, %gt3A_1140 : vector<16xi32>
          %and3A_1142 = arith.andi %and3A_1139, %gt3A_1141 : vector<16xi1>
          %all_reduce_population_count3A = tpu.all_reduce %and3A_1142 {dim = 0 : i64, kind = #tpu.reduction_kind<sum>} : vector<16xi1> -> vector<16xi32>
          %add3A_1143 = arith.addi %while3A_1132, %all_reduce_population_count3A : vector<16xi32>
          scf.yield %add3A_1143 : vector<16xi32>
        }
        %add3A_994 = arith.addi %while3A_776#0, %while3A_993 : vector<16xi32>
        %lt3A_995 = arith.constant 64 : i32
        %lt3A_996 = vector.broadcast %lt3A_995 : i32 to vector<16xi32>
        %lt3A_997 = arith.cmpi slt, %add3A_994, %lt3A_996 : vector<16xi32>
        %select_n3A_998 = arith.select %lt3A_997, %add3A_979, %select_n3A_976 : vector<16xi1>, vector<16xi32>
        %add3A_999 = arith.constant 32 : i32
        %add3A_1000 = vector.broadcast %add3A_999 : i32 to vector<16xi32>
        %add3A_1001 = arith.addi %select_n3A_998, %add3A_1000 : vector<16xi32>
        %sub3A_1002 = arith.constant 1 : i32
        %sub3A_1003 = vector.broadcast %sub3A_1002 : i32 to vector<16xi32>
        %sub3A_1004 = arith.subi %add3A_1001, %sub3A_1003 : vector<16xi32>
        %while3A_1005 = arith.constant 0 : i32
        %while3A_1006 = arith.subi %reduce_max3A_714, %while3A_1005 : i32
        %while3A_1007 = arith.addi %while3A_1005, %while3A_1006 : i32
        %while3A_1008 = arith.constant 1 : i32
        %while3A_1009 = arith.divsi %while3A_1006, %while3A_1008 : i32
        %while3A_1010 = arith.muli %while3A_1009, %while3A_1008 : i32
        %while3A_1011 = arith.addi %while3A_1005, %while3A_1010 : i32
        %while3A_1012 = arith.constant 1 : i32
        %while3A_1013 = scf.for %while3A_1131 = %while3A_1005 to %while3A_1011 step %while3A_1012 iter_args(%while3A_1132 = %broadcast_in_dim3A_8) -> (vector<16xi32>)  : i32 {
          %add3A_1133 = vector.broadcast %while3A_1131 : i32 to vector<16xi32>
          %add3A_1134 = arith.addi %mul3A_5, %add3A_1133 : vector<16xi32>
          %gather3A = tpu.vector_load_idx %arg7[%add3A_1134] : memref<16368xi32, #tpu.memory_space<vmem>>[vector<16xi32>], vector<16xi32>,
          %add3A_1135 = vector.broadcast %while3A_1131 : i32 to vector<16xi32>
          %add3A_1136 = arith.addi %mul3A_5, %add3A_1135 : vector<16xi32>
          %gather3A_1137 = tpu.vector_load_idx %arg8[%add3A_1136] : memref<16368xi32, #tpu.memory_space<vmem>>[vector<16xi32>], vector<16xi32>,
          %eq3A_1138 = arith.cmpi eq, %gather3A, %while3A_765 : vector<16xi32>
          %le3A = arith.cmpi sle, %gather3A_1137, %sub3A_1004 : vector<16xi32>
          %and3A_1139 = arith.andi %eq3A_1138, %le3A : vector<16xi1>
          %gt3A_1140 = vector.broadcast %while3A_1131 : i32 to vector<16xi32>
          %gt3A_1141 = arith.cmpi sgt, %scan3A_705, %gt3A_1140 : vector<16xi32>
          %and3A_1142 = arith.andi %and3A_1139, %gt3A_1141 : vector<16xi1>
          %all_reduce_population_count3A = tpu.all_reduce %and3A_1142 {dim = 0 : i64, kind = #tpu.reduction_kind<sum>} : vector<16xi1> -> vector<16xi32>
          %add3A_1143 = arith.addi %while3A_1132, %all_reduce_population_count3A : vector<16xi32>
          scf.yield %add3A_1143 : vector<16xi32>
        }
        %while3A_1014 = arith.constant 1 : i32
        %while3A_1015 = scf.for %while3A_1131 = %while3A_1011 to %while3A_1007 step %while3A_1014 iter_args(%while3A_1132 = %while3A_1013) -> (vector<16xi32>)  : i32 {
          %add3A_1133 = vector.broadcast %while3A_1131 : i32 to vector<16xi32>
          %add3A_1134 = arith.addi %mul3A_5, %add3A_1133 : vector<16xi32>
          %gather3A = tpu.vector_load_idx %arg7[%add3A_1134] : memref<16368xi32, #tpu.memory_space<vmem>>[vector<16xi32>], vector<16xi32>,
          %add3A_1135 = vector.broadcast %while3A_1131 : i32 to vector<16xi32>
          %add3A_1136 = arith.addi %mul3A_5, %add3A_1135 : vector<16xi32>
          %gather3A_1137 = tpu.vector_load_idx %arg8[%add3A_1136] : memref<16368xi32, #tpu.memory_space<vmem>>[vector<16xi32>], vector<16xi32>,
          %eq3A_1138 = arith.cmpi eq, %gather3A, %while3A_765 : vector<16xi32>
          %le3A = arith.cmpi sle, %gather3A_1137, %sub3A_1004 : vector<16xi32>
          %and3A_1139 = arith.andi %eq3A_1138, %le3A : vector<16xi1>
          %gt3A_1140 = vector.broadcast %while3A_1131 : i32 to vector<16xi32>
          %gt3A_1141 = arith.cmpi sgt, %scan3A_705, %gt3A_1140 : vector<16xi32>
          %and3A_1142 = arith.andi %and3A_1139, %gt3A_1141 : vector<16xi1>
          %all_reduce_population_count3A = tpu.all_reduce %and3A_1142 {dim = 0 : i64, kind = #tpu.reduction_kind<sum>} : vector<16xi1> -> vector<16xi32>
          %add3A_1143 = arith.addi %while3A_1132, %all_reduce_population_count3A : vector<16xi32>
          scf.yield %add3A_1143 : vector<16xi32>
        }
        %add3A_1016 = arith.addi %while3A_776#0, %while3A_1015 : vector<16xi32>
        %lt3A_1017 = arith.constant 64 : i32
        %lt3A_1018 = vector.broadcast %lt3A_1017 : i32 to vector<16xi32>
        %lt3A_1019 = arith.cmpi slt, %add3A_1016, %lt3A_1018 : vector<16xi32>
        %select_n3A_1020 = arith.select %lt3A_1019, %add3A_1001, %select_n3A_998 : vector<16xi1>, vector<16xi32>
        %add3A_1021 = arith.constant 16 : i32
        %add3A_1022 = vector.broadcast %add3A_1021 : i32 to vector<16xi32>
        %add3A_1023 = arith.addi %select_n3A_1020, %add3A_1022 : vector<16xi32>
        %sub3A_1024 = arith.constant 1 : i32
        %sub3A_1025 = vector.broadcast %sub3A_1024 : i32 to vector<16xi32>
        %sub3A_1026 = arith.subi %add3A_1023, %sub3A_1025 : vector<16xi32>
        %while3A_1027 = arith.constant 0 : i32
        %while3A_1028 = arith.subi %reduce_max3A_714, %while3A_1027 : i32
        %while3A_1029 = arith.addi %while3A_1027, %while3A_1028 : i32
        %while3A_1030 = arith.constant 1 : i32
        %while3A_1031 = arith.divsi %while3A_1028, %while3A_1030 : i32
        %while3A_1032 = arith.muli %while3A_1031, %while3A_1030 : i32
        %while3A_1033 = arith.addi %while3A_1027, %while3A_1032 : i32
        %while3A_1034 = arith.constant 1 : i32
        %while3A_1035 = scf.for %while3A_1131 = %while3A_1027 to %while3A_1033 step %while3A_1034 iter_args(%while3A_1132 = %broadcast_in_dim3A_8) -> (vector<16xi32>)  : i32 {
          %add3A_1133 = vector.broadcast %while3A_1131 : i32 to vector<16xi32>
          %add3A_1134 = arith.addi %mul3A_5, %add3A_1133 : vector<16xi32>
          %gather3A = tpu.vector_load_idx %arg7[%add3A_1134] : memref<16368xi32, #tpu.memory_space<vmem>>[vector<16xi32>], vector<16xi32>,
          %add3A_1135 = vector.broadcast %while3A_1131 : i32 to vector<16xi32>
          %add3A_1136 = arith.addi %mul3A_5, %add3A_1135 : vector<16xi32>
          %gather3A_1137 = tpu.vector_load_idx %arg8[%add3A_1136] : memref<16368xi32, #tpu.memory_space<vmem>>[vector<16xi32>], vector<16xi32>,
          %eq3A_1138 = arith.cmpi eq, %gather3A, %while3A_765 : vector<16xi32>
          %le3A = arith.cmpi sle, %gather3A_1137, %sub3A_1026 : vector<16xi32>
          %and3A_1139 = arith.andi %eq3A_1138, %le3A : vector<16xi1>
          %gt3A_1140 = vector.broadcast %while3A_1131 : i32 to vector<16xi32>
          %gt3A_1141 = arith.cmpi sgt, %scan3A_705, %gt3A_1140 : vector<16xi32>
          %and3A_1142 = arith.andi %and3A_1139, %gt3A_1141 : vector<16xi1>
          %all_reduce_population_count3A = tpu.all_reduce %and3A_1142 {dim = 0 : i64, kind = #tpu.reduction_kind<sum>} : vector<16xi1> -> vector<16xi32>
          %add3A_1143 = arith.addi %while3A_1132, %all_reduce_population_count3A : vector<16xi32>
          scf.yield %add3A_1143 : vector<16xi32>
        }
        %while3A_1036 = arith.constant 1 : i32
        %while3A_1037 = scf.for %while3A_1131 = %while3A_1033 to %while3A_1029 step %while3A_1036 iter_args(%while3A_1132 = %while3A_1035) -> (vector<16xi32>)  : i32 {
          %add3A_1133 = vector.broadcast %while3A_1131 : i32 to vector<16xi32>
          %add3A_1134 = arith.addi %mul3A_5, %add3A_1133 : vector<16xi32>
          %gather3A = tpu.vector_load_idx %arg7[%add3A_1134] : memref<16368xi32, #tpu.memory_space<vmem>>[vector<16xi32>], vector<16xi32>,
          %add3A_1135 = vector.broadcast %while3A_1131 : i32 to vector<16xi32>
          %add3A_1136 = arith.addi %mul3A_5, %add3A_1135 : vector<16xi32>
          %gather3A_1137 = tpu.vector_load_idx %arg8[%add3A_1136] : memref<16368xi32, #tpu.memory_space<vmem>>[vector<16xi32>], vector<16xi32>,
          %eq3A_1138 = arith.cmpi eq, %gather3A, %while3A_765 : vector<16xi32>
          %le3A = arith.cmpi sle, %gather3A_1137, %sub3A_1026 : vector<16xi32>
          %and3A_1139 = arith.andi %eq3A_1138, %le3A : vector<16xi1>
          %gt3A_1140 = vector.broadcast %while3A_1131 : i32 to vector<16xi32>
          %gt3A_1141 = arith.cmpi sgt, %scan3A_705, %gt3A_1140 : vector<16xi32>
          %and3A_1142 = arith.andi %and3A_1139, %gt3A_1141 : vector<16xi1>
          %all_reduce_population_count3A = tpu.all_reduce %and3A_1142 {dim = 0 : i64, kind = #tpu.reduction_kind<sum>} : vector<16xi1> -> vector<16xi32>
          %add3A_1143 = arith.addi %while3A_1132, %all_reduce_population_count3A : vector<16xi32>
          scf.yield %add3A_1143 : vector<16xi32>
        }
        %add3A_1038 = arith.addi %while3A_776#0, %while3A_1037 : vector<16xi32>
        %lt3A_1039 = arith.constant 64 : i32
        %lt3A_1040 = vector.broadcast %lt3A_1039 : i32 to vector<16xi32>
        %lt3A_1041 = arith.cmpi slt, %add3A_1038, %lt3A_1040 : vector<16xi32>
        %select_n3A_1042 = arith.select %lt3A_1041, %add3A_1023, %select_n3A_1020 : vector<16xi1>, vector<16xi32>
        %add3A_1043 = arith.constant 8 : i32
        %add3A_1044 = vector.broadcast %add3A_1043 : i32 to vector<16xi32>
        %add3A_1045 = arith.addi %select_n3A_1042, %add3A_1044 : vector<16xi32>
        %sub3A_1046 = arith.constant 1 : i32
        %sub3A_1047 = vector.broadcast %sub3A_1046 : i32 to vector<16xi32>
        %sub3A_1048 = arith.subi %add3A_1045, %sub3A_1047 : vector<16xi32>
        %while3A_1049 = arith.constant 0 : i32
        %while3A_1050 = arith.subi %reduce_max3A_714, %while3A_1049 : i32
        %while3A_1051 = arith.addi %while3A_1049, %while3A_1050 : i32
        %while3A_1052 = arith.constant 1 : i32
        %while3A_1053 = arith.divsi %while3A_1050, %while3A_1052 : i32
        %while3A_1054 = arith.muli %while3A_1053, %while3A_1052 : i32
        %while3A_1055 = arith.addi %while3A_1049, %while3A_1054 : i32
        %while3A_1056 = arith.constant 1 : i32
        %while3A_1057 = scf.for %while3A_1131 = %while3A_1049 to %while3A_1055 step %while3A_1056 iter_args(%while3A_1132 = %broadcast_in_dim3A_8) -> (vector<16xi32>)  : i32 {
          %add3A_1133 = vector.broadcast %while3A_1131 : i32 to vector<16xi32>
          %add3A_1134 = arith.addi %mul3A_5, %add3A_1133 : vector<16xi32>
          %gather3A = tpu.vector_load_idx %arg7[%add3A_1134] : memref<16368xi32, #tpu.memory_space<vmem>>[vector<16xi32>], vector<16xi32>,
          %add3A_1135 = vector.broadcast %while3A_1131 : i32 to vector<16xi32>
          %add3A_1136 = arith.addi %mul3A_5, %add3A_1135 : vector<16xi32>
          %gather3A_1137 = tpu.vector_load_idx %arg8[%add3A_1136] : memref<16368xi32, #tpu.memory_space<vmem>>[vector<16xi32>], vector<16xi32>,
          %eq3A_1138 = arith.cmpi eq, %gather3A, %while3A_765 : vector<16xi32>
          %le3A = arith.cmpi sle, %gather3A_1137, %sub3A_1048 : vector<16xi32>
          %and3A_1139 = arith.andi %eq3A_1138, %le3A : vector<16xi1>
          %gt3A_1140 = vector.broadcast %while3A_1131 : i32 to vector<16xi32>
          %gt3A_1141 = arith.cmpi sgt, %scan3A_705, %gt3A_1140 : vector<16xi32>
          %and3A_1142 = arith.andi %and3A_1139, %gt3A_1141 : vector<16xi1>
          %all_reduce_population_count3A = tpu.all_reduce %and3A_1142 {dim = 0 : i64, kind = #tpu.reduction_kind<sum>} : vector<16xi1> -> vector<16xi32>
          %add3A_1143 = arith.addi %while3A_1132, %all_reduce_population_count3A : vector<16xi32>
          scf.yield %add3A_1143 : vector<16xi32>
        }
        %while3A_1058 = arith.constant 1 : i32
        %while3A_1059 = scf.for %while3A_1131 = %while3A_1055 to %while3A_1051 step %while3A_1058 iter_args(%while3A_1132 = %while3A_1057) -> (vector<16xi32>)  : i32 {
          %add3A_1133 = vector.broadcast %while3A_1131 : i32 to vector<16xi32>
          %add3A_1134 = arith.addi %mul3A_5, %add3A_1133 : vector<16xi32>
          %gather3A = tpu.vector_load_idx %arg7[%add3A_1134] : memref<16368xi32, #tpu.memory_space<vmem>>[vector<16xi32>], vector<16xi32>,
          %add3A_1135 = vector.broadcast %while3A_1131 : i32 to vector<16xi32>
          %add3A_1136 = arith.addi %mul3A_5, %add3A_1135 : vector<16xi32>
          %gather3A_1137 = tpu.vector_load_idx %arg8[%add3A_1136] : memref<16368xi32, #tpu.memory_space<vmem>>[vector<16xi32>], vector<16xi32>,
          %eq3A_1138 = arith.cmpi eq, %gather3A, %while3A_765 : vector<16xi32>
          %le3A = arith.cmpi sle, %gather3A_1137, %sub3A_1048 : vector<16xi32>
          %and3A_1139 = arith.andi %eq3A_1138, %le3A : vector<16xi1>
          %gt3A_1140 = vector.broadcast %while3A_1131 : i32 to vector<16xi32>
          %gt3A_1141 = arith.cmpi sgt, %scan3A_705, %gt3A_1140 : vector<16xi32>
          %and3A_1142 = arith.andi %and3A_1139, %gt3A_1141 : vector<16xi1>
          %all_reduce_population_count3A = tpu.all_reduce %and3A_1142 {dim = 0 : i64, kind = #tpu.reduction_kind<sum>} : vector<16xi1> -> vector<16xi32>
          %add3A_1143 = arith.addi %while3A_1132, %all_reduce_population_count3A : vector<16xi32>
          scf.yield %add3A_1143 : vector<16xi32>
        }
        %add3A_1060 = arith.addi %while3A_776#0, %while3A_1059 : vector<16xi32>
        %lt3A_1061 = arith.constant 64 : i32
        %lt3A_1062 = vector.broadcast %lt3A_1061 : i32 to vector<16xi32>
        %lt3A_1063 = arith.cmpi slt, %add3A_1060, %lt3A_1062 : vector<16xi32>
        %select_n3A_1064 = arith.select %lt3A_1063, %add3A_1045, %select_n3A_1042 : vector<16xi1>, vector<16xi32>
        %add3A_1065 = arith.constant 4 : i32
        %add3A_1066 = vector.broadcast %add3A_1065 : i32 to vector<16xi32>
        %add3A_1067 = arith.addi %select_n3A_1064, %add3A_1066 : vector<16xi32>
        %sub3A_1068 = arith.constant 1 : i32
        %sub3A_1069 = vector.broadcast %sub3A_1068 : i32 to vector<16xi32>
        %sub3A_1070 = arith.subi %add3A_1067, %sub3A_1069 : vector<16xi32>
        %while3A_1071 = arith.constant 0 : i32
        %while3A_1072 = arith.subi %reduce_max3A_714, %while3A_1071 : i32
        %while3A_1073 = arith.addi %while3A_1071, %while3A_1072 : i32
        %while3A_1074 = arith.constant 1 : i32
        %while3A_1075 = arith.divsi %while3A_1072, %while3A_1074 : i32
        %while3A_1076 = arith.muli %while3A_1075, %while3A_1074 : i32
        %while3A_1077 = arith.addi %while3A_1071, %while3A_1076 : i32
        %while3A_1078 = arith.constant 1 : i32
        %while3A_1079 = scf.for %while3A_1131 = %while3A_1071 to %while3A_1077 step %while3A_1078 iter_args(%while3A_1132 = %broadcast_in_dim3A_8) -> (vector<16xi32>)  : i32 {
          %add3A_1133 = vector.broadcast %while3A_1131 : i32 to vector<16xi32>
          %add3A_1134 = arith.addi %mul3A_5, %add3A_1133 : vector<16xi32>
          %gather3A = tpu.vector_load_idx %arg7[%add3A_1134] : memref<16368xi32, #tpu.memory_space<vmem>>[vector<16xi32>], vector<16xi32>,
          %add3A_1135 = vector.broadcast %while3A_1131 : i32 to vector<16xi32>
          %add3A_1136 = arith.addi %mul3A_5, %add3A_1135 : vector<16xi32>
          %gather3A_1137 = tpu.vector_load_idx %arg8[%add3A_1136] : memref<16368xi32, #tpu.memory_space<vmem>>[vector<16xi32>], vector<16xi32>,
          %eq3A_1138 = arith.cmpi eq, %gather3A, %while3A_765 : vector<16xi32>
          %le3A = arith.cmpi sle, %gather3A_1137, %sub3A_1070 : vector<16xi32>
          %and3A_1139 = arith.andi %eq3A_1138, %le3A : vector<16xi1>
          %gt3A_1140 = vector.broadcast %while3A_1131 : i32 to vector<16xi32>
          %gt3A_1141 = arith.cmpi sgt, %scan3A_705, %gt3A_1140 : vector<16xi32>
          %and3A_1142 = arith.andi %and3A_1139, %gt3A_1141 : vector<16xi1>
          %all_reduce_population_count3A = tpu.all_reduce %and3A_1142 {dim = 0 : i64, kind = #tpu.reduction_kind<sum>} : vector<16xi1> -> vector<16xi32>
          %add3A_1143 = arith.addi %while3A_1132, %all_reduce_population_count3A : vector<16xi32>
          scf.yield %add3A_1143 : vector<16xi32>
        }
        %while3A_1080 = arith.constant 1 : i32
        %while3A_1081 = scf.for %while3A_1131 = %while3A_1077 to %while3A_1073 step %while3A_1080 iter_args(%while3A_1132 = %while3A_1079) -> (vector<16xi32>)  : i32 {
          %add3A_1133 = vector.broadcast %while3A_1131 : i32 to vector<16xi32>
          %add3A_1134 = arith.addi %mul3A_5, %add3A_1133 : vector<16xi32>
          %gather3A = tpu.vector_load_idx %arg7[%add3A_1134] : memref<16368xi32, #tpu.memory_space<vmem>>[vector<16xi32>], vector<16xi32>,
          %add3A_1135 = vector.broadcast %while3A_1131 : i32 to vector<16xi32>
          %add3A_1136 = arith.addi %mul3A_5, %add3A_1135 : vector<16xi32>
          %gather3A_1137 = tpu.vector_load_idx %arg8[%add3A_1136] : memref<16368xi32, #tpu.memory_space<vmem>>[vector<16xi32>], vector<16xi32>,
          %eq3A_1138 = arith.cmpi eq, %gather3A, %while3A_765 : vector<16xi32>
          %le3A = arith.cmpi sle, %gather3A_1137, %sub3A_1070 : vector<16xi32>
          %and3A_1139 = arith.andi %eq3A_1138, %le3A : vector<16xi1>
          %gt3A_1140 = vector.broadcast %while3A_1131 : i32 to vector<16xi32>
          %gt3A_1141 = arith.cmpi sgt, %scan3A_705, %gt3A_1140 : vector<16xi32>
          %and3A_1142 = arith.andi %and3A_1139, %gt3A_1141 : vector<16xi1>
          %all_reduce_population_count3A = tpu.all_reduce %and3A_1142 {dim = 0 : i64, kind = #tpu.reduction_kind<sum>} : vector<16xi1> -> vector<16xi32>
          %add3A_1143 = arith.addi %while3A_1132, %all_reduce_population_count3A : vector<16xi32>
          scf.yield %add3A_1143 : vector<16xi32>
        }
        %add3A_1082 = arith.addi %while3A_776#0, %while3A_1081 : vector<16xi32>
        %lt3A_1083 = arith.constant 64 : i32
        %lt3A_1084 = vector.broadcast %lt3A_1083 : i32 to vector<16xi32>
        %lt3A_1085 = arith.cmpi slt, %add3A_1082, %lt3A_1084 : vector<16xi32>
        %select_n3A_1086 = arith.select %lt3A_1085, %add3A_1067, %select_n3A_1064 : vector<16xi1>, vector<16xi32>
        %add3A_1087 = arith.constant 2 : i32
        %add3A_1088 = vector.broadcast %add3A_1087 : i32 to vector<16xi32>
        %add3A_1089 = arith.addi %select_n3A_1086, %add3A_1088 : vector<16xi32>
        %sub3A_1090 = arith.constant 1 : i32
        %sub3A_1091 = vector.broadcast %sub3A_1090 : i32 to vector<16xi32>
        %sub3A_1092 = arith.subi %add3A_1089, %sub3A_1091 : vector<16xi32>
        %while3A_1093 = arith.constant 0 : i32
        %while3A_1094 = arith.subi %reduce_max3A_714, %while3A_1093 : i32
        %while3A_1095 = arith.addi %while3A_1093, %while3A_1094 : i32
        %while3A_1096 = arith.constant 1 : i32
        %while3A_1097 = arith.divsi %while3A_1094, %while3A_1096 : i32
        %while3A_1098 = arith.muli %while3A_1097, %while3A_1096 : i32
        %while3A_1099 = arith.addi %while3A_1093, %while3A_1098 : i32
        %while3A_1100 = arith.constant 1 : i32
        %while3A_1101 = scf.for %while3A_1131 = %while3A_1093 to %while3A_1099 step %while3A_1100 iter_args(%while3A_1132 = %broadcast_in_dim3A_8) -> (vector<16xi32>)  : i32 {
          %add3A_1133 = vector.broadcast %while3A_1131 : i32 to vector<16xi32>
          %add3A_1134 = arith.addi %mul3A_5, %add3A_1133 : vector<16xi32>
          %gather3A = tpu.vector_load_idx %arg7[%add3A_1134] : memref<16368xi32, #tpu.memory_space<vmem>>[vector<16xi32>], vector<16xi32>,
          %add3A_1135 = vector.broadcast %while3A_1131 : i32 to vector<16xi32>
          %add3A_1136 = arith.addi %mul3A_5, %add3A_1135 : vector<16xi32>
          %gather3A_1137 = tpu.vector_load_idx %arg8[%add3A_1136] : memref<16368xi32, #tpu.memory_space<vmem>>[vector<16xi32>], vector<16xi32>,
          %eq3A_1138 = arith.cmpi eq, %gather3A, %while3A_765 : vector<16xi32>
          %le3A = arith.cmpi sle, %gather3A_1137, %sub3A_1092 : vector<16xi32>
          %and3A_1139 = arith.andi %eq3A_1138, %le3A : vector<16xi1>
          %gt3A_1140 = vector.broadcast %while3A_1131 : i32 to vector<16xi32>
          %gt3A_1141 = arith.cmpi sgt, %scan3A_705, %gt3A_1140 : vector<16xi32>
          %and3A_1142 = arith.andi %and3A_1139, %gt3A_1141 : vector<16xi1>
          %all_reduce_population_count3A = tpu.all_reduce %and3A_1142 {dim = 0 : i64, kind = #tpu.reduction_kind<sum>} : vector<16xi1> -> vector<16xi32>
          %add3A_1143 = arith.addi %while3A_1132, %all_reduce_population_count3A : vector<16xi32>
          scf.yield %add3A_1143 : vector<16xi32>
        }
        %while3A_1102 = arith.constant 1 : i32
        %while3A_1103 = scf.for %while3A_1131 = %while3A_1099 to %while3A_1095 step %while3A_1102 iter_args(%while3A_1132 = %while3A_1101) -> (vector<16xi32>)  : i32 {
          %add3A_1133 = vector.broadcast %while3A_1131 : i32 to vector<16xi32>
          %add3A_1134 = arith.addi %mul3A_5, %add3A_1133 : vector<16xi32>
          %gather3A = tpu.vector_load_idx %arg7[%add3A_1134] : memref<16368xi32, #tpu.memory_space<vmem>>[vector<16xi32>], vector<16xi32>,
          %add3A_1135 = vector.broadcast %while3A_1131 : i32 to vector<16xi32>
          %add3A_1136 = arith.addi %mul3A_5, %add3A_1135 : vector<16xi32>
          %gather3A_1137 = tpu.vector_load_idx %arg8[%add3A_1136] : memref<16368xi32, #tpu.memory_space<vmem>>[vector<16xi32>], vector<16xi32>,
          %eq3A_1138 = arith.cmpi eq, %gather3A, %while3A_765 : vector<16xi32>
          %le3A = arith.cmpi sle, %gather3A_1137, %sub3A_1092 : vector<16xi32>
          %and3A_1139 = arith.andi %eq3A_1138, %le3A : vector<16xi1>
          %gt3A_1140 = vector.broadcast %while3A_1131 : i32 to vector<16xi32>
          %gt3A_1141 = arith.cmpi sgt, %scan3A_705, %gt3A_1140 : vector<16xi32>
          %and3A_1142 = arith.andi %and3A_1139, %gt3A_1141 : vector<16xi1>
          %all_reduce_population_count3A = tpu.all_reduce %and3A_1142 {dim = 0 : i64, kind = #tpu.reduction_kind<sum>} : vector<16xi1> -> vector<16xi32>
          %add3A_1143 = arith.addi %while3A_1132, %all_reduce_population_count3A : vector<16xi32>
          scf.yield %add3A_1143 : vector<16xi32>
        }
        %add3A_1104 = arith.addi %while3A_776#0, %while3A_1103 : vector<16xi32>
        %lt3A_1105 = arith.constant 64 : i32
        %lt3A_1106 = vector.broadcast %lt3A_1105 : i32 to vector<16xi32>
        %lt3A_1107 = arith.cmpi slt, %add3A_1104, %lt3A_1106 : vector<16xi32>
        %select_n3A_1108 = arith.select %lt3A_1107, %add3A_1089, %select_n3A_1086 : vector<16xi1>, vector<16xi32>
        %add3A_1109 = arith.constant 1 : i32
        %add3A_1110 = vector.broadcast %add3A_1109 : i32 to vector<16xi32>
        %add3A_1111 = arith.addi %select_n3A_1108, %add3A_1110 : vector<16xi32>
        %sub3A_1112 = arith.constant 1 : i32
        %sub3A_1113 = vector.broadcast %sub3A_1112 : i32 to vector<16xi32>
        %sub3A_1114 = arith.subi %add3A_1111, %sub3A_1113 : vector<16xi32>
        %while3A_1115 = arith.constant 0 : i32
        %while3A_1116 = arith.subi %reduce_max3A_714, %while3A_1115 : i32
        %while3A_1117 = arith.addi %while3A_1115, %while3A_1116 : i32
        %while3A_1118 = arith.constant 1 : i32
        %while3A_1119 = arith.divsi %while3A_1116, %while3A_1118 : i32
        %while3A_1120 = arith.muli %while3A_1119, %while3A_1118 : i32
        %while3A_1121 = arith.addi %while3A_1115, %while3A_1120 : i32
        %while3A_1122 = arith.constant 1 : i32
        %while3A_1123 = scf.for %while3A_1131 = %while3A_1115 to %while3A_1121 step %while3A_1122 iter_args(%while3A_1132 = %broadcast_in_dim3A_8) -> (vector<16xi32>)  : i32 {
          %add3A_1133 = vector.broadcast %while3A_1131 : i32 to vector<16xi32>
          %add3A_1134 = arith.addi %mul3A_5, %add3A_1133 : vector<16xi32>
          %gather3A = tpu.vector_load_idx %arg7[%add3A_1134] : memref<16368xi32, #tpu.memory_space<vmem>>[vector<16xi32>], vector<16xi32>,
          %add3A_1135 = vector.broadcast %while3A_1131 : i32 to vector<16xi32>
          %add3A_1136 = arith.addi %mul3A_5, %add3A_1135 : vector<16xi32>
          %gather3A_1137 = tpu.vector_load_idx %arg8[%add3A_1136] : memref<16368xi32, #tpu.memory_space<vmem>>[vector<16xi32>], vector<16xi32>,
          %eq3A_1138 = arith.cmpi eq, %gather3A, %while3A_765 : vector<16xi32>
          %le3A = arith.cmpi sle, %gather3A_1137, %sub3A_1114 : vector<16xi32>
          %and3A_1139 = arith.andi %eq3A_1138, %le3A : vector<16xi1>
          %gt3A_1140 = vector.broadcast %while3A_1131 : i32 to vector<16xi32>
          %gt3A_1141 = arith.cmpi sgt, %scan3A_705, %gt3A_1140 : vector<16xi32>
          %and3A_1142 = arith.andi %and3A_1139, %gt3A_1141 : vector<16xi1>
          %all_reduce_population_count3A = tpu.all_reduce %and3A_1142 {dim = 0 : i64, kind = #tpu.reduction_kind<sum>} : vector<16xi1> -> vector<16xi32>
          %add3A_1143 = arith.addi %while3A_1132, %all_reduce_population_count3A : vector<16xi32>
          scf.yield %add3A_1143 : vector<16xi32>
        }
        %while3A_1124 = arith.constant 1 : i32
        %while3A_1125 = scf.for %while3A_1131 = %while3A_1121 to %while3A_1117 step %while3A_1124 iter_args(%while3A_1132 = %while3A_1123) -> (vector<16xi32>)  : i32 {
          %add3A_1133 = vector.broadcast %while3A_1131 : i32 to vector<16xi32>
          %add3A_1134 = arith.addi %mul3A_5, %add3A_1133 : vector<16xi32>
          %gather3A = tpu.vector_load_idx %arg7[%add3A_1134] : memref<16368xi32, #tpu.memory_space<vmem>>[vector<16xi32>], vector<16xi32>,
          %add3A_1135 = vector.broadcast %while3A_1131 : i32 to vector<16xi32>
          %add3A_1136 = arith.addi %mul3A_5, %add3A_1135 : vector<16xi32>
          %gather3A_1137 = tpu.vector_load_idx %arg8[%add3A_1136] : memref<16368xi32, #tpu.memory_space<vmem>>[vector<16xi32>], vector<16xi32>,
          %eq3A_1138 = arith.cmpi eq, %gather3A, %while3A_765 : vector<16xi32>
          %le3A = arith.cmpi sle, %gather3A_1137, %sub3A_1114 : vector<16xi32>
          %and3A_1139 = arith.andi %eq3A_1138, %le3A : vector<16xi1>
          %gt3A_1140 = vector.broadcast %while3A_1131 : i32 to vector<16xi32>
          %gt3A_1141 = arith.cmpi sgt, %scan3A_705, %gt3A_1140 : vector<16xi32>
          %and3A_1142 = arith.andi %and3A_1139, %gt3A_1141 : vector<16xi1>
          %all_reduce_population_count3A = tpu.all_reduce %and3A_1142 {dim = 0 : i64, kind = #tpu.reduction_kind<sum>} : vector<16xi1> -> vector<16xi32>
          %add3A_1143 = arith.addi %while3A_1132, %all_reduce_population_count3A : vector<16xi32>
          scf.yield %add3A_1143 : vector<16xi32>
        }
        %add3A_1126 = arith.addi %while3A_776#0, %while3A_1125 : vector<16xi32>
        %lt3A_1127 = arith.constant 64 : i32
        %lt3A_1128 = vector.broadcast %lt3A_1127 : i32 to vector<16xi32>
        %lt3A_1129 = arith.cmpi slt, %add3A_1126, %lt3A_1128 : vector<16xi32>
        %select_n3A_1130 = arith.select %lt3A_1129, %add3A_1111, %select_n3A_1108 : vector<16xi1>, vector<16xi32>
        scf.yield %select_n3A_1130 : vector<16xi32>
      } else {
        %broadcast_in_dim3A_801 = arith.constant 32767 : i32
        %broadcast_in_dim3A_802 = vector.broadcast %broadcast_in_dim3A_801 : i32 to vector<16xi32>
        scf.yield %broadcast_in_dim3A_802 : vector<16xi32>
      }
      %while3A_789 = arith.constant 0 : i32
      %while3A_790 = arith.constant 0 : i32
      %while3A_791 = arith.subi %reduce_max3A_714, %while3A_789 : i32
      %while3A_792 = arith.addi %while3A_789, %while3A_791 : i32
      %while3A_793 = arith.constant 1 : i32
      %while3A_794 = arith.divsi %while3A_791, %while3A_793 : i32
      %while3A_795 = arith.muli %while3A_794, %while3A_793 : i32
      %while3A_796 = arith.addi %while3A_789, %while3A_795 : i32
      %while3A_797 = arith.constant 1 : i32
      %while3A_798 = scf.for %while3A_801 = %while3A_789 to %while3A_796 step %while3A_797 iter_args(%while3A_802 = %while3A_790) -> (i32)  : i32 {
        %add3A_803 = vector.broadcast %while3A_801 : i32 to vector<16xi32>
        %add3A_804 = arith.addi %mul3A_5, %add3A_803 : vector<16xi32>
        %gather3A = tpu.vector_load_idx %arg7[%add3A_804] : memref<16368xi32, #tpu.memory_space<vmem>>[vector<16xi32>], vector<16xi32>,
        %add3A_805 = vector.broadcast %while3A_801 : i32 to vector<16xi32>
        %add3A_806 = arith.addi %mul3A_5, %add3A_805 : vector<16xi32>
        %gather3A_807 = tpu.vector_load_idx %arg8[%add3A_806] : memref<16368xi32, #tpu.memory_space<vmem>>[vector<16xi32>], vector<16xi32>,
        %gt3A_808 = arith.cmpi sgt, %gather3A, %while3A_765 : vector<16xi32>
        %eq3A_809 = arith.cmpi eq, %gather3A, %while3A_765 : vector<16xi32>
        %le3A = arith.cmpi sle, %gather3A_807, %cond3A_788 : vector<16xi32>
        %and3A_810 = arith.andi %eq3A_809, %le3A : vector<16xi1>
        %or3A = arith.ori %gt3A_808, %and3A_810 : vector<16xi1>
        %gt3A_811 = vector.broadcast %while3A_801 : i32 to vector<16xi32>
        %gt3A_812 = arith.cmpi sgt, %scan3A_705, %gt3A_811 : vector<16xi32>
        %and3A_813 = arith.andi %or3A, %gt3A_812 : vector<16xi1>
        %ge3A_814 = arith.constant 0 : i32
        %ge3A_815 = vector.broadcast %ge3A_814 : i32 to vector<16xi32>
        %ge3A_816 = arith.cmpi sge, %gather3A, %ge3A_815 : vector<16xi32>
        %bitcast3A_817 = vector.bitcast %gather3A : vector<16xi32> to vector<16xf32>
        %jit3A = arith.constant 0.000000e+00 : f32
        %broadcast_in_dim3A_818 = vector.broadcast %jit3A : f32 to vector<16xf32>
        %select_n3A_819 = arith.select %ge3A_816, %bitcast3A_817, %broadcast_in_dim3A_818 : vector<16xi1>, vector<16xf32>
        tpu.vector_store_idx %arg6[%gather3A_807], %select_n3A_819 masked %and3A_813 : memref<32768xf32, #tpu.memory_space<vmem>>[vector<16xi32>], vector<16xf32>, vector<16xi1>
        %while3A_820 = arith.constant 0 : i32
        scf.yield %while3A_820 : i32
      }
      %while3A_799 = arith.constant 1 : i32
      %while3A_800 = scf.for %while3A_801 = %while3A_796 to %while3A_792 step %while3A_799 iter_args(%while3A_802 = %while3A_798) -> (i32)  : i32 {
        %add3A_803 = vector.broadcast %while3A_801 : i32 to vector<16xi32>
        %add3A_804 = arith.addi %mul3A_5, %add3A_803 : vector<16xi32>
        %gather3A = tpu.vector_load_idx %arg7[%add3A_804] : memref<16368xi32, #tpu.memory_space<vmem>>[vector<16xi32>], vector<16xi32>,
        %add3A_805 = vector.broadcast %while3A_801 : i32 to vector<16xi32>
        %add3A_806 = arith.addi %mul3A_5, %add3A_805 : vector<16xi32>
        %gather3A_807 = tpu.vector_load_idx %arg8[%add3A_806] : memref<16368xi32, #tpu.memory_space<vmem>>[vector<16xi32>], vector<16xi32>,
        %gt3A_808 = arith.cmpi sgt, %gather3A, %while3A_765 : vector<16xi32>
        %eq3A_809 = arith.cmpi eq, %gather3A, %while3A_765 : vector<16xi32>
        %le3A = arith.cmpi sle, %gather3A_807, %cond3A_788 : vector<16xi32>
        %and3A_810 = arith.andi %eq3A_809, %le3A : vector<16xi1>
        %or3A = arith.ori %gt3A_808, %and3A_810 : vector<16xi1>
        %gt3A_811 = vector.broadcast %while3A_801 : i32 to vector<16xi32>
        %gt3A_812 = arith.cmpi sgt, %scan3A_705, %gt3A_811 : vector<16xi32>
        %and3A_813 = arith.andi %or3A, %gt3A_812 : vector<16xi1>
        %ge3A_814 = arith.constant 0 : i32
        %ge3A_815 = vector.broadcast %ge3A_814 : i32 to vector<16xi32>
        %ge3A_816 = arith.cmpi sge, %gather3A, %ge3A_815 : vector<16xi32>
        %bitcast3A_817 = vector.bitcast %gather3A : vector<16xi32> to vector<16xf32>
        %jit3A = arith.constant 0.000000e+00 : f32
        %broadcast_in_dim3A_818 = vector.broadcast %jit3A : f32 to vector<16xf32>
        %select_n3A_819 = arith.select %ge3A_816, %bitcast3A_817, %broadcast_in_dim3A_818 : vector<16xi1>, vector<16xf32>
        tpu.vector_store_idx %arg6[%gather3A_807], %select_n3A_819 masked %and3A_813 : memref<32768xf32, #tpu.memory_space<vmem>>[vector<16xi32>], vector<16xf32>, vector<16xi1>
        %while3A_820 = arith.constant 0 : i32
        scf.yield %while3A_820 : i32
      }
      "tpu.region"() ({
        %run_scoped3A = tpu.sem_alloc : memref<!tpu.dma_semaphore, #tpu.memory_space<semaphore_mem>>
        %dma_start3A_801 = arith.constant 0 : i32
        %dma_start3A_802 = tpu.memref_slice %arg3[%add3A_700, %dma_start3A_801] : memref<128x32768xf32, #tpu.memory_space<hbm>> -> memref<1x32768xf32, #tpu.memory_space<hbm>>
        %dma_start3A_803 = tpu.memref_squeeze %dma_start3A_802 : memref<1x32768xf32, #tpu.memory_space<hbm>> -> memref<32768xf32, #tpu.memory_space<hbm>>
        %dma_start3A_804 = arith.constant 0 : i32
        %dma_start3A_805 = tpu.memref_slice %arg3[%add3A_700, %dma_start3A_804] : memref<128x32768xf32, #tpu.memory_space<hbm>> -> memref<1x32768xf32, #tpu.memory_space<hbm>>
        %dma_start3A_806 = tpu.memref_squeeze %dma_start3A_805 : memref<1x32768xf32, #tpu.memory_space<hbm>> -> memref<32768xf32, #tpu.memory_space<hbm>>
        tpu.enqueue_dma source(%arg6 : memref<32768xf32, #tpu.memory_space<vmem>>) target(%dma_start3A_806 : memref<32768xf32, #tpu.memory_space<hbm>>) target_semaphore(%run_scoped3A : memref<!tpu.dma_semaphore, #tpu.memory_space<semaphore_mem>>)
        %dma_wait3A_807 = arith.constant 0 : i32
        %dma_wait3A_808 = tpu.memref_slice %arg3[%add3A_700, %dma_wait3A_807] : memref<128x32768xf32, #tpu.memory_space<hbm>> -> memref<1x32768xf32, #tpu.memory_space<hbm>>
        %dma_wait3A_809 = tpu.memref_squeeze %dma_wait3A_808 : memref<1x32768xf32, #tpu.memory_space<hbm>> -> memref<32768xf32, #tpu.memory_space<hbm>>
        %dma_wait3A_810 = arith.constant 0 : i32
        %dma_wait3A_811 = tpu.memref_slice %arg3[%add3A_700, %dma_wait3A_810] : memref<128x32768xf32, #tpu.memory_space<hbm>> -> memref<1x32768xf32, #tpu.memory_space<hbm>>
        %dma_wait3A_812 = tpu.memref_squeeze %dma_wait3A_811 : memref<1x32768xf32, #tpu.memory_space<hbm>> -> memref<32768xf32, #tpu.memory_space<hbm>>
        tpu.wait_dma2 semaphore(%run_scoped3A : memref<!tpu.dma_semaphore, #tpu.memory_space<semaphore_mem>>) src(%arg6 : memref<32768xf32, #tpu.memory_space<vmem>>) dst(%dma_wait3A_812 : memref<32768xf32, #tpu.memory_space<hbm>>)
        tpu.yield
      }) : () -> ()
      scf.yield %scan3A_705 : vector<16xi32>
    }
    %scan3A_27 = arith.constant 2 : i32
    return
  }
}

</mosaic_0001>

<sc_bundles>
// kernel: kernel.3.cloned.1.call-start
scs
__scs_entry_jumppad:
0x0: {  	(pc) =	sbr.rel $0x88, $3  }
0x1: {  	(tag) =	ssettag $0x0;
	lr =	simm.s32 $0x1  }
0x2: {  	[smem:$0x3FA0] =	sst lr;
	_ =	strace $0xD0000000  }
0x3: {  	_ = 	snop  }
0x4: {  	_ = 	snop  }
0x5: {  	_ = 	snop  }
0x6: {  	_ = 	snop  }
0x7: {  	_ = 	snop  }
__scs_overlays_trampoline_lowered:
0x8: {  	[smem:$0x3FAF] =	sst s0  }
0x9: {  	[smem:$0x3FB0] =	sst s1  }
0xa: {  	[smem:$0x3FB1] =	sst s2  }
0xb: {  	[smem:$0x3FB2] =	sst s3  }
0xc: {  	[smem:$0x3FB3] =	sst s4  }
0xd: {  	[smem:$0x3FB4] =	sst s5  }
0xe: {  	[smem:$0x3FB5] =	sst s6  }
0xf: {  	[smem:$0x3FB6] =	sst s7  }
0x10: {  	[smem:$0x3FB7] =	sst s8  }
0x11: {  	[smem:$0x3FB8] =	sst s9;
	s0 =	simm.s32 @!p0 $0x0  }
0x12: {  	s1 =	sld [smem:$0x3F9E];
	s0 =	simm.s32 @p0 $0x1  }
0x13: {  	[smem:$0x3FB9] =	sst s0;
	s0 =	simm.s32 @!p1 $0x0  }
0x14: {  	s2 =	sld [smem:$0x3F9D];
	s0 =	simm.s32 @p1 $0x1  }
0x15: {  	[smem:$0x3FBA] =	sst s0;
	s0 =	simm.s32 @!p2 $0x0  }
0x16: {  	s3 =	sld [smem:$0x3FDB];
	s0 =	simm.s32 @p2 $0x1  }
0x17: {  	s4 =	simm.s32 $0x1BF5;
	[smem:$0x3FBC] =	sst s0  }
0x18: {  	s0 =	sld [smem:$0x3F9F];
	_ =	swait.ge [sflag:s4], $0x0  }
0x19: {  	s7 =	sld [smem:$0x3FA0]  }
0x1a: {  	s8 =	sadd.s32 $0xFFFFE003, lr  }
0x1b: {  	s9 =	sadd.s32 $0xFFFFFEF7, lr;
	s5 =	simm.s32 $0xFFFFFFFF;
	p2 =	slt.u32 s8, $0xFFFFF086  }
0x1c: {  	p1 =	slt.u32 s9, $0xF7A;
	s5 =	simm.s32 @!p2 $0x0  }
0x1d: {  	s5 =	simm.s32 @p1 $0x1;
	p0 =	seq.s32 s7, s2  }
0x1e: {  	s7 =	smul.u32 @!p0 $0xF7A, s2;
	p2 =	seq.s32 @!p0 s5, $0x0  }
0x1f: {  	s9 =	smul.u32 $0xF7A, s1;
	s8 =	simm.s32 @!p0 $0x1BF5;
	p2 =	por !p2, p0  }
0x20: {  	[sflag:s8] =	ssyncset.s32 @!p0 $0xFFFFF086;
	s6 =	sadd.s32 @!p0 s3, s7;
	s7 =	simm.s32 @!p0 $0x108  }
0x21: {  	s3 =	sadd.s32 s3, s9;
	s6 =	sadd.s32 @!p0 $0x88, s6;
	s7 =	simm.s32 @p2 $0x1082  }
0x22: {  	[simem:s7], [sflag:s8] =	dma.local @!p0 [hbm:s6], $0xF7A  }
0x23: {  	s9 =	sor.u32 $0xD0000000, s2;
	s6 =	simm.s32 $0x108;
	_ =	swait.ge @!p0 [sflag:s8], $0x0  }
0x24: {  	s3 =	sadd.s32 $0x88, s3;
	s6 =	simm.s32 @!p1 $0x1082;
	[sflag:s4] =	ssyncset.s32 $0xFFFFF086  }
0x25: {  	[simem:s6], [sflag:s4] =	dma.local [hbm:s3], $0xF7A  }
0x26: {  	[smem:$0x3FA0] =	sst s1;
	(tag) =	ssettag s2;
	_ =	strace s9  }
0x27: {  	s1 =	sld [smem:$0x3FB0]  }
0x28: {  	s2 =	sld [smem:$0x3FB1]  }
0x29: {  	s4 =	sld [smem:$0x3FB3]  }
0x2a: {  	p0 =	seq.s32 s5, $0x0;
	s5 =	sld [smem:$0x3FB4]  }
0x2b: {  	s6 =	sld [smem:$0x3FB5]  }
0x2c: {  	s7 =	sld [smem:$0x3FB6]  }
0x2d: {  	s3 =	simm.s32 $0x108;
	s8 =	sld [smem:$0x3FB7]  }
0x2e: {  	s3 =	simm.s32 @!p0 $0x1082;
	s9 =	sld [smem:$0x3FB8]  }
0x2f: {  	lr =	sadd.s32 s0, s3;
	s0 =	sld [smem:$0x3FAF]  }
0x30: {  	s3 =	sld [smem:$0x3FB2]  }
0x31: {  	[smem:$0x3FBB] =	sst s10  }
0x32: {  	s10 =	sld [smem:$0x3FB9];
	_ =	sdelay $0x3  }
0x33: {  	p0 =	seq.s32 s10, $0x1;
	s10 =	sld [smem:$0x3FBB];
	_ =	sdelay $0x3  }
0x34: {  	[smem:$0x3FBB] =	sst s10  }
0x35: {  	s10 =	sld [smem:$0x3FBA];
	_ =	sdelay $0x3  }
0x36: {  	p1 =	seq.s32 s10, $0x1;
	s10 =	sld [smem:$0x3FBB];
	_ =	sdelay $0x3  }
0x37: {  	[smem:$0x3FBB] =	sst s10  }
0x38: {  	s10 =	sld [smem:$0x3FBC]  }
0x39: {  	_ = 	snop;
	(pc) =	sbr.ind lr, $3  }
0x3a: {  	_ = 	snop  }
0x3b: {  	_ = 	snop  }
0x3c: {  	p2 =	seq.s32 s10, $0x1;
	s10 =	sld [smem:$0x3FBB]  }
0x3d: {  	_ =	shalt  }
0x3e: {  	_ =	shalt  }
0x3f: {  	_ =	shalt  }
0x40: {  	_ =	shalt  }
0x41: {  	_ =	shalt  }
0x42: {  	_ =	shalt  }
0x43: {  	_ =	shalt  }
0x44: {  	_ =	shalt  }
0x45: {  	_ =	shalt  }
0x46: {  	_ =	shalt  }
0x47: {  	_ =	shalt  }
0x48: {  	_ =	shalt  }
0x49: {  	_ =	shalt  }
0x4a: {  	_ =	shalt  }
0x4b: {  	_ =	shalt  }
0x4c: {  	_ =	shalt  }
0x4d: {  	_ =	shalt  }
0x4e: {  	_ =	shalt  }
0x4f: {  	_ =	shalt  }
0x50: {  	_ =	shalt  }
0x51: {  	_ =	shalt  }
0x52: {  	_ =	shalt  }
0x53: {  	_ =	shalt  }
0x54: {  	_ =	shalt  }
0x55: {  	_ =	shalt  }
0x56: {  	_ =	shalt  }
0x57: {  	_ =	shalt  }
0x58: {  	_ =	shalt  }
0x59: {  	_ =	shalt  }
0x5a: {  	_ =	shalt  }
0x5b: {  	_ =	shalt  }
0x5c: {  	_ =	shalt  }
0x5d: {  	_ =	shalt  }
0x5e: {  	_ =	shalt  }
0x5f: {  	_ =	shalt  }
0x60: {  	_ =	shalt  }
0x61: {  	_ =	shalt  }
0x62: {  	_ =	shalt  }
0x63: {  	_ =	shalt  }
0x64: {  	_ =	shalt  }
0x65: {  	_ =	shalt  }
0x66: {  	_ =	shalt  }
0x67: {  	_ =	shalt  }
0x68: {  	_ =	shalt  }
0x69: {  	_ =	shalt  }
0x6a: {  	_ =	shalt  }
0x6b: {  	_ =	shalt  }
0x6c: {  	_ =	shalt  }
0x6d: {  	_ =	shalt  }
0x6e: {  	_ =	shalt  }
0x6f: {  	_ =	shalt  }
0x70: {  	_ =	shalt  }
0x71: {  	_ =	shalt  }
0x72: {  	_ =	shalt  }
0x73: {  	_ =	shalt  }
0x74: {  	_ =	shalt  }
0x75: {  	_ =	shalt  }
0x76: {  	_ =	shalt  }
0x77: {  	_ =	shalt  }
0x78: {  	_ =	shalt  }
0x79: {  	_ =	shalt  }
0x7a: {  	_ =	shalt  }
0x7b: {  	_ =	shalt  }
0x7c: {  	_ =	shalt  }
0x7d: {  	_ =	shalt  }
0x7e: {  	_ =	shalt  }
0x7f: {  	_ =	shalt  }
0x80: {  	_ =	shalt  }
0x81: {  	_ =	shalt  }
0x82: {  	_ =	shalt  }
0x83: {  	_ =	shalt  }
0x84: {  	_ =	shalt  }
0x85: {  	_ =	shalt  }
0x86: {  	_ =	shalt  }
0x87: {  	_ =	shalt  }
.Lfunc_end0:
.L_simem_size_0:
called_computation_lowered:
.L_overlay_start_0:
0x88: {  	s2 =	sld [smem:$0x3FD9]  }
0x89: {  	s3 =	sld [smem:$0x3FFE];
	_ =	sdelay $0x1  }
0x8a: {  	s1 =	srdreg.scid  }
0x8b: {  	s0 =	sand.u32 $0x1, s1  }
0x8c: {  	s18 =	sshll.u32 s0, $0xA;
	s2 =	sadd.s32 s3, s2  }
0x8d: {  	s2 =	sadd.s32 s2, s18  }
0x8e: {  	[smem:$0x3FC7] =	sst s2  }
0x8f: {  	_ = 	snop  }
0x90: {  	s2 =	sld [smem:$0x3FC9]  }
0x91: {  	s19 =	sld [smem:$0x3FD0];
	(tm) =	ssettm $0x1  }
0x92: {  	s4 =	sld [smem:$0x3FFB];
	_ =	sdelay $0x3  }
0x93: {  	_ =	strace s4  }
0x94: {  	s4 =	sld [smem:$0x3FFC];
	_ =	sdelay $0x3  }
0x95: {  	_ =	strace s4  }
0x96: {  	s4 =	sld [smem:$0x3FFD];
	_ =	sdelay $0x3  }
0x97: {  	_ =	strace s4  }
0x98: {  	_ =	strace $0x8FFFFFFF  }
0x99: {  	s20 =	sld [smem:$0x3FDB];
	_ =	sdelay $0x1  }
0x9a: {  	s5 =	simm.s32 $_scs_section_size  }
0x9b: {  	s6 =	simm.s32 $_size__tile_overlayer_lowered;
	s7 =	simm.s32 $_tile_overlayer_lowered  }
0x9c: {  	s23 =	simm.s32 $0x1BFF;
	s22 =	sshll.u32 s7, $0x1;
	s4 =	sadd.s32 s5, s20  }
0x9d: {  	s8 =	simm.s32 $0x0;
	s21 =	sshll.u32 s6, $0x1;
	s6 =	sadd.s32 s22, s4  }
0x9e: {  	[timem:s8], [sflag:s23] =	dma.local [hbm:s6], s21  }
0x9f: {  	_ =	swait.ge [sflag:s23], s21  }
0xa0: {  	s5 =	ssub.s32 $0x0, s21;
	[sflag:s23] =	ssyncset.done $0x0  }
0xa1: {  	[sflag:s23] =	ssyncadd.s32 s5;
	_ =	sdelay $0x1  }
0xa2: {  	s24 =	simm.s32 $0x1B8B  }
0xa3: {  	_ =	swait.ge [sflag:s24], $0x1  }
0xa4: {  	[sflag:s24] =	ssyncset.done $0x0  }
0xa5: {  	s25 =	simm.s32 $0x1B8E;
	[sflag:s24] =	ssyncadd.s32 $0xFFFFFFFF  }
0xa6: {  	s26 =	simm.s32 $execute0_lowered;
	[smem:$0x3FD2] =	sst s25  }
0xa7: {  	s5 =	sshll.u32 s26, $0x1;
	_ =	strace $0x80000046;
	[dreg:$0x1] =	wrdreg $0xFFFFFFFF  }
0xa8: {  	s28 =	simm.s32 $_size_execute0_lowered;
	s4 =	sadd.s32 s4, s5;
	[dreg:$0x0] =	wrdreg $0x0  }
0xa9: {  	s5 =	sshll.u32 s28, $0x1;
	[dreg:$0x2] =	wrdreg s4  }
0xaa: {  	[dreg:$0x3] =	wrdreg s5  }
0xab: {  	[dreg:$0x4] =	wrdreg $0xC0  }
0xac: {  	_ =	task [dreg:s8], $0x5FFFF  }
0xad: {  	[dreg:$0x1] =	wrdreg $0xFFFFFFFF  }
0xae: {  	[dreg:$0x0] =	wrdreg $0x60  }
0xaf: {  	[dreg:$0x2] =	wrdreg s2  }
0xb0: {  	[dreg:$0x3] =	wrdreg s19  }
0xb1: {  	[dreg:$0x4] =	wrdreg $0x9  }
0xb2: {  	_ =	task.clear_ibuf [dreg:s8], $0x5FFFF;
	_ =	strace $0x90000046  }
0xb3: {  	s29 =	simm.s32 $0x9;
	_ =	strace $0x80000048  }
0xb4: {  	_ =	swait.ge [sflag:s29], $0x1  }
0xb5: {  	[sflag:s29] =	ssyncadd.s32 $0xFFFFFFFF  }
0xb6: {  	_ =	strace $0x90000048  }
0xb7: {  	_ =	sfence  }
0xb8: {  	s30 =	sld [smem:$0x0];
	_ =	sdelay $0x2  }
0xb9: {  	s31 =	sshll.u32 s1, $0xD;
	s1 =	sshrl.u32 s1, $0x2  }
0xba: {  	s3 =	sand.u32 $0x4000, s31;
	s1 =	sadd.s32 s1, s30  }
0xbb: {  	s0 =	sor.u32 s3, s0;
	s1 =	sshll.u32 s1, $0x11  }
0xbc: {  	s0 =	sor.u32 s1, s0  }
0xbd: {  	s0 =	sadd.s32 $0x8F2B, s0  }
0xbe: {  	[sflag:s0] =	ssyncadd.remote.s32 $0x1  }
0xbf: {  	_ =	sfence.sel $0xFFFF  }
0xc0: {  	[dreg:$0x0] =	wrdreg $0xFFFFFFFF;
	(pc) =	sbr.abs _section_cstart, $3  }
0xc1: {  	[dreg:$0x1] =	wrdreg $0xFFFFFFFF  }
0xc2: {  	_ =	task.clear_ibuf [dreg:s8], $0x2FFFF;
	_ =	strace $0x9FFFFFFF  }
0xc3: {  	(tm) =	ssettm $0x7FFFFFFF  }
tec
execute0_lowered:
.L_overlay_start_1:
0x0: {  	(tag) =	ssettag $0x1  }
0x1: {  	s1 =	rddreg [dreg:$0x0]  }
0x2: {  	s2 =	rddreg [dreg:$0x1]  }
0x3: {  	s3 =	srdreg.scid;
	s0 =	rddreg [dreg:$0x2]  }
0x4: {  	s4 =	simm.s32 $0x0;
	s11 =	simm.s32 $0x80;
	s12 =	simm.s32 $0x400  }
0x5: {  	s13 =	simm.s32 $0x1;
	s14 =	simm.s32 $0x8000;
	s15 =	simm.s32 $0x1C000  }
0x6: {  	s16 =	simm.s32 $0x10000;
	s17 =	simm.s32 $0x18000;
	s18 =	simm.s32 $0x3  }
0x7: {  	s19 =	simm.s32 $0x2;
	s20 =	simm.s32 $0x0;
	[smem:$0x7FF] =	sst s4  }
.Ltmp0:
0x8: {  	s6 =	sand.u32 $0x1, s3;
	s3 =	stileid.u32;
	(pc) =	sbr.rel .LBB2_1-.Ltmp0, $4  }
0x9: {  	s5 =	sshll.u32 s6, $0x6;
	s7 =	ssub.s32 $0x2, s6;
	s10 =	sshll.u32 s3, $0xF  }
0xa: {  	v0 =	vlaneseq.u32;
	_ =	strace $0x80000047;
	s31 =	sadd.s32 s1, s5;
	s8 =	sshrl.u32 s7, $0x1  }
0xb: {  	v1 =	vimm.f32 $0.0e+00;
	v2 =	vimm.s32 $0xFFFFFFFE;
	v3 =	vmul.u32 $0x3FF, v0;
	s6 =	sadd.s32 s10, s31;
	s9 =	ssub.s32 s7, s8;
	s7 =	sadd.s32 s2, s10  }
0xc: {  	v4 =	vimm.f32 $1.000000000e+00;
	v5 =	vimm.s32 $0x0;
	v6 =	vimm.s32 $0x1;
	s10 =	sor.u32 $0x10, s10;
	s8 =	sadd.s32 $0x20, s6;
	s9 =	smax.u32 s9, $0x1  }
.LBB2_319:
0xd: {  	s20 =	sadd.s32 $0x1, s20  }
0xe: {  	p0 =	sne.s32 s20, s9  }
.Ltmp1:
0xf: {  	_ = 	snop;
	(pc) =	sbr.rel @!p0 .LBB2_320-.Ltmp1, $1  }
0x10: {  	_ =	sdelay $0x3  }
.LBB2_1:
0x11: {  	[tilespmem:s4], [sflag:$0x1] =	stream.strided.gather [hbm4b:s6+s11], $0x8000, s12, s11, $0x38;
	v63 =	vld [tilespmem:$0x0]  }
0x12: {  	s21 =	simm.s32 $0x0;
	s22 =	simm.s32 $0x200  }
.LBB2_2:
0x13: {  	p0 =	sne.s32 s22, $0x1FE00;
	[tilespmem:s21+$0x10070] =	vst v1  }
0x14: {  	[tilespmem:s21+$0x10000] =	vst v1  }
0x15: {  	[tilespmem:s21+$0x10010] =	vst v1  }
.Ltmp2:
0x16: {  	[tilespmem:s21+$0x10020] =	vst v1;
	(pc) =	sbr.rel @p0 .LBB2_2-.Ltmp2, $4  }
0x17: {  	[tilespmem:s21+$0x10030] =	vst v1  }
0x18: {  	[tilespmem:s21+$0x10040] =	vst v1  }
0x19: {  	[tilespmem:s21+$0x10050] =	vst v1  }
0x1a: {  	[tilespmem:s21+$0x10060] =	vst v1;
	s21 =	sshra.s32 s22, $0x2;
	s22 =	sadd.s32 $0x200, s22  }
0x1b: {  	[tilespmem:s21+$0x10070] =	vst v1  }
0x1c: {  	[tilespmem:s21+$0x10000] =	vst v1  }
0x1d: {  	[tilespmem:s21+$0x10010] =	vst v1  }
.Ltmp3:
0x1e: {  	[tilespmem:s21+$0x10020] =	vst v1;
	(pc) =	sbr.rel .LBB2_4-.Ltmp3, $4  }
0x1f: {  	[tilespmem:s21+$0x10030] =	vst v1  }
0x20: {  	[tilespmem:s21+$0x10040] =	vst v1  }
0x21: {  	[tilespmem:s21+$0x10050] =	vst v1  }
0x22: {  	[tilespmem:s21+$0x10060] =	vst v1;
	s21 =	simm.s32 $0x0;
	p1 =	por $0x1, $0x1;
	v7 =	vimm.s32 $0x0  }
.LBB2_317:
0x23: {  	_ =	sdelay $0x2  }
0x24: {  	vm1 =	vgt.s32 v11, $0xFFFFFFFF  }
0x25: {  	v8 =	vnsel vm1, $0x0, v11  }
0x26: {  	[tilespmem:v9+s16+$0x0] =	vst.idx.msk vm0, v8  }
.LBB2_318:
.Ltmp4:
0x27: {  	s21 =	sadd.s32 s2, s21;
	(pc) =	sbr.rel @!p0 .LBB2_319-.Ltmp4, $4  }
0x28: {  	[hbm4b:s21+s11] =	stream.strided.scatter [tilespmem:s16], [sflag:$0x3], $0x8000, s12, s11, $0x38;
	v63 =	vld [tilespmem:$0x0]  }
0x29: {  	_ =	swait.ge [sflag:s18], $0x8000  }
0x2a: {  	[sflag:s18] =	ssyncset.done $0x0  }
0x2b: {  	p1 =	por $0x0, $0x0;
	s21 =	simm.s32 $0x20;
	[sflag:s18] =	ssyncadd.s32 $0xFFFF8000  }
.LBB2_4:
0x2c: {  	s22 =	sor.u32 s5, s21;
	_ =	swait.ge [sflag:s13], $0x8000  }
0x2d: {  	[sflag:s13] =	ssyncset.done $0x0;
	s21 =	sor.u32 s10, s22  }
0x2e: {  	[sflag:s13] =	ssyncadd.s32 $0xFFFF8000;
	s23 =	sadd.s32 s1, s21  }
0x2f: {  	[tilespmem:s14], [sflag:$0x2] =	stream.strided.gather [hbm4b:s23+s11], $0x8000, s12, s11, $0x38;
	v63 =	vld [tilespmem:$0x0]  }
0x30: {  	s23 =	simm.s32 $0x0  }
0x31: {  	v9 =	vld [tilespmem:s23+$0x100]  }
0x32: {  	v13 =	vld [tilespmem:s23+$0x110]  }
0x33: {  	v18 =	vld [tilespmem:s23+$0x120]  }
0x34: {  	v19 =	vld [tilespmem:s23+$0x130]  }
0x35: {  	v30 =	vld [tilespmem:s23+$0x140]  }
0x36: {  	v35 =	vld [tilespmem:s23+$0x150]  }
0x37: {  	v28 =	vld [tilespmem:s23+$0x160]  }
0x38: {  	v11 =	vld [tilespmem:s23+$0x170]  }
0x39: {  	v23 =	vld [tilespmem:s23+$0x180]  }
0x3a: {  	v12 =	vld [tilespmem:s23+$0x190]  }
0x3b: {  	v15 =	vld [tilespmem:s23+$0x1A0]  }
0x3c: {  	v14 =	vld [tilespmem:s23+$0x1B0]  }
0x3d: {  	v17 =	vld [tilespmem:s23+$0x1C0]  }
0x3e: {  	v16 =	vld [tilespmem:s23+$0x1D0]  }
0x3f: {  	v8 =	vld [tilespmem:s23+$0x1E0]  }
0x40: {  	v20 =	vld [tilespmem:s23+$0x0]  }
0x41: {  	v21 =	vld [tilespmem:s23+$0x10]  }
0x42: {  	v25 =	vld [tilespmem:s23+$0x40]  }
0x43: {  	v29 =	vld [tilespmem:s23+$0x50]  }
0x44: {  	v31 =	vld [tilespmem:s23+$0x60]  }
0x45: {  	v22 =	vld [tilespmem:s23+$0x20]  }
0x46: {  	v24 =	vld [tilespmem:s23+$0x30]  }
0x47: {  	v10 =	vimm.f32 $-Inf;
	v39 =	vld [tilespmem:s23+$0x70]  }
0x48: {  	v37 =	vld [tilespmem:s23+$0x80];
	v20 =	vmax.f32 v10, v20  }
0x49: {  	v38 =	vld [tilespmem:s23+$0x90];
	v42 =	vmax.f32 v10, v25;
	v41 =	vmax.f32 v10, v29;
	v40 =	vmax.f32 v10, v31  }
0x4a: {  	v34 =	vld [tilespmem:s23+$0xA0];
	v25 =	vimm.f32 $-Inf;
	v26 =	vmax.f32 v20, v9;
	v9 =	vmax.f32 v10, v21  }
0x4b: {  	v36 =	vld [tilespmem:s23+$0xB0];
	v20 =	vmax.f32 v10, v22;
	v21 =	vmax.f32 v10, v24;
	v24 =	vimm.f32 $-Inf  }
0x4c: {  	v33 =	vld [tilespmem:s23+$0xC0];
	v22 =	vimm.f32 $-Inf;
	v27 =	vmax.f32 v9, v13;
	v32 =	vmax.f32 v20, v18  }
0x4d: {  	v31 =	vld [tilespmem:s23+$0xD0];
	v9 =	vmax.f32 v21, v19;
	v13 =	vimm.f32 $-Inf;
	v21 =	vimm.f32 $-Inf  }
0x4e: {  	p0 =	por p1, p1;
	s24 =	simm.s32 $0x800;
	v29 =	vld [tilespmem:s23+$0xE0];
	v20 =	vimm.f32 $-Inf;
	v19 =	vimm.f32 $-Inf;
	v18 =	vimm.f32 $-Inf  }
.LBB2_5:
0x4f: {  	p1 =	sne.s32 s24, $0x1F800;
	v42 =	vmax.f32 v42, v30;
	v41 =	vmax.f32 v41, v35;
	v40 =	vmax.f32 v40, v28;
	v28 =	vld [tilespmem:s23+$0xF0]  }
0x50: {  	v10 =	vmax.f32 v10, v39;
	v25 =	vmax.f32 v25, v37;
	v24 =	vmax.f32 v24, v38;
	v35 =	vld [tilespmem:s23+$0x1F0];
	s23 =	sshra.s32 s24, $0x2  }
0x51: {  	v10 =	vmax.f32 v10, v11;
	v25 =	vmax.f32 v25, v23;
	v24 =	vmax.f32 v24, v12;
	v43 =	vld [tilespmem:s23+$0x100]  }
0x52: {  	v11 =	vmax.f32 v13, v34;
	v12 =	vmax.f32 v22, v36;
	v21 =	vmax.f32 v21, v33;
	v44 =	vld [tilespmem:s23+$0x110]  }
0x53: {  	v13 =	vmax.f32 v11, v15;
	v22 =	vmax.f32 v12, v14;
	v21 =	vmax.f32 v21, v17;
	v45 =	vld [tilespmem:s23+$0x120]  }
0x54: {  	v11 =	vmax.f32 v20, v31;
	v12 =	vmax.f32 v19, v29;
	v46 =	vld [tilespmem:s23+$0x130];
	v14 =	vmax.f32 v18, v28  }
0x55: {  	v20 =	vmax.f32 v11, v16;
	v19 =	vmax.f32 v12, v8;
	v30 =	vld [tilespmem:s23+$0x140];
	v18 =	vmax.f32 v14, v35  }
0x56: {  	v35 =	vld [tilespmem:s23+$0x150]  }
0x57: {  	v28 =	vld [tilespmem:s23+$0x160]  }
0x58: {  	v11 =	vld [tilespmem:s23+$0x170]  }
0x59: {  	v23 =	vld [tilespmem:s23+$0x180]  }
0x5a: {  	v12 =	vld [tilespmem:s23+$0x190]  }
0x5b: {  	v15 =	vld [tilespmem:s23+$0x1A0]  }
0x5c: {  	v14 =	vld [tilespmem:s23+$0x1B0]  }
0x5d: {  	v17 =	vld [tilespmem:s23+$0x1C0]  }
0x5e: {  	v16 =	vld [tilespmem:s23+$0x1D0]  }
0x5f: {  	v8 =	vld [tilespmem:s23+$0x1E0]  }
0x60: {  	v29 =	vld [tilespmem:s23+$0x0]  }
0x61: {  	v31 =	vld [tilespmem:s23+$0x10]  }
0x62: {  	v33 =	vld [tilespmem:s23+$0x20]  }
0x63: {  	v47 =	vld [tilespmem:s23+$0x30]  }
0x64: {  	v48 =	vld [tilespmem:s23+$0x40]  }
0x65: {  	v49 =	vld [tilespmem:s23+$0x50]  }
0x66: {  	v50 =	vld [tilespmem:s23+$0x60]  }
0x67: {  	v39 =	vld [tilespmem:s23+$0x70]  }
0x68: {  	v37 =	vld [tilespmem:s23+$0x80]  }
0x69: {  	v38 =	vld [tilespmem:s23+$0x90]  }
.Ltmp5:
0x6a: {  	v26 =	vmax.f32 v26, v29;
	v34 =	vld [tilespmem:s23+$0xA0];
	(pc) =	sbr.rel @p1 .LBB2_5-.Ltmp5, $4  }
0x6b: {  	v26 =	vmax.f32 v26, v43;
	v36 =	vld [tilespmem:s23+$0xB0]  }
0x6c: {  	v27 =	vmax.f32 v27, v31;
	v29 =	vmax.f32 v32, v33;
	v9 =	vmax.f32 v9, v47;
	v33 =	vld [tilespmem:s23+$0xC0]  }
0x6d: {  	v27 =	vmax.f32 v27, v44;
	v32 =	vmax.f32 v29, v45;
	v9 =	vmax.f32 v9, v46;
	v31 =	vld [tilespmem:s23+$0xD0]  }
0x6e: {  	s24 =	sadd.s32 $0x800, s24;
	v42 =	vmax.f32 v42, v48;
	v41 =	vmax.f32 v41, v49;
	v40 =	vmax.f32 v40, v50;
	v29 =	vld [tilespmem:s23+$0xE0]  }
0x6f: {  	vm0 =	vlt.s32 v26, $0x0;
	v43 =	vxor.u32 $0x7FFFFFFF, v26;
	vm1 =	vlt.s32 v27, $0x0  }
0x70: {  	v44 =	vxor.u32 $0x7FFFFFFF, v27;
	vm11 =	vlt.s32 v32, $0x0;
	v58 =	vxor.u32 $0x7FFFFFFF, v32  }
0x71: {  	v42 =	vmax.f32 v42, v30;
	v41 =	vmax.f32 v41, v35;
	vm2 =	vlt.s32 v9, $0x0  }
0x72: {  	v60 =	vxor.u32 $0x7FFFFFFF, v9;
	v28 =	vmax.f32 v40, v28;
	v10 =	vmax.f32 v10, v39  }
0x73: {  	v25 =	vmax.f32 v25, v37;
	v24 =	vmax.f32 v24, v38;
	v34 =	vmax.f32 v13, v34  }
0x74: {  	v26 =	vsel vm0, v43, v26;
	v27 =	vsel vm1, v44, v27;
	v30 =	vsel vm11, v58, v32  }
0x75: {  	v32 =	vsel vm2, v60, v9;
	vm13 =	vlt.s32 v42, $0x0;
	v9 =	vxor.u32 $0x7FFFFFFF, v42  }
0x76: {  	vm15 =	vlt.s32 v41, $0x0;
	vm4 =	vlt.s32 v28, $0x0;
	v46 =	vxor.u32 $0x7FFFFFFF, v28  }
0x77: {  	v11 =	vmax.f32 v10, v11;
	v23 =	vmax.f32 v25, v23;
	v24 =	vmax.f32 v24, v12  }
0x78: {  	v22 =	vmax.f32 v22, v36;
	v15 =	vmax.f32 v34, v15;
	vm0 =	vgt.s32 v26, v27  }
0x79: {  	v35 =	vsel vm13, v9, v42;
	v9 =	vxor.u32 $0x7FFFFFFF, v41;
	v10 =	vsel vm4, v46, v28  }
0x7a: {  	vm6 =	vlt.s32 v11, $0x0;
	v47 =	vxor.u32 $0x7FFFFFFF, v11;
	vm8 =	vlt.s32 v23, $0x0  }
0x7b: {  	v50 =	vxor.u32 $0x7FFFFFFF, v23;
	vm10 =	vlt.s32 v24, $0x0;
	v51 =	vxor.u32 $0x7FFFFFFF, v24  }
0x7c: {  	v53 =	vxor.u32 $0x7FFFFFFF, v15;
	v22 =	vmax.f32 v22, v14;
	v21 =	vmax.f32 v21, v33  }
0x7d: {  	v44 =	vsel vm0, v27, v26;
	v59 =	vsel vm0, v26, v27;
	v9 =	vsel vm15, v9, v41  }
0x7e: {  	v11 =	vsel vm6, v47, v11;
	v12 =	vsel vm8, v50, v23;
	vm12 =	vlt.s32 v44, v30  }
0x7f: {  	v13 =	vsel vm10, v51, v24;
	vm1 =	vgt.s32 v59, v30;
	v43 =	vsel vm12, v44, v30  }
0x80: {  	v17 =	vmax.f32 v21, v17;
	v61 =	vsel vm1, v59, v30;
	vm0 =	vlt.s32 v43, v32  }
0x81: {  	v20 =	vmax.f32 v20, v31;
	vm14 =	vgt.s32 v61, v32;
	v43 =	vsel vm0, v43, v32  }
0x82: {  	vm4 =	vlt.s32 v17, $0x0;
	v62 =	vsel vm14, v61, v32;
	vm1 =	vlt.s32 v43, v35  }
0x83: {  	v57 =	vxor.u32 $0x7FFFFFFF, v17;
	vm0 =	vgt.s32 v62, v35;
	v42 =	vsel vm1, v43, v35  }
0x84: {  	v20 =	vmax.f32 v20, v16;
	v44 =	vsel vm0, v62, v35;
	vm1 =	vlt.s32 v42, v9  }
0x85: {  	v54 =	vld [tilespmem:s23+$0xF0];
	v19 =	vmax.f32 v19, v29;
	vm0 =	vgt.s32 v44, v9;
	v45 =	vsel vm1, v42, v9  }
0x86: {  	vm12 =	vlt.s32 v15, $0x0;
	v39 =	vsel vm0, v44, v9;
	vm5 =	vlt.s32 v45, v10  }
0x87: {  	v16 =	vsel vm4, v57, v17;
	vm7 =	vgt.s32 v39, v10;
	v48 =	vsel vm5, v45, v10  }
0x88: {  	vm6 =	vlt.s32 v20, $0x0;
	v49 =	vsel vm7, v39, v10;
	vm1 =	vlt.s32 v48, v11  }
0x89: {  	v17 =	vxor.u32 $0x7FFFFFFF, v20;
	vm0 =	vgt.s32 v49, v11;
	v28 =	vsel vm1, v48, v11  }
0x8a: {  	v18 =	vmax.f32 v18, v54;
	v25 =	vsel vm0, v49, v11;
	vm9 =	vlt.s32 v28, v12  }
0x8b: {  	v8 =	vmax.f32 v19, v8;
	vm11 =	vgt.s32 v25, v12;
	v28 =	vsel vm9, v28, v12  }
0x8c: {  	v14 =	vsel vm12, v53, v15;
	v52 =	vsel vm11, v25, v12;
	vm1 =	vlt.s32 v28, v13  }
0x8d: {  	v15 =	vxor.u32 $0x7FFFFFFF, v22;
	vm0 =	vgt.s32 v52, v13;
	v24 =	vsel vm1, v28, v13  }
0x8e: {  	v58 =	vld [tilespmem:s23+$0x1F0];
	vm14 =	vlt.s32 v22, $0x0;
	v23 =	vsel vm0, v52, v13;
	vm13 =	vlt.s32 v24, v14  }
0x8f: {  	v15 =	vsel vm14, v15, v22;
	vm15 =	vgt.s32 v23, v14;
	v24 =	vsel vm13, v24, v14  }
0x90: {  	v17 =	vsel vm6, v17, v20;
	v55 =	vsel vm15, v23, v14;
	vm1 =	vlt.s32 v24, v15  }
0x91: {  	vm8 =	vlt.s32 v8, $0x0;
	vm0 =	vgt.s32 v55, v15;
	v56 =	vsel vm1, v24, v15  }
0x92: {  	v59 =	vxor.u32 $0x7FFFFFFF, v8;
	v22 =	vsel vm0, v55, v15;
	vm5 =	vlt.s32 v56, v16  }
0x93: {  	v60 =	vmax.f32 v18, v58;
	vm7 =	vgt.s32 v22, v16;
	v23 =	vsel vm5, v56, v16  }
0x94: {  	v18 =	vsel vm8, v59, v8;
	v19 =	vsel vm7, v22, v16;
	vm1 =	vlt.s32 v23, v17  }
0x95: {  	vm10 =	vlt.s32 v60, $0x0;
	vm0 =	vgt.s32 v19, v17;
	v20 =	vsel vm1, v23, v17  }
0x96: {  	v8 =	vxor.u32 $0x7FFFFFFF, v60;
	v61 =	vsel vm0, v19, v17;
	vm9 =	vlt.s32 v20, v18  }
0x97: {  	v19 =	vsel vm10, v8, v60;
	vm11 =	vgt.s32 v61, v18;
	v20 =	vsel vm9, v20, v18  }
0x98: {  	v8 =	vsel vm11, v61, v18;
	vm12 =	vlt.s32 v20, v19  }
0x99: {  	vm13 =	vgt.s32 v8, v19;
	v20 =	vsel vm12, v20, v19  }
0x9a: {  	v8 =	vsel vm13, v8, v19;
	v20 =	vxor.u32 $0x80000000, v20  }
0x9b: {  	v8 =	vxor.u32 $0x80000000, v8;
	(xrf0) =	vmin.scan.msk.u32 $0xffff, v20  }
0x9c: {  	(xrf0) =	vmax.scan.msk.u32 $0xffff, v8;
	_ =	sdelay $0x4  }
0x9d: {  	v8, _, _ =	vpop (xrf0)  }
0x9e: {  	(v2sf) =	vpush v8, $0xF;
	v8, _, _ =	vpop (xrf0)  }
0x9f: {  	(v2sf) =	vpush v8, $0xF;
	_ =	sdelay $0xd  }
0xa0: {  	s31 =	spop (v2sf)  }
0xa1: {  	s24 =	spop (v2sf)  }
0xa2: {  	s23 =	sxor.u32 s31, s24  }
0xa3: {  	v8 =	vmov s23  }
0xa4: {  	v20 =	vshrl.u32 v8, $0x10  }
0xa5: {  	v20 =	vcvt.s32.f32 v20  }
0xa6: {  	v62 =	vand.u32 $0xFFFF, v8  }
0xa7: {  	v21 =	vcvt.s32.f32 v62;
	v20 =	vmul.f32 $6.553600000e+04, v20;
	_ =	sdelay $0x1  }
0xa8: {  	v20 =	vadd.f32 v21, v20;
	_ =	sdelay $0x1  }
0xa9: {  	v21 =	vshrl.u32 v20, $0x17  }
0xaa: {  	v21 =	vmin.u32 v21, $0x9E  }
0xab: {  	v21 =	vadd.s32 $0xFFFFFF81, v21  }
0xac: {  	(v2sf) =	vpush v21, $0x0;
	_ =	sdelay $0x5  }
0xad: {  	[tilespmem:$0x18000] =	vst v26  }
0xae: {  	[tilespmem:$0x18010] =	vst v27  }
0xaf: {  	[tilespmem:$0x18020] =	vst v30  }
0xb0: {  	[tilespmem:$0x18030] =	vst v32  }
0xb1: {  	[tilespmem:$0x18040] =	vst v35  }
0xb2: {  	[tilespmem:$0x18060] =	vst v10  }
0xb3: {  	[tilespmem:$0x18050] =	vst v9  }
0xb4: {  	[tilespmem:$0x18070] =	vst v11  }
0xb5: {  	[tilespmem:$0x18080] =	vst v12  }
0xb6: {  	[tilespmem:$0x18090] =	vst v13;
	s25 =	spop (v2sf)  }
0xb7: {  	[tilespmem:$0x180C0] =	vst v16;
	p1 =	slt.s32 s25, $0x0  }
.Ltmp6:
0xb8: {  	[tilespmem:$0x180A0] =	vst v14;
	(pc) =	sbr.rel @p1 .LBB2_14-.Ltmp6, $4  }
0xb9: {  	[tilespmem:$0x180D0] =	vst v17;
	vm14 =	veq.s32 v8, $0x0;
	v21 =	vshll.u32 v2, v21  }
0xba: {  	[tilespmem:$0x180E0] =	vst v18;
	s23 =	sxor.u32 $0x80000000, s24;
	v8 =	vsel vm14, $0xFFFFFFFF, v21  }
0xbb: {  	[tilespmem:$0x180B0] =	vst v15;
	vm15 =	vgt.u32 v20, $0x4EFFFFFF;
	v8 =	vand.u32 s23, v8  }
0xbc: {  	[tilespmem:$0x180F0] =	vst v19;
	v8 =	vsel vm15, $0x80000000, v8  }
0xbd: {  	p2 =	sne.s32 s25, $0x0  }
.Ltmp7:
0xbe: {  	_ = 	snop;
	(pc) =	sbr.rel @!p2 .LBB2_8-.Ltmp7, $3  }
0xbf: {  	_ =	sdelay $0x1  }
0xc0: {  	v20 =	vld [tilespmem:$0x18000]  }
0xc1: {  	v23 =	vld [tilespmem:$0x18010];
	s24 =	sadd.s32 $0xFFFFFFFF, s25;
	p1 =	por $0x0, $0x0  }
0xc2: {  	v22 =	vld [tilespmem:$0x18020]  }
0xc3: {  	v21 =	vmov s25;
	v24 =	vshll.u32 v6, s25;
	v25 =	vld [tilespmem:$0x18030]  }
0xc4: {  	v26 =	vld [tilespmem:$0x18040];
	vm0 =	veq.s32 v21, $0x1F;
	v21 =	vxor.u32 $0x80000000, v8;
	v24 =	vor.u32 v8, v24  }
0xc5: {  	v21 =	vsel vm0, v21, v24  }
0xc6: {  	vm0 =	vge.s32 v20, v21;
	vm1 =	vge.s32 v23, v21  }
0xc7: {  	v23 =	vmpcnt.ones.xlane vm0;
	v24 =	vmpcnt.ones.xlane vm1;
	vm14 =	vge.s32 v22, v21  }
0xc8: {  	vm15 =	vge.s32 v25, v21;
	v22 =	vmpcnt.ones.xlane vm14  }
0xc9: {  	vm4 =	vge.s32 v26, v21;
	v23 =	vadd.s32 v23, v24;
	v24 =	vmpcnt.ones.xlane vm15  }
0xca: {  	vm5 =	vge.s32 v9, v21;
	v22 =	vadd.s32 v23, v22;
	v23 =	vmpcnt.ones.xlane vm4  }
0xcb: {  	vm6 =	vge.s32 v10, v21;
	v22 =	vadd.s32 v22, v24;
	v24 =	vmpcnt.ones.xlane vm5  }
0xcc: {  	vm7 =	vge.s32 v11, v21;
	v22 =	vadd.s32 v22, v23;
	v23 =	vmpcnt.ones.xlane vm6  }
0xcd: {  	vm8 =	vge.s32 v12, v21;
	v22 =	vadd.s32 v22, v24;
	v24 =	vmpcnt.ones.xlane vm7  }
0xce: {  	vm9 =	vge.s32 v13, v21;
	v22 =	vadd.s32 v22, v23;
	v23 =	vmpcnt.ones.xlane vm8  }
0xcf: {  	vm10 =	vge.s32 v14, v21;
	v22 =	vadd.s32 v22, v24;
	v24 =	vmpcnt.ones.xlane vm9  }
0xd0: {  	vm11 =	vge.s32 v15, v21;
	v22 =	vadd.s32 v22, v23;
	v23 =	vmpcnt.ones.xlane vm10  }
0xd1: {  	vm12 =	vge.s32 v16, v21;
	v22 =	vadd.s32 v22, v24;
	v24 =	vmpcnt.ones.xlane vm11  }
0xd2: {  	vm13 =	vge.s32 v17, v21;
	v22 =	vadd.s32 v22, v23;
	v23 =	vmpcnt.ones.xlane vm12  }
0xd3: {  	vm14 =	vge.s32 v18, v21;
	v22 =	vadd.s32 v22, v24;
	v24 =	vmpcnt.ones.xlane vm13  }
0xd4: {  	p2 =	sne.s32 s24, $0x0;
	v22 =	vadd.s32 v22, v23;
	v23 =	vmpcnt.ones.xlane vm14  }
.Ltmp8:
0xd5: {  	v22 =	vadd.s32 v22, v24;
	(pc) =	sbr.rel @!p2 .LBB2_10-.Ltmp8, $3  }
0xd6: {  	vm15 =	vge.s32 v19, v21;
	v22 =	vadd.s32 v22, v23  }
0xd7: {  	v24 =	vmpcnt.ones.xlane vm15;
	_ =	sdelay $0x1  }
0xd8: {  	s25 =	sadd.s32 $0xFFFFFFFF, s24;
	p1 =	por $0x1, $0x1;
	v23 =	vld [tilespmem:$0x18010];
	v24 =	vadd.s32 v22, v24;
	v22 =	vmov v8  }
.LBB2_11:
0xd9: {  	p2 =	sne.s32 s25, $0x0;
	v25 =	vld [tilespmem:$0x18020];
	vm0 =	vgt.s32 v24, $0x3F  }
0xda: {  	v24 =	vmov s24;
	v26 =	vshll.u32 v6, s24;
	s24 =	smov.u32 s25;
	v27 =	vld [tilespmem:$0x18030];
	v22 =	vsel vm0, v21, v22  }
0xdb: {  	vm0 =	veq.s32 v24, $0x1F;
	v21 =	vxor.u32 $0x80000000, v22;
	v24 =	vor.u32 v22, v26;
	v26 =	vld [tilespmem:$0x18040]  }
0xdc: {  	v21 =	vsel vm0, v21, v24  }
0xdd: {  	vm0 =	vge.s32 v20, v21;
	vm1 =	vge.s32 v23, v21  }
0xde: {  	v23 =	vmpcnt.ones.xlane vm0;
	v24 =	vmpcnt.ones.xlane vm1;
	vm0 =	vge.s32 v25, v21  }
0xdf: {  	v25 =	vmpcnt.ones.xlane vm0;
	vm0 =	vge.s32 v27, v21  }
0xe0: {  	v23 =	vadd.s32 v23, v24;
	v24 =	vmpcnt.ones.xlane vm0;
	vm0 =	vge.s32 v26, v21  }
0xe1: {  	v23 =	vadd.s32 v23, v25;
	v25 =	vmpcnt.ones.xlane vm0;
	vm0 =	vge.s32 v9, v21  }
0xe2: {  	v23 =	vadd.s32 v23, v24;
	v24 =	vmpcnt.ones.xlane vm0;
	vm0 =	vge.s32 v10, v21  }
0xe3: {  	v23 =	vadd.s32 v23, v25;
	v25 =	vmpcnt.ones.xlane vm0;
	vm0 =	vge.s32 v11, v21  }
0xe4: {  	v23 =	vadd.s32 v23, v24;
	v24 =	vmpcnt.ones.xlane vm0;
	vm0 =	vge.s32 v12, v21  }
0xe5: {  	v23 =	vadd.s32 v23, v25;
	v25 =	vmpcnt.ones.xlane vm0;
	vm0 =	vge.s32 v13, v21  }
0xe6: {  	v23 =	vadd.s32 v23, v24;
	v24 =	vmpcnt.ones.xlane vm0;
	vm0 =	vge.s32 v14, v21  }
0xe7: {  	v23 =	vadd.s32 v23, v25;
	v25 =	vmpcnt.ones.xlane vm0;
	vm0 =	vge.s32 v15, v21  }
0xe8: {  	v23 =	vadd.s32 v23, v24;
	v24 =	vmpcnt.ones.xlane vm0;
	vm0 =	vge.s32 v16, v21  }
0xe9: {  	v23 =	vadd.s32 v23, v25;
	v25 =	vmpcnt.ones.xlane vm0;
	vm0 =	vge.s32 v17, v21  }
.Ltmp9:
0xea: {  	v23 =	vadd.s32 v23, v24;
	v24 =	vmpcnt.ones.xlane vm0;
	vm0 =	vge.s32 v18, v21;
	(pc) =	sbr.rel @p2 .LBB2_11-.Ltmp9, $4  }
0xeb: {  	v23 =	vadd.s32 v23, v25;
	v25 =	vmpcnt.ones.xlane vm0;
	vm0 =	vge.s32 v19, v21  }
0xec: {  	v23 =	vadd.s32 v23, v24;
	v24 =	vmpcnt.ones.xlane vm0  }
0xed: {  	v25 =	vadd.s32 v23, v25  }
0xee: {  	s25 =	sadd.s32 $0xFFFFFFFF, s25;
	v23 =	vld [tilespmem:$0x18010];
	v24 =	vadd.s32 v25, v24  }
0xef: {  	s25 =	smov.u32 s24  }
.LBB2_13:
0xf0: {  	vm0 =	vgt.s32 @p1 v24, $0x3F  }
0xf1: {  	v54 =	vld [tilespmem:$0x18020];
	v21 =	vsel @p1 vm0, v21, v22  }
0xf2: {  	v55 =	vmov s25;
	v25 =	vshll.u32 v6, s25;
	v26 =	vld [tilespmem:$0x18030];
	v8 =	vpsel p1, v21, v8  }
0xf3: {  	v57 =	vld [tilespmem:$0x18040];
	vm12 =	veq.s32 v55, $0x1F;
	v21 =	vxor.u32 $0x80000000, v8;
	v56 =	vor.u32 v8, v25  }
0xf4: {  	v21 =	vsel vm12, v21, v56  }
0xf5: {  	vm0 =	vge.s32 v20, v21;
	vm1 =	vge.s32 v23, v21  }
0xf6: {  	vm13 =	vge.s32 v54, v21;
	v20 =	vmpcnt.ones.xlane vm0;
	v58 =	vmpcnt.ones.xlane vm1  }
0xf7: {  	vm14 =	vge.s32 v26, v21;
	v59 =	vmpcnt.ones.xlane vm13  }
0xf8: {  	vm15 =	vge.s32 v57, v21;
	v60 =	vmpcnt.ones.xlane vm14;
	v20 =	vadd.s32 v20, v58  }
0xf9: {  	vm4 =	vge.s32 v9, v21;
	v61 =	vmpcnt.ones.xlane vm15;
	v20 =	vadd.s32 v20, v59  }
0xfa: {  	vm5 =	vge.s32 v10, v21;
	v62 =	vmpcnt.ones.xlane vm4;
	v9 =	vadd.s32 v20, v60  }
0xfb: {  	vm6 =	vge.s32 v11, v21;
	v10 =	vmpcnt.ones.xlane vm5;
	v9 =	vadd.s32 v9, v61  }
0xfc: {  	vm7 =	vge.s32 v12, v21;
	v11 =	vmpcnt.ones.xlane vm6;
	v9 =	vadd.s32 v9, v62  }
0xfd: {  	vm8 =	vge.s32 v13, v21;
	v9 =	vadd.s32 v9, v10;
	v10 =	vmpcnt.ones.xlane vm7  }
0xfe: {  	vm9 =	vge.s32 v14, v21;
	v9 =	vadd.s32 v9, v11;
	v11 =	vmpcnt.ones.xlane vm8  }
0xff: {  	vm10 =	vge.s32 v15, v21;
	v9 =	vadd.s32 v9, v10;
	v10 =	vmpcnt.ones.xlane vm9  }
0x100: {  	vm11 =	vge.s32 v16, v21;
	v9 =	vadd.s32 v9, v11;
	v11 =	vmpcnt.ones.xlane vm10  }
0x101: {  	vm12 =	vge.s32 v17, v21;
	v9 =	vadd.s32 v9, v10;
	v10 =	vmpcnt.ones.xlane vm11  }
0x102: {  	vm13 =	vge.s32 v18, v21;
	v9 =	vadd.s32 v9, v11;
	v11 =	vmpcnt.ones.xlane vm12  }
0x103: {  	vm14 =	vge.s32 v19, v21;
	v9 =	vadd.s32 v9, v10;
	v10 =	vmpcnt.ones.xlane vm13  }
0x104: {  	v9 =	vadd.s32 v9, v11;
	v11 =	vmpcnt.ones.xlane vm14  }
0x105: {  	v9 =	vadd.s32 v9, v10  }
0x106: {  	v9 =	vadd.s32 v9, v11  }
0x107: {  	vm15 =	vgt.s32 v9, $0x3F  }
0x108: {  	v8 =	vsel vm15, v21, v8  }
.LBB2_14:
0x109: {  	v9 =	vxor.u32 $0x80000000, v7  }
0x10a: {  	(xrf0) =	vmax.scan.msk.u32 $0xffff, v9;
	_ =	sdelay $0x5  }
0x10b: {  	v9, _, _ =	vpop (xrf0)  }
0x10c: {  	(v2sf) =	vpush v9, $0xF;
	_ =	sdelay $0xe  }
0x10d: {  	s24 =	spop (v2sf)  }
0x10e: {  	s24 =	sxor.u32 $0x80000000, s24  }
0x10f: {  	p1 =	slt.s32 s24, $0x1  }
.Ltmp10:
0x110: {  	_ = 	snop;
	(pc) =	sbr.rel @p1 .LBB2_18-.Ltmp10, $2  }
0x111: {  	_ =	sdelay $0x2  }
0x112: {  	s26 =	simm.s32 $0x0  }
0x113: {  	v9 =	vadd.s32 s26, v3;
	_ =	sdelay $0x1  }
0x114: {  	p1 =	sne.s32 s24, $0x1  }
.Ltmp11:
0x115: {  	_ = 	snop;
	(pc) =	sbr.rel @!p1 .LBB2_17-.Ltmp11, $3  }
0x116: {  	_ = 	snop  }
0x117: {  	v9 =	vld.idx.msk [tilespmem:v9+s15+$0x0], $0xffff;
	_ =	sdelay $0x1  }
0x118: {  	s25 =	simm.s32 $0x1;
	vm0 =	vgt.s32 v7, s26  }
.LBB2_16:
0x119: {  	_ = 	snop  }
0x11a: {  	v10 =	vadd.s32 s25, v3;
	s26 =	smov.u32 s25;
	s25 =	sadd.s32 $0x1, s25  }
0x11b: {  	p1 =	sne.s32 s24, s25;
	_ =	sdelay $0x1  }
.Ltmp12:
0x11c: {  	(pc) =	sbr.rel @p1 .LBB2_16-.Ltmp12, $3  }
0x11d: {  	[tilespmem:v9+s16+$0x0] =	vst.idx.msk vm0, v1  }
0x11e: {  	v9 =	vld.idx.msk [tilespmem:v10+s15+$0x0], $0xffff;
	_ =	sdelay $0x1  }
0x11f: {  	vm0 =	vgt.s32 v7, s26  }
.LBB2_17:
0x120: {  	_ =	sdelay $0x5  }
0x121: {  	[tilespmem:v9+s16+$0x0] =	vst.idx.msk vm0, v1  }
.LBB2_18:
.Ltmp13:
0x122: {  	(pc) =	sbr.rel .LBB2_19-.Ltmp13, $2  }
0x123: {  	_ =	sdelay $0x2  }
0x124: {  	v9 =	vmov s23;
	v7 =	vimm.s32 $0x0;
	s24 =	simm.s32 $0x70;
	s25 =	simm.s32 $0x40  }
.LBB2_21:
0x125: {  	s24 =	sadd.s32 $0x80, s24  }
0x126: {  	p1 =	sne.s32 s24, $0x8070  }
.Ltmp14:
0x127: {  	_ = 	snop;
	(pc) =	sbr.rel @!p1 .LBB2_22-.Ltmp14, $2  }
0x128: {  	_ =	sdelay $0x2  }
0x129: {  	s25 =	sadd.s32 $0x80, s25  }
.LBB2_19:
0x12a: {  	v17 =	vld [tilespmem:s25+$0xFFFFFFC0]  }
0x12b: {  	v16 =	vld [tilespmem:s25+$0xFFFFFFD0]  }
0x12c: {  	v15 =	vld [tilespmem:s25+$0xFFFFFFE0]  }
0x12d: {  	v14 =	vld [tilespmem:s25+$0xFFFFFFF0]  }
0x12e: {  	v13 =	vld [tilespmem:s25+$0x0]  }
0x12f: {  	v12 =	vld [tilespmem:s25+$0x10]  }
0x130: {  	v11 =	vld [tilespmem:s25+$0x20];
	v18 =	vmax.f32 v17, v16  }
0x131: {  	v10 =	vld [tilespmem:s25+$0x30];
	v18 =	vmax.f32 v18, v15  }
0x132: {  	v18 =	vmax.f32 v18, v14  }
0x133: {  	v18 =	vmax.f32 v18, v13  }
0x134: {  	v18 =	vmax.f32 v18, v12  }
0x135: {  	v18 =	vmax.f32 v18, v11  }
0x136: {  	v18 =	vmax.f32 v18, v10  }
0x137: {  	vm0 =	vlt.s32 v18, $0x0;
	v19 =	vxor.u32 $0x7FFFFFFF, v18  }
0x138: {  	v18 =	vsel vm0, v19, v18  }
0x139: {  	vm0 =	vlt.s32 v18, v8  }
0x13a: {  	v18 =	vsel vm0, $0x0, v4  }
0x13b: {  	(xrf0) =	vmax.scan.msk.f32 $0xffff, v18;
	_ =	sdelay $0x5  }
0x13c: {  	v18, _, _ =	vpop (xrf0)  }
0x13d: {  	(v2sf) =	vpush v18, $0xF;
	_ =	sdelay $0xe  }
0x13e: {  	s26 =	spop (v2sf)  }
0x13f: {  	p1 =	sgt.f32 s26, $0.0e+00  }
.Ltmp15:
0x140: {  	_ = 	snop;
	(pc) =	sbr.rel @!p1 .LBB2_21-.Ltmp15, $1  }
0x141: {  	_ =	sdelay $0x3  }
0x142: {  	vm0 =	vlt.s32 v17, $0x0  }
0x143: {  	v18 =	vxor.u32 $0x7FFFFFFF, v17;
	v44 =	vadd.s32 v3, v7;
	vm8 =	vlt.s32 v16, $0x0  }
0x144: {  	v19 =	vxor.u32 $0x7FFFFFFF, v16;
	vm9 =	vlt.s32 v15, $0x0;
	v45 =	vxor.u32 $0x7FFFFFFF, v15  }
0x145: {  	vm1 =	vlt.s32 v14, $0x0;
	v22 =	vxor.u32 $0x7FFFFFFF, v14;
	vm2 =	vlt.s32 v13, $0x0  }
0x146: {  	v49 =	vxor.u32 $0x7FFFFFFF, v13;
	vm10 =	vlt.s32 v12, $0x0;
	v17 =	vsel vm0, v18, v17  }
0x147: {  	s26 =	sadd.s32 $0xFFFFFF90, s24;
	v52 =	vxor.u32 $0x7FFFFFFF, v12;
	vm11 =	vlt.s32 v11, $0x0;
	vm3 =	vge.s32 v17, v8  }
0x148: {  	v20 =	vor.u32 s26, v0;
	v16 =	vsel vm8, v19, v16;
	v21 =	vsel vm3, $0x1, v5  }
0x149: {  	v15 =	vsel vm9, v45, v15;
	vm4 =	vge.s32 v16, v8;
	v7 =	vadd.s32 v21, v7  }
0x14a: {  	vm0 =	vge.s32 v15, v8;
	v46 =	vsel vm4, $0x1, v5;
	v47 =	vadd.s32 v3, v7  }
0x14b: {  	v14 =	vsel vm1, v22, v14;
	v48 =	vsel vm0, $0x1, v5;
	v7 =	vadd.s32 v46, v7  }
0x14c: {  	vm1 =	vge.s32 v14, v8;
	v21 =	vadd.s32 v48, v7;
	v7 =	vadd.s32 v3, v7  }
0x14d: {  	v13 =	vsel vm2, v49, v13;
	v12 =	vsel vm10, v52, v12;
	v50 =	vsel vm1, $0x1, v5;
	[tilespmem:v44+s17+$0x0] =	vst.idx.msk vm3, v17  }
0x14e: {  	s30 =	sadd.s32 $0xFFFFFFA0, s24;
	v53 =	vxor.u32 $0x7FFFFFFF, v11;
	v17 =	vadd.s32 v50, v21;
	v21 =	vadd.s32 v3, v21;
	[tilespmem:v44+s15+$0x0] =	vst.idx.msk vm3, v20  }
0x14f: {  	v23 =	vor.u32 s30, v0;
	v11 =	vsel vm11, v53, v11;
	vm2 =	vge.s32 v13, v8;
	[tilespmem:v47+s17+$0x0] =	vst.idx.msk vm4, v16  }
0x150: {  	s31 =	sadd.s32 $0xFFFFFFB0, s24;
	vm12 =	vge.s32 v12, v8;
	v54 =	vsel vm2, $0x1, v5;
	v51 =	vadd.s32 v3, v17;
	[tilespmem:v47+s15+$0x0] =	vst.idx.msk vm4, v23  }
0x151: {  	v55 =	vor.u32 s31, v0;
	v56 =	vsel vm12, $0x1, v5;
	v16 =	vadd.s32 v54, v17;
	[tilespmem:v7+s17+$0x0] =	vst.idx.msk vm0, v15  }
0x152: {  	s28 =	sadd.s32 $0xFFFFFFC0, s24;
	vm14 =	vlt.s32 v10, $0x0;
	v57 =	vadd.s32 v56, v16;
	v16 =	vadd.s32 v3, v16;
	[tilespmem:v7+s15+$0x0] =	vst.idx.msk vm0, v55  }
0x153: {  	v58 =	vxor.u32 $0x7FFFFFFF, v10;
	vm13 =	vge.s32 v11, v8;
	v7 =	vor.u32 s28, v0;
	[tilespmem:v21+s17+$0x0] =	vst.idx.msk vm1, v14  }
0x154: {  	s29 =	sadd.s32 $0xFFFFFFD0, s24;
	v59 =	vsel vm13, $0x1, v5;
	[tilespmem:v21+s15+$0x0] =	vst.idx.msk vm1, v7;
	v7 =	vsel vm14, v58, v10;
	v10 =	vadd.s32 v3, v57  }
0x155: {  	v60 =	vor.u32 s29, v0;
	v14 =	vadd.s32 v59, v57;
	[tilespmem:v51+s17+$0x0] =	vst.idx.msk vm2, v13;
	vm15 =	vge.s32 v7, v8  }
0x156: {  	s30 =	sadd.s32 $0xFFFFFFE0, s24;
	v61 =	vadd.s32 v3, v14;
	[tilespmem:v51+s15+$0x0] =	vst.idx.msk vm2, v60  }
0x157: {  	v62 =	vor.u32 s30, v0;
	[tilespmem:v16+s17+$0x0] =	vst.idx.msk vm12, v12  }
.Ltmp16:
0x158: {  	s31 =	sadd.s32 $0xFFFFFFF0, s24;
	[tilespmem:v16+s15+$0x0] =	vst.idx.msk vm12, v62;
	(pc) =	sbr.rel .LBB2_21-.Ltmp16, $4  }
0x159: {  	[tilespmem:v10+s17+$0x0] =	vst.idx.msk vm13, v11;
	v11 =	vor.u32 s31, v0  }
0x15a: {  	[tilespmem:v10+s15+$0x0] =	vst.idx.msk vm13, v11  }
0x15b: {  	v10 =	vsel vm15, $0x1, v5;
	[tilespmem:v61+s17+$0x0] =	vst.idx.msk vm15, v7;
	v7 =	vor.u32 s24, v0  }
0x15c: {  	[tilespmem:v61+s15+$0x0] =	vst.idx.msk vm15, v7;
	v7 =	vadd.s32 v10, v14  }
.LBB2_22:
0x15d: {  	v10 =	vxor.u32 $0x80000000, v7  }
0x15e: {  	(xrf0) =	vmax.scan.msk.u32 $0xffff, v10;
	_ =	sdelay $0x5  }
0x15f: {  	v10, _, _ =	vpop (xrf0)  }
0x160: {  	(v2sf) =	vpush v10, $0xF  }
0x161: {  	(v2sf) =	vpush v8, $0x0;
	_ =	sdelay $0xd  }
0x162: {  	s25 =	spop (v2sf)  }
0x163: {  	s24 =	spop (v2sf)  }
0x164: {  	s23 =	sxor.u32 s23, s24  }
0x165: {  	v8 =	vmov s23  }
0x166: {  	v10 =	vshrl.u32 v8, $0x10  }
0x167: {  	v10 =	vcvt.s32.f32 v10  }
0x168: {  	v11 =	vand.u32 $0xFFFF, v8  }
0x169: {  	v11 =	vcvt.s32.f32 v11;
	v10 =	vmul.f32 $6.553600000e+04, v10;
	_ =	sdelay $0x1  }
0x16a: {  	v10 =	vadd.f32 v11, v10;
	_ =	sdelay $0x1  }
0x16b: {  	v11 =	vshrl.u32 v10, $0x17  }
0x16c: {  	v11 =	vmin.u32 v11, $0x9E  }
0x16d: {  	v11 =	vadd.s32 $0xFFFFFF81, v11  }
0x16e: {  	(v2sf) =	vpush v11, $0x0;
	_ =	sdelay $0xe  }
0x16f: {  	s24 =	spop (v2sf)  }
0x170: {  	p1 =	sgt.s32 s24, $0xFFFFFFFF  }
.Ltmp17:
0x171: {  	_ = 	snop;
	(pc) =	sbr.rel @p1 .LBB2_26-.Ltmp17, $4  }
0x172: {  	vm0 =	veq.s32 v8, $0x0;
	v11 =	vshll.u32 v2, v11  }
0x173: {  	v8 =	vsel vm0, $0xFFFFFFFF, v11  }
0x174: {  	vm15 =	vgt.u32 v10, $0x4EFFFFFF;
	v8 =	vand.u32 v9, v8  }
0x175: {  	s26 =	simm.s32 $0x0;
	s23 =	sxor.u32 $0x80000000, s25;
	s25 =	simm.s32 $0x0;
	v8 =	vsel vm15, $0x80000000, v8  }
.LBB2_23:
0x176: {  	p1 =	sgt.s32 s23, $0x0  }
.Ltmp18:
0x177: {  	_ = 	snop;
	(pc) =	sbr.rel @!p1 .LBB2_161-.Ltmp18, $1  }
0x178: {  	_ =	sdelay $0x3  }
0x179: {  	p4 =	sne.s32 s23, $0x1  }
.Ltmp19:
0x17a: {  	_ = 	snop;
	(pc) =	sbr.rel @!p4 .LBB2_25-.Ltmp19, $3  }
0x17b: {  	_ =	sdelay $0x1  }
0x17c: {  	s25 =	simm.s32 $0x0  }
0x17d: {  	v9 =	vimm.s32 $0x0;
	s24 =	simm.s32 $0x1;
	p2 =	por $0x0, $0x0;
	p3 =	por $0x0, $0x0;
	v10 =	vadd.s32 s25, v3  }
0x17e: {  	p4 =	sne.s32 s23, $0x2  }
.Ltmp20:
0x17f: {  	_ = 	snop;
	(pc) =	sbr.rel @!p4 .LBB2_38-.Ltmp20, $2  }
0x180: {  	_ =	sdelay $0x2  }
0x181: {  	v16 =	vld.idx.msk [tilespmem:v10+s17+$0x0], $0xffff;
	s26 =	simm.s32 $0x2;
	v10 =	vadd.s32 s24, v3;
	p2 =	por $0x1, $0x1  }
0x182: {  	_ = 	snop  }
0x183: {  	p4 =	sne.s32 s23, $0x3  }
.Ltmp21:
0x184: {  	_ = 	snop;
	(pc) =	sbr.rel @!p4 .LBB2_40-.Ltmp21, $4  }
0x185: {  	vm0 =	vgt.s32 v7, s25  }
0x186: {  	v14 =	vld.idx.msk [tilespmem:v10+s17+$0x0], $0xffff;
	v10 =	vadd.s32 s26, v3;
	vm1 =	vgt.s32 v16, v8;
	vm2 =	veq.s32 v16, v8  }
0x187: {  	v11 =	vimm.s32 $0x0;
	vm1 =	vmand vm0, vm1;
	vm0 =	vmand vm0, vm2  }
0x188: {  	s25 =	simm.s32 $0x3;
	p3 =	por $0x1, $0x1;
	v12 =	vimm.s32 $0x0;
	v13 =	vmpcnt.ones.xlane vm1;
	v15 =	vmpcnt.ones.xlane vm0  }
.LBB2_41:
0x189: {  	s28 =	smov.u32 s25;
	s25 =	sadd.s32 $0x1, s25  }
0x18a: {  	p4 =	sne.s32 s23, s25  }
.Ltmp22:
0x18b: {  	v11 =	vadd.s32 v11, v13;
	v12 =	vadd.s32 v12, v15;
	(pc) =	sbr.rel @p4 .LBB2_41-.Ltmp22, $4  }
0x18c: {  	_ = 	snop  }
0x18d: {  	vm0 =	vgt.s32 v7, s24;
	s24 =	smov.u32 s26;
	s26 =	smov.u32 s28;
	vm1 =	vgt.s32 v14, v8;
	vm2 =	veq.s32 v14, v8;
	v14 =	vld.idx.msk [tilespmem:v10+s17+$0x0], $0xffff  }
0x18e: {  	v10 =	vadd.s32 s26, v3;
	vm1 =	vmand vm0, vm1;
	vm0 =	vmand vm0, vm2  }
0x18f: {  	v13 =	vmpcnt.ones.xlane vm1;
	v15 =	vmpcnt.ones.xlane vm0  }
0x190: {  	_ =	sdelay $0x1  }
0x191: {  	s25 =	smov.u32 s26;
	v16 =	vmov v14  }
.LBB2_43:
0x192: {  	_ =	sdelay $0x3  }
0x193: {  	v10 =	vld.idx.msk [tilespmem:v10+s17+$0x0], $0xffff  }
0x194: {  	vm0 =	vgt.s32 @p2 v7, s24;
	vm1 =	vgt.s32 @p2 v16, v8;
	vm2 =	veq.s32 @p2 v16, v8  }
0x195: {  	vm1 =	vmand @p2 vm0, vm1;
	vm0 =	vmand @p2 vm0, vm2  }
0x196: {  	v11 =	vadd.s32 @p3 v11, v13;
	v14 =	vmpcnt.ones.xlane @p2 vm1;
	v13 =	vmpcnt.ones.xlane @p2 vm0  }
0x197: {  	v12 =	vadd.s32 @p3 v12, v15;
	vm13 =	vgt.s32 v7, s25;
	v11 =	vpsel p3, v11, v9  }
0x198: {  	v14 =	vpsel p2, v14, v0;
	v13 =	vpsel p2, v13, v0;
	vm14 =	vgt.s32 v10, v8  }
0x199: {  	v11 =	vadd.s32 @p2 v11, v14;
	vm15 =	veq.s32 v10, v8;
	vm1 =	vmand vm13, vm14  }
0x19a: {  	v10 =	vpsel p3, v12, v9;
	vm0 =	vmand vm13, vm15;
	v61 =	vmpcnt.ones.xlane vm1  }
0x19b: {  	v10 =	vadd.s32 @p2 v10, v13;
	v11 =	vpsel p2, v11, v9;
	v62 =	vmpcnt.ones.xlane vm0  }
0x19c: {  	v10 =	vpsel p2, v10, v9;
	v9 =	vadd.s32 v11, v61  }
0x19d: {  	v10 =	vadd.s32 v10, v62;
	(v2sf) =	vpush v9, $0x0  }
0x19e: {  	(v2sf) =	vpush v10, $0x0;
	_ =	sdelay $0xd  }
0x19f: {  	s30 =	spop (v2sf)  }
0x1a0: {  	s31 =	spop (v2sf)  }
0x1a1: {  	s24 =	sadd.s32 s30, s31  }
0x1a2: {  	p2 =	slt.s32 s24, $0x41  }
.Ltmp23:
0x1a3: {  	_ = 	snop;
	(pc) =	sbr.rel @p2 .LBB2_158-.Ltmp23, $2  }
0x1a4: {  	_ =	sdelay $0x2  }
0x1a5: {  	v10 =	vimm.s32 $0x7FFF  }
0x1a6: {  	p3 =	sne.s32 s23, $0x1  }
.Ltmp24:
0x1a7: {  	_ = 	snop;
	(pc) =	sbr.rel @!p3 .LBB2_51-.Ltmp24, $4  }
0x1a8: {  	_ = 	snop  }
0x1a9: {  	s25 =	simm.s32 $0x0  }
0x1aa: {  	s24 =	simm.s32 $0x1;
	p4 =	por $0x0, $0x0;
	v11 =	vadd.s32 s25, v3  }
0x1ab: {  	v10 =	vimm.s32 $0x0;
	p2 =	por $0x0, $0x0;
	v12 =	vimm.s32 $0x0;
	s26 =	simm.s32 $0x0;
	p5 =	por $0x0, $0x0;
	v14 =	vmov v11  }
0x1ac: {  	p5 =	sne.s32 s23, $0x2  }
.Ltmp25:
0x1ad: {  	_ = 	snop;
	(pc) =	sbr.rel @!p5 .LBB2_46-.Ltmp25, $3  }
0x1ae: {  	_ =	sdelay $0x1  }
0x1af: {  	v15 =	vld.idx.msk [tilespmem:v11+s17+$0x0], $0xffff  }
0x1b0: {  	s26 =	simm.s32 $0x2;
	v14 =	vadd.s32 s24, v3;
	v16 =	vld.idx.msk [tilespmem:v11+s15+$0x0], $0xffff;
	p4 =	por $0x1, $0x1  }
0x1b1: {  	_ =	sdelay $0x1  }
0x1b2: {  	p6 =	sne.s32 s23, $0x3  }
.Ltmp26:
0x1b3: {  	_ = 	snop;
	(pc) =	sbr.rel @!p6 .LBB2_48-.Ltmp26, $4  }
0x1b4: {  	vm0 =	veq.s32 v15, v8;
	vm1 =	vlt.s32 v16, $0x4000  }
0x1b5: {  	vm2 =	vgt.s32 v7, s25;
	v17 =	vadd.s32 s26, v3;
	v15 =	vld.idx.msk [tilespmem:v14+s17+$0x0], $0xffff;
	vm0 =	vmand vm0, vm1  }
0x1b6: {  	v16 =	vld.idx.msk [tilespmem:v14+s15+$0x0], $0xffff;
	vm0 =	vmand vm2, vm0  }
0x1b7: {  	s29 =	simm.s32 $0x3;
	p5 =	por $0x1, $0x1;
	v12 =	vimm.s32 $0x0;
	s28 =	simm.s32 $0x1;
	v13 =	vmpcnt.ones.xlane vm0  }
.LBB2_49:
0x1b8: {  	s30 =	smov.u32 s29;
	s29 =	sadd.s32 $0x1, s29  }
0x1b9: {  	p6 =	sne.s32 s23, s29  }
.Ltmp27:
0x1ba: {  	vm0 =	veq.s32 v15, v8;
	v15 =	vld.idx.msk [tilespmem:v17+s17+$0x0], $0xffff;
	v12 =	vadd.s32 v12, v13;
	(pc) =	sbr.rel @p6 .LBB2_49-.Ltmp27, $4  }
0x1bb: {  	vm2 =	vgt.s32 v7, s28;
	s28 =	smov.u32 s26;
	vm1 =	vlt.s32 v16, $0x4000;
	s26 =	smov.u32 s30;
	v16 =	vld.idx.msk [tilespmem:v17+s15+$0x0], $0xffff;
	v17 =	vadd.s32 s30, v3  }
0x1bc: {  	vm0 =	vmand vm0, vm1  }
0x1bd: {  	vm0 =	vmand vm2, vm0  }
0x1be: {  	v13 =	vmpcnt.ones.xlane vm0  }
0x1bf: {  	v14 =	vmov v17  }
.LBB2_51:
0x1c0: {  	_ =	sdelay $0x3  }
0x1c1: {  	v17 =	vld.idx.msk [tilespmem:v14+s17+$0x0], $0xffff  }
0x1c2: {  	v14 =	vld.idx.msk [tilespmem:v14+s15+$0x0], $0xffff;
	_ =	sdelay $0x1  }
0x1c3: {  	vm0 =	veq.s32 @p4 v15, v8;
	vm1 =	vlt.s32 @p4 v16, $0x4000  }
0x1c4: {  	vm0 =	vmand @p4 vm0, vm1;
	vm1 =	vgt.s32 @p4 v7, s28  }
0x1c5: {  	vm0 =	vmand @p4 vm1, vm0  }
0x1c6: {  	v15 =	vmpcnt.ones.xlane @p4 vm0;
	vm13 =	veq.s32 v17, v8;
	vm14 =	vlt.s32 v14, $0x4000  }
0x1c7: {  	v12 =	vadd.s32 @p5 v12, v13;
	vm2 =	vgt.s32 v7, s26;
	vm0 =	vmand vm13, vm14  }
0x1c8: {  	v12 =	vpsel p5, v12, v10;
	v13 =	vpsel p4, v15, v0;
	vm0 =	vmand vm2, vm0  }
0x1c9: {  	v12 =	vadd.s32 @p4 v12, v13;
	v13 =	vmpcnt.ones.xlane vm0  }
0x1ca: {  	v12 =	vpsel p4, v12, v10  }
.Ltmp28:
0x1cb: {  	v12 =	vadd.s32 v12, v13;
	(pc) =	sbr.rel @!p3 .LBB2_52-.Ltmp28, $4  }
0x1cc: {  	v12 =	vadd.s32 v9, v12  }
0x1cd: {  	vm15 =	vlt.s32 v12, $0x40  }
0x1ce: {  	v12 =	vsel vm15, $0x4000, v10  }
0x1cf: {  	v13 =	vor.u32 $0x2000, v12;
	v14 =	vor.u32 $0x1FFF, v12  }
0x1d0: {  	p4 =	sne.s32 s23, $0x2  }
.Ltmp29:
0x1d1: {  	_ = 	snop;
	(pc) =	sbr.rel @!p4 .LBB2_54-.Ltmp29, $3  }
0x1d2: {  	_ =	sdelay $0x1  }
0x1d3: {  	v17 =	vld.idx.msk [tilespmem:v11+s17+$0x0], $0xffff  }
0x1d4: {  	s26 =	simm.s32 $0x2;
	v15 =	vadd.s32 s24, v3;
	v18 =	vld.idx.msk [tilespmem:v11+s15+$0x0], $0xffff;
	p3 =	por $0x1, $0x1  }
0x1d5: {  	_ =	sdelay $0x1  }
0x1d6: {  	p4 =	sne.s32 s23, $0x3  }
.Ltmp30:
0x1d7: {  	_ = 	snop;
	(pc) =	sbr.rel @!p4 .LBB2_56-.Ltmp30, $4  }
0x1d8: {  	vm0 =	veq.s32 v17, v8;
	vm1 =	vle.s32 v18, v14  }
0x1d9: {  	vm2 =	vgt.s32 v7, s25;
	v11 =	vadd.s32 s26, v3;
	v17 =	vld.idx.msk [tilespmem:v15+s17+$0x0], $0xffff;
	vm0 =	vmand vm0, vm1  }
0x1da: {  	v18 =	vld.idx.msk [tilespmem:v15+s15+$0x0], $0xffff;
	vm0 =	vmand vm2, vm0  }
0x1db: {  	s25 =	simm.s32 $0x3;
	p2 =	por $0x1, $0x1;
	v15 =	vimm.s32 $0x0;
	v16 =	vmpcnt.ones.xlane vm0  }
.LBB2_57:
0x1dc: {  	s28 =	smov.u32 s25;
	s25 =	sadd.s32 $0x1, s25  }
0x1dd: {  	p4 =	sne.s32 s23, s25  }
.Ltmp31:
0x1de: {  	vm0 =	veq.s32 v17, v8;
	v17 =	vld.idx.msk [tilespmem:v11+s17+$0x0], $0xffff;
	v15 =	vadd.s32 v15, v16;
	(pc) =	sbr.rel @p4 .LBB2_57-.Ltmp31, $4  }
0x1df: {  	vm2 =	vgt.s32 v7, s24;
	s24 =	smov.u32 s26;
	vm1 =	vle.s32 v18, v14;
	s26 =	smov.u32 s28;
	v18 =	vld.idx.msk [tilespmem:v11+s15+$0x0], $0xffff;
	v11 =	vadd.s32 s28, v3  }
0x1e0: {  	vm0 =	vmand vm0, vm1  }
0x1e1: {  	vm0 =	vmand vm2, vm0  }
0x1e2: {  	v16 =	vmpcnt.ones.xlane vm0  }
0x1e3: {  	s25 =	smov.u32 s26  }
.LBB2_59:
0x1e4: {  	_ =	sdelay $0x3  }
0x1e5: {  	v19 =	vld.idx.msk [tilespmem:v11+s17+$0x0], $0xffff  }
0x1e6: {  	v11 =	vld.idx.msk [tilespmem:v11+s15+$0x0], $0xffff;
	_ =	sdelay $0x1  }
0x1e7: {  	vm0 =	veq.s32 @p3 v17, v8;
	vm1 =	vle.s32 @p3 v18, v14  }
0x1e8: {  	vm0 =	vmand @p3 vm0, vm1;
	vm1 =	vgt.s32 @p3 v7, s24  }
0x1e9: {  	vm0 =	vmand @p3 vm1, vm0  }
0x1ea: {  	v17 =	vmpcnt.ones.xlane @p3 vm0;
	vm13 =	veq.s32 v19, v8;
	vm14 =	vle.s32 v11, v14  }
0x1eb: {  	vm2 =	vgt.s32 v7, s25;
	v11 =	vadd.s32 @p2 v15, v16;
	vm0 =	vmand vm13, vm14  }
0x1ec: {  	v14 =	vpsel p3, v17, v0;
	v11 =	vpsel p2, v11, v10;
	vm0 =	vmand vm2, vm0  }
0x1ed: {  	v11 =	vadd.s32 @p3 v11, v14;
	v14 =	vmpcnt.ones.xlane vm0  }
0x1ee: {  	v10 =	vpsel p3, v11, v10;
	p3 =	sne.s32 s23, $0x1  }
.Ltmp32:
0x1ef: {  	v10 =	vadd.s32 v10, v14;
	(pc) =	sbr.rel @!p3 .LBB2_66-.Ltmp32, $4  }
0x1f0: {  	v10 =	vadd.s32 v9, v10  }
0x1f1: {  	s25 =	simm.s32 $0x0;
	vm15 =	vlt.s32 v10, $0x40  }
0x1f2: {  	p4 =	por $0x0, $0x0;
	s26 =	simm.s32 $0x0;
	v15 =	vimm.s32 $0x0;
	v11 =	vadd.s32 s25, v3;
	v12 =	vsel vm15, v13, v12  }
0x1f3: {  	p5 =	por $0x0, $0x0;
	s24 =	simm.s32 $0x1;
	p2 =	por $0x0, $0x0;
	v17 =	vmovc v11;
	v10 =	vimm.s32 $0x0;
	v13 =	vor.u32 $0x1000, v12;
	v14 =	vor.u32 $0xFFF, v12  }
0x1f4: {  	p5 =	sne.s32 s23, $0x2  }
.Ltmp33:
0x1f5: {  	_ = 	snop;
	(pc) =	sbr.rel @!p5 .LBB2_61-.Ltmp33, $3  }
0x1f6: {  	_ =	sdelay $0x1  }
0x1f7: {  	v18 =	vld.idx.msk [tilespmem:v11+s17+$0x0], $0xffff  }
0x1f8: {  	s26 =	simm.s32 $0x2;
	v17 =	vadd.s32 s24, v3;
	v19 =	vld.idx.msk [tilespmem:v11+s15+$0x0], $0xffff;
	p4 =	por $0x1, $0x1  }
0x1f9: {  	_ =	sdelay $0x1  }
0x1fa: {  	p6 =	sne.s32 s23, $0x3  }
.Ltmp34:
0x1fb: {  	_ = 	snop;
	(pc) =	sbr.rel @!p6 .LBB2_63-.Ltmp34, $4  }
0x1fc: {  	vm0 =	veq.s32 v18, v8;
	vm1 =	vle.s32 v19, v14  }
0x1fd: {  	vm2 =	vgt.s32 v7, s25;
	v20 =	vadd.s32 s26, v3;
	v18 =	vld.idx.msk [tilespmem:v17+s17+$0x0], $0xffff;
	vm0 =	vmand vm0, vm1  }
0x1fe: {  	v19 =	vld.idx.msk [tilespmem:v17+s15+$0x0], $0xffff;
	vm0 =	vmand vm2, vm0  }
0x1ff: {  	s29 =	simm.s32 $0x3;
	p5 =	por $0x1, $0x1;
	v15 =	vimm.s32 $0x0;
	s28 =	simm.s32 $0x1;
	v16 =	vmpcnt.ones.xlane vm0  }
.LBB2_64:
0x200: {  	s30 =	smov.u32 s29;
	s29 =	sadd.s32 $0x1, s29  }
0x201: {  	p6 =	sne.s32 s23, s29  }
.Ltmp35:
0x202: {  	vm0 =	veq.s32 v18, v8;
	v18 =	vld.idx.msk [tilespmem:v20+s17+$0x0], $0xffff;
	v15 =	vadd.s32 v15, v16;
	(pc) =	sbr.rel @p6 .LBB2_64-.Ltmp35, $4  }
0x203: {  	vm2 =	vgt.s32 v7, s28;
	s28 =	smov.u32 s26;
	vm1 =	vle.s32 v19, v14;
	s26 =	smov.u32 s30;
	v19 =	vld.idx.msk [tilespmem:v20+s15+$0x0], $0xffff;
	v20 =	vadd.s32 s30, v3  }
0x204: {  	vm0 =	vmand vm0, vm1  }
0x205: {  	vm0 =	vmand vm2, vm0  }
0x206: {  	v16 =	vmpcnt.ones.xlane vm0  }
0x207: {  	v17 =	vmov v20  }
.LBB2_66:
0x208: {  	_ =	sdelay $0x3  }
0x209: {  	v20 =	vld.idx.msk [tilespmem:v17+s17+$0x0], $0xffff  }
0x20a: {  	v62 =	vld.idx.msk [tilespmem:v17+s15+$0x0], $0xffff;
	_ =	sdelay $0x1  }
0x20b: {  	vm0 =	veq.s32 @p4 v18, v8;
	vm1 =	vle.s32 @p4 v19, v14  }
0x20c: {  	vm0 =	vmand @p4 vm0, vm1;
	vm1 =	vgt.s32 @p4 v7, s28  }
0x20d: {  	vm0 =	vmand @p4 vm1, vm0  }
0x20e: {  	v18 =	vmpcnt.ones.xlane @p4 vm0;
	vm13 =	veq.s32 v20, v8;
	vm14 =	vle.s32 v62, v14  }
0x20f: {  	vm2 =	vgt.s32 v7, s26;
	v14 =	vadd.s32 @p5 v15, v16;
	vm0 =	vmand vm13, vm14  }
0x210: {  	v15 =	vpsel p4, v18, v0;
	v14 =	vpsel p5, v14, v10;
	vm0 =	vmand vm2, vm0  }
0x211: {  	v14 =	vadd.s32 @p4 v14, v15;
	v15 =	vmpcnt.ones.xlane vm0  }
0x212: {  	v14 =	vpsel p4, v14, v10  }
.Ltmp36:
0x213: {  	v14 =	vadd.s32 v14, v15;
	(pc) =	sbr.rel @!p3 .LBB2_67-.Ltmp36, $4  }
0x214: {  	v14 =	vadd.s32 v9, v14  }
0x215: {  	vm15 =	vlt.s32 v14, $0x40  }
0x216: {  	v12 =	vsel vm15, v13, v12  }
0x217: {  	v13 =	vor.u32 $0x800, v12;
	v14 =	vor.u32 $0x7FF, v12  }
0x218: {  	p4 =	sne.s32 s23, $0x2  }
.Ltmp37:
0x219: {  	_ = 	snop;
	(pc) =	sbr.rel @!p4 .LBB2_69-.Ltmp37, $3  }
0x21a: {  	_ =	sdelay $0x1  }
0x21b: {  	v17 =	vld.idx.msk [tilespmem:v11+s17+$0x0], $0xffff  }
0x21c: {  	s26 =	simm.s32 $0x2;
	v15 =	vadd.s32 s24, v3;
	v18 =	vld.idx.msk [tilespmem:v11+s15+$0x0], $0xffff;
	p3 =	por $0x1, $0x1  }
0x21d: {  	_ =	sdelay $0x1  }
0x21e: {  	p4 =	sne.s32 s23, $0x3  }
.Ltmp38:
0x21f: {  	_ = 	snop;
	(pc) =	sbr.rel @!p4 .LBB2_71-.Ltmp38, $4  }
0x220: {  	vm0 =	veq.s32 v17, v8;
	vm1 =	vle.s32 v18, v14  }
0x221: {  	vm2 =	vgt.s32 v7, s25;
	v11 =	vadd.s32 s26, v3;
	v17 =	vld.idx.msk [tilespmem:v15+s17+$0x0], $0xffff;
	vm0 =	vmand vm0, vm1  }
0x222: {  	v18 =	vld.idx.msk [tilespmem:v15+s15+$0x0], $0xffff;
	vm0 =	vmand vm2, vm0  }
0x223: {  	s25 =	simm.s32 $0x3;
	p2 =	por $0x1, $0x1;
	v15 =	vimm.s32 $0x0;
	v16 =	vmpcnt.ones.xlane vm0  }
.LBB2_72:
0x224: {  	s28 =	smov.u32 s25;
	s25 =	sadd.s32 $0x1, s25  }
0x225: {  	p4 =	sne.s32 s23, s25  }
.Ltmp39:
0x226: {  	vm0 =	veq.s32 v17, v8;
	v17 =	vld.idx.msk [tilespmem:v11+s17+$0x0], $0xffff;
	v15 =	vadd.s32 v15, v16;
	(pc) =	sbr.rel @p4 .LBB2_72-.Ltmp39, $4  }
0x227: {  	vm2 =	vgt.s32 v7, s24;
	s24 =	smov.u32 s26;
	vm1 =	vle.s32 v18, v14;
	s26 =	smov.u32 s28;
	v18 =	vld.idx.msk [tilespmem:v11+s15+$0x0], $0xffff;
	v11 =	vadd.s32 s28, v3  }
0x228: {  	vm0 =	vmand vm0, vm1  }
0x229: {  	vm0 =	vmand vm2, vm0  }
0x22a: {  	v16 =	vmpcnt.ones.xlane vm0  }
0x22b: {  	s25 =	smov.u32 s26  }
.LBB2_74:
0x22c: {  	_ =	sdelay $0x3  }
0x22d: {  	v19 =	vld.idx.msk [tilespmem:v11+s17+$0x0], $0xffff  }
0x22e: {  	v11 =	vld.idx.msk [tilespmem:v11+s15+$0x0], $0xffff;
	_ =	sdelay $0x1  }
0x22f: {  	vm0 =	veq.s32 @p3 v17, v8;
	vm1 =	vle.s32 @p3 v18, v14  }
0x230: {  	vm0 =	vmand @p3 vm0, vm1;
	vm1 =	vgt.s32 @p3 v7, s24  }
0x231: {  	vm0 =	vmand @p3 vm1, vm0  }
0x232: {  	v17 =	vmpcnt.ones.xlane @p3 vm0;
	vm13 =	veq.s32 v19, v8;
	vm14 =	vle.s32 v11, v14  }
0x233: {  	vm2 =	vgt.s32 v7, s25;
	v11 =	vadd.s32 @p2 v15, v16;
	vm0 =	vmand vm13, vm14  }
0x234: {  	v14 =	vpsel p3, v17, v0;
	v11 =	vpsel p2, v11, v10;
	vm0 =	vmand vm2, vm0  }
0x235: {  	v11 =	vadd.s32 @p3 v11, v14;
	v14 =	vmpcnt.ones.xlane vm0  }
0x236: {  	v10 =	vpsel p3, v11, v10;
	p3 =	sne.s32 s23, $0x1  }
.Ltmp40:
0x237: {  	v10 =	vadd.s32 v10, v14;
	(pc) =	sbr.rel @!p3 .LBB2_81-.Ltmp40, $4  }
0x238: {  	v10 =	vadd.s32 v9, v10  }
0x239: {  	s25 =	simm.s32 $0x0;
	vm15 =	vlt.s32 v10, $0x40  }
0x23a: {  	p4 =	por $0x0, $0x0;
	s26 =	simm.s32 $0x0;
	v15 =	vimm.s32 $0x0;
	v11 =	vadd.s32 s25, v3;
	v12 =	vsel vm15, v13, v12  }
0x23b: {  	p5 =	por $0x0, $0x0;
	s24 =	simm.s32 $0x1;
	p2 =	por $0x0, $0x0;
	v17 =	vmovc v11;
	v10 =	vimm.s32 $0x0;
	v13 =	vadd.s32 $0x400, v12;
	v14 =	vadd.s32 $0x3FF, v12  }
0x23c: {  	p5 =	sne.s32 s23, $0x2  }
.Ltmp41:
0x23d: {  	_ = 	snop;
	(pc) =	sbr.rel @!p5 .LBB2_76-.Ltmp41, $3  }
0x23e: {  	_ =	sdelay $0x1  }
0x23f: {  	v18 =	vld.idx.msk [tilespmem:v11+s17+$0x0], $0xffff  }
0x240: {  	s26 =	simm.s32 $0x2;
	v17 =	vadd.s32 s24, v3;
	v19 =	vld.idx.msk [tilespmem:v11+s15+$0x0], $0xffff;
	p4 =	por $0x1, $0x1  }
0x241: {  	_ =	sdelay $0x1  }
0x242: {  	p6 =	sne.s32 s23, $0x3  }
.Ltmp42:
0x243: {  	_ = 	snop;
	(pc) =	sbr.rel @!p6 .LBB2_78-.Ltmp42, $4  }
0x244: {  	vm0 =	veq.s32 v18, v8;
	vm1 =	vle.s32 v19, v14  }
0x245: {  	vm2 =	vgt.s32 v7, s25;
	v20 =	vadd.s32 s26, v3;
	v18 =	vld.idx.msk [tilespmem:v17+s17+$0x0], $0xffff;
	vm0 =	vmand vm0, vm1  }
0x246: {  	v19 =	vld.idx.msk [tilespmem:v17+s15+$0x0], $0xffff;
	vm0 =	vmand vm2, vm0  }
0x247: {  	s29 =	simm.s32 $0x3;
	p5 =	por $0x1, $0x1;
	v15 =	vimm.s32 $0x0;
	s28 =	simm.s32 $0x1;
	v16 =	vmpcnt.ones.xlane vm0  }
.LBB2_79:
0x248: {  	s30 =	smov.u32 s29;
	s29 =	sadd.s32 $0x1, s29  }
0x249: {  	p6 =	sne.s32 s23, s29  }
.Ltmp43:
0x24a: {  	vm0 =	veq.s32 v18, v8;
	v18 =	vld.idx.msk [tilespmem:v20+s17+$0x0], $0xffff;
	v15 =	vadd.s32 v15, v16;
	(pc) =	sbr.rel @p6 .LBB2_79-.Ltmp43, $4  }
0x24b: {  	vm2 =	vgt.s32 v7, s28;
	s28 =	smov.u32 s26;
	vm1 =	vle.s32 v19, v14;
	s26 =	smov.u32 s30;
	v19 =	vld.idx.msk [tilespmem:v20+s15+$0x0], $0xffff;
	v20 =	vadd.s32 s30, v3  }
0x24c: {  	vm0 =	vmand vm0, vm1  }
0x24d: {  	vm0 =	vmand vm2, vm0  }
0x24e: {  	v16 =	vmpcnt.ones.xlane vm0  }
0x24f: {  	v17 =	vmov v20  }
.LBB2_81:
0x250: {  	_ =	sdelay $0x3  }
0x251: {  	v20 =	vld.idx.msk [tilespmem:v17+s17+$0x0], $0xffff  }
0x252: {  	v62 =	vld.idx.msk [tilespmem:v17+s15+$0x0], $0xffff;
	_ =	sdelay $0x1  }
0x253: {  	vm0 =	veq.s32 @p4 v18, v8;
	vm1 =	vle.s32 @p4 v19, v14  }
0x254: {  	vm0 =	vmand @p4 vm0, vm1;
	vm1 =	vgt.s32 @p4 v7, s28  }
0x255: {  	vm0 =	vmand @p4 vm1, vm0  }
0x256: {  	v18 =	vmpcnt.ones.xlane @p4 vm0;
	vm13 =	veq.s32 v20, v8;
	vm14 =	vle.s32 v62, v14  }
0x257: {  	vm2 =	vgt.s32 v7, s26;
	v14 =	vadd.s32 @p5 v15, v16;
	vm0 =	vmand vm13, vm14  }
0x258: {  	v15 =	vpsel p4, v18, v0;
	v14 =	vpsel p5, v14, v10;
	vm0 =	vmand vm2, vm0  }
0x259: {  	v14 =	vadd.s32 @p4 v14, v15;
	v15 =	vmpcnt.ones.xlane vm0  }
0x25a: {  	v14 =	vpsel p4, v14, v10  }
.Ltmp44:
0x25b: {  	v14 =	vadd.s32 v14, v15;
	(pc) =	sbr.rel @!p3 .LBB2_82-.Ltmp44, $4  }
0x25c: {  	v14 =	vadd.s32 v9, v14  }
0x25d: {  	vm15 =	vlt.s32 v14, $0x40  }
0x25e: {  	v12 =	vsel vm15, v13, v12  }
0x25f: {  	v13 =	vadd.s32 $0x200, v12;
	v14 =	vadd.s32 $0x1FF, v12  }
0x260: {  	p4 =	sne.s32 s23, $0x2  }
.Ltmp45:
0x261: {  	_ = 	snop;
	(pc) =	sbr.rel @!p4 .LBB2_84-.Ltmp45, $3  }
0x262: {  	_ =	sdelay $0x1  }
0x263: {  	v17 =	vld.idx.msk [tilespmem:v11+s17+$0x0], $0xffff  }
0x264: {  	s26 =	simm.s32 $0x2;
	v15 =	vadd.s32 s24, v3;
	v18 =	vld.idx.msk [tilespmem:v11+s15+$0x0], $0xffff;
	p3 =	por $0x1, $0x1  }
0x265: {  	_ =	sdelay $0x1  }
0x266: {  	p4 =	sne.s32 s23, $0x3  }
.Ltmp46:
0x267: {  	_ = 	snop;
	(pc) =	sbr.rel @!p4 .LBB2_86-.Ltmp46, $4  }
0x268: {  	vm0 =	veq.s32 v17, v8;
	vm1 =	vle.s32 v18, v14  }
0x269: {  	vm2 =	vgt.s32 v7, s25;
	v11 =	vadd.s32 s26, v3;
	v17 =	vld.idx.msk [tilespmem:v15+s17+$0x0], $0xffff;
	vm0 =	vmand vm0, vm1  }
0x26a: {  	v18 =	vld.idx.msk [tilespmem:v15+s15+$0x0], $0xffff;
	vm0 =	vmand vm2, vm0  }
0x26b: {  	s25 =	simm.s32 $0x3;
	p2 =	por $0x1, $0x1;
	v15 =	vimm.s32 $0x0;
	v16 =	vmpcnt.ones.xlane vm0  }
.LBB2_87:
0x26c: {  	s28 =	smov.u32 s25;
	s25 =	sadd.s32 $0x1, s25  }
0x26d: {  	p4 =	sne.s32 s23, s25  }
.Ltmp47:
0x26e: {  	vm0 =	veq.s32 v17, v8;
	v17 =	vld.idx.msk [tilespmem:v11+s17+$0x0], $0xffff;
	v15 =	vadd.s32 v15, v16;
	(pc) =	sbr.rel @p4 .LBB2_87-.Ltmp47, $4  }
0x26f: {  	vm2 =	vgt.s32 v7, s24;
	s24 =	smov.u32 s26;
	vm1 =	vle.s32 v18, v14;
	s26 =	smov.u32 s28;
	v18 =	vld.idx.msk [tilespmem:v11+s15+$0x0], $0xffff;
	v11 =	vadd.s32 s28, v3  }
0x270: {  	vm0 =	vmand vm0, vm1  }
0x271: {  	vm0 =	vmand vm2, vm0  }
0x272: {  	v16 =	vmpcnt.ones.xlane vm0  }
0x273: {  	s25 =	smov.u32 s26  }
.LBB2_89:
0x274: {  	_ =	sdelay $0x3  }
0x275: {  	v19 =	vld.idx.msk [tilespmem:v11+s17+$0x0], $0xffff  }
0x276: {  	v11 =	vld.idx.msk [tilespmem:v11+s15+$0x0], $0xffff;
	_ =	sdelay $0x1  }
0x277: {  	vm0 =	veq.s32 @p3 v17, v8;
	vm1 =	vle.s32 @p3 v18, v14  }
0x278: {  	vm0 =	vmand @p3 vm0, vm1;
	vm1 =	vgt.s32 @p3 v7, s24  }
0x279: {  	vm0 =	vmand @p3 vm1, vm0  }
0x27a: {  	v17 =	vmpcnt.ones.xlane @p3 vm0;
	vm13 =	veq.s32 v19, v8;
	vm14 =	vle.s32 v11, v14  }
0x27b: {  	vm2 =	vgt.s32 v7, s25;
	v11 =	vadd.s32 @p2 v15, v16;
	vm0 =	vmand vm13, vm14  }
0x27c: {  	v14 =	vpsel p3, v17, v0;
	v11 =	vpsel p2, v11, v10;
	vm0 =	vmand vm2, vm0  }
0x27d: {  	v11 =	vadd.s32 @p3 v11, v14;
	v14 =	vmpcnt.ones.xlane vm0  }
0x27e: {  	v10 =	vpsel p3, v11, v10;
	p3 =	sne.s32 s23, $0x1  }
.Ltmp48:
0x27f: {  	v10 =	vadd.s32 v10, v14;
	(pc) =	sbr.rel @!p3 .LBB2_96-.Ltmp48, $4  }
0x280: {  	v10 =	vadd.s32 v9, v10  }
0x281: {  	s25 =	simm.s32 $0x0;
	vm15 =	vlt.s32 v10, $0x40  }
0x282: {  	p4 =	por $0x0, $0x0;
	s26 =	simm.s32 $0x0;
	v15 =	vimm.s32 $0x0;
	v11 =	vadd.s32 s25, v3;
	v12 =	vsel vm15, v13, v12  }
0x283: {  	p5 =	por $0x0, $0x0;
	s24 =	simm.s32 $0x1;
	p2 =	por $0x0, $0x0;
	v17 =	vmovc v11;
	v10 =	vimm.s32 $0x0;
	v13 =	vadd.s32 $0x100, v12;
	v14 =	vadd.s32 $0xFF, v12  }
0x284: {  	p5 =	sne.s32 s23, $0x2  }
.Ltmp49:
0x285: {  	_ = 	snop;
	(pc) =	sbr.rel @!p5 .LBB2_91-.Ltmp49, $3  }
0x286: {  	_ =	sdelay $0x1  }
0x287: {  	v18 =	vld.idx.msk [tilespmem:v11+s17+$0x0], $0xffff  }
0x288: {  	s26 =	simm.s32 $0x2;
	v17 =	vadd.s32 s24, v3;
	v19 =	vld.idx.msk [tilespmem:v11+s15+$0x0], $0xffff;
	p4 =	por $0x1, $0x1  }
0x289: {  	_ =	sdelay $0x1  }
0x28a: {  	p6 =	sne.s32 s23, $0x3  }
.Ltmp50:
0x28b: {  	_ = 	snop;
	(pc) =	sbr.rel @!p6 .LBB2_93-.Ltmp50, $4  }
0x28c: {  	vm0 =	veq.s32 v18, v8;
	vm1 =	vle.s32 v19, v14  }
0x28d: {  	vm2 =	vgt.s32 v7, s25;
	v20 =	vadd.s32 s26, v3;
	v18 =	vld.idx.msk [tilespmem:v17+s17+$0x0], $0xffff;
	vm0 =	vmand vm0, vm1  }
0x28e: {  	v19 =	vld.idx.msk [tilespmem:v17+s15+$0x0], $0xffff;
	vm0 =	vmand vm2, vm0  }
0x28f: {  	s29 =	simm.s32 $0x3;
	p5 =	por $0x1, $0x1;
	v15 =	vimm.s32 $0x0;
	s28 =	simm.s32 $0x1;
	v16 =	vmpcnt.ones.xlane vm0  }
.LBB2_94:
0x290: {  	s30 =	smov.u32 s29;
	s29 =	sadd.s32 $0x1, s29  }
0x291: {  	p6 =	sne.s32 s23, s29  }
.Ltmp51:
0x292: {  	vm0 =	veq.s32 v18, v8;
	v18 =	vld.idx.msk [tilespmem:v20+s17+$0x0], $0xffff;
	v15 =	vadd.s32 v15, v16;
	(pc) =	sbr.rel @p6 .LBB2_94-.Ltmp51, $4  }
0x293: {  	vm2 =	vgt.s32 v7, s28;
	s28 =	smov.u32 s26;
	vm1 =	vle.s32 v19, v14;
	s26 =	smov.u32 s30;
	v19 =	vld.idx.msk [tilespmem:v20+s15+$0x0], $0xffff;
	v20 =	vadd.s32 s30, v3  }
0x294: {  	vm0 =	vmand vm0, vm1  }
0x295: {  	vm0 =	vmand vm2, vm0  }
0x296: {  	v16 =	vmpcnt.ones.xlane vm0  }
0x297: {  	v17 =	vmov v20  }
.LBB2_96:
0x298: {  	_ =	sdelay $0x3  }
0x299: {  	v20 =	vld.idx.msk [tilespmem:v17+s17+$0x0], $0xffff  }
0x29a: {  	v62 =	vld.idx.msk [tilespmem:v17+s15+$0x0], $0xffff;
	_ =	sdelay $0x1  }
0x29b: {  	vm0 =	veq.s32 @p4 v18, v8;
	vm1 =	vle.s32 @p4 v19, v14  }
0x29c: {  	vm0 =	vmand @p4 vm0, vm1;
	vm1 =	vgt.s32 @p4 v7, s28  }
0x29d: {  	vm0 =	vmand @p4 vm1, vm0  }
0x29e: {  	v18 =	vmpcnt.ones.xlane @p4 vm0;
	vm13 =	veq.s32 v20, v8;
	vm14 =	vle.s32 v62, v14  }
0x29f: {  	vm2 =	vgt.s32 v7, s26;
	v14 =	vadd.s32 @p5 v15, v16;
	vm0 =	vmand vm13, vm14  }
0x2a0: {  	v15 =	vpsel p4, v18, v0;
	v14 =	vpsel p5, v14, v10;
	vm0 =	vmand vm2, vm0  }
0x2a1: {  	v14 =	vadd.s32 @p4 v14, v15;
	v15 =	vmpcnt.ones.xlane vm0  }
0x2a2: {  	v14 =	vpsel p4, v14, v10  }
.Ltmp52:
0x2a3: {  	v14 =	vadd.s32 v14, v15;
	(pc) =	sbr.rel @!p3 .LBB2_97-.Ltmp52, $4  }
0x2a4: {  	v14 =	vadd.s32 v9, v14  }
0x2a5: {  	vm15 =	vlt.s32 v14, $0x40  }
0x2a6: {  	v12 =	vsel vm15, v13, v12  }
0x2a7: {  	v13 =	vadd.s32 $0x80, v12;
	v14 =	vadd.s32 $0x7F, v12  }
0x2a8: {  	p4 =	sne.s32 s23, $0x2  }
.Ltmp53:
0x2a9: {  	_ = 	snop;
	(pc) =	sbr.rel @!p4 .LBB2_99-.Ltmp53, $3  }
0x2aa: {  	_ =	sdelay $0x1  }
0x2ab: {  	v17 =	vld.idx.msk [tilespmem:v11+s17+$0x0], $0xffff  }
0x2ac: {  	s26 =	simm.s32 $0x2;
	v15 =	vadd.s32 s24, v3;
	v18 =	vld.idx.msk [tilespmem:v11+s15+$0x0], $0xffff;
	p3 =	por $0x1, $0x1  }
0x2ad: {  	_ =	sdelay $0x1  }
0x2ae: {  	p4 =	sne.s32 s23, $0x3  }
.Ltmp54:
0x2af: {  	_ = 	snop;
	(pc) =	sbr.rel @!p4 .LBB2_101-.Ltmp54, $4  }
0x2b0: {  	vm0 =	veq.s32 v17, v8;
	vm1 =	vle.s32 v18, v14  }
0x2b1: {  	vm2 =	vgt.s32 v7, s25;
	v11 =	vadd.s32 s26, v3;
	v17 =	vld.idx.msk [tilespmem:v15+s17+$0x0], $0xffff;
	vm0 =	vmand vm0, vm1  }
0x2b2: {  	v18 =	vld.idx.msk [tilespmem:v15+s15+$0x0], $0xffff;
	vm0 =	vmand vm2, vm0  }
0x2b3: {  	s25 =	simm.s32 $0x3;
	p2 =	por $0x1, $0x1;
	v15 =	vimm.s32 $0x0;
	v16 =	vmpcnt.ones.xlane vm0  }
.LBB2_102:
0x2b4: {  	s28 =	smov.u32 s25;
	s25 =	sadd.s32 $0x1, s25  }
0x2b5: {  	p4 =	sne.s32 s23, s25  }
.Ltmp55:
0x2b6: {  	vm0 =	veq.s32 v17, v8;
	v17 =	vld.idx.msk [tilespmem:v11+s17+$0x0], $0xffff;
	v15 =	vadd.s32 v15, v16;
	(pc) =	sbr.rel @p4 .LBB2_102-.Ltmp55, $4  }
0x2b7: {  	vm2 =	vgt.s32 v7, s24;
	s24 =	smov.u32 s26;
	vm1 =	vle.s32 v18, v14;
	s26 =	smov.u32 s28;
	v18 =	vld.idx.msk [tilespmem:v11+s15+$0x0], $0xffff;
	v11 =	vadd.s32 s28, v3  }
0x2b8: {  	vm0 =	vmand vm0, vm1  }
0x2b9: {  	vm0 =	vmand vm2, vm0  }
0x2ba: {  	v16 =	vmpcnt.ones.xlane vm0  }
0x2bb: {  	s25 =	smov.u32 s26  }
.LBB2_104:
0x2bc: {  	_ =	sdelay $0x3  }
0x2bd: {  	v19 =	vld.idx.msk [tilespmem:v11+s17+$0x0], $0xffff  }
0x2be: {  	v11 =	vld.idx.msk [tilespmem:v11+s15+$0x0], $0xffff;
	_ =	sdelay $0x1  }
0x2bf: {  	vm0 =	veq.s32 @p3 v17, v8;
	vm1 =	vle.s32 @p3 v18, v14  }
0x2c0: {  	vm0 =	vmand @p3 vm0, vm1;
	vm1 =	vgt.s32 @p3 v7, s24  }
0x2c1: {  	vm0 =	vmand @p3 vm1, vm0  }
0x2c2: {  	v17 =	vmpcnt.ones.xlane @p3 vm0;
	vm13 =	veq.s32 v19, v8;
	vm14 =	vle.s32 v11, v14  }
0x2c3: {  	vm2 =	vgt.s32 v7, s25;
	v11 =	vadd.s32 @p2 v15, v16;
	vm0 =	vmand vm13, vm14  }
0x2c4: {  	v14 =	vpsel p3, v17, v0;
	v11 =	vpsel p2, v11, v10;
	vm0 =	vmand vm2, vm0  }
0x2c5: {  	v11 =	vadd.s32 @p3 v11, v14;
	v14 =	vmpcnt.ones.xlane vm0  }
0x2c6: {  	v10 =	vpsel p3, v11, v10;
	p3 =	sne.s32 s23, $0x1  }
.Ltmp56:
0x2c7: {  	v10 =	vadd.s32 v10, v14;
	(pc) =	sbr.rel @!p3 .LBB2_111-.Ltmp56, $4  }
0x2c8: {  	v10 =	vadd.s32 v9, v10  }
0x2c9: {  	s25 =	simm.s32 $0x0;
	vm15 =	vlt.s32 v10, $0x40  }
0x2ca: {  	p4 =	por $0x0, $0x0;
	s26 =	simm.s32 $0x0;
	v15 =	vimm.s32 $0x0;
	v11 =	vadd.s32 s25, v3;
	v12 =	vsel vm15, v13, v12  }
0x2cb: {  	p5 =	por $0x0, $0x0;
	s24 =	simm.s32 $0x1;
	p2 =	por $0x0, $0x0;
	v17 =	vmovc v11;
	v10 =	vimm.s32 $0x0;
	v13 =	vadd.s32 $0x40, v12;
	v14 =	vadd.s32 $0x3F, v12  }
0x2cc: {  	p5 =	sne.s32 s23, $0x2  }
.Ltmp57:
0x2cd: {  	_ = 	snop;
	(pc) =	sbr.rel @!p5 .LBB2_106-.Ltmp57, $3  }
0x2ce: {  	_ =	sdelay $0x1  }
0x2cf: {  	v18 =	vld.idx.msk [tilespmem:v11+s17+$0x0], $0xffff  }
0x2d0: {  	s26 =	simm.s32 $0x2;
	v17 =	vadd.s32 s24, v3;
	v19 =	vld.idx.msk [tilespmem:v11+s15+$0x0], $0xffff;
	p4 =	por $0x1, $0x1  }
0x2d1: {  	_ =	sdelay $0x1  }
0x2d2: {  	p6 =	sne.s32 s23, $0x3  }
.Ltmp58:
0x2d3: {  	_ = 	snop;
	(pc) =	sbr.rel @!p6 .LBB2_108-.Ltmp58, $4  }
0x2d4: {  	vm0 =	veq.s32 v18, v8;
	vm1 =	vle.s32 v19, v14  }
0x2d5: {  	vm2 =	vgt.s32 v7, s25;
	v20 =	vadd.s32 s26, v3;
	v18 =	vld.idx.msk [tilespmem:v17+s17+$0x0], $0xffff;
	vm0 =	vmand vm0, vm1  }
0x2d6: {  	v19 =	vld.idx.msk [tilespmem:v17+s15+$0x0], $0xffff;
	vm0 =	vmand vm2, vm0  }
0x2d7: {  	s29 =	simm.s32 $0x3;
	p5 =	por $0x1, $0x1;
	v15 =	vimm.s32 $0x0;
	s28 =	simm.s32 $0x1;
	v16 =	vmpcnt.ones.xlane vm0  }
.LBB2_109:
0x2d8: {  	s30 =	smov.u32 s29;
	s29 =	sadd.s32 $0x1, s29  }
0x2d9: {  	p6 =	sne.s32 s23, s29  }
.Ltmp59:
0x2da: {  	vm0 =	veq.s32 v18, v8;
	v18 =	vld.idx.msk [tilespmem:v20+s17+$0x0], $0xffff;
	v15 =	vadd.s32 v15, v16;
	(pc) =	sbr.rel @p6 .LBB2_109-.Ltmp59, $4  }
0x2db: {  	vm2 =	vgt.s32 v7, s28;
	s28 =	smov.u32 s26;
	vm1 =	vle.s32 v19, v14;
	s26 =	smov.u32 s30;
	v19 =	vld.idx.msk [tilespmem:v20+s15+$0x0], $0xffff;
	v20 =	vadd.s32 s30, v3  }
0x2dc: {  	vm0 =	vmand vm0, vm1  }
0x2dd: {  	vm0 =	vmand vm2, vm0  }
0x2de: {  	v16 =	vmpcnt.ones.xlane vm0  }
0x2df: {  	v17 =	vmov v20  }
.LBB2_111:
0x2e0: {  	_ =	sdelay $0x3  }
0x2e1: {  	v20 =	vld.idx.msk [tilespmem:v17+s17+$0x0], $0xffff  }
0x2e2: {  	v62 =	vld.idx.msk [tilespmem:v17+s15+$0x0], $0xffff;
	_ =	sdelay $0x1  }
0x2e3: {  	vm0 =	veq.s32 @p4 v18, v8;
	vm1 =	vle.s32 @p4 v19, v14  }
0x2e4: {  	vm0 =	vmand @p4 vm0, vm1;
	vm1 =	vgt.s32 @p4 v7, s28  }
0x2e5: {  	vm0 =	vmand @p4 vm1, vm0  }
0x2e6: {  	v18 =	vmpcnt.ones.xlane @p4 vm0;
	vm13 =	veq.s32 v20, v8;
	vm14 =	vle.s32 v62, v14  }
0x2e7: {  	vm2 =	vgt.s32 v7, s26;
	v14 =	vadd.s32 @p5 v15, v16;
	vm0 =	vmand vm13, vm14  }
0x2e8: {  	v15 =	vpsel p4, v18, v0;
	v14 =	vpsel p5, v14, v10;
	vm0 =	vmand vm2, vm0  }
0x2e9: {  	v14 =	vadd.s32 @p4 v14, v15;
	v15 =	vmpcnt.ones.xlane vm0  }
0x2ea: {  	v14 =	vpsel p4, v14, v10  }
.Ltmp60:
0x2eb: {  	v14 =	vadd.s32 v14, v15;
	(pc) =	sbr.rel @!p3 .LBB2_112-.Ltmp60, $4  }
0x2ec: {  	v14 =	vadd.s32 v9, v14  }
0x2ed: {  	vm15 =	vlt.s32 v14, $0x40  }
0x2ee: {  	v12 =	vsel vm15, v13, v12  }
0x2ef: {  	v13 =	vadd.s32 $0x20, v12;
	v14 =	vadd.s32 $0x1F, v12  }
0x2f0: {  	p4 =	sne.s32 s23, $0x2  }
.Ltmp61:
0x2f1: {  	_ = 	snop;
	(pc) =	sbr.rel @!p4 .LBB2_114-.Ltmp61, $3  }
0x2f2: {  	_ =	sdelay $0x1  }
0x2f3: {  	v17 =	vld.idx.msk [tilespmem:v11+s17+$0x0], $0xffff  }
0x2f4: {  	s26 =	simm.s32 $0x2;
	v15 =	vadd.s32 s24, v3;
	v18 =	vld.idx.msk [tilespmem:v11+s15+$0x0], $0xffff;
	p3 =	por $0x1, $0x1  }
0x2f5: {  	_ =	sdelay $0x1  }
0x2f6: {  	p4 =	sne.s32 s23, $0x3  }
.Ltmp62:
0x2f7: {  	_ = 	snop;
	(pc) =	sbr.rel @!p4 .LBB2_116-.Ltmp62, $4  }
0x2f8: {  	vm0 =	veq.s32 v17, v8;
	vm1 =	vle.s32 v18, v14  }
0x2f9: {  	vm2 =	vgt.s32 v7, s25;
	v11 =	vadd.s32 s26, v3;
	v17 =	vld.idx.msk [tilespmem:v15+s17+$0x0], $0xffff;
	vm0 =	vmand vm0, vm1  }
0x2fa: {  	v18 =	vld.idx.msk [tilespmem:v15+s15+$0x0], $0xffff;
	vm0 =	vmand vm2, vm0  }
0x2fb: {  	s25 =	simm.s32 $0x3;
	p2 =	por $0x1, $0x1;
	v15 =	vimm.s32 $0x0;
	v16 =	vmpcnt.ones.xlane vm0  }
.LBB2_117:
0x2fc: {  	s28 =	smov.u32 s25;
	s25 =	sadd.s32 $0x1, s25  }
0x2fd: {  	p4 =	sne.s32 s23, s25  }
.Ltmp63:
0x2fe: {  	vm0 =	veq.s32 v17, v8;
	v17 =	vld.idx.msk [tilespmem:v11+s17+$0x0], $0xffff;
	v15 =	vadd.s32 v15, v16;
	(pc) =	sbr.rel @p4 .LBB2_117-.Ltmp63, $4  }
0x2ff: {  	vm2 =	vgt.s32 v7, s24;
	s24 =	smov.u32 s26;
	vm1 =	vle.s32 v18, v14;
	s26 =	smov.u32 s28;
	v18 =	vld.idx.msk [tilespmem:v11+s15+$0x0], $0xffff;
	v11 =	vadd.s32 s28, v3  }
0x300: {  	vm0 =	vmand vm0, vm1  }
0x301: {  	vm0 =	vmand vm2, vm0  }
0x302: {  	v16 =	vmpcnt.ones.xlane vm0  }
0x303: {  	s25 =	smov.u32 s26  }
.LBB2_119:
0x304: {  	_ =	sdelay $0x3  }
0x305: {  	v19 =	vld.idx.msk [tilespmem:v11+s17+$0x0], $0xffff  }
0x306: {  	v11 =	vld.idx.msk [tilespmem:v11+s15+$0x0], $0xffff;
	_ =	sdelay $0x1  }
0x307: {  	vm0 =	veq.s32 @p3 v17, v8;
	vm1 =	vle.s32 @p3 v18, v14  }
0x308: {  	vm0 =	vmand @p3 vm0, vm1;
	vm1 =	vgt.s32 @p3 v7, s24  }
0x309: {  	vm0 =	vmand @p3 vm1, vm0  }
0x30a: {  	v17 =	vmpcnt.ones.xlane @p3 vm0;
	vm13 =	veq.s32 v19, v8;
	vm14 =	vle.s32 v11, v14  }
0x30b: {  	vm2 =	vgt.s32 v7, s25;
	v11 =	vadd.s32 @p2 v15, v16;
	vm0 =	vmand vm13, vm14  }
0x30c: {  	v14 =	vpsel p3, v17, v0;
	v11 =	vpsel p2, v11, v10;
	vm0 =	vmand vm2, vm0  }
0x30d: {  	v11 =	vadd.s32 @p3 v11, v14;
	v14 =	vmpcnt.ones.xlane vm0  }
0x30e: {  	v10 =	vpsel p3, v11, v10;
	p3 =	sne.s32 s23, $0x1  }
.Ltmp64:
0x30f: {  	v10 =	vadd.s32 v10, v14;
	(pc) =	sbr.rel @!p3 .LBB2_126-.Ltmp64, $4  }
0x310: {  	v10 =	vadd.s32 v9, v10  }
0x311: {  	s25 =	simm.s32 $0x0;
	vm15 =	vlt.s32 v10, $0x40  }
0x312: {  	p4 =	por $0x0, $0x0;
	s26 =	simm.s32 $0x0;
	v15 =	vimm.s32 $0x0;
	v11 =	vadd.s32 s25, v3;
	v12 =	vsel vm15, v13, v12  }
0x313: {  	p5 =	por $0x0, $0x0;
	s24 =	simm.s32 $0x1;
	p2 =	por $0x0, $0x0;
	v17 =	vmovc v11;
	v10 =	vimm.s32 $0x0;
	v13 =	vadd.s32 $0x10, v12;
	v14 =	vadd.s32 $0xF, v12  }
0x314: {  	p5 =	sne.s32 s23, $0x2  }
.Ltmp65:
0x315: {  	_ = 	snop;
	(pc) =	sbr.rel @!p5 .LBB2_121-.Ltmp65, $3  }
0x316: {  	_ =	sdelay $0x1  }
0x317: {  	v18 =	vld.idx.msk [tilespmem:v11+s17+$0x0], $0xffff  }
0x318: {  	s26 =	simm.s32 $0x2;
	v17 =	vadd.s32 s24, v3;
	v19 =	vld.idx.msk [tilespmem:v11+s15+$0x0], $0xffff;
	p4 =	por $0x1, $0x1  }
0x319: {  	_ =	sdelay $0x1  }
0x31a: {  	p6 =	sne.s32 s23, $0x3  }
.Ltmp66:
0x31b: {  	_ = 	snop;
	(pc) =	sbr.rel @!p6 .LBB2_123-.Ltmp66, $4  }
0x31c: {  	vm0 =	veq.s32 v18, v8;
	vm1 =	vle.s32 v19, v14  }
0x31d: {  	vm2 =	vgt.s32 v7, s25;
	v20 =	vadd.s32 s26, v3;
	v18 =	vld.idx.msk [tilespmem:v17+s17+$0x0], $0xffff;
	vm0 =	vmand vm0, vm1  }
0x31e: {  	v19 =	vld.idx.msk [tilespmem:v17+s15+$0x0], $0xffff;
	vm0 =	vmand vm2, vm0  }
0x31f: {  	s29 =	simm.s32 $0x3;
	p5 =	por $0x1, $0x1;
	v15 =	vimm.s32 $0x0;
	s28 =	simm.s32 $0x1;
	v16 =	vmpcnt.ones.xlane vm0  }
.LBB2_124:
0x320: {  	s30 =	smov.u32 s29;
	s29 =	sadd.s32 $0x1, s29  }
0x321: {  	p6 =	sne.s32 s23, s29  }
.Ltmp67:
0x322: {  	vm0 =	veq.s32 v18, v8;
	v18 =	vld.idx.msk [tilespmem:v20+s17+$0x0], $0xffff;
	v15 =	vadd.s32 v15, v16;
	(pc) =	sbr.rel @p6 .LBB2_124-.Ltmp67, $4  }
0x323: {  	vm2 =	vgt.s32 v7, s28;
	s28 =	smov.u32 s26;
	vm1 =	vle.s32 v19, v14;
	s26 =	smov.u32 s30;
	v19 =	vld.idx.msk [tilespmem:v20+s15+$0x0], $0xffff;
	v20 =	vadd.s32 s30, v3  }
0x324: {  	vm0 =	vmand vm0, vm1  }
0x325: {  	vm0 =	vmand vm2, vm0  }
0x326: {  	v16 =	vmpcnt.ones.xlane vm0  }
0x327: {  	v17 =	vmov v20  }
.LBB2_126:
0x328: {  	_ =	sdelay $0x3  }
0x329: {  	v20 =	vld.idx.msk [tilespmem:v17+s17+$0x0], $0xffff  }
0x32a: {  	v62 =	vld.idx.msk [tilespmem:v17+s15+$0x0], $0xffff;
	_ =	sdelay $0x1  }
0x32b: {  	vm0 =	veq.s32 @p4 v18, v8;
	vm1 =	vle.s32 @p4 v19, v14  }
0x32c: {  	vm0 =	vmand @p4 vm0, vm1;
	vm1 =	vgt.s32 @p4 v7, s28  }
0x32d: {  	vm0 =	vmand @p4 vm1, vm0  }
0x32e: {  	v18 =	vmpcnt.ones.xlane @p4 vm0;
	vm13 =	veq.s32 v20, v8;
	vm14 =	vle.s32 v62, v14  }
0x32f: {  	vm2 =	vgt.s32 v7, s26;
	v14 =	vadd.s32 @p5 v15, v16;
	vm0 =	vmand vm13, vm14  }
0x330: {  	v15 =	vpsel p4, v18, v0;
	v14 =	vpsel p5, v14, v10;
	vm0 =	vmand vm2, vm0  }
0x331: {  	v14 =	vadd.s32 @p4 v14, v15;
	v15 =	vmpcnt.ones.xlane vm0  }
0x332: {  	v14 =	vpsel p4, v14, v10  }
.Ltmp68:
0x333: {  	v14 =	vadd.s32 v14, v15;
	(pc) =	sbr.rel @!p3 .LBB2_127-.Ltmp68, $4  }
0x334: {  	v14 =	vadd.s32 v9, v14  }
0x335: {  	vm15 =	vlt.s32 v14, $0x40  }
0x336: {  	v12 =	vsel vm15, v13, v12  }
0x337: {  	v13 =	vadd.s32 $0x8, v12;
	v14 =	vadd.s32 $0x7, v12  }
0x338: {  	p4 =	sne.s32 s23, $0x2  }
.Ltmp69:
0x339: {  	_ = 	snop;
	(pc) =	sbr.rel @!p4 .LBB2_129-.Ltmp69, $3  }
0x33a: {  	_ =	sdelay $0x1  }
0x33b: {  	v17 =	vld.idx.msk [tilespmem:v11+s17+$0x0], $0xffff  }
0x33c: {  	s26 =	simm.s32 $0x2;
	v15 =	vadd.s32 s24, v3;
	v18 =	vld.idx.msk [tilespmem:v11+s15+$0x0], $0xffff;
	p3 =	por $0x1, $0x1  }
0x33d: {  	_ =	sdelay $0x1  }
0x33e: {  	p4 =	sne.s32 s23, $0x3  }
.Ltmp70:
0x33f: {  	_ = 	snop;
	(pc) =	sbr.rel @!p4 .LBB2_131-.Ltmp70, $4  }
0x340: {  	vm0 =	veq.s32 v17, v8;
	vm1 =	vle.s32 v18, v14  }
0x341: {  	vm2 =	vgt.s32 v7, s25;
	v11 =	vadd.s32 s26, v3;
	v17 =	vld.idx.msk [tilespmem:v15+s17+$0x0], $0xffff;
	vm0 =	vmand vm0, vm1  }
0x342: {  	v18 =	vld.idx.msk [tilespmem:v15+s15+$0x0], $0xffff;
	vm0 =	vmand vm2, vm0  }
0x343: {  	s25 =	simm.s32 $0x3;
	p2 =	por $0x1, $0x1;
	v15 =	vimm.s32 $0x0;
	v16 =	vmpcnt.ones.xlane vm0  }
.LBB2_132:
0x344: {  	s28 =	smov.u32 s25;
	s25 =	sadd.s32 $0x1, s25  }
0x345: {  	p4 =	sne.s32 s23, s25  }
.Ltmp71:
0x346: {  	vm0 =	veq.s32 v17, v8;
	v17 =	vld.idx.msk [tilespmem:v11+s17+$0x0], $0xffff;
	v15 =	vadd.s32 v15, v16;
	(pc) =	sbr.rel @p4 .LBB2_132-.Ltmp71, $4  }
0x347: {  	vm2 =	vgt.s32 v7, s24;
	s24 =	smov.u32 s26;
	vm1 =	vle.s32 v18, v14;
	s26 =	smov.u32 s28;
	v18 =	vld.idx.msk [tilespmem:v11+s15+$0x0], $0xffff;
	v11 =	vadd.s32 s28, v3  }
0x348: {  	vm0 =	vmand vm0, vm1  }
0x349: {  	vm0 =	vmand vm2, vm0  }
0x34a: {  	v16 =	vmpcnt.ones.xlane vm0  }
0x34b: {  	s25 =	smov.u32 s26  }
.LBB2_134:
0x34c: {  	_ =	sdelay $0x3  }
0x34d: {  	v19 =	vld.idx.msk [tilespmem:v11+s17+$0x0], $0xffff  }
0x34e: {  	v11 =	vld.idx.msk [tilespmem:v11+s15+$0x0], $0xffff;
	_ =	sdelay $0x1  }
0x34f: {  	vm0 =	veq.s32 @p3 v17, v8;
	vm1 =	vle.s32 @p3 v18, v14  }
0x350: {  	vm0 =	vmand @p3 vm0, vm1;
	vm1 =	vgt.s32 @p3 v7, s24  }
0x351: {  	vm0 =	vmand @p3 vm1, vm0  }
0x352: {  	v17 =	vmpcnt.ones.xlane @p3 vm0;
	vm13 =	veq.s32 v19, v8;
	vm14 =	vle.s32 v11, v14  }
0x353: {  	vm2 =	vgt.s32 v7, s25;
	v11 =	vadd.s32 @p2 v15, v16;
	vm0 =	vmand vm13, vm14  }
0x354: {  	v14 =	vpsel p3, v17, v0;
	v11 =	vpsel p2, v11, v10;
	vm0 =	vmand vm2, vm0  }
0x355: {  	v11 =	vadd.s32 @p3 v11, v14;
	v14 =	vmpcnt.ones.xlane vm0  }
0x356: {  	v10 =	vpsel p3, v11, v10;
	p3 =	sne.s32 s23, $0x1  }
.Ltmp72:
0x357: {  	v10 =	vadd.s32 v10, v14;
	(pc) =	sbr.rel @!p3 .LBB2_141-.Ltmp72, $4  }
0x358: {  	v10 =	vadd.s32 v9, v10  }
0x359: {  	s25 =	simm.s32 $0x0;
	vm15 =	vlt.s32 v10, $0x40  }
0x35a: {  	p4 =	por $0x0, $0x0;
	s26 =	simm.s32 $0x0;
	v15 =	vimm.s32 $0x0;
	v11 =	vadd.s32 s25, v3;
	v12 =	vsel vm15, v13, v12  }
0x35b: {  	p5 =	por $0x0, $0x0;
	s24 =	simm.s32 $0x1;
	p2 =	por $0x0, $0x0;
	v17 =	vmovc v11;
	v10 =	vimm.s32 $0x0;
	v13 =	vadd.s32 $0x4, v12;
	v14 =	vadd.s32 $0x3, v12  }
0x35c: {  	p5 =	sne.s32 s23, $0x2  }
.Ltmp73:
0x35d: {  	_ = 	snop;
	(pc) =	sbr.rel @!p5 .LBB2_136-.Ltmp73, $3  }
0x35e: {  	_ =	sdelay $0x1  }
0x35f: {  	v18 =	vld.idx.msk [tilespmem:v11+s17+$0x0], $0xffff  }
0x360: {  	s26 =	simm.s32 $0x2;
	v17 =	vadd.s32 s24, v3;
	v19 =	vld.idx.msk [tilespmem:v11+s15+$0x0], $0xffff;
	p4 =	por $0x1, $0x1  }
0x361: {  	_ =	sdelay $0x1  }
0x362: {  	p6 =	sne.s32 s23, $0x3  }
.Ltmp74:
0x363: {  	_ = 	snop;
	(pc) =	sbr.rel @!p6 .LBB2_138-.Ltmp74, $4  }
0x364: {  	vm0 =	veq.s32 v18, v8;
	vm1 =	vle.s32 v19, v14  }
0x365: {  	vm2 =	vgt.s32 v7, s25;
	v20 =	vadd.s32 s26, v3;
	v18 =	vld.idx.msk [tilespmem:v17+s17+$0x0], $0xffff;
	vm0 =	vmand vm0, vm1  }
0x366: {  	v19 =	vld.idx.msk [tilespmem:v17+s15+$0x0], $0xffff;
	vm0 =	vmand vm2, vm0  }
0x367: {  	s29 =	simm.s32 $0x3;
	p5 =	por $0x1, $0x1;
	v15 =	vimm.s32 $0x0;
	s28 =	simm.s32 $0x1;
	v16 =	vmpcnt.ones.xlane vm0  }
.LBB2_139:
0x368: {  	s30 =	smov.u32 s29;
	s29 =	sadd.s32 $0x1, s29  }
0x369: {  	p6 =	sne.s32 s23, s29  }
.Ltmp75:
0x36a: {  	vm0 =	veq.s32 v18, v8;
	v18 =	vld.idx.msk [tilespmem:v20+s17+$0x0], $0xffff;
	v15 =	vadd.s32 v15, v16;
	(pc) =	sbr.rel @p6 .LBB2_139-.Ltmp75, $4  }
0x36b: {  	vm2 =	vgt.s32 v7, s28;
	s28 =	smov.u32 s26;
	vm1 =	vle.s32 v19, v14;
	s26 =	smov.u32 s30;
	v19 =	vld.idx.msk [tilespmem:v20+s15+$0x0], $0xffff;
	v20 =	vadd.s32 s30, v3  }
0x36c: {  	vm0 =	vmand vm0, vm1  }
0x36d: {  	vm0 =	vmand vm2, vm0  }
0x36e: {  	v16 =	vmpcnt.ones.xlane vm0  }
0x36f: {  	v17 =	vmov v20  }
.LBB2_141:
0x370: {  	_ =	sdelay $0x3  }
0x371: {  	v20 =	vld.idx.msk [tilespmem:v17+s17+$0x0], $0xffff  }
0x372: {  	v62 =	vld.idx.msk [tilespmem:v17+s15+$0x0], $0xffff;
	_ =	sdelay $0x1  }
0x373: {  	vm0 =	veq.s32 @p4 v18, v8;
	vm1 =	vle.s32 @p4 v19, v14  }
0x374: {  	vm0 =	vmand @p4 vm0, vm1;
	vm1 =	vgt.s32 @p4 v7, s28  }
0x375: {  	vm0 =	vmand @p4 vm1, vm0  }
0x376: {  	v18 =	vmpcnt.ones.xlane @p4 vm0;
	vm13 =	veq.s32 v20, v8;
	vm14 =	vle.s32 v62, v14  }
0x377: {  	vm2 =	vgt.s32 v7, s26;
	v14 =	vadd.s32 @p5 v15, v16;
	vm0 =	vmand vm13, vm14  }
0x378: {  	v15 =	vpsel p4, v18, v0;
	v14 =	vpsel p5, v14, v10;
	vm0 =	vmand vm2, vm0  }
0x379: {  	v14 =	vadd.s32 @p4 v14, v15;
	v15 =	vmpcnt.ones.xlane vm0  }
0x37a: {  	v14 =	vpsel p4, v14, v10  }
.Ltmp76:
0x37b: {  	v14 =	vadd.s32 v14, v15;
	(pc) =	sbr.rel @!p3 .LBB2_142-.Ltmp76, $4  }
0x37c: {  	v14 =	vadd.s32 v9, v14  }
0x37d: {  	vm15 =	vlt.s32 v14, $0x40  }
0x37e: {  	v12 =	vsel vm15, v13, v12  }
0x37f: {  	v13 =	vadd.s32 $0x2, v12;
	v14 =	vadd.s32 $0x1, v12  }
0x380: {  	p4 =	sne.s32 s23, $0x2  }
.Ltmp77:
0x381: {  	_ = 	snop;
	(pc) =	sbr.rel @!p4 .LBB2_144-.Ltmp77, $3  }
0x382: {  	_ =	sdelay $0x1  }
0x383: {  	v17 =	vld.idx.msk [tilespmem:v11+s17+$0x0], $0xffff  }
0x384: {  	s26 =	simm.s32 $0x2;
	v15 =	vadd.s32 s24, v3;
	v18 =	vld.idx.msk [tilespmem:v11+s15+$0x0], $0xffff;
	p3 =	por $0x1, $0x1  }
0x385: {  	_ =	sdelay $0x1  }
0x386: {  	p4 =	sne.s32 s23, $0x3  }
.Ltmp78:
0x387: {  	_ = 	snop;
	(pc) =	sbr.rel @!p4 .LBB2_146-.Ltmp78, $4  }
0x388: {  	vm0 =	veq.s32 v17, v8;
	vm1 =	vle.s32 v18, v14  }
0x389: {  	vm2 =	vgt.s32 v7, s25;
	v11 =	vadd.s32 s26, v3;
	v17 =	vld.idx.msk [tilespmem:v15+s17+$0x0], $0xffff;
	vm0 =	vmand vm0, vm1  }
0x38a: {  	v18 =	vld.idx.msk [tilespmem:v15+s15+$0x0], $0xffff;
	vm0 =	vmand vm2, vm0  }
0x38b: {  	s25 =	simm.s32 $0x3;
	p2 =	por $0x1, $0x1;
	v15 =	vimm.s32 $0x0;
	v16 =	vmpcnt.ones.xlane vm0  }
.LBB2_147:
0x38c: {  	s28 =	smov.u32 s25;
	s25 =	sadd.s32 $0x1, s25  }
0x38d: {  	p4 =	sne.s32 s23, s25  }
.Ltmp79:
0x38e: {  	vm0 =	veq.s32 v17, v8;
	v17 =	vld.idx.msk [tilespmem:v11+s17+$0x0], $0xffff;
	v15 =	vadd.s32 v15, v16;
	(pc) =	sbr.rel @p4 .LBB2_147-.Ltmp79, $4  }
0x38f: {  	vm2 =	vgt.s32 v7, s24;
	s24 =	smov.u32 s26;
	vm1 =	vle.s32 v18, v14;
	s26 =	smov.u32 s28;
	v18 =	vld.idx.msk [tilespmem:v11+s15+$0x0], $0xffff;
	v11 =	vadd.s32 s28, v3  }
0x390: {  	vm0 =	vmand vm0, vm1  }
0x391: {  	vm0 =	vmand vm2, vm0  }
0x392: {  	v16 =	vmpcnt.ones.xlane vm0  }
0x393: {  	s25 =	smov.u32 s26  }
.LBB2_149:
0x394: {  	_ =	sdelay $0x3  }
0x395: {  	v19 =	vld.idx.msk [tilespmem:v11+s17+$0x0], $0xffff  }
0x396: {  	v11 =	vld.idx.msk [tilespmem:v11+s15+$0x0], $0xffff;
	_ =	sdelay $0x1  }
0x397: {  	vm0 =	veq.s32 @p3 v17, v8;
	vm1 =	vle.s32 @p3 v18, v14  }
0x398: {  	vm0 =	vmand @p3 vm0, vm1;
	vm1 =	vgt.s32 @p3 v7, s24  }
0x399: {  	vm0 =	vmand @p3 vm1, vm0  }
0x39a: {  	v17 =	vmpcnt.ones.xlane @p3 vm0;
	vm13 =	veq.s32 v19, v8;
	vm14 =	vle.s32 v11, v14  }
0x39b: {  	vm2 =	vgt.s32 v7, s25;
	v11 =	vadd.s32 @p2 v15, v16;
	vm0 =	vmand vm13, vm14  }
0x39c: {  	v14 =	vpsel p3, v17, v0;
	v11 =	vpsel p2, v11, v10;
	vm0 =	vmand vm2, vm0  }
0x39d: {  	p4 =	sne.s32 s23, $0x1;
	v11 =	vadd.s32 @p3 v11, v14;
	v14 =	vmpcnt.ones.xlane vm0  }
.Ltmp80:
0x39e: {  	v10 =	vpsel p3, v11, v10;
	(pc) =	sbr.rel @!p4 .LBB2_150-.Ltmp80, $4  }
0x39f: {  	v10 =	vadd.s32 v10, v14  }
0x3a0: {  	v10 =	vadd.s32 v9, v10  }
0x3a1: {  	s26 =	simm.s32 $0x0;
	vm15 =	vlt.s32 v10, $0x40  }
0x3a2: {  	s24 =	simm.s32 $0x1;
	p2 =	por $0x0, $0x0;
	v11 =	vimm.s32 $0x0;
	p3 =	por $0x0, $0x0;
	v10 =	vsel vm15, v13, v12;
	v12 =	vadd.s32 s26, v3  }
0x3a3: {  	p4 =	sne.s32 s23, $0x2  }
.Ltmp81:
0x3a4: {  	_ = 	snop;
	(pc) =	sbr.rel @!p4 .LBB2_152-.Ltmp81, $3  }
0x3a5: {  	_ =	sdelay $0x1  }
0x3a6: {  	v15 =	vld.idx.msk [tilespmem:v12+s17+$0x0], $0xffff  }
0x3a7: {  	s25 =	simm.s32 $0x2;
	v13 =	vadd.s32 s24, v3;
	v16 =	vld.idx.msk [tilespmem:v12+s15+$0x0], $0xffff;
	p2 =	por $0x1, $0x1  }
0x3a8: {  	_ =	sdelay $0x1  }
0x3a9: {  	p4 =	sne.s32 s23, $0x3  }
.Ltmp82:
0x3aa: {  	_ = 	snop;
	(pc) =	sbr.rel @!p4 .LBB2_154-.Ltmp82, $4  }
0x3ab: {  	vm0 =	veq.s32 v15, v8;
	vm1 =	vle.s32 v16, v10  }
0x3ac: {  	vm2 =	vgt.s32 v7, s26;
	v12 =	vadd.s32 s25, v3;
	v15 =	vld.idx.msk [tilespmem:v13+s17+$0x0], $0xffff;
	vm0 =	vmand vm0, vm1  }
0x3ad: {  	v16 =	vld.idx.msk [tilespmem:v13+s15+$0x0], $0xffff;
	vm0 =	vmand vm2, vm0  }
0x3ae: {  	s26 =	simm.s32 $0x3;
	p3 =	por $0x1, $0x1;
	v13 =	vimm.s32 $0x0;
	v14 =	vmpcnt.ones.xlane vm0  }
.LBB2_155:
0x3af: {  	s28 =	smov.u32 s26;
	s26 =	sadd.s32 $0x1, s26  }
0x3b0: {  	p4 =	sne.s32 s23, s26  }
.Ltmp83:
0x3b1: {  	vm0 =	veq.s32 v15, v8;
	v15 =	vld.idx.msk [tilespmem:v12+s17+$0x0], $0xffff;
	v13 =	vadd.s32 v13, v14;
	(pc) =	sbr.rel @p4 .LBB2_155-.Ltmp83, $4  }
0x3b2: {  	vm2 =	vgt.s32 v7, s24;
	s24 =	smov.u32 s25;
	vm1 =	vle.s32 v16, v10;
	s25 =	smov.u32 s28;
	v16 =	vld.idx.msk [tilespmem:v12+s15+$0x0], $0xffff;
	v12 =	vadd.s32 s28, v3  }
0x3b3: {  	vm0 =	vmand vm0, vm1  }
0x3b4: {  	vm0 =	vmand vm2, vm0  }
0x3b5: {  	v14 =	vmpcnt.ones.xlane vm0  }
0x3b6: {  	s26 =	smov.u32 s25  }
.LBB2_157:
0x3b7: {  	_ =	sdelay $0x3  }
0x3b8: {  	v17 =	vld.idx.msk [tilespmem:v12+s17+$0x0], $0xffff  }
0x3b9: {  	v61 =	vld.idx.msk [tilespmem:v12+s15+$0x0], $0xffff;
	_ =	sdelay $0x1  }
0x3ba: {  	vm0 =	veq.s32 @p2 v15, v8;
	vm1 =	vle.s32 @p2 v16, v10  }
0x3bb: {  	vm0 =	vmand @p2 vm0, vm1;
	vm1 =	vgt.s32 @p2 v7, s24  }
0x3bc: {  	vm0 =	vmand @p2 vm1, vm0  }
0x3bd: {  	v15 =	vmpcnt.ones.xlane @p2 vm0;
	vm13 =	veq.s32 v17, v8;
	vm14 =	vle.s32 v61, v10  }
0x3be: {  	v12 =	vadd.s32 @p3 v13, v14;
	vm2 =	vgt.s32 v7, s26;
	vm0 =	vmand vm13, vm14  }
0x3bf: {  	v12 =	vpsel p3, v12, v11;
	v13 =	vpsel p2, v15, v0;
	vm0 =	vmand vm2, vm0  }
0x3c0: {  	v12 =	vadd.s32 @p2 v12, v13;
	v62 =	vmpcnt.ones.xlane vm0  }
0x3c1: {  	v11 =	vpsel p2, v12, v11  }
0x3c2: {  	v11 =	vadd.s32 v11, v62  }
0x3c3: {  	v9 =	vadd.s32 v9, v11  }
0x3c4: {  	vm15 =	vlt.s32 v9, $0x40  }
0x3c5: {  	v9 =	vsel vm15, $0x1, v5  }
0x3c6: {  	v10 =	vadd.s32 v9, v10  }
.LBB2_158:
0x3c7: {  	s24 =	simm.s32 $0x0  }
0x3c8: {  	v11 =	vadd.s32 s24, v3;
	_ =	sdelay $0x4  }
0x3c9: {  	v9 =	vld.idx.msk [tilespmem:v11+s15+$0x0], $0xffff  }
0x3ca: {  	v11 =	vld.idx.msk [tilespmem:v11+s17+$0x0], $0xffff;
	_ =	sdelay $0x2  }
0x3cb: {  	p2 =	sne.s32 s23, $0x1  }
.Ltmp84:
0x3cc: {  	_ = 	snop;
	(pc) =	sbr.rel @!p2 .LBB2_160-.Ltmp84, $4  }
0x3cd: {  	vm0 =	veq.s32 v11, v8;
	vm1 =	vle.s32 v9, v10  }
0x3ce: {  	vm2 =	vgt.s32 v11, v8;
	vm0 =	vmand vm0, vm1  }
0x3cf: {  	vm1 =	vgt.s32 v7, s24;
	vm0 =	vmor vm2, vm0  }
0x3d0: {  	s24 =	simm.s32 $0x1;
	vm0 =	vmand vm1, vm0  }
.LBB2_159:
0x3d1: {  	_ = 	snop  }
0x3d2: {  	v12 =	vadd.s32 s24, v3;
	s25 =	smov.u32 s24  }
0x3d3: {  	s24 =	sadd.s32 $0x1, s24  }
0x3d4: {  	vm1 =	vgt.s32 v11, $0xFFFFFFFF;
	p2 =	sne.s32 s23, s24  }
0x3d5: {  	v11 =	vnsel vm1, $0x0, v11  }
0x3d6: {  	[tilespmem:v9+s16+$0x0] =	vst.idx.msk vm0, v11  }
0x3d7: {  	v9 =	vld.idx.msk [tilespmem:v12+s15+$0x0], $0xffff  }
0x3d8: {  	v11 =	vld.idx.msk [tilespmem:v12+s17+$0x0], $0xffff;
	_ =	sdelay $0x4  }
.Ltmp85:
0x3d9: {  	(pc) =	sbr.rel @p2 .LBB2_159-.Ltmp85, $4  }
0x3da: {  	vm1 =	vle.s32 v9, v10;
	vm0 =	veq.s32 v11, v8  }
0x3db: {  	vm2 =	vgt.s32 v11, v8;
	vm0 =	vmand vm0, vm1  }
0x3dc: {  	vm1 =	vgt.s32 v7, s25;
	vm0 =	vmor vm2, vm0  }
0x3dd: {  	vm0 =	vmand vm1, vm0  }
.LBB2_160:
0x3de: {  	_ =	sdelay $0x2  }
0x3df: {  	vm1 =	vgt.s32 v11, $0xFFFFFFFF  }
0x3e0: {  	v8 =	vnsel vm1, $0x0, v11  }
0x3e1: {  	[tilespmem:v9+s16+$0x0] =	vst.idx.msk vm0, v8  }
.LBB2_161:
0x3e2: {  	s22 =	sadd.s32 s22, s7  }
0x3e3: {  	[hbm4b:s22+s11] =	stream.strided.scatter [tilespmem:s16], [sflag:$0x3], $0x8000, s12, s11, $0x38;
	v63 =	vld [tilespmem:$0x0]  }
0x3e4: {  	_ =	swait.ge [sflag:s18], $0x8000  }
0x3e5: {  	[sflag:s18] =	ssyncset.done $0x0  }
0x3e6: {  	[sflag:s18] =	ssyncadd.s32 $0xFFFF8000  }
0x3e7: {  	_ =	swait.ge [sflag:s19], $0x8000  }
0x3e8: {  	s24 =	simm.s32 @p0 $0x400;
	[sflag:s19] =	ssyncset.done $0x0  }
0x3e9: {  	s25 =	simm.s32 @p0 $0x0;
	s22 =	simm.s32 @p0 $0x80;
	[sflag:s19] =	ssyncadd.s32 $0xFFFF8000  }
0x3ea: {  	[tilespmem:s25], [sflag:$0x1] =	stream.strided.gather @p0 [hbm4b:s8+s22], $0x8000, s24, s22, $0x38;
	v63 =	vld [tilespmem:$0x0]  }
0x3eb: {  	s22 =	simm.s32 $0x0  }
0x3ec: {  	v9 =	vld [tilespmem:s22+$0x8100]  }
0x3ed: {  	v13 =	vld [tilespmem:s22+$0x8110]  }
0x3ee: {  	v17 =	vld [tilespmem:s22+$0x8120]  }
0x3ef: {  	v18 =	vld [tilespmem:s22+$0x8130]  }
0x3f0: {  	v30 =	vld [tilespmem:s22+$0x8140]  }
0x3f1: {  	v34 =	vld [tilespmem:s22+$0x8150]  }
0x3f2: {  	v28 =	vld [tilespmem:s22+$0x8160]  }
0x3f3: {  	v11 =	vld [tilespmem:s22+$0x8170]  }
0x3f4: {  	v23 =	vld [tilespmem:s22+$0x8180]  }
0x3f5: {  	v12 =	vld [tilespmem:s22+$0x8190]  }
0x3f6: {  	v15 =	vld [tilespmem:s22+$0x81A0]  }
0x3f7: {  	v14 =	vld [tilespmem:s22+$0x81B0]  }
0x3f8: {  	v19 =	vld [tilespmem:s22+$0x81C0]  }
0x3f9: {  	v16 =	vld [tilespmem:s22+$0x81D0]  }
0x3fa: {  	v8 =	vld [tilespmem:s22+$0x81E0]  }
0x3fb: {  	v20 =	vld [tilespmem:s22+$0x8000]  }
0x3fc: {  	v21 =	vld [tilespmem:s22+$0x8010]  }
0x3fd: {  	v25 =	vld [tilespmem:s22+$0x8040]  }
0x3fe: {  	v29 =	vld [tilespmem:s22+$0x8050]  }
0x3ff: {  	v31 =	vld [tilespmem:s22+$0x8060]  }
0x400: {  	v22 =	vld [tilespmem:s22+$0x8020]  }
0x401: {  	v24 =	vld [tilespmem:s22+$0x8030]  }
0x402: {  	v10 =	vimm.f32 $-Inf;
	v39 =	vld [tilespmem:s22+$0x8070]  }
0x403: {  	v37 =	vld [tilespmem:s22+$0x8080];
	v20 =	vmax.f32 v10, v20  }
0x404: {  	v38 =	vld [tilespmem:s22+$0x8090];
	v42 =	vmax.f32 v10, v25;
	v41 =	vmax.f32 v10, v29;
	v40 =	vmax.f32 v10, v31  }
0x405: {  	v35 =	vld [tilespmem:s22+$0x80A0];
	v25 =	vimm.f32 $-Inf;
	v26 =	vmax.f32 v20, v9;
	v9 =	vmax.f32 v10, v21  }
0x406: {  	v36 =	vld [tilespmem:s22+$0x80B0];
	v20 =	vmax.f32 v10, v22;
	v21 =	vmax.f32 v10, v24;
	v24 =	vimm.f32 $-Inf  }
0x407: {  	v33 =	vld [tilespmem:s22+$0x80C0];
	v22 =	vimm.f32 $-Inf;
	v27 =	vmax.f32 v9, v13;
	v32 =	vmax.f32 v20, v17  }
0x408: {  	v31 =	vld [tilespmem:s22+$0x80D0];
	v9 =	vmax.f32 v21, v18;
	v13 =	vimm.f32 $-Inf;
	v21 =	vimm.f32 $-Inf  }
0x409: {  	s24 =	simm.s32 $0x800;
	v29 =	vld [tilespmem:s22+$0x80E0];
	v20 =	vimm.f32 $-Inf;
	v17 =	vimm.f32 $-Inf;
	v18 =	vimm.f32 $-Inf  }
.LBB2_162:
0x40a: {  	p2 =	sne.s32 s24, $0x1F800;
	v42 =	vmax.f32 v42, v30;
	v41 =	vmax.f32 v41, v34;
	v40 =	vmax.f32 v40, v28;
	v28 =	vld [tilespmem:s22+$0x80F0]  }
0x40b: {  	v10 =	vmax.f32 v10, v39;
	v25 =	vmax.f32 v25, v37;
	v24 =	vmax.f32 v24, v38;
	v34 =	vld [tilespmem:s22+$0x81F0];
	s22 =	sshra.s32 s24, $0x2  }
0x40c: {  	v10 =	vmax.f32 v10, v11;
	v25 =	vmax.f32 v25, v23;
	v24 =	vmax.f32 v24, v12;
	v43 =	vld [tilespmem:s22+$0x8100]  }
0x40d: {  	v11 =	vmax.f32 v13, v35;
	v12 =	vmax.f32 v22, v36;
	v21 =	vmax.f32 v21, v33;
	v44 =	vld [tilespmem:s22+$0x8110]  }
0x40e: {  	v13 =	vmax.f32 v11, v15;
	v22 =	vmax.f32 v12, v14;
	v21 =	vmax.f32 v21, v19;
	v45 =	vld [tilespmem:s22+$0x8120]  }
0x40f: {  	v11 =	vmax.f32 v20, v31;
	v12 =	vmax.f32 v17, v29;
	v46 =	vld [tilespmem:s22+$0x8130];
	v14 =	vmax.f32 v18, v28  }
0x410: {  	v20 =	vmax.f32 v11, v16;
	v17 =	vmax.f32 v12, v8;
	v30 =	vld [tilespmem:s22+$0x8140];
	v18 =	vmax.f32 v14, v34  }
0x411: {  	v34 =	vld [tilespmem:s22+$0x8150]  }
0x412: {  	v28 =	vld [tilespmem:s22+$0x8160]  }
0x413: {  	v11 =	vld [tilespmem:s22+$0x8170]  }
0x414: {  	v23 =	vld [tilespmem:s22+$0x8180]  }
0x415: {  	v12 =	vld [tilespmem:s22+$0x8190]  }
0x416: {  	v15 =	vld [tilespmem:s22+$0x81A0]  }
0x417: {  	v14 =	vld [tilespmem:s22+$0x81B0]  }
0x418: {  	v19 =	vld [tilespmem:s22+$0x81C0]  }
0x419: {  	v16 =	vld [tilespmem:s22+$0x81D0]  }
0x41a: {  	v8 =	vld [tilespmem:s22+$0x81E0]  }
0x41b: {  	v29 =	vld [tilespmem:s22+$0x8000]  }
0x41c: {  	v31 =	vld [tilespmem:s22+$0x8010]  }
0x41d: {  	v33 =	vld [tilespmem:s22+$0x8020]  }
0x41e: {  	v47 =	vld [tilespmem:s22+$0x8030]  }
0x41f: {  	v48 =	vld [tilespmem:s22+$0x8040]  }
0x420: {  	v49 =	vld [tilespmem:s22+$0x8050]  }
0x421: {  	v50 =	vld [tilespmem:s22+$0x8060]  }
0x422: {  	v39 =	vld [tilespmem:s22+$0x8070]  }
0x423: {  	v37 =	vld [tilespmem:s22+$0x8080]  }
0x424: {  	v38 =	vld [tilespmem:s22+$0x8090]  }
.Ltmp86:
0x425: {  	v26 =	vmax.f32 v26, v29;
	v35 =	vld [tilespmem:s22+$0x80A0];
	(pc) =	sbr.rel @p2 .LBB2_162-.Ltmp86, $4  }
0x426: {  	v26 =	vmax.f32 v26, v43;
	v36 =	vld [tilespmem:s22+$0x80B0]  }
0x427: {  	v27 =	vmax.f32 v27, v31;
	v29 =	vmax.f32 v32, v33;
	v9 =	vmax.f32 v9, v47;
	v33 =	vld [tilespmem:s22+$0x80C0]  }
0x428: {  	v27 =	vmax.f32 v27, v44;
	v32 =	vmax.f32 v29, v45;
	v9 =	vmax.f32 v9, v46;
	v31 =	vld [tilespmem:s22+$0x80D0]  }
0x429: {  	s24 =	sadd.s32 $0x800, s24;
	v42 =	vmax.f32 v42, v48;
	v41 =	vmax.f32 v41, v49;
	v40 =	vmax.f32 v40, v50;
	v29 =	vld [tilespmem:s22+$0x80E0]  }
0x42a: {  	vm0 =	vlt.s32 v26, $0x0;
	v43 =	vxor.u32 $0x7FFFFFFF, v26;
	vm1 =	vlt.s32 v27, $0x0  }
0x42b: {  	v44 =	vxor.u32 $0x7FFFFFFF, v27;
	vm11 =	vlt.s32 v32, $0x0;
	v58 =	vxor.u32 $0x7FFFFFFF, v32  }
0x42c: {  	v42 =	vmax.f32 v42, v30;
	v41 =	vmax.f32 v41, v34;
	vm2 =	vlt.s32 v9, $0x0  }
0x42d: {  	v60 =	vxor.u32 $0x7FFFFFFF, v9;
	v28 =	vmax.f32 v40, v28;
	v10 =	vmax.f32 v10, v39  }
0x42e: {  	v25 =	vmax.f32 v25, v37;
	v24 =	vmax.f32 v24, v38;
	v35 =	vmax.f32 v13, v35  }
0x42f: {  	v26 =	vsel vm0, v43, v26;
	v27 =	vsel vm1, v44, v27;
	v30 =	vsel vm11, v58, v32  }
0x430: {  	v32 =	vsel vm2, v60, v9;
	vm13 =	vlt.s32 v42, $0x0;
	v9 =	vxor.u32 $0x7FFFFFFF, v42  }
0x431: {  	vm15 =	vlt.s32 v41, $0x0;
	vm4 =	vlt.s32 v28, $0x0;
	v46 =	vxor.u32 $0x7FFFFFFF, v28  }
0x432: {  	v11 =	vmax.f32 v10, v11;
	v23 =	vmax.f32 v25, v23;
	v24 =	vmax.f32 v24, v12  }
0x433: {  	v22 =	vmax.f32 v22, v36;
	v15 =	vmax.f32 v35, v15;
	vm0 =	vgt.s32 v26, v27  }
0x434: {  	v34 =	vsel vm13, v9, v42;
	v9 =	vxor.u32 $0x7FFFFFFF, v41;
	v10 =	vsel vm4, v46, v28  }
0x435: {  	vm6 =	vlt.s32 v11, $0x0;
	v47 =	vxor.u32 $0x7FFFFFFF, v11;
	vm8 =	vlt.s32 v23, $0x0  }
0x436: {  	v50 =	vxor.u32 $0x7FFFFFFF, v23;
	vm10 =	vlt.s32 v24, $0x0;
	v51 =	vxor.u32 $0x7FFFFFFF, v24  }
0x437: {  	v53 =	vxor.u32 $0x7FFFFFFF, v15;
	v22 =	vmax.f32 v22, v14;
	v21 =	vmax.f32 v21, v33  }
0x438: {  	v44 =	vsel vm0, v27, v26;
	v59 =	vsel vm0, v26, v27;
	v9 =	vsel vm15, v9, v41  }
0x439: {  	v11 =	vsel vm6, v47, v11;
	v12 =	vsel vm8, v50, v23;
	vm12 =	vlt.s32 v44, v30  }
0x43a: {  	v13 =	vsel vm10, v51, v24;
	vm1 =	vgt.s32 v59, v30;
	v43 =	vsel vm12, v44, v30  }
0x43b: {  	v19 =	vmax.f32 v21, v19;
	v61 =	vsel vm1, v59, v30;
	vm0 =	vlt.s32 v43, v32  }
0x43c: {  	v20 =	vmax.f32 v20, v31;
	vm14 =	vgt.s32 v61, v32;
	v43 =	vsel vm0, v43, v32  }
0x43d: {  	vm4 =	vlt.s32 v19, $0x0;
	v62 =	vsel vm14, v61, v32;
	vm1 =	vlt.s32 v43, v34  }
0x43e: {  	v57 =	vxor.u32 $0x7FFFFFFF, v19;
	vm0 =	vgt.s32 v62, v34;
	v42 =	vsel vm1, v43, v34  }
0x43f: {  	v20 =	vmax.f32 v20, v16;
	v44 =	vsel vm0, v62, v34;
	vm1 =	vlt.s32 v42, v9  }
0x440: {  	v54 =	vld [tilespmem:s22+$0x80F0];
	vm12 =	vlt.s32 v15, $0x0;
	vm0 =	vgt.s32 v44, v9;
	v45 =	vsel vm1, v42, v9  }
0x441: {  	v16 =	vsel vm4, v57, v19;
	v39 =	vsel vm0, v44, v9;
	vm5 =	vlt.s32 v45, v10  }
0x442: {  	vm6 =	vlt.s32 v20, $0x0;
	vm7 =	vgt.s32 v39, v10;
	v48 =	vsel vm5, v45, v10  }
0x443: {  	v58 =	vxor.u32 $0x7FFFFFFF, v20;
	v49 =	vsel vm7, v39, v10;
	vm1 =	vlt.s32 v48, v11  }
0x444: {  	v59 =	vmax.f32 v17, v29;
	vm0 =	vgt.s32 v49, v11;
	v28 =	vsel vm1, v48, v11  }
0x445: {  	v18 =	vmax.f32 v18, v54;
	v25 =	vsel vm0, v49, v11;
	vm9 =	vlt.s32 v28, v12  }
0x446: {  	v14 =	vsel vm12, v53, v15;
	vm11 =	vgt.s32 v25, v12;
	v28 =	vsel vm9, v28, v12  }
0x447: {  	v15 =	vxor.u32 $0x7FFFFFFF, v22;
	v52 =	vsel vm11, v25, v12;
	vm1 =	vlt.s32 v28, v13  }
0x448: {  	v17 =	vsel vm6, v58, v20;
	vm0 =	vgt.s32 v52, v13;
	v24 =	vsel vm1, v28, v13  }
0x449: {  	v19 =	vld [tilespmem:s22+$0x81F0];
	vm14 =	vlt.s32 v22, $0x0;
	v23 =	vsel vm0, v52, v13;
	vm13 =	vlt.s32 v24, v14  }
0x44a: {  	v15 =	vsel vm14, v15, v22;
	vm15 =	vgt.s32 v23, v14;
	v24 =	vsel vm13, v24, v14  }
0x44b: {  	v8 =	vmax.f32 v59, v8;
	v55 =	vsel vm15, v23, v14;
	vm1 =	vlt.s32 v24, v15  }
0x44c: {  	vm8 =	vlt.s32 v8, $0x0;
	vm0 =	vgt.s32 v55, v15;
	v56 =	vsel vm1, v24, v15  }
0x44d: {  	v61 =	vxor.u32 $0x7FFFFFFF, v8;
	v22 =	vsel vm0, v55, v15;
	vm5 =	vlt.s32 v56, v16  }
0x44e: {  	v19 =	vmax.f32 v18, v19;
	vm7 =	vgt.s32 v22, v16;
	v23 =	vsel vm5, v56, v16  }
0x44f: {  	v18 =	vsel vm8, v61, v8;
	v20 =	vsel vm7, v22, v16;
	vm1 =	vlt.s32 v23, v17  }
0x450: {  	vm10 =	vlt.s32 v19, $0x0;
	vm0 =	vgt.s32 v20, v17;
	v60 =	vsel vm1, v23, v17  }
0x451: {  	v8 =	vxor.u32 $0x7FFFFFFF, v19;
	v20 =	vsel vm0, v20, v17;
	vm9 =	vlt.s32 v60, v18  }
0x452: {  	v19 =	vsel vm10, v8, v19;
	vm11 =	vgt.s32 v20, v18;
	v21 =	vsel vm9, v60, v18  }
0x453: {  	v8 =	vsel vm11, v20, v18;
	vm12 =	vlt.s32 v21, v19  }
0x454: {  	vm13 =	vgt.s32 v8, v19;
	v20 =	vsel vm12, v21, v19  }
0x455: {  	v8 =	vsel vm13, v8, v19;
	v20 =	vxor.u32 $0x80000000, v20  }
0x456: {  	v8 =	vxor.u32 $0x80000000, v8;
	(xrf0) =	vmin.scan.msk.u32 $0xffff, v20  }
0x457: {  	(xrf0) =	vmax.scan.msk.u32 $0xffff, v8;
	_ =	sdelay $0x4  }
0x458: {  	v8, _, _ =	vpop (xrf0)  }
0x459: {  	(v2sf) =	vpush v8, $0xF;
	v8, _, _ =	vpop (xrf0)  }
0x45a: {  	(v2sf) =	vpush v8, $0xF;
	_ =	sdelay $0xd  }
0x45b: {  	s31 =	spop (v2sf)  }
0x45c: {  	s24 =	spop (v2sf)  }
0x45d: {  	s22 =	sxor.u32 s31, s24  }
0x45e: {  	v8 =	vmov s22  }
0x45f: {  	v20 =	vshrl.u32 v8, $0x10  }
0x460: {  	v20 =	vcvt.s32.f32 v20  }
0x461: {  	v62 =	vand.u32 $0xFFFF, v8  }
0x462: {  	v21 =	vcvt.s32.f32 v62;
	v20 =	vmul.f32 $6.553600000e+04, v20;
	_ =	sdelay $0x1  }
0x463: {  	v20 =	vadd.f32 v21, v20;
	_ =	sdelay $0x1  }
0x464: {  	v21 =	vshrl.u32 v20, $0x17  }
0x465: {  	v21 =	vmin.u32 v21, $0x9E  }
0x466: {  	v21 =	vadd.s32 $0xFFFFFF81, v21  }
0x467: {  	(v2sf) =	vpush v21, $0x0;
	_ =	sdelay $0x5  }
0x468: {  	[tilespmem:$0x18000] =	vst v26  }
0x469: {  	[tilespmem:$0x18010] =	vst v27  }
0x46a: {  	[tilespmem:$0x18020] =	vst v30  }
0x46b: {  	[tilespmem:$0x18030] =	vst v32  }
0x46c: {  	[tilespmem:$0x18040] =	vst v34  }
0x46d: {  	[tilespmem:$0x18050] =	vst v9  }
0x46e: {  	[tilespmem:$0x18060] =	vst v10  }
0x46f: {  	[tilespmem:$0x18070] =	vst v11  }
0x470: {  	[tilespmem:$0x18080] =	vst v12  }
0x471: {  	[tilespmem:$0x18090] =	vst v13;
	s25 =	spop (v2sf)  }
0x472: {  	[tilespmem:$0x180C0] =	vst v16;
	p2 =	slt.s32 s25, $0x0  }
.Ltmp87:
0x473: {  	[tilespmem:$0x180A0] =	vst v14;
	(pc) =	sbr.rel @p2 .LBB2_171-.Ltmp87, $4  }
0x474: {  	[tilespmem:$0x180D0] =	vst v17;
	vm14 =	veq.s32 v8, $0x0;
	v21 =	vshll.u32 v2, v21  }
0x475: {  	[tilespmem:$0x180B0] =	vst v15;
	s22 =	sxor.u32 $0x80000000, s24;
	v8 =	vsel vm14, $0xFFFFFFFF, v21  }
0x476: {  	[tilespmem:$0x180E0] =	vst v18;
	vm15 =	vgt.u32 v20, $0x4EFFFFFF;
	v8 =	vand.u32 s22, v8  }
0x477: {  	[tilespmem:$0x180F0] =	vst v19;
	v8 =	vsel vm15, $0x80000000, v8  }
0x478: {  	p3 =	seq.s32 s25, $0x0  }
.Ltmp88:
0x479: {  	_ = 	snop;
	(pc) =	sbr.rel @p3 .LBB2_165-.Ltmp88, $3  }
0x47a: {  	_ =	sdelay $0x1  }
0x47b: {  	v20 =	vld [tilespmem:$0x18000]  }
0x47c: {  	v23 =	vld [tilespmem:$0x18010];
	s24 =	sadd.s32 $0xFFFFFFFF, s25;
	p2 =	por $0x0, $0x0  }
0x47d: {  	v22 =	vld [tilespmem:$0x18020]  }
0x47e: {  	v21 =	vmov s25;
	v24 =	vshll.u32 v6, s25;
	v25 =	vld [tilespmem:$0x18030]  }
0x47f: {  	v26 =	vld [tilespmem:$0x18040];
	vm0 =	veq.s32 v21, $0x1F;
	v21 =	vxor.u32 $0x80000000, v8;
	v24 =	vor.u32 v8, v24  }
0x480: {  	v21 =	vsel vm0, v21, v24  }
0x481: {  	vm0 =	vge.s32 v20, v21;
	vm1 =	vge.s32 v23, v21  }
0x482: {  	v23 =	vmpcnt.ones.xlane vm0;
	v24 =	vmpcnt.ones.xlane vm1;
	vm14 =	vge.s32 v22, v21  }
0x483: {  	vm15 =	vge.s32 v25, v21;
	v22 =	vmpcnt.ones.xlane vm14  }
0x484: {  	vm4 =	vge.s32 v26, v21;
	v23 =	vadd.s32 v23, v24;
	v24 =	vmpcnt.ones.xlane vm15  }
0x485: {  	vm5 =	vge.s32 v9, v21;
	v22 =	vadd.s32 v23, v22;
	v23 =	vmpcnt.ones.xlane vm4  }
0x486: {  	vm6 =	vge.s32 v10, v21;
	v22 =	vadd.s32 v22, v24;
	v24 =	vmpcnt.ones.xlane vm5  }
0x487: {  	vm7 =	vge.s32 v11, v21;
	v22 =	vadd.s32 v22, v23;
	v23 =	vmpcnt.ones.xlane vm6  }
0x488: {  	vm8 =	vge.s32 v12, v21;
	v22 =	vadd.s32 v22, v24;
	v24 =	vmpcnt.ones.xlane vm7  }
0x489: {  	vm9 =	vge.s32 v13, v21;
	v22 =	vadd.s32 v22, v23;
	v23 =	vmpcnt.ones.xlane vm8  }
0x48a: {  	vm10 =	vge.s32 v14, v21;
	v22 =	vadd.s32 v22, v24;
	v24 =	vmpcnt.ones.xlane vm9  }
0x48b: {  	vm11 =	vge.s32 v15, v21;
	v22 =	vadd.s32 v22, v23;
	v23 =	vmpcnt.ones.xlane vm10  }
0x48c: {  	vm12 =	vge.s32 v16, v21;
	v22 =	vadd.s32 v22, v24;
	v24 =	vmpcnt.ones.xlane vm11  }
0x48d: {  	vm13 =	vge.s32 v17, v21;
	v22 =	vadd.s32 v22, v23;
	v23 =	vmpcnt.ones.xlane vm12  }
0x48e: {  	vm14 =	vge.s32 v18, v21;
	v22 =	vadd.s32 v22, v24;
	v24 =	vmpcnt.ones.xlane vm13  }
0x48f: {  	p3 =	seq.s32 s24, $0x0;
	v22 =	vadd.s32 v22, v23;
	v23 =	vmpcnt.ones.xlane vm14  }
.Ltmp89:
0x490: {  	v22 =	vadd.s32 v22, v24;
	(pc) =	sbr.rel @p3 .LBB2_167-.Ltmp89, $3  }
0x491: {  	vm15 =	vge.s32 v19, v21;
	v22 =	vadd.s32 v22, v23  }
0x492: {  	v24 =	vmpcnt.ones.xlane vm15;
	_ =	sdelay $0x1  }
0x493: {  	s25 =	sadd.s32 $0xFFFFFFFF, s24;
	p2 =	por $0x1, $0x1;
	v23 =	vld [tilespmem:$0x18010];
	v24 =	vadd.s32 v22, v24;
	v22 =	vmov v8  }
.LBB2_168:
0x494: {  	p3 =	seq.s32 s25, $0x0;
	v25 =	vld [tilespmem:$0x18020];
	vm0 =	vgt.s32 v24, $0x3F  }
0x495: {  	v24 =	vmov s24;
	v26 =	vshll.u32 v6, s24;
	s24 =	smov.u32 s25;
	v27 =	vld [tilespmem:$0x18030];
	v22 =	vsel vm0, v21, v22  }
0x496: {  	vm0 =	veq.s32 v24, $0x1F;
	v21 =	vxor.u32 $0x80000000, v22;
	v24 =	vor.u32 v22, v26;
	v26 =	vld [tilespmem:$0x18040]  }
0x497: {  	v21 =	vsel vm0, v21, v24  }
0x498: {  	vm0 =	vge.s32 v20, v21;
	vm1 =	vge.s32 v23, v21  }
0x499: {  	v23 =	vmpcnt.ones.xlane vm0;
	v24 =	vmpcnt.ones.xlane vm1;
	vm0 =	vge.s32 v25, v21  }
0x49a: {  	v25 =	vmpcnt.ones.xlane vm0;
	vm0 =	vge.s32 v27, v21  }
0x49b: {  	v23 =	vadd.s32 v23, v24;
	v24 =	vmpcnt.ones.xlane vm0;
	vm0 =	vge.s32 v26, v21  }
0x49c: {  	v23 =	vadd.s32 v23, v25;
	v25 =	vmpcnt.ones.xlane vm0;
	vm0 =	vge.s32 v9, v21  }
0x49d: {  	v23 =	vadd.s32 v23, v24;
	v24 =	vmpcnt.ones.xlane vm0;
	vm0 =	vge.s32 v10, v21  }
0x49e: {  	v23 =	vadd.s32 v23, v25;
	v25 =	vmpcnt.ones.xlane vm0;
	vm0 =	vge.s32 v11, v21  }
0x49f: {  	v23 =	vadd.s32 v23, v24;
	v24 =	vmpcnt.ones.xlane vm0;
	vm0 =	vge.s32 v12, v21  }
0x4a0: {  	v23 =	vadd.s32 v23, v25;
	v25 =	vmpcnt.ones.xlane vm0;
	vm0 =	vge.s32 v13, v21  }
0x4a1: {  	v23 =	vadd.s32 v23, v24;
	v24 =	vmpcnt.ones.xlane vm0;
	vm0 =	vge.s32 v14, v21  }
0x4a2: {  	v23 =	vadd.s32 v23, v25;
	v25 =	vmpcnt.ones.xlane vm0;
	vm0 =	vge.s32 v15, v21  }
0x4a3: {  	v23 =	vadd.s32 v23, v24;
	v24 =	vmpcnt.ones.xlane vm0;
	vm0 =	vge.s32 v16, v21  }
0x4a4: {  	v23 =	vadd.s32 v23, v25;
	v25 =	vmpcnt.ones.xlane vm0;
	vm0 =	vge.s32 v17, v21  }
.Ltmp90:
0x4a5: {  	v23 =	vadd.s32 v23, v24;
	v24 =	vmpcnt.ones.xlane vm0;
	vm0 =	vge.s32 v18, v21;
	(pc) =	sbr.rel @!p3 .LBB2_168-.Ltmp90, $4  }
0x4a6: {  	v23 =	vadd.s32 v23, v25;
	v25 =	vmpcnt.ones.xlane vm0;
	vm0 =	vge.s32 v19, v21  }
0x4a7: {  	v23 =	vadd.s32 v23, v24;
	v24 =	vmpcnt.ones.xlane vm0  }
0x4a8: {  	v25 =	vadd.s32 v23, v25  }
0x4a9: {  	s25 =	sadd.s32 $0xFFFFFFFF, s25;
	v23 =	vld [tilespmem:$0x18010];
	v24 =	vadd.s32 v25, v24  }
0x4aa: {  	s25 =	smov.u32 s24  }
.LBB2_170:
0x4ab: {  	vm0 =	vgt.s32 @p2 v24, $0x3F  }
0x4ac: {  	v54 =	vld [tilespmem:$0x18020];
	v21 =	vsel @p2 vm0, v21, v22  }
0x4ad: {  	v55 =	vmov s25;
	v25 =	vshll.u32 v6, s25;
	v26 =	vld [tilespmem:$0x18030];
	v8 =	vpsel p2, v21, v8  }
0x4ae: {  	v57 =	vld [tilespmem:$0x18040];
	vm12 =	veq.s32 v55, $0x1F;
	v21 =	vxor.u32 $0x80000000, v8;
	v56 =	vor.u32 v8, v25  }
0x4af: {  	v21 =	vsel vm12, v21, v56  }
0x4b0: {  	vm0 =	vge.s32 v20, v21;
	vm1 =	vge.s32 v23, v21  }
0x4b1: {  	vm13 =	vge.s32 v54, v21;
	v20 =	vmpcnt.ones.xlane vm0;
	v58 =	vmpcnt.ones.xlane vm1  }
0x4b2: {  	vm14 =	vge.s32 v26, v21;
	v59 =	vmpcnt.ones.xlane vm13  }
0x4b3: {  	vm15 =	vge.s32 v57, v21;
	v60 =	vmpcnt.ones.xlane vm14;
	v20 =	vadd.s32 v20, v58  }
0x4b4: {  	vm4 =	vge.s32 v9, v21;
	v61 =	vmpcnt.ones.xlane vm15;
	v20 =	vadd.s32 v20, v59  }
0x4b5: {  	vm5 =	vge.s32 v10, v21;
	v62 =	vmpcnt.ones.xlane vm4;
	v9 =	vadd.s32 v20, v60  }
0x4b6: {  	vm6 =	vge.s32 v11, v21;
	v10 =	vmpcnt.ones.xlane vm5;
	v9 =	vadd.s32 v9, v61  }
0x4b7: {  	vm7 =	vge.s32 v12, v21;
	v11 =	vmpcnt.ones.xlane vm6;
	v9 =	vadd.s32 v9, v62  }
0x4b8: {  	vm8 =	vge.s32 v13, v21;
	v9 =	vadd.s32 v9, v10;
	v10 =	vmpcnt.ones.xlane vm7  }
0x4b9: {  	vm9 =	vge.s32 v14, v21;
	v9 =	vadd.s32 v9, v11;
	v11 =	vmpcnt.ones.xlane vm8  }
0x4ba: {  	vm10 =	vge.s32 v15, v21;
	v9 =	vadd.s32 v9, v10;
	v10 =	vmpcnt.ones.xlane vm9  }
0x4bb: {  	vm11 =	vge.s32 v16, v21;
	v9 =	vadd.s32 v9, v11;
	v11 =	vmpcnt.ones.xlane vm10  }
0x4bc: {  	vm12 =	vge.s32 v17, v21;
	v9 =	vadd.s32 v9, v10;
	v10 =	vmpcnt.ones.xlane vm11  }
0x4bd: {  	vm13 =	vge.s32 v18, v21;
	v9 =	vadd.s32 v9, v11;
	v11 =	vmpcnt.ones.xlane vm12  }
0x4be: {  	vm14 =	vge.s32 v19, v21;
	v9 =	vadd.s32 v9, v10;
	v10 =	vmpcnt.ones.xlane vm13  }
0x4bf: {  	v9 =	vadd.s32 v9, v11;
	v11 =	vmpcnt.ones.xlane vm14  }
0x4c0: {  	v9 =	vadd.s32 v9, v10  }
0x4c1: {  	v9 =	vadd.s32 v9, v11  }
0x4c2: {  	vm15 =	vgt.s32 v9, $0x3F  }
0x4c3: {  	v8 =	vsel vm15, v21, v8  }
.LBB2_171:
.Ltmp91:
0x4c4: {  	(pc) =	sbr.rel @!p1 .LBB2_175-.Ltmp91, $2  }
0x4c5: {  	_ =	sdelay $0x2  }
0x4c6: {  	s25 =	simm.s32 $0x0  }
0x4c7: {  	v9 =	vadd.s32 s25, v3;
	_ =	sdelay $0x1  }
0x4c8: {  	p1 =	sne.s32 s23, $0x1  }
.Ltmp92:
0x4c9: {  	_ = 	snop;
	(pc) =	sbr.rel @!p1 .LBB2_174-.Ltmp92, $3  }
0x4ca: {  	_ = 	snop  }
0x4cb: {  	v9 =	vld.idx.msk [tilespmem:v9+s15+$0x0], $0xffff;
	_ =	sdelay $0x1  }
0x4cc: {  	s24 =	simm.s32 $0x1;
	vm0 =	vgt.s32 v7, s25  }
.LBB2_173:
0x4cd: {  	_ = 	snop  }
0x4ce: {  	v10 =	vadd.s32 s24, v3;
	s25 =	smov.u32 s24;
	s24 =	sadd.s32 $0x1, s24  }
0x4cf: {  	p1 =	sne.s32 s23, s24;
	_ =	sdelay $0x1  }
.Ltmp93:
0x4d0: {  	(pc) =	sbr.rel @p1 .LBB2_173-.Ltmp93, $3  }
0x4d1: {  	[tilespmem:v9+s16+$0x0] =	vst.idx.msk vm0, v1  }
0x4d2: {  	v9 =	vld.idx.msk [tilespmem:v10+s15+$0x0], $0xffff;
	_ =	sdelay $0x1  }
0x4d3: {  	vm0 =	vgt.s32 v7, s25  }
.LBB2_174:
0x4d4: {  	_ =	sdelay $0x5  }
0x4d5: {  	[tilespmem:v9+s16+$0x0] =	vst.idx.msk vm0, v1  }
.LBB2_175:
.Ltmp94:
0x4d6: {  	(pc) =	sbr.rel .LBB2_176-.Ltmp94, $2  }
0x4d7: {  	_ =	sdelay $0x2  }
0x4d8: {  	v9 =	vmov s22;
	v7 =	vimm.s32 $0x0;
	s23 =	simm.s32 $0x70;
	s24 =	simm.s32 $0x8040  }
.LBB2_178:
0x4d9: {  	s23 =	sadd.s32 $0x80, s23  }
0x4da: {  	p1 =	sne.s32 s23, $0x8070  }
.Ltmp95:
0x4db: {  	_ = 	snop;
	(pc) =	sbr.rel @!p1 .LBB2_179-.Ltmp95, $2  }
0x4dc: {  	_ =	sdelay $0x2  }
0x4dd: {  	s24 =	sadd.s32 $0x80, s24  }
.LBB2_176:
0x4de: {  	v17 =	vld [tilespmem:s24+$0xFFFFFFC0]  }
0x4df: {  	v16 =	vld [tilespmem:s24+$0xFFFFFFD0]  }
0x4e0: {  	v15 =	vld [tilespmem:s24+$0xFFFFFFE0]  }
0x4e1: {  	v14 =	vld [tilespmem:s24+$0xFFFFFFF0]  }
0x4e2: {  	v13 =	vld [tilespmem:s24+$0x0]  }
0x4e3: {  	v12 =	vld [tilespmem:s24+$0x10]  }
0x4e4: {  	v11 =	vld [tilespmem:s24+$0x20];
	v18 =	vmax.f32 v17, v16  }
0x4e5: {  	v10 =	vld [tilespmem:s24+$0x30];
	v18 =	vmax.f32 v18, v15  }
0x4e6: {  	v18 =	vmax.f32 v18, v14  }
0x4e7: {  	v18 =	vmax.f32 v18, v13  }
0x4e8: {  	v18 =	vmax.f32 v18, v12  }
0x4e9: {  	v18 =	vmax.f32 v18, v11  }
0x4ea: {  	v18 =	vmax.f32 v18, v10  }
0x4eb: {  	vm0 =	vlt.s32 v18, $0x0;
	v19 =	vxor.u32 $0x7FFFFFFF, v18  }
0x4ec: {  	v18 =	vsel vm0, v19, v18  }
0x4ed: {  	vm0 =	vlt.s32 v18, v8  }
0x4ee: {  	v18 =	vsel vm0, $0x0, v4  }
0x4ef: {  	(xrf0) =	vmax.scan.msk.f32 $0xffff, v18;
	_ =	sdelay $0x5  }
0x4f0: {  	v18, _, _ =	vpop (xrf0)  }
0x4f1: {  	(v2sf) =	vpush v18, $0xF;
	_ =	sdelay $0xe  }
0x4f2: {  	s25 =	spop (v2sf)  }
0x4f3: {  	p1 =	sgt.f32 s25, $0.0e+00  }
.Ltmp96:
0x4f4: {  	_ = 	snop;
	(pc) =	sbr.rel @!p1 .LBB2_178-.Ltmp96, $1  }
0x4f5: {  	_ =	sdelay $0x3  }
0x4f6: {  	vm0 =	vlt.s32 v17, $0x0  }
0x4f7: {  	v18 =	vxor.u32 $0x7FFFFFFF, v17;
	v44 =	vadd.s32 v3, v7;
	vm8 =	vlt.s32 v16, $0x0  }
0x4f8: {  	v19 =	vxor.u32 $0x7FFFFFFF, v16;
	vm9 =	vlt.s32 v15, $0x0;
	v45 =	vxor.u32 $0x7FFFFFFF, v15  }
0x4f9: {  	vm1 =	vlt.s32 v14, $0x0;
	v22 =	vxor.u32 $0x7FFFFFFF, v14;
	vm2 =	vlt.s32 v13, $0x0  }
0x4fa: {  	v49 =	vxor.u32 $0x7FFFFFFF, v13;
	vm10 =	vlt.s32 v12, $0x0;
	v17 =	vsel vm0, v18, v17  }
0x4fb: {  	s25 =	sadd.s32 $0xFFFFFF90, s23;
	v52 =	vxor.u32 $0x7FFFFFFF, v12;
	vm11 =	vlt.s32 v11, $0x0;
	vm3 =	vge.s32 v17, v8  }
0x4fc: {  	v20 =	vor.u32 s25, v0;
	v16 =	vsel vm8, v19, v16;
	v21 =	vsel vm3, $0x1, v5  }
0x4fd: {  	v15 =	vsel vm9, v45, v15;
	vm4 =	vge.s32 v16, v8;
	v7 =	vadd.s32 v21, v7  }
0x4fe: {  	vm0 =	vge.s32 v15, v8;
	v46 =	vsel vm4, $0x1, v5;
	v47 =	vadd.s32 v3, v7  }
0x4ff: {  	v14 =	vsel vm1, v22, v14;
	v48 =	vsel vm0, $0x1, v5;
	v7 =	vadd.s32 v46, v7  }
0x500: {  	vm1 =	vge.s32 v14, v8;
	v21 =	vadd.s32 v48, v7;
	v7 =	vadd.s32 v3, v7  }
0x501: {  	v13 =	vsel vm2, v49, v13;
	v12 =	vsel vm10, v52, v12;
	v50 =	vsel vm1, $0x1, v5;
	[tilespmem:v44+s17+$0x0] =	vst.idx.msk vm3, v17  }
0x502: {  	s26 =	sadd.s32 $0xFFFFFFA0, s23;
	v53 =	vxor.u32 $0x7FFFFFFF, v11;
	v17 =	vadd.s32 v50, v21;
	v21 =	vadd.s32 v3, v21;
	[tilespmem:v44+s15+$0x0] =	vst.idx.msk vm3, v20  }
0x503: {  	v23 =	vor.u32 s26, v0;
	v11 =	vsel vm11, v53, v11;
	vm2 =	vge.s32 v13, v8;
	[tilespmem:v47+s17+$0x0] =	vst.idx.msk vm4, v16  }
0x504: {  	s28 =	sadd.s32 $0xFFFFFFB0, s23;
	vm12 =	vge.s32 v12, v8;
	v54 =	vsel vm2, $0x1, v5;
	v51 =	vadd.s32 v3, v17;
	[tilespmem:v47+s15+$0x0] =	vst.idx.msk vm4, v23  }
0x505: {  	v55 =	vor.u32 s28, v0;
	v56 =	vsel vm12, $0x1, v5;
	v16 =	vadd.s32 v54, v17;
	[tilespmem:v7+s17+$0x0] =	vst.idx.msk vm0, v15  }
0x506: {  	vm14 =	vlt.s32 v10, $0x0;
	s26 =	sadd.s32 $0xFFFFFFC0, s23;
	v57 =	vadd.s32 v56, v16;
	v16 =	vadd.s32 v3, v16;
	[tilespmem:v7+s15+$0x0] =	vst.idx.msk vm0, v55  }
0x507: {  	v58 =	vxor.u32 $0x7FFFFFFF, v10;
	vm13 =	vge.s32 v11, v8;
	v7 =	vor.u32 s26, v0;
	[tilespmem:v21+s17+$0x0] =	vst.idx.msk vm1, v14  }
0x508: {  	s29 =	sadd.s32 $0xFFFFFFD0, s23;
	v59 =	vsel vm13, $0x1, v5;
	[tilespmem:v21+s15+$0x0] =	vst.idx.msk vm1, v7;
	v7 =	vsel vm14, v58, v10;
	v10 =	vadd.s32 v3, v57  }
0x509: {  	v60 =	vor.u32 s29, v0;
	v14 =	vadd.s32 v59, v57;
	[tilespmem:v51+s17+$0x0] =	vst.idx.msk vm2, v13;
	vm15 =	vge.s32 v7, v8  }
0x50a: {  	s30 =	sadd.s32 $0xFFFFFFE0, s23;
	v61 =	vadd.s32 v3, v14;
	[tilespmem:v51+s15+$0x0] =	vst.idx.msk vm2, v60  }
0x50b: {  	v62 =	vor.u32 s30, v0;
	[tilespmem:v16+s17+$0x0] =	vst.idx.msk vm12, v12  }
.Ltmp97:
0x50c: {  	s31 =	sadd.s32 $0xFFFFFFF0, s23;
	[tilespmem:v16+s15+$0x0] =	vst.idx.msk vm12, v62;
	(pc) =	sbr.rel .LBB2_178-.Ltmp97, $4  }
0x50d: {  	[tilespmem:v10+s17+$0x0] =	vst.idx.msk vm13, v11;
	v11 =	vor.u32 s31, v0  }
0x50e: {  	[tilespmem:v10+s15+$0x0] =	vst.idx.msk vm13, v11  }
0x50f: {  	v10 =	vsel vm15, $0x1, v5;
	[tilespmem:v61+s17+$0x0] =	vst.idx.msk vm15, v7;
	v7 =	vor.u32 s23, v0  }
0x510: {  	[tilespmem:v61+s15+$0x0] =	vst.idx.msk vm15, v7;
	v7 =	vadd.s32 v10, v14  }
.LBB2_179:
0x511: {  	v10 =	vxor.u32 $0x80000000, v7  }
0x512: {  	(xrf0) =	vmax.scan.msk.u32 $0xffff, v10;
	_ =	sdelay $0x5  }
0x513: {  	v10, _, _ =	vpop (xrf0)  }
0x514: {  	(v2sf) =	vpush v10, $0xF  }
0x515: {  	(v2sf) =	vpush v8, $0x0;
	_ =	sdelay $0xd  }
0x516: {  	s24 =	spop (v2sf)  }
0x517: {  	s23 =	spop (v2sf)  }
0x518: {  	s22 =	sxor.u32 s22, s23  }
0x519: {  	v8 =	vmov s22  }
0x51a: {  	v10 =	vshrl.u32 v8, $0x10  }
0x51b: {  	v10 =	vcvt.s32.f32 v10  }
0x51c: {  	v11 =	vand.u32 $0xFFFF, v8  }
0x51d: {  	v11 =	vcvt.s32.f32 v11;
	v10 =	vmul.f32 $6.553600000e+04, v10;
	_ =	sdelay $0x1  }
0x51e: {  	v10 =	vadd.f32 v11, v10;
	_ =	sdelay $0x1  }
0x51f: {  	v11 =	vshrl.u32 v10, $0x17  }
0x520: {  	v11 =	vmin.u32 v11, $0x9E  }
0x521: {  	v11 =	vadd.s32 $0xFFFFFF81, v11  }
0x522: {  	(v2sf) =	vpush v11, $0x0;
	_ =	sdelay $0xe  }
0x523: {  	s23 =	spop (v2sf)  }
0x524: {  	p1 =	sgt.s32 s23, $0xFFFFFFFF  }
.Ltmp98:
0x525: {  	_ = 	snop;
	(pc) =	sbr.rel @p1 .LBB2_183-.Ltmp98, $4  }
0x526: {  	vm0 =	veq.s32 v8, $0x0;
	v11 =	vshll.u32 v2, v11  }
0x527: {  	v8 =	vsel vm0, $0xFFFFFFFF, v11  }
0x528: {  	vm15 =	vgt.u32 v10, $0x4EFFFFFF;
	v8 =	vand.u32 v9, v8  }
0x529: {  	s25 =	simm.s32 $0x0;
	s22 =	sxor.u32 $0x80000000, s24;
	s24 =	simm.s32 $0x0;
	v8 =	vsel vm15, $0x80000000, v8  }
.LBB2_180:
0x52a: {  	p1 =	sgt.s32 s22, $0x0  }
.Ltmp99:
0x52b: {  	_ = 	snop;
	(pc) =	sbr.rel @!p1 .LBB2_318-.Ltmp99, $1  }
0x52c: {  	_ =	sdelay $0x3  }
0x52d: {  	p3 =	sne.s32 s22, $0x1  }
.Ltmp100:
0x52e: {  	_ = 	snop;
	(pc) =	sbr.rel @!p3 .LBB2_182-.Ltmp100, $3  }
0x52f: {  	_ =	sdelay $0x1  }
0x530: {  	s24 =	simm.s32 $0x0  }
0x531: {  	v9 =	vimm.s32 $0x0;
	s23 =	simm.s32 $0x1;
	p1 =	por $0x0, $0x0;
	p2 =	por $0x0, $0x0;
	v10 =	vadd.s32 s24, v3  }
0x532: {  	p3 =	sne.s32 s22, $0x2  }
.Ltmp101:
0x533: {  	_ = 	snop;
	(pc) =	sbr.rel @!p3 .LBB2_195-.Ltmp101, $2  }
0x534: {  	_ =	sdelay $0x2  }
0x535: {  	v16 =	vld.idx.msk [tilespmem:v10+s17+$0x0], $0xffff;
	s25 =	simm.s32 $0x2;
	v10 =	vadd.s32 s23, v3;
	p1 =	por $0x1, $0x1  }
0x536: {  	_ = 	snop  }
0x537: {  	p3 =	sne.s32 s22, $0x3  }
.Ltmp102:
0x538: {  	_ = 	snop;
	(pc) =	sbr.rel @!p3 .LBB2_197-.Ltmp102, $4  }
0x539: {  	vm0 =	vgt.s32 v7, s24  }
0x53a: {  	v14 =	vld.idx.msk [tilespmem:v10+s17+$0x0], $0xffff;
	v10 =	vadd.s32 s25, v3;
	vm1 =	vgt.s32 v16, v8;
	vm2 =	veq.s32 v16, v8  }
0x53b: {  	v11 =	vimm.s32 $0x0;
	vm1 =	vmand vm0, vm1;
	vm0 =	vmand vm0, vm2  }
0x53c: {  	s24 =	simm.s32 $0x3;
	p2 =	por $0x1, $0x1;
	v12 =	vimm.s32 $0x0;
	v13 =	vmpcnt.ones.xlane vm1;
	v15 =	vmpcnt.ones.xlane vm0  }
.LBB2_198:
0x53d: {  	s26 =	smov.u32 s24;
	s24 =	sadd.s32 $0x1, s24  }
0x53e: {  	p3 =	sne.s32 s22, s24  }
.Ltmp103:
0x53f: {  	v11 =	vadd.s32 v11, v13;
	v12 =	vadd.s32 v12, v15;
	(pc) =	sbr.rel @p3 .LBB2_198-.Ltmp103, $4  }
0x540: {  	_ = 	snop  }
0x541: {  	vm0 =	vgt.s32 v7, s23;
	s23 =	smov.u32 s25;
	s25 =	smov.u32 s26;
	vm1 =	vgt.s32 v14, v8;
	vm2 =	veq.s32 v14, v8;
	v14 =	vld.idx.msk [tilespmem:v10+s17+$0x0], $0xffff  }
0x542: {  	v10 =	vadd.s32 s25, v3;
	vm1 =	vmand vm0, vm1;
	vm0 =	vmand vm0, vm2  }
0x543: {  	v13 =	vmpcnt.ones.xlane vm1;
	v15 =	vmpcnt.ones.xlane vm0  }
0x544: {  	_ =	sdelay $0x1  }
0x545: {  	s24 =	smov.u32 s25;
	v16 =	vmov v14  }
.LBB2_200:
0x546: {  	_ =	sdelay $0x3  }
0x547: {  	v10 =	vld.idx.msk [tilespmem:v10+s17+$0x0], $0xffff  }
0x548: {  	vm0 =	vgt.s32 @p1 v7, s23;
	vm1 =	vgt.s32 @p1 v16, v8;
	vm2 =	veq.s32 @p1 v16, v8  }
0x549: {  	vm1 =	vmand @p1 vm0, vm1;
	vm0 =	vmand @p1 vm0, vm2  }
0x54a: {  	v11 =	vadd.s32 @p2 v11, v13;
	v14 =	vmpcnt.ones.xlane @p1 vm1;
	v13 =	vmpcnt.ones.xlane @p1 vm0  }
0x54b: {  	v12 =	vadd.s32 @p2 v12, v15;
	vm13 =	vgt.s32 v7, s24;
	v11 =	vpsel p2, v11, v9  }
0x54c: {  	v14 =	vpsel p1, v14, v0;
	v13 =	vpsel p1, v13, v0;
	vm14 =	vgt.s32 v10, v8  }
0x54d: {  	v11 =	vadd.s32 @p1 v11, v14;
	vm15 =	veq.s32 v10, v8;
	vm1 =	vmand vm13, vm14  }
0x54e: {  	v10 =	vpsel p2, v12, v9;
	vm0 =	vmand vm13, vm15;
	v61 =	vmpcnt.ones.xlane vm1  }
0x54f: {  	v10 =	vadd.s32 @p1 v10, v13;
	v11 =	vpsel p1, v11, v9;
	v62 =	vmpcnt.ones.xlane vm0  }
0x550: {  	v10 =	vpsel p1, v10, v9;
	v9 =	vadd.s32 v11, v61  }
0x551: {  	v10 =	vadd.s32 v10, v62;
	(v2sf) =	vpush v9, $0x0  }
0x552: {  	(v2sf) =	vpush v10, $0x0;
	_ =	sdelay $0xd  }
0x553: {  	s30 =	spop (v2sf)  }
0x554: {  	s31 =	spop (v2sf)  }
0x555: {  	s23 =	sadd.s32 s30, s31  }
0x556: {  	p1 =	slt.s32 s23, $0x41  }
.Ltmp104:
0x557: {  	_ = 	snop;
	(pc) =	sbr.rel @p1 .LBB2_315-.Ltmp104, $2  }
0x558: {  	_ =	sdelay $0x2  }
0x559: {  	v10 =	vimm.s32 $0x7FFF  }
0x55a: {  	p2 =	sne.s32 s22, $0x1  }
.Ltmp105:
0x55b: {  	_ = 	snop;
	(pc) =	sbr.rel @!p2 .LBB2_208-.Ltmp105, $4  }
0x55c: {  	_ = 	snop  }
0x55d: {  	s24 =	simm.s32 $0x0  }
0x55e: {  	s23 =	simm.s32 $0x1;
	p3 =	por $0x0, $0x0;
	v11 =	vadd.s32 s24, v3  }
0x55f: {  	v10 =	vimm.s32 $0x0;
	p1 =	por $0x0, $0x0;
	v12 =	vimm.s32 $0x0;
	s25 =	simm.s32 $0x0;
	p4 =	por $0x0, $0x0;
	v14 =	vmov v11  }
0x560: {  	p4 =	sne.s32 s22, $0x2  }
.Ltmp106:
0x561: {  	_ = 	snop;
	(pc) =	sbr.rel @!p4 .LBB2_203-.Ltmp106, $3  }
0x562: {  	_ =	sdelay $0x1  }
0x563: {  	v15 =	vld.idx.msk [tilespmem:v11+s17+$0x0], $0xffff  }
0x564: {  	s25 =	simm.s32 $0x2;
	v14 =	vadd.s32 s23, v3;
	v16 =	vld.idx.msk [tilespmem:v11+s15+$0x0], $0xffff;
	p3 =	por $0x1, $0x1  }
0x565: {  	_ =	sdelay $0x1  }
0x566: {  	p5 =	sne.s32 s22, $0x3  }
.Ltmp107:
0x567: {  	_ = 	snop;
	(pc) =	sbr.rel @!p5 .LBB2_205-.Ltmp107, $4  }
0x568: {  	vm0 =	veq.s32 v15, v8;
	vm1 =	vlt.s32 v16, $0x4000  }
0x569: {  	vm2 =	vgt.s32 v7, s24;
	v17 =	vadd.s32 s25, v3;
	v15 =	vld.idx.msk [tilespmem:v14+s17+$0x0], $0xffff;
	vm0 =	vmand vm0, vm1  }
0x56a: {  	v16 =	vld.idx.msk [tilespmem:v14+s15+$0x0], $0xffff;
	vm0 =	vmand vm2, vm0  }
0x56b: {  	s28 =	simm.s32 $0x3;
	p4 =	por $0x1, $0x1;
	v12 =	vimm.s32 $0x0;
	s26 =	simm.s32 $0x1;
	v13 =	vmpcnt.ones.xlane vm0  }
.LBB2_206:
0x56c: {  	s29 =	smov.u32 s28;
	s28 =	sadd.s32 $0x1, s28  }
0x56d: {  	p5 =	sne.s32 s22, s28  }
.Ltmp108:
0x56e: {  	vm0 =	veq.s32 v15, v8;
	v15 =	vld.idx.msk [tilespmem:v17+s17+$0x0], $0xffff;
	v12 =	vadd.s32 v12, v13;
	(pc) =	sbr.rel @p5 .LBB2_206-.Ltmp108, $4  }
0x56f: {  	vm2 =	vgt.s32 v7, s26;
	s26 =	smov.u32 s25;
	vm1 =	vlt.s32 v16, $0x4000;
	s25 =	smov.u32 s29;
	v16 =	vld.idx.msk [tilespmem:v17+s15+$0x0], $0xffff;
	v17 =	vadd.s32 s29, v3  }
0x570: {  	vm0 =	vmand vm0, vm1  }
0x571: {  	vm0 =	vmand vm2, vm0  }
0x572: {  	v13 =	vmpcnt.ones.xlane vm0  }
0x573: {  	v14 =	vmov v17  }
.LBB2_208:
0x574: {  	_ =	sdelay $0x3  }
0x575: {  	v17 =	vld.idx.msk [tilespmem:v14+s17+$0x0], $0xffff  }
0x576: {  	v14 =	vld.idx.msk [tilespmem:v14+s15+$0x0], $0xffff;
	_ =	sdelay $0x1  }
0x577: {  	vm0 =	veq.s32 @p3 v15, v8;
	vm1 =	vlt.s32 @p3 v16, $0x4000  }
0x578: {  	vm0 =	vmand @p3 vm0, vm1;
	vm1 =	vgt.s32 @p3 v7, s26  }
0x579: {  	vm0 =	vmand @p3 vm1, vm0  }
0x57a: {  	v15 =	vmpcnt.ones.xlane @p3 vm0;
	vm13 =	veq.s32 v17, v8;
	vm14 =	vlt.s32 v14, $0x4000  }
0x57b: {  	v12 =	vadd.s32 @p4 v12, v13;
	vm2 =	vgt.s32 v7, s25;
	vm0 =	vmand vm13, vm14  }
0x57c: {  	v12 =	vpsel p4, v12, v10;
	v13 =	vpsel p3, v15, v0;
	vm0 =	vmand vm2, vm0  }
0x57d: {  	v12 =	vadd.s32 @p3 v12, v13;
	v13 =	vmpcnt.ones.xlane vm0  }
0x57e: {  	v12 =	vpsel p3, v12, v10  }
.Ltmp109:
0x57f: {  	v12 =	vadd.s32 v12, v13;
	(pc) =	sbr.rel @!p2 .LBB2_209-.Ltmp109, $4  }
0x580: {  	v12 =	vadd.s32 v9, v12  }
0x581: {  	vm15 =	vlt.s32 v12, $0x40  }
0x582: {  	v12 =	vsel vm15, $0x4000, v10  }
0x583: {  	v13 =	vor.u32 $0x2000, v12;
	v14 =	vor.u32 $0x1FFF, v12  }
0x584: {  	p3 =	sne.s32 s22, $0x2  }
.Ltmp110:
0x585: {  	_ = 	snop;
	(pc) =	sbr.rel @!p3 .LBB2_211-.Ltmp110, $3  }
0x586: {  	_ =	sdelay $0x1  }
0x587: {  	v17 =	vld.idx.msk [tilespmem:v11+s17+$0x0], $0xffff  }
0x588: {  	s25 =	simm.s32 $0x2;
	v15 =	vadd.s32 s23, v3;
	v18 =	vld.idx.msk [tilespmem:v11+s15+$0x0], $0xffff;
	p2 =	por $0x1, $0x1  }
0x589: {  	_ =	sdelay $0x1  }
0x58a: {  	p3 =	sne.s32 s22, $0x3  }
.Ltmp111:
0x58b: {  	_ = 	snop;
	(pc) =	sbr.rel @!p3 .LBB2_213-.Ltmp111, $4  }
0x58c: {  	vm0 =	veq.s32 v17, v8;
	vm1 =	vle.s32 v18, v14  }
0x58d: {  	vm2 =	vgt.s32 v7, s24;
	v11 =	vadd.s32 s25, v3;
	v17 =	vld.idx.msk [tilespmem:v15+s17+$0x0], $0xffff;
	vm0 =	vmand vm0, vm1  }
0x58e: {  	v18 =	vld.idx.msk [tilespmem:v15+s15+$0x0], $0xffff;
	vm0 =	vmand vm2, vm0  }
0x58f: {  	s24 =	simm.s32 $0x3;
	p1 =	por $0x1, $0x1;
	v15 =	vimm.s32 $0x0;
	v16 =	vmpcnt.ones.xlane vm0  }
.LBB2_214:
0x590: {  	s26 =	smov.u32 s24;
	s24 =	sadd.s32 $0x1, s24  }
0x591: {  	p3 =	sne.s32 s22, s24  }
.Ltmp112:
0x592: {  	vm0 =	veq.s32 v17, v8;
	v17 =	vld.idx.msk [tilespmem:v11+s17+$0x0], $0xffff;
	v15 =	vadd.s32 v15, v16;
	(pc) =	sbr.rel @p3 .LBB2_214-.Ltmp112, $4  }
0x593: {  	vm2 =	vgt.s32 v7, s23;
	s23 =	smov.u32 s25;
	vm1 =	vle.s32 v18, v14;
	s25 =	smov.u32 s26;
	v18 =	vld.idx.msk [tilespmem:v11+s15+$0x0], $0xffff;
	v11 =	vadd.s32 s26, v3  }
0x594: {  	vm0 =	vmand vm0, vm1  }
0x595: {  	vm0 =	vmand vm2, vm0  }
0x596: {  	v16 =	vmpcnt.ones.xlane vm0  }
0x597: {  	s24 =	smov.u32 s25  }
.LBB2_216:
0x598: {  	_ =	sdelay $0x3  }
0x599: {  	v19 =	vld.idx.msk [tilespmem:v11+s17+$0x0], $0xffff  }
0x59a: {  	v11 =	vld.idx.msk [tilespmem:v11+s15+$0x0], $0xffff;
	_ =	sdelay $0x1  }
0x59b: {  	vm0 =	veq.s32 @p2 v17, v8;
	vm1 =	vle.s32 @p2 v18, v14  }
0x59c: {  	vm0 =	vmand @p2 vm0, vm1;
	vm1 =	vgt.s32 @p2 v7, s23  }
0x59d: {  	vm0 =	vmand @p2 vm1, vm0  }
0x59e: {  	v17 =	vmpcnt.ones.xlane @p2 vm0;
	vm13 =	veq.s32 v19, v8;
	vm14 =	vle.s32 v11, v14  }
0x59f: {  	vm2 =	vgt.s32 v7, s24;
	v11 =	vadd.s32 @p1 v15, v16;
	vm0 =	vmand vm13, vm14  }
0x5a0: {  	v14 =	vpsel p2, v17, v0;
	v11 =	vpsel p1, v11, v10;
	vm0 =	vmand vm2, vm0  }
0x5a1: {  	v11 =	vadd.s32 @p2 v11, v14;
	v14 =	vmpcnt.ones.xlane vm0  }
0x5a2: {  	v10 =	vpsel p2, v11, v10;
	p2 =	sne.s32 s22, $0x1  }
.Ltmp113:
0x5a3: {  	v10 =	vadd.s32 v10, v14;
	(pc) =	sbr.rel @!p2 .LBB2_223-.Ltmp113, $4  }
0x5a4: {  	v10 =	vadd.s32 v9, v10  }
0x5a5: {  	s24 =	simm.s32 $0x0;
	vm15 =	vlt.s32 v10, $0x40  }
0x5a6: {  	p3 =	por $0x0, $0x0;
	s25 =	simm.s32 $0x0;
	v15 =	vimm.s32 $0x0;
	v11 =	vadd.s32 s24, v3;
	v12 =	vsel vm15, v13, v12  }
0x5a7: {  	p4 =	por $0x0, $0x0;
	s23 =	simm.s32 $0x1;
	p1 =	por $0x0, $0x0;
	v17 =	vmovc v11;
	v10 =	vimm.s32 $0x0;
	v13 =	vor.u32 $0x1000, v12;
	v14 =	vor.u32 $0xFFF, v12  }
0x5a8: {  	p4 =	sne.s32 s22, $0x2  }
.Ltmp114:
0x5a9: {  	_ = 	snop;
	(pc) =	sbr.rel @!p4 .LBB2_218-.Ltmp114, $3  }
0x5aa: {  	_ =	sdelay $0x1  }
0x5ab: {  	v18 =	vld.idx.msk [tilespmem:v11+s17+$0x0], $0xffff  }
0x5ac: {  	s25 =	simm.s32 $0x2;
	v17 =	vadd.s32 s23, v3;
	v19 =	vld.idx.msk [tilespmem:v11+s15+$0x0], $0xffff;
	p3 =	por $0x1, $0x1  }
0x5ad: {  	_ =	sdelay $0x1  }
0x5ae: {  	p5 =	sne.s32 s22, $0x3  }
.Ltmp115:
0x5af: {  	_ = 	snop;
	(pc) =	sbr.rel @!p5 .LBB2_220-.Ltmp115, $4  }
0x5b0: {  	vm0 =	veq.s32 v18, v8;
	vm1 =	vle.s32 v19, v14  }
0x5b1: {  	vm2 =	vgt.s32 v7, s24;
	v20 =	vadd.s32 s25, v3;
	v18 =	vld.idx.msk [tilespmem:v17+s17+$0x0], $0xffff;
	vm0 =	vmand vm0, vm1  }
0x5b2: {  	v19 =	vld.idx.msk [tilespmem:v17+s15+$0x0], $0xffff;
	vm0 =	vmand vm2, vm0  }
0x5b3: {  	s28 =	simm.s32 $0x3;
	p4 =	por $0x1, $0x1;
	v15 =	vimm.s32 $0x0;
	s26 =	simm.s32 $0x1;
	v16 =	vmpcnt.ones.xlane vm0  }
.LBB2_221:
0x5b4: {  	s29 =	smov.u32 s28;
	s28 =	sadd.s32 $0x1, s28  }
0x5b5: {  	p5 =	sne.s32 s22, s28  }
.Ltmp116:
0x5b6: {  	vm0 =	veq.s32 v18, v8;
	v18 =	vld.idx.msk [tilespmem:v20+s17+$0x0], $0xffff;
	v15 =	vadd.s32 v15, v16;
	(pc) =	sbr.rel @p5 .LBB2_221-.Ltmp116, $4  }
0x5b7: {  	vm2 =	vgt.s32 v7, s26;
	s26 =	smov.u32 s25;
	vm1 =	vle.s32 v19, v14;
	s25 =	smov.u32 s29;
	v19 =	vld.idx.msk [tilespmem:v20+s15+$0x0], $0xffff;
	v20 =	vadd.s32 s29, v3  }
0x5b8: {  	vm0 =	vmand vm0, vm1  }
0x5b9: {  	vm0 =	vmand vm2, vm0  }
0x5ba: {  	v16 =	vmpcnt.ones.xlane vm0  }
0x5bb: {  	v17 =	vmov v20  }
.LBB2_223:
0x5bc: {  	_ =	sdelay $0x3  }
0x5bd: {  	v20 =	vld.idx.msk [tilespmem:v17+s17+$0x0], $0xffff  }
0x5be: {  	v62 =	vld.idx.msk [tilespmem:v17+s15+$0x0], $0xffff;
	_ =	sdelay $0x1  }
0x5bf: {  	vm0 =	veq.s32 @p3 v18, v8;
	vm1 =	vle.s32 @p3 v19, v14  }
0x5c0: {  	vm0 =	vmand @p3 vm0, vm1;
	vm1 =	vgt.s32 @p3 v7, s26  }
0x5c1: {  	vm0 =	vmand @p3 vm1, vm0  }
0x5c2: {  	v18 =	vmpcnt.ones.xlane @p3 vm0;
	vm13 =	veq.s32 v20, v8;
	vm14 =	vle.s32 v62, v14  }
0x5c3: {  	vm2 =	vgt.s32 v7, s25;
	v14 =	vadd.s32 @p4 v15, v16;
	vm0 =	vmand vm13, vm14  }
0x5c4: {  	v15 =	vpsel p3, v18, v0;
	v14 =	vpsel p4, v14, v10;
	vm0 =	vmand vm2, vm0  }
0x5c5: {  	v14 =	vadd.s32 @p3 v14, v15;
	v15 =	vmpcnt.ones.xlane vm0  }
0x5c6: {  	v14 =	vpsel p3, v14, v10  }
.Ltmp117:
0x5c7: {  	v14 =	vadd.s32 v14, v15;
	(pc) =	sbr.rel @!p2 .LBB2_224-.Ltmp117, $4  }
0x5c8: {  	v14 =	vadd.s32 v9, v14  }
0x5c9: {  	vm15 =	vlt.s32 v14, $0x40  }
0x5ca: {  	v12 =	vsel vm15, v13, v12  }
0x5cb: {  	v13 =	vor.u32 $0x800, v12;
	v14 =	vor.u32 $0x7FF, v12  }
0x5cc: {  	p3 =	sne.s32 s22, $0x2  }
.Ltmp118:
0x5cd: {  	_ = 	snop;
	(pc) =	sbr.rel @!p3 .LBB2_226-.Ltmp118, $3  }
0x5ce: {  	_ =	sdelay $0x1  }
0x5cf: {  	v17 =	vld.idx.msk [tilespmem:v11+s17+$0x0], $0xffff  }
0x5d0: {  	s25 =	simm.s32 $0x2;
	v15 =	vadd.s32 s23, v3;
	v18 =	vld.idx.msk [tilespmem:v11+s15+$0x0], $0xffff;
	p2 =	por $0x1, $0x1  }
0x5d1: {  	_ =	sdelay $0x1  }
0x5d2: {  	p3 =	sne.s32 s22, $0x3  }
.Ltmp119:
0x5d3: {  	_ = 	snop;
	(pc) =	sbr.rel @!p3 .LBB2_228-.Ltmp119, $4  }
0x5d4: {  	vm0 =	veq.s32 v17, v8;
	vm1 =	vle.s32 v18, v14  }
0x5d5: {  	vm2 =	vgt.s32 v7, s24;
	v11 =	vadd.s32 s25, v3;
	v17 =	vld.idx.msk [tilespmem:v15+s17+$0x0], $0xffff;
	vm0 =	vmand vm0, vm1  }
0x5d6: {  	v18 =	vld.idx.msk [tilespmem:v15+s15+$0x0], $0xffff;
	vm0 =	vmand vm2, vm0  }
0x5d7: {  	s24 =	simm.s32 $0x3;
	p1 =	por $0x1, $0x1;
	v15 =	vimm.s32 $0x0;
	v16 =	vmpcnt.ones.xlane vm0  }
.LBB2_229:
0x5d8: {  	s26 =	smov.u32 s24;
	s24 =	sadd.s32 $0x1, s24  }
0x5d9: {  	p3 =	sne.s32 s22, s24  }
.Ltmp120:
0x5da: {  	vm0 =	veq.s32 v17, v8;
	v17 =	vld.idx.msk [tilespmem:v11+s17+$0x0], $0xffff;
	v15 =	vadd.s32 v15, v16;
	(pc) =	sbr.rel @p3 .LBB2_229-.Ltmp120, $4  }
0x5db: {  	vm2 =	vgt.s32 v7, s23;
	s23 =	smov.u32 s25;
	vm1 =	vle.s32 v18, v14;
	s25 =	smov.u32 s26;
	v18 =	vld.idx.msk [tilespmem:v11+s15+$0x0], $0xffff;
	v11 =	vadd.s32 s26, v3  }
0x5dc: {  	vm0 =	vmand vm0, vm1  }
0x5dd: {  	vm0 =	vmand vm2, vm0  }
0x5de: {  	v16 =	vmpcnt.ones.xlane vm0  }
0x5df: {  	s24 =	smov.u32 s25  }
.LBB2_231:
0x5e0: {  	_ =	sdelay $0x3  }
0x5e1: {  	v19 =	vld.idx.msk [tilespmem:v11+s17+$0x0], $0xffff  }
0x5e2: {  	v11 =	vld.idx.msk [tilespmem:v11+s15+$0x0], $0xffff;
	_ =	sdelay $0x1  }
0x5e3: {  	vm0 =	veq.s32 @p2 v17, v8;
	vm1 =	vle.s32 @p2 v18, v14  }
0x5e4: {  	vm0 =	vmand @p2 vm0, vm1;
	vm1 =	vgt.s32 @p2 v7, s23  }
0x5e5: {  	vm0 =	vmand @p2 vm1, vm0  }
0x5e6: {  	v17 =	vmpcnt.ones.xlane @p2 vm0;
	vm13 =	veq.s32 v19, v8;
	vm14 =	vle.s32 v11, v14  }
0x5e7: {  	vm2 =	vgt.s32 v7, s24;
	v11 =	vadd.s32 @p1 v15, v16;
	vm0 =	vmand vm13, vm14  }
0x5e8: {  	v14 =	vpsel p2, v17, v0;
	v11 =	vpsel p1, v11, v10;
	vm0 =	vmand vm2, vm0  }
0x5e9: {  	v11 =	vadd.s32 @p2 v11, v14;
	v14 =	vmpcnt.ones.xlane vm0  }
0x5ea: {  	v10 =	vpsel p2, v11, v10;
	p2 =	sne.s32 s22, $0x1  }
.Ltmp121:
0x5eb: {  	v10 =	vadd.s32 v10, v14;
	(pc) =	sbr.rel @!p2 .LBB2_238-.Ltmp121, $4  }
0x5ec: {  	v10 =	vadd.s32 v9, v10  }
0x5ed: {  	s24 =	simm.s32 $0x0;
	vm15 =	vlt.s32 v10, $0x40  }
0x5ee: {  	p3 =	por $0x0, $0x0;
	s25 =	simm.s32 $0x0;
	v15 =	vimm.s32 $0x0;
	v11 =	vadd.s32 s24, v3;
	v12 =	vsel vm15, v13, v12  }
0x5ef: {  	p4 =	por $0x0, $0x0;
	s23 =	simm.s32 $0x1;
	p1 =	por $0x0, $0x0;
	v17 =	vmovc v11;
	v10 =	vimm.s32 $0x0;
	v13 =	vadd.s32 $0x400, v12;
	v14 =	vadd.s32 $0x3FF, v12  }
0x5f0: {  	p4 =	sne.s32 s22, $0x2  }
.Ltmp122:
0x5f1: {  	_ = 	snop;
	(pc) =	sbr.rel @!p4 .LBB2_233-.Ltmp122, $3  }
0x5f2: {  	_ =	sdelay $0x1  }
0x5f3: {  	v18 =	vld.idx.msk [tilespmem:v11+s17+$0x0], $0xffff  }
0x5f4: {  	s25 =	simm.s32 $0x2;
	v17 =	vadd.s32 s23, v3;
	v19 =	vld.idx.msk [tilespmem:v11+s15+$0x0], $0xffff;
	p3 =	por $0x1, $0x1  }
0x5f5: {  	_ =	sdelay $0x1  }
0x5f6: {  	p5 =	sne.s32 s22, $0x3  }
.Ltmp123:
0x5f7: {  	_ = 	snop;
	(pc) =	sbr.rel @!p5 .LBB2_235-.Ltmp123, $4  }
0x5f8: {  	vm0 =	veq.s32 v18, v8;
	vm1 =	vle.s32 v19, v14  }
0x5f9: {  	vm2 =	vgt.s32 v7, s24;
	v20 =	vadd.s32 s25, v3;
	v18 =	vld.idx.msk [tilespmem:v17+s17+$0x0], $0xffff;
	vm0 =	vmand vm0, vm1  }
0x5fa: {  	v19 =	vld.idx.msk [tilespmem:v17+s15+$0x0], $0xffff;
	vm0 =	vmand vm2, vm0  }
0x5fb: {  	s28 =	simm.s32 $0x3;
	p4 =	por $0x1, $0x1;
	v15 =	vimm.s32 $0x0;
	s26 =	simm.s32 $0x1;
	v16 =	vmpcnt.ones.xlane vm0  }
.LBB2_236:
0x5fc: {  	s29 =	smov.u32 s28;
	s28 =	sadd.s32 $0x1, s28  }
0x5fd: {  	p5 =	sne.s32 s22, s28  }
.Ltmp124:
0x5fe: {  	vm0 =	veq.s32 v18, v8;
	v18 =	vld.idx.msk [tilespmem:v20+s17+$0x0], $0xffff;
	v15 =	vadd.s32 v15, v16;
	(pc) =	sbr.rel @p5 .LBB2_236-.Ltmp124, $4  }
0x5ff: {  	vm2 =	vgt.s32 v7, s26;
	s26 =	smov.u32 s25;
	vm1 =	vle.s32 v19, v14;
	s25 =	smov.u32 s29;
	v19 =	vld.idx.msk [tilespmem:v20+s15+$0x0], $0xffff;
	v20 =	vadd.s32 s29, v3  }
0x600: {  	vm0 =	vmand vm0, vm1  }
0x601: {  	vm0 =	vmand vm2, vm0  }
0x602: {  	v16 =	vmpcnt.ones.xlane vm0  }
0x603: {  	v17 =	vmov v20  }
.LBB2_238:
0x604: {  	_ =	sdelay $0x3  }
0x605: {  	v20 =	vld.idx.msk [tilespmem:v17+s17+$0x0], $0xffff  }
0x606: {  	v62 =	vld.idx.msk [tilespmem:v17+s15+$0x0], $0xffff;
	_ =	sdelay $0x1  }
0x607: {  	vm0 =	veq.s32 @p3 v18, v8;
	vm1 =	vle.s32 @p3 v19, v14  }
0x608: {  	vm0 =	vmand @p3 vm0, vm1;
	vm1 =	vgt.s32 @p3 v7, s26  }
0x609: {  	vm0 =	vmand @p3 vm1, vm0  }
0x60a: {  	v18 =	vmpcnt.ones.xlane @p3 vm0;
	vm13 =	veq.s32 v20, v8;
	vm14 =	vle.s32 v62, v14  }
0x60b: {  	vm2 =	vgt.s32 v7, s25;
	v14 =	vadd.s32 @p4 v15, v16;
	vm0 =	vmand vm13, vm14  }
0x60c: {  	v15 =	vpsel p3, v18, v0;
	v14 =	vpsel p4, v14, v10;
	vm0 =	vmand vm2, vm0  }
0x60d: {  	v14 =	vadd.s32 @p3 v14, v15;
	v15 =	vmpcnt.ones.xlane vm0  }
0x60e: {  	v14 =	vpsel p3, v14, v10  }
.Ltmp125:
0x60f: {  	v14 =	vadd.s32 v14, v15;
	(pc) =	sbr.rel @!p2 .LBB2_239-.Ltmp125, $4  }
0x610: {  	v14 =	vadd.s32 v9, v14  }
0x611: {  	vm15 =	vlt.s32 v14, $0x40  }
0x612: {  	v12 =	vsel vm15, v13, v12  }
0x613: {  	v13 =	vadd.s32 $0x200, v12;
	v14 =	vadd.s32 $0x1FF, v12  }
0x614: {  	p3 =	sne.s32 s22, $0x2  }
.Ltmp126:
0x615: {  	_ = 	snop;
	(pc) =	sbr.rel @!p3 .LBB2_241-.Ltmp126, $3  }
0x616: {  	_ =	sdelay $0x1  }
0x617: {  	v17 =	vld.idx.msk [tilespmem:v11+s17+$0x0], $0xffff  }
0x618: {  	s25 =	simm.s32 $0x2;
	v15 =	vadd.s32 s23, v3;
	v18 =	vld.idx.msk [tilespmem:v11+s15+$0x0], $0xffff;
	p2 =	por $0x1, $0x1  }
0x619: {  	_ =	sdelay $0x1  }
0x61a: {  	p3 =	sne.s32 s22, $0x3  }
.Ltmp127:
0x61b: {  	_ = 	snop;
	(pc) =	sbr.rel @!p3 .LBB2_243-.Ltmp127, $4  }
0x61c: {  	vm0 =	veq.s32 v17, v8;
	vm1 =	vle.s32 v18, v14  }
0x61d: {  	vm2 =	vgt.s32 v7, s24;
	v11 =	vadd.s32 s25, v3;
	v17 =	vld.idx.msk [tilespmem:v15+s17+$0x0], $0xffff;
	vm0 =	vmand vm0, vm1  }
0x61e: {  	v18 =	vld.idx.msk [tilespmem:v15+s15+$0x0], $0xffff;
	vm0 =	vmand vm2, vm0  }
0x61f: {  	s24 =	simm.s32 $0x3;
	p1 =	por $0x1, $0x1;
	v15 =	vimm.s32 $0x0;
	v16 =	vmpcnt.ones.xlane vm0  }
.LBB2_244:
0x620: {  	s26 =	smov.u32 s24;
	s24 =	sadd.s32 $0x1, s24  }
0x621: {  	p3 =	sne.s32 s22, s24  }
.Ltmp128:
0x622: {  	vm0 =	veq.s32 v17, v8;
	v17 =	vld.idx.msk [tilespmem:v11+s17+$0x0], $0xffff;
	v15 =	vadd.s32 v15, v16;
	(pc) =	sbr.rel @p3 .LBB2_244-.Ltmp128, $4  }
0x623: {  	vm2 =	vgt.s32 v7, s23;
	s23 =	smov.u32 s25;
	vm1 =	vle.s32 v18, v14;
	s25 =	smov.u32 s26;
	v18 =	vld.idx.msk [tilespmem:v11+s15+$0x0], $0xffff;
	v11 =	vadd.s32 s26, v3  }
0x624: {  	vm0 =	vmand vm0, vm1  }
0x625: {  	vm0 =	vmand vm2, vm0  }
0x626: {  	v16 =	vmpcnt.ones.xlane vm0  }
0x627: {  	s24 =	smov.u32 s25  }
.LBB2_246:
0x628: {  	_ =	sdelay $0x3  }
0x629: {  	v19 =	vld.idx.msk [tilespmem:v11+s17+$0x0], $0xffff  }
0x62a: {  	v11 =	vld.idx.msk [tilespmem:v11+s15+$0x0], $0xffff;
	_ =	sdelay $0x1  }
0x62b: {  	vm0 =	veq.s32 @p2 v17, v8;
	vm1 =	vle.s32 @p2 v18, v14  }
0x62c: {  	vm0 =	vmand @p2 vm0, vm1;
	vm1 =	vgt.s32 @p2 v7, s23  }
0x62d: {  	vm0 =	vmand @p2 vm1, vm0  }
0x62e: {  	v17 =	vmpcnt.ones.xlane @p2 vm0;
	vm13 =	veq.s32 v19, v8;
	vm14 =	vle.s32 v11, v14  }
0x62f: {  	vm2 =	vgt.s32 v7, s24;
	v11 =	vadd.s32 @p1 v15, v16;
	vm0 =	vmand vm13, vm14  }
0x630: {  	v14 =	vpsel p2, v17, v0;
	v11 =	vpsel p1, v11, v10;
	vm0 =	vmand vm2, vm0  }
0x631: {  	v11 =	vadd.s32 @p2 v11, v14;
	v14 =	vmpcnt.ones.xlane vm0  }
0x632: {  	v10 =	vpsel p2, v11, v10;
	p2 =	sne.s32 s22, $0x1  }
.Ltmp129:
0x633: {  	v10 =	vadd.s32 v10, v14;
	(pc) =	sbr.rel @!p2 .LBB2_253-.Ltmp129, $4  }
0x634: {  	v10 =	vadd.s32 v9, v10  }
0x635: {  	s24 =	simm.s32 $0x0;
	vm15 =	vlt.s32 v10, $0x40  }
0x636: {  	p3 =	por $0x0, $0x0;
	s25 =	simm.s32 $0x0;
	v15 =	vimm.s32 $0x0;
	v11 =	vadd.s32 s24, v3;
	v12 =	vsel vm15, v13, v12  }
0x637: {  	p4 =	por $0x0, $0x0;
	s23 =	simm.s32 $0x1;
	p1 =	por $0x0, $0x0;
	v17 =	vmovc v11;
	v10 =	vimm.s32 $0x0;
	v13 =	vadd.s32 $0x100, v12;
	v14 =	vadd.s32 $0xFF, v12  }
0x638: {  	p4 =	sne.s32 s22, $0x2  }
.Ltmp130:
0x639: {  	_ = 	snop;
	(pc) =	sbr.rel @!p4 .LBB2_248-.Ltmp130, $3  }
0x63a: {  	_ =	sdelay $0x1  }
0x63b: {  	v18 =	vld.idx.msk [tilespmem:v11+s17+$0x0], $0xffff  }
0x63c: {  	s25 =	simm.s32 $0x2;
	v17 =	vadd.s32 s23, v3;
	v19 =	vld.idx.msk [tilespmem:v11+s15+$0x0], $0xffff;
	p3 =	por $0x1, $0x1  }
0x63d: {  	_ =	sdelay $0x1  }
0x63e: {  	p5 =	sne.s32 s22, $0x3  }
.Ltmp131:
0x63f: {  	_ = 	snop;
	(pc) =	sbr.rel @!p5 .LBB2_250-.Ltmp131, $4  }
0x640: {  	vm0 =	veq.s32 v18, v8;
	vm1 =	vle.s32 v19, v14  }
0x641: {  	vm2 =	vgt.s32 v7, s24;
	v20 =	vadd.s32 s25, v3;
	v18 =	vld.idx.msk [tilespmem:v17+s17+$0x0], $0xffff;
	vm0 =	vmand vm0, vm1  }
0x642: {  	v19 =	vld.idx.msk [tilespmem:v17+s15+$0x0], $0xffff;
	vm0 =	vmand vm2, vm0  }
0x643: {  	s28 =	simm.s32 $0x3;
	p4 =	por $0x1, $0x1;
	v15 =	vimm.s32 $0x0;
	s26 =	simm.s32 $0x1;
	v16 =	vmpcnt.ones.xlane vm0  }
.LBB2_251:
0x644: {  	s29 =	smov.u32 s28;
	s28 =	sadd.s32 $0x1, s28  }
0x645: {  	p5 =	sne.s32 s22, s28  }
.Ltmp132:
0x646: {  	vm0 =	veq.s32 v18, v8;
	v18 =	vld.idx.msk [tilespmem:v20+s17+$0x0], $0xffff;
	v15 =	vadd.s32 v15, v16;
	(pc) =	sbr.rel @p5 .LBB2_251-.Ltmp132, $4  }
0x647: {  	vm2 =	vgt.s32 v7, s26;
	s26 =	smov.u32 s25;
	vm1 =	vle.s32 v19, v14;
	s25 =	smov.u32 s29;
	v19 =	vld.idx.msk [tilespmem:v20+s15+$0x0], $0xffff;
	v20 =	vadd.s32 s29, v3  }
0x648: {  	vm0 =	vmand vm0, vm1  }
0x649: {  	vm0 =	vmand vm2, vm0  }
0x64a: {  	v16 =	vmpcnt.ones.xlane vm0  }
0x64b: {  	v17 =	vmov v20  }
.LBB2_253:
0x64c: {  	_ =	sdelay $0x3  }
0x64d: {  	v20 =	vld.idx.msk [tilespmem:v17+s17+$0x0], $0xffff  }
0x64e: {  	v62 =	vld.idx.msk [tilespmem:v17+s15+$0x0], $0xffff;
	_ =	sdelay $0x1  }
0x64f: {  	vm0 =	veq.s32 @p3 v18, v8;
	vm1 =	vle.s32 @p3 v19, v14  }
0x650: {  	vm0 =	vmand @p3 vm0, vm1;
	vm1 =	vgt.s32 @p3 v7, s26  }
0x651: {  	vm0 =	vmand @p3 vm1, vm0  }
0x652: {  	v18 =	vmpcnt.ones.xlane @p3 vm0;
	vm13 =	veq.s32 v20, v8;
	vm14 =	vle.s32 v62, v14  }
0x653: {  	vm2 =	vgt.s32 v7, s25;
	v14 =	vadd.s32 @p4 v15, v16;
	vm0 =	vmand vm13, vm14  }
0x654: {  	v15 =	vpsel p3, v18, v0;
	v14 =	vpsel p4, v14, v10;
	vm0 =	vmand vm2, vm0  }
0x655: {  	v14 =	vadd.s32 @p3 v14, v15;
	v15 =	vmpcnt.ones.xlane vm0  }
0x656: {  	v14 =	vpsel p3, v14, v10  }
.Ltmp133:
0x657: {  	v14 =	vadd.s32 v14, v15;
	(pc) =	sbr.rel @!p2 .LBB2_254-.Ltmp133, $4  }
0x658: {  	v14 =	vadd.s32 v9, v14  }
0x659: {  	vm15 =	vlt.s32 v14, $0x40  }
0x65a: {  	v12 =	vsel vm15, v13, v12  }
0x65b: {  	v13 =	vadd.s32 $0x80, v12;
	v14 =	vadd.s32 $0x7F, v12  }
0x65c: {  	p3 =	sne.s32 s22, $0x2  }
.Ltmp134:
0x65d: {  	_ = 	snop;
	(pc) =	sbr.rel @!p3 .LBB2_256-.Ltmp134, $3  }
0x65e: {  	_ =	sdelay $0x1  }
0x65f: {  	v17 =	vld.idx.msk [tilespmem:v11+s17+$0x0], $0xffff  }
0x660: {  	s25 =	simm.s32 $0x2;
	v15 =	vadd.s32 s23, v3;
	v18 =	vld.idx.msk [tilespmem:v11+s15+$0x0], $0xffff;
	p2 =	por $0x1, $0x1  }
0x661: {  	_ =	sdelay $0x1  }
0x662: {  	p3 =	sne.s32 s22, $0x3  }
.Ltmp135:
0x663: {  	_ = 	snop;
	(pc) =	sbr.rel @!p3 .LBB2_258-.Ltmp135, $4  }
0x664: {  	vm0 =	veq.s32 v17, v8;
	vm1 =	vle.s32 v18, v14  }
0x665: {  	vm2 =	vgt.s32 v7, s24;
	v11 =	vadd.s32 s25, v3;
	v17 =	vld.idx.msk [tilespmem:v15+s17+$0x0], $0xffff;
	vm0 =	vmand vm0, vm1  }
0x666: {  	v18 =	vld.idx.msk [tilespmem:v15+s15+$0x0], $0xffff;
	vm0 =	vmand vm2, vm0  }
0x667: {  	s24 =	simm.s32 $0x3;
	p1 =	por $0x1, $0x1;
	v15 =	vimm.s32 $0x0;
	v16 =	vmpcnt.ones.xlane vm0  }
.LBB2_259:
0x668: {  	s26 =	smov.u32 s24;
	s24 =	sadd.s32 $0x1, s24  }
0x669: {  	p3 =	sne.s32 s22, s24  }
.Ltmp136:
0x66a: {  	vm0 =	veq.s32 v17, v8;
	v17 =	vld.idx.msk [tilespmem:v11+s17+$0x0], $0xffff;
	v15 =	vadd.s32 v15, v16;
	(pc) =	sbr.rel @p3 .LBB2_259-.Ltmp136, $4  }
0x66b: {  	vm2 =	vgt.s32 v7, s23;
	s23 =	smov.u32 s25;
	vm1 =	vle.s32 v18, v14;
	s25 =	smov.u32 s26;
	v18 =	vld.idx.msk [tilespmem:v11+s15+$0x0], $0xffff;
	v11 =	vadd.s32 s26, v3  }
0x66c: {  	vm0 =	vmand vm0, vm1  }
0x66d: {  	vm0 =	vmand vm2, vm0  }
0x66e: {  	v16 =	vmpcnt.ones.xlane vm0  }
0x66f: {  	s24 =	smov.u32 s25  }
.LBB2_261:
0x670: {  	_ =	sdelay $0x3  }
0x671: {  	v19 =	vld.idx.msk [tilespmem:v11+s17+$0x0], $0xffff  }
0x672: {  	v11 =	vld.idx.msk [tilespmem:v11+s15+$0x0], $0xffff;
	_ =	sdelay $0x1  }
0x673: {  	vm0 =	veq.s32 @p2 v17, v8;
	vm1 =	vle.s32 @p2 v18, v14  }
0x674: {  	vm0 =	vmand @p2 vm0, vm1;
	vm1 =	vgt.s32 @p2 v7, s23  }
0x675: {  	vm0 =	vmand @p2 vm1, vm0  }
0x676: {  	v17 =	vmpcnt.ones.xlane @p2 vm0;
	vm13 =	veq.s32 v19, v8;
	vm14 =	vle.s32 v11, v14  }
0x677: {  	vm2 =	vgt.s32 v7, s24;
	v11 =	vadd.s32 @p1 v15, v16;
	vm0 =	vmand vm13, vm14  }
0x678: {  	v14 =	vpsel p2, v17, v0;
	v11 =	vpsel p1, v11, v10;
	vm0 =	vmand vm2, vm0  }
0x679: {  	v11 =	vadd.s32 @p2 v11, v14;
	v14 =	vmpcnt.ones.xlane vm0  }
0x67a: {  	v10 =	vpsel p2, v11, v10;
	p2 =	sne.s32 s22, $0x1  }
.Ltmp137:
0x67b: {  	v10 =	vadd.s32 v10, v14;
	(pc) =	sbr.rel @!p2 .LBB2_268-.Ltmp137, $4  }
0x67c: {  	v10 =	vadd.s32 v9, v10  }
0x67d: {  	s24 =	simm.s32 $0x0;
	vm15 =	vlt.s32 v10, $0x40  }
0x67e: {  	p3 =	por $0x0, $0x0;
	s25 =	simm.s32 $0x0;
	v15 =	vimm.s32 $0x0;
	v11 =	vadd.s32 s24, v3;
	v12 =	vsel vm15, v13, v12  }
0x67f: {  	p4 =	por $0x0, $0x0;
	s23 =	simm.s32 $0x1;
	p1 =	por $0x0, $0x0;
	v17 =	vmovc v11;
	v10 =	vimm.s32 $0x0;
	v13 =	vadd.s32 $0x40, v12;
	v14 =	vadd.s32 $0x3F, v12  }
0x680: {  	p4 =	sne.s32 s22, $0x2  }
.Ltmp138:
0x681: {  	_ = 	snop;
	(pc) =	sbr.rel @!p4 .LBB2_263-.Ltmp138, $3  }
0x682: {  	_ =	sdelay $0x1  }
0x683: {  	v18 =	vld.idx.msk [tilespmem:v11+s17+$0x0], $0xffff  }
0x684: {  	s25 =	simm.s32 $0x2;
	v17 =	vadd.s32 s23, v3;
	v19 =	vld.idx.msk [tilespmem:v11+s15+$0x0], $0xffff;
	p3 =	por $0x1, $0x1  }
0x685: {  	_ =	sdelay $0x1  }
0x686: {  	p5 =	sne.s32 s22, $0x3  }
.Ltmp139:
0x687: {  	_ = 	snop;
	(pc) =	sbr.rel @!p5 .LBB2_265-.Ltmp139, $4  }
0x688: {  	vm0 =	veq.s32 v18, v8;
	vm1 =	vle.s32 v19, v14  }
0x689: {  	vm2 =	vgt.s32 v7, s24;
	v20 =	vadd.s32 s25, v3;
	v18 =	vld.idx.msk [tilespmem:v17+s17+$0x0], $0xffff;
	vm0 =	vmand vm0, vm1  }
0x68a: {  	v19 =	vld.idx.msk [tilespmem:v17+s15+$0x0], $0xffff;
	vm0 =	vmand vm2, vm0  }
0x68b: {  	s28 =	simm.s32 $0x3;
	p4 =	por $0x1, $0x1;
	v15 =	vimm.s32 $0x0;
	s26 =	simm.s32 $0x1;
	v16 =	vmpcnt.ones.xlane vm0  }
.LBB2_266:
0x68c: {  	s29 =	smov.u32 s28;
	s28 =	sadd.s32 $0x1, s28  }
0x68d: {  	p5 =	sne.s32 s22, s28  }
.Ltmp140:
0x68e: {  	vm0 =	veq.s32 v18, v8;
	v18 =	vld.idx.msk [tilespmem:v20+s17+$0x0], $0xffff;
	v15 =	vadd.s32 v15, v16;
	(pc) =	sbr.rel @p5 .LBB2_266-.Ltmp140, $4  }
0x68f: {  	vm2 =	vgt.s32 v7, s26;
	s26 =	smov.u32 s25;
	vm1 =	vle.s32 v19, v14;
	s25 =	smov.u32 s29;
	v19 =	vld.idx.msk [tilespmem:v20+s15+$0x0], $0xffff;
	v20 =	vadd.s32 s29, v3  }
0x690: {  	vm0 =	vmand vm0, vm1  }
0x691: {  	vm0 =	vmand vm2, vm0  }
0x692: {  	v16 =	vmpcnt.ones.xlane vm0  }
0x693: {  	v17 =	vmov v20  }
.LBB2_268:
0x694: {  	_ =	sdelay $0x3  }
0x695: {  	v20 =	vld.idx.msk [tilespmem:v17+s17+$0x0], $0xffff  }
0x696: {  	v62 =	vld.idx.msk [tilespmem:v17+s15+$0x0], $0xffff;
	_ =	sdelay $0x1  }
0x697: {  	vm0 =	veq.s32 @p3 v18, v8;
	vm1 =	vle.s32 @p3 v19, v14  }
0x698: {  	vm0 =	vmand @p3 vm0, vm1;
	vm1 =	vgt.s32 @p3 v7, s26  }
0x699: {  	vm0 =	vmand @p3 vm1, vm0  }
0x69a: {  	v18 =	vmpcnt.ones.xlane @p3 vm0;
	vm13 =	veq.s32 v20, v8;
	vm14 =	vle.s32 v62, v14  }
0x69b: {  	vm2 =	vgt.s32 v7, s25;
	v14 =	vadd.s32 @p4 v15, v16;
	vm0 =	vmand vm13, vm14  }
0x69c: {  	v15 =	vpsel p3, v18, v0;
	v14 =	vpsel p4, v14, v10;
	vm0 =	vmand vm2, vm0  }
0x69d: {  	v14 =	vadd.s32 @p3 v14, v15;
	v15 =	vmpcnt.ones.xlane vm0  }
0x69e: {  	v14 =	vpsel p3, v14, v10  }
.Ltmp141:
0x69f: {  	v14 =	vadd.s32 v14, v15;
	(pc) =	sbr.rel @!p2 .LBB2_269-.Ltmp141, $4  }
0x6a0: {  	v14 =	vadd.s32 v9, v14  }
0x6a1: {  	vm15 =	vlt.s32 v14, $0x40  }
0x6a2: {  	v12 =	vsel vm15, v13, v12  }
0x6a3: {  	v13 =	vadd.s32 $0x20, v12;
	v14 =	vadd.s32 $0x1F, v12  }
0x6a4: {  	p3 =	sne.s32 s22, $0x2  }
.Ltmp142:
0x6a5: {  	_ = 	snop;
	(pc) =	sbr.rel @!p3 .LBB2_271-.Ltmp142, $3  }
0x6a6: {  	_ =	sdelay $0x1  }
0x6a7: {  	v17 =	vld.idx.msk [tilespmem:v11+s17+$0x0], $0xffff  }
0x6a8: {  	s25 =	simm.s32 $0x2;
	v15 =	vadd.s32 s23, v3;
	v18 =	vld.idx.msk [tilespmem:v11+s15+$0x0], $0xffff;
	p2 =	por $0x1, $0x1  }
0x6a9: {  	_ =	sdelay $0x1  }
0x6aa: {  	p3 =	sne.s32 s22, $0x3  }
.Ltmp143:
0x6ab: {  	_ = 	snop;
	(pc) =	sbr.rel @!p3 .LBB2_273-.Ltmp143, $4  }
0x6ac: {  	vm0 =	veq.s32 v17, v8;
	vm1 =	vle.s32 v18, v14  }
0x6ad: {  	vm2 =	vgt.s32 v7, s24;
	v11 =	vadd.s32 s25, v3;
	v17 =	vld.idx.msk [tilespmem:v15+s17+$0x0], $0xffff;
	vm0 =	vmand vm0, vm1  }
0x6ae: {  	v18 =	vld.idx.msk [tilespmem:v15+s15+$0x0], $0xffff;
	vm0 =	vmand vm2, vm0  }
0x6af: {  	s24 =	simm.s32 $0x3;
	p1 =	por $0x1, $0x1;
	v15 =	vimm.s32 $0x0;
	v16 =	vmpcnt.ones.xlane vm0  }
.LBB2_274:
0x6b0: {  	s26 =	smov.u32 s24;
	s24 =	sadd.s32 $0x1, s24  }
0x6b1: {  	p3 =	sne.s32 s22, s24  }
.Ltmp144:
0x6b2: {  	vm0 =	veq.s32 v17, v8;
	v17 =	vld.idx.msk [tilespmem:v11+s17+$0x0], $0xffff;
	v15 =	vadd.s32 v15, v16;
	(pc) =	sbr.rel @p3 .LBB2_274-.Ltmp144, $4  }
0x6b3: {  	vm2 =	vgt.s32 v7, s23;
	s23 =	smov.u32 s25;
	vm1 =	vle.s32 v18, v14;
	s25 =	smov.u32 s26;
	v18 =	vld.idx.msk [tilespmem:v11+s15+$0x0], $0xffff;
	v11 =	vadd.s32 s26, v3  }
0x6b4: {  	vm0 =	vmand vm0, vm1  }
0x6b5: {  	vm0 =	vmand vm2, vm0  }
0x6b6: {  	v16 =	vmpcnt.ones.xlane vm0  }
0x6b7: {  	s24 =	smov.u32 s25  }
.LBB2_276:
0x6b8: {  	_ =	sdelay $0x3  }
0x6b9: {  	v19 =	vld.idx.msk [tilespmem:v11+s17+$0x0], $0xffff  }
0x6ba: {  	v11 =	vld.idx.msk [tilespmem:v11+s15+$0x0], $0xffff;
	_ =	sdelay $0x1  }
0x6bb: {  	vm0 =	veq.s32 @p2 v17, v8;
	vm1 =	vle.s32 @p2 v18, v14  }
0x6bc: {  	vm0 =	vmand @p2 vm0, vm1;
	vm1 =	vgt.s32 @p2 v7, s23  }
0x6bd: {  	vm0 =	vmand @p2 vm1, vm0  }
0x6be: {  	v17 =	vmpcnt.ones.xlane @p2 vm0;
	vm13 =	veq.s32 v19, v8;
	vm14 =	vle.s32 v11, v14  }
0x6bf: {  	vm2 =	vgt.s32 v7, s24;
	v11 =	vadd.s32 @p1 v15, v16;
	vm0 =	vmand vm13, vm14  }
0x6c0: {  	v14 =	vpsel p2, v17, v0;
	v11 =	vpsel p1, v11, v10;
	vm0 =	vmand vm2, vm0  }
0x6c1: {  	v11 =	vadd.s32 @p2 v11, v14;
	v14 =	vmpcnt.ones.xlane vm0  }
0x6c2: {  	v10 =	vpsel p2, v11, v10;
	p2 =	sne.s32 s22, $0x1  }
.Ltmp145:
0x6c3: {  	v10 =	vadd.s32 v10, v14;
	(pc) =	sbr.rel @!p2 .LBB2_283-.Ltmp145, $4  }
0x6c4: {  	v10 =	vadd.s32 v9, v10  }
0x6c5: {  	s24 =	simm.s32 $0x0;
	vm15 =	vlt.s32 v10, $0x40  }
0x6c6: {  	p3 =	por $0x0, $0x0;
	s25 =	simm.s32 $0x0;
	v15 =	vimm.s32 $0x0;
	v11 =	vadd.s32 s24, v3;
	v12 =	vsel vm15, v13, v12  }
0x6c7: {  	p4 =	por $0x0, $0x0;
	s23 =	simm.s32 $0x1;
	p1 =	por $0x0, $0x0;
	v17 =	vmovc v11;
	v10 =	vimm.s32 $0x0;
	v13 =	vadd.s32 $0x10, v12;
	v14 =	vadd.s32 $0xF, v12  }
0x6c8: {  	p4 =	sne.s32 s22, $0x2  }
.Ltmp146:
0x6c9: {  	_ = 	snop;
	(pc) =	sbr.rel @!p4 .LBB2_278-.Ltmp146, $3  }
0x6ca: {  	_ =	sdelay $0x1  }
0x6cb: {  	v18 =	vld.idx.msk [tilespmem:v11+s17+$0x0], $0xffff  }
0x6cc: {  	s25 =	simm.s32 $0x2;
	v17 =	vadd.s32 s23, v3;
	v19 =	vld.idx.msk [tilespmem:v11+s15+$0x0], $0xffff;
	p3 =	por $0x1, $0x1  }
0x6cd: {  	_ =	sdelay $0x1  }
0x6ce: {  	p5 =	sne.s32 s22, $0x3  }
.Ltmp147:
0x6cf: {  	_ = 	snop;
	(pc) =	sbr.rel @!p5 .LBB2_280-.Ltmp147, $4  }
0x6d0: {  	vm0 =	veq.s32 v18, v8;
	vm1 =	vle.s32 v19, v14  }
0x6d1: {  	vm2 =	vgt.s32 v7, s24;
	v20 =	vadd.s32 s25, v3;
	v18 =	vld.idx.msk [tilespmem:v17+s17+$0x0], $0xffff;
	vm0 =	vmand vm0, vm1  }
0x6d2: {  	v19 =	vld.idx.msk [tilespmem:v17+s15+$0x0], $0xffff;
	vm0 =	vmand vm2, vm0  }
0x6d3: {  	s28 =	simm.s32 $0x3;
	p4 =	por $0x1, $0x1;
	v15 =	vimm.s32 $0x0;
	s26 =	simm.s32 $0x1;
	v16 =	vmpcnt.ones.xlane vm0  }
.LBB2_281:
0x6d4: {  	s29 =	smov.u32 s28;
	s28 =	sadd.s32 $0x1, s28  }
0x6d5: {  	p5 =	sne.s32 s22, s28  }
.Ltmp148:
0x6d6: {  	vm0 =	veq.s32 v18, v8;
	v18 =	vld.idx.msk [tilespmem:v20+s17+$0x0], $0xffff;
	v15 =	vadd.s32 v15, v16;
	(pc) =	sbr.rel @p5 .LBB2_281-.Ltmp148, $4  }
0x6d7: {  	vm2 =	vgt.s32 v7, s26;
	s26 =	smov.u32 s25;
	vm1 =	vle.s32 v19, v14;
	s25 =	smov.u32 s29;
	v19 =	vld.idx.msk [tilespmem:v20+s15+$0x0], $0xffff;
	v20 =	vadd.s32 s29, v3  }
0x6d8: {  	vm0 =	vmand vm0, vm1  }
0x6d9: {  	vm0 =	vmand vm2, vm0  }
0x6da: {  	v16 =	vmpcnt.ones.xlane vm0  }
0x6db: {  	v17 =	vmov v20  }
.LBB2_283:
0x6dc: {  	_ =	sdelay $0x3  }
0x6dd: {  	v20 =	vld.idx.msk [tilespmem:v17+s17+$0x0], $0xffff  }
0x6de: {  	v62 =	vld.idx.msk [tilespmem:v17+s15+$0x0], $0xffff;
	_ =	sdelay $0x1  }
0x6df: {  	vm0 =	veq.s32 @p3 v18, v8;
	vm1 =	vle.s32 @p3 v19, v14  }
0x6e0: {  	vm0 =	vmand @p3 vm0, vm1;
	vm1 =	vgt.s32 @p3 v7, s26  }
0x6e1: {  	vm0 =	vmand @p3 vm1, vm0  }
0x6e2: {  	v18 =	vmpcnt.ones.xlane @p3 vm0;
	vm13 =	veq.s32 v20, v8;
	vm14 =	vle.s32 v62, v14  }
0x6e3: {  	vm2 =	vgt.s32 v7, s25;
	v14 =	vadd.s32 @p4 v15, v16;
	vm0 =	vmand vm13, vm14  }
0x6e4: {  	v15 =	vpsel p3, v18, v0;
	v14 =	vpsel p4, v14, v10;
	vm0 =	vmand vm2, vm0  }
0x6e5: {  	v14 =	vadd.s32 @p3 v14, v15;
	v15 =	vmpcnt.ones.xlane vm0  }
0x6e6: {  	v14 =	vpsel p3, v14, v10  }
.Ltmp149:
0x6e7: {  	v14 =	vadd.s32 v14, v15;
	(pc) =	sbr.rel @!p2 .LBB2_284-.Ltmp149, $4  }
0x6e8: {  	v14 =	vadd.s32 v9, v14  }
0x6e9: {  	vm15 =	vlt.s32 v14, $0x40  }
0x6ea: {  	v12 =	vsel vm15, v13, v12  }
0x6eb: {  	v13 =	vadd.s32 $0x8, v12;
	v14 =	vadd.s32 $0x7, v12  }
0x6ec: {  	p3 =	sne.s32 s22, $0x2  }
.Ltmp150:
0x6ed: {  	_ = 	snop;
	(pc) =	sbr.rel @!p3 .LBB2_286-.Ltmp150, $3  }
0x6ee: {  	_ =	sdelay $0x1  }
0x6ef: {  	v17 =	vld.idx.msk [tilespmem:v11+s17+$0x0], $0xffff  }
0x6f0: {  	s25 =	simm.s32 $0x2;
	v15 =	vadd.s32 s23, v3;
	v18 =	vld.idx.msk [tilespmem:v11+s15+$0x0], $0xffff;
	p2 =	por $0x1, $0x1  }
0x6f1: {  	_ =	sdelay $0x1  }
0x6f2: {  	p3 =	sne.s32 s22, $0x3  }
.Ltmp151:
0x6f3: {  	_ = 	snop;
	(pc) =	sbr.rel @!p3 .LBB2_288-.Ltmp151, $4  }
0x6f4: {  	vm0 =	veq.s32 v17, v8;
	vm1 =	vle.s32 v18, v14  }
0x6f5: {  	vm2 =	vgt.s32 v7, s24;
	v11 =	vadd.s32 s25, v3;
	v17 =	vld.idx.msk [tilespmem:v15+s17+$0x0], $0xffff;
	vm0 =	vmand vm0, vm1  }
0x6f6: {  	v18 =	vld.idx.msk [tilespmem:v15+s15+$0x0], $0xffff;
	vm0 =	vmand vm2, vm0  }
0x6f7: {  	s24 =	simm.s32 $0x3;
	p1 =	por $0x1, $0x1;
	v15 =	vimm.s32 $0x0;
	v16 =	vmpcnt.ones.xlane vm0  }
.LBB2_289:
0x6f8: {  	s26 =	smov.u32 s24;
	s24 =	sadd.s32 $0x1, s24  }
0x6f9: {  	p3 =	sne.s32 s22, s24  }
.Ltmp152:
0x6fa: {  	vm0 =	veq.s32 v17, v8;
	v17 =	vld.idx.msk [tilespmem:v11+s17+$0x0], $0xffff;
	v15 =	vadd.s32 v15, v16;
	(pc) =	sbr.rel @p3 .LBB2_289-.Ltmp152, $4  }
0x6fb: {  	vm2 =	vgt.s32 v7, s23;
	s23 =	smov.u32 s25;
	vm1 =	vle.s32 v18, v14;
	s25 =	smov.u32 s26;
	v18 =	vld.idx.msk [tilespmem:v11+s15+$0x0], $0xffff;
	v11 =	vadd.s32 s26, v3  }
0x6fc: {  	vm0 =	vmand vm0, vm1  }
0x6fd: {  	vm0 =	vmand vm2, vm0  }
0x6fe: {  	v16 =	vmpcnt.ones.xlane vm0  }
0x6ff: {  	s24 =	smov.u32 s25  }
.LBB2_291:
0x700: {  	_ =	sdelay $0x3  }
0x701: {  	v19 =	vld.idx.msk [tilespmem:v11+s17+$0x0], $0xffff  }
0x702: {  	v11 =	vld.idx.msk [tilespmem:v11+s15+$0x0], $0xffff;
	_ =	sdelay $0x1  }
0x703: {  	vm0 =	veq.s32 @p2 v17, v8;
	vm1 =	vle.s32 @p2 v18, v14  }
0x704: {  	vm0 =	vmand @p2 vm0, vm1;
	vm1 =	vgt.s32 @p2 v7, s23  }
0x705: {  	vm0 =	vmand @p2 vm1, vm0  }
0x706: {  	v17 =	vmpcnt.ones.xlane @p2 vm0;
	vm13 =	veq.s32 v19, v8;
	vm14 =	vle.s32 v11, v14  }
0x707: {  	vm2 =	vgt.s32 v7, s24;
	v11 =	vadd.s32 @p1 v15, v16;
	vm0 =	vmand vm13, vm14  }
0x708: {  	v14 =	vpsel p2, v17, v0;
	v11 =	vpsel p1, v11, v10;
	vm0 =	vmand vm2, vm0  }
0x709: {  	v11 =	vadd.s32 @p2 v11, v14;
	v14 =	vmpcnt.ones.xlane vm0  }
0x70a: {  	v10 =	vpsel p2, v11, v10;
	p2 =	sne.s32 s22, $0x1  }
.Ltmp153:
0x70b: {  	v10 =	vadd.s32 v10, v14;
	(pc) =	sbr.rel @!p2 .LBB2_298-.Ltmp153, $4  }
0x70c: {  	v10 =	vadd.s32 v9, v10  }
0x70d: {  	s24 =	simm.s32 $0x0;
	vm15 =	vlt.s32 v10, $0x40  }
0x70e: {  	p3 =	por $0x0, $0x0;
	s25 =	simm.s32 $0x0;
	v15 =	vimm.s32 $0x0;
	v11 =	vadd.s32 s24, v3;
	v12 =	vsel vm15, v13, v12  }
0x70f: {  	p4 =	por $0x0, $0x0;
	s23 =	simm.s32 $0x1;
	p1 =	por $0x0, $0x0;
	v17 =	vmovc v11;
	v10 =	vimm.s32 $0x0;
	v13 =	vadd.s32 $0x4, v12;
	v14 =	vadd.s32 $0x3, v12  }
0x710: {  	p4 =	sne.s32 s22, $0x2  }
.Ltmp154:
0x711: {  	_ = 	snop;
	(pc) =	sbr.rel @!p4 .LBB2_293-.Ltmp154, $3  }
0x712: {  	_ =	sdelay $0x1  }
0x713: {  	v18 =	vld.idx.msk [tilespmem:v11+s17+$0x0], $0xffff  }
0x714: {  	s25 =	simm.s32 $0x2;
	v17 =	vadd.s32 s23, v3;
	v19 =	vld.idx.msk [tilespmem:v11+s15+$0x0], $0xffff;
	p3 =	por $0x1, $0x1  }
0x715: {  	_ =	sdelay $0x1  }
0x716: {  	p5 =	sne.s32 s22, $0x3  }
.Ltmp155:
0x717: {  	_ = 	snop;
	(pc) =	sbr.rel @!p5 .LBB2_295-.Ltmp155, $4  }
0x718: {  	vm0 =	veq.s32 v18, v8;
	vm1 =	vle.s32 v19, v14  }
0x719: {  	vm2 =	vgt.s32 v7, s24;
	v20 =	vadd.s32 s25, v3;
	v18 =	vld.idx.msk [tilespmem:v17+s17+$0x0], $0xffff;
	vm0 =	vmand vm0, vm1  }
0x71a: {  	v19 =	vld.idx.msk [tilespmem:v17+s15+$0x0], $0xffff;
	vm0 =	vmand vm2, vm0  }
0x71b: {  	s28 =	simm.s32 $0x3;
	p4 =	por $0x1, $0x1;
	v15 =	vimm.s32 $0x0;
	s26 =	simm.s32 $0x1;
	v16 =	vmpcnt.ones.xlane vm0  }
.LBB2_296:
0x71c: {  	s29 =	smov.u32 s28;
	s28 =	sadd.s32 $0x1, s28  }
0x71d: {  	p5 =	sne.s32 s22, s28  }
.Ltmp156:
0x71e: {  	vm0 =	veq.s32 v18, v8;
	v18 =	vld.idx.msk [tilespmem:v20+s17+$0x0], $0xffff;
	v15 =	vadd.s32 v15, v16;
	(pc) =	sbr.rel @p5 .LBB2_296-.Ltmp156, $4  }
0x71f: {  	vm2 =	vgt.s32 v7, s26;
	s26 =	smov.u32 s25;
	vm1 =	vle.s32 v19, v14;
	s25 =	smov.u32 s29;
	v19 =	vld.idx.msk [tilespmem:v20+s15+$0x0], $0xffff;
	v20 =	vadd.s32 s29, v3  }
0x720: {  	vm0 =	vmand vm0, vm1  }
0x721: {  	vm0 =	vmand vm2, vm0  }
0x722: {  	v16 =	vmpcnt.ones.xlane vm0  }
0x723: {  	v17 =	vmov v20  }
.LBB2_298:
0x724: {  	_ =	sdelay $0x3  }
0x725: {  	v20 =	vld.idx.msk [tilespmem:v17+s17+$0x0], $0xffff  }
0x726: {  	v62 =	vld.idx.msk [tilespmem:v17+s15+$0x0], $0xffff;
	_ =	sdelay $0x1  }
0x727: {  	vm0 =	veq.s32 @p3 v18, v8;
	vm1 =	vle.s32 @p3 v19, v14  }
0x728: {  	vm0 =	vmand @p3 vm0, vm1;
	vm1 =	vgt.s32 @p3 v7, s26  }
0x729: {  	vm0 =	vmand @p3 vm1, vm0  }
0x72a: {  	v18 =	vmpcnt.ones.xlane @p3 vm0;
	vm13 =	veq.s32 v20, v8;
	vm14 =	vle.s32 v62, v14  }
0x72b: {  	vm2 =	vgt.s32 v7, s25;
	v14 =	vadd.s32 @p4 v15, v16;
	vm0 =	vmand vm13, vm14  }
0x72c: {  	v15 =	vpsel p3, v18, v0;
	v14 =	vpsel p4, v14, v10;
	vm0 =	vmand vm2, vm0  }
0x72d: {  	v14 =	vadd.s32 @p3 v14, v15;
	v15 =	vmpcnt.ones.xlane vm0  }
0x72e: {  	v14 =	vpsel p3, v14, v10  }
.Ltmp157:
0x72f: {  	v14 =	vadd.s32 v14, v15;
	(pc) =	sbr.rel @!p2 .LBB2_299-.Ltmp157, $4  }
0x730: {  	v14 =	vadd.s32 v9, v14  }
0x731: {  	vm15 =	vlt.s32 v14, $0x40  }
0x732: {  	v12 =	vsel vm15, v13, v12  }
0x733: {  	v13 =	vadd.s32 $0x2, v12;
	v14 =	vadd.s32 $0x1, v12  }
0x734: {  	p3 =	sne.s32 s22, $0x2  }
.Ltmp158:
0x735: {  	_ = 	snop;
	(pc) =	sbr.rel @!p3 .LBB2_301-.Ltmp158, $3  }
0x736: {  	_ =	sdelay $0x1  }
0x737: {  	v17 =	vld.idx.msk [tilespmem:v11+s17+$0x0], $0xffff  }
0x738: {  	s25 =	simm.s32 $0x2;
	v15 =	vadd.s32 s23, v3;
	v18 =	vld.idx.msk [tilespmem:v11+s15+$0x0], $0xffff;
	p2 =	por $0x1, $0x1  }
0x739: {  	_ =	sdelay $0x1  }
0x73a: {  	p3 =	sne.s32 s22, $0x3  }
.Ltmp159:
0x73b: {  	_ = 	snop;
	(pc) =	sbr.rel @!p3 .LBB2_303-.Ltmp159, $4  }
0x73c: {  	vm0 =	veq.s32 v17, v8;
	vm1 =	vle.s32 v18, v14  }
0x73d: {  	vm2 =	vgt.s32 v7, s24;
	v11 =	vadd.s32 s25, v3;
	v17 =	vld.idx.msk [tilespmem:v15+s17+$0x0], $0xffff;
	vm0 =	vmand vm0, vm1  }
0x73e: {  	v18 =	vld.idx.msk [tilespmem:v15+s15+$0x0], $0xffff;
	vm0 =	vmand vm2, vm0  }
0x73f: {  	s24 =	simm.s32 $0x3;
	p1 =	por $0x1, $0x1;
	v15 =	vimm.s32 $0x0;
	v16 =	vmpcnt.ones.xlane vm0  }
.LBB2_304:
0x740: {  	s26 =	smov.u32 s24;
	s24 =	sadd.s32 $0x1, s24  }
0x741: {  	p3 =	sne.s32 s22, s24  }
.Ltmp160:
0x742: {  	vm0 =	veq.s32 v17, v8;
	v17 =	vld.idx.msk [tilespmem:v11+s17+$0x0], $0xffff;
	v15 =	vadd.s32 v15, v16;
	(pc) =	sbr.rel @p3 .LBB2_304-.Ltmp160, $4  }
0x743: {  	vm2 =	vgt.s32 v7, s23;
	s23 =	smov.u32 s25;
	vm1 =	vle.s32 v18, v14;
	s25 =	smov.u32 s26;
	v18 =	vld.idx.msk [tilespmem:v11+s15+$0x0], $0xffff;
	v11 =	vadd.s32 s26, v3  }
0x744: {  	vm0 =	vmand vm0, vm1  }
0x745: {  	vm0 =	vmand vm2, vm0  }
0x746: {  	v16 =	vmpcnt.ones.xlane vm0  }
0x747: {  	s24 =	smov.u32 s25  }
.LBB2_306:
0x748: {  	_ =	sdelay $0x3  }
0x749: {  	v19 =	vld.idx.msk [tilespmem:v11+s17+$0x0], $0xffff  }
0x74a: {  	v11 =	vld.idx.msk [tilespmem:v11+s15+$0x0], $0xffff;
	_ =	sdelay $0x1  }
0x74b: {  	vm0 =	veq.s32 @p2 v17, v8;
	vm1 =	vle.s32 @p2 v18, v14  }
0x74c: {  	vm0 =	vmand @p2 vm0, vm1;
	vm1 =	vgt.s32 @p2 v7, s23  }
0x74d: {  	vm0 =	vmand @p2 vm1, vm0  }
0x74e: {  	v17 =	vmpcnt.ones.xlane @p2 vm0;
	vm13 =	veq.s32 v19, v8;
	vm14 =	vle.s32 v11, v14  }
0x74f: {  	vm2 =	vgt.s32 v7, s24;
	v11 =	vadd.s32 @p1 v15, v16;
	vm0 =	vmand vm13, vm14  }
0x750: {  	v14 =	vpsel p2, v17, v0;
	v11 =	vpsel p1, v11, v10;
	vm0 =	vmand vm2, vm0  }
0x751: {  	p3 =	sne.s32 s22, $0x1;
	v11 =	vadd.s32 @p2 v11, v14;
	v14 =	vmpcnt.ones.xlane vm0  }
.Ltmp161:
0x752: {  	v10 =	vpsel p2, v11, v10;
	(pc) =	sbr.rel @!p3 .LBB2_307-.Ltmp161, $4  }
0x753: {  	v10 =	vadd.s32 v10, v14  }
0x754: {  	v10 =	vadd.s32 v9, v10  }
0x755: {  	s25 =	simm.s32 $0x0;
	vm15 =	vlt.s32 v10, $0x40  }
0x756: {  	s23 =	simm.s32 $0x1;
	p1 =	por $0x0, $0x0;
	v11 =	vimm.s32 $0x0;
	p2 =	por $0x0, $0x0;
	v10 =	vsel vm15, v13, v12;
	v12 =	vadd.s32 s25, v3  }
0x757: {  	p3 =	sne.s32 s22, $0x2  }
.Ltmp162:
0x758: {  	_ = 	snop;
	(pc) =	sbr.rel @!p3 .LBB2_309-.Ltmp162, $3  }
0x759: {  	_ =	sdelay $0x1  }
0x75a: {  	v15 =	vld.idx.msk [tilespmem:v12+s17+$0x0], $0xffff  }
0x75b: {  	s24 =	simm.s32 $0x2;
	v13 =	vadd.s32 s23, v3;
	v16 =	vld.idx.msk [tilespmem:v12+s15+$0x0], $0xffff;
	p1 =	por $0x1, $0x1  }
0x75c: {  	_ =	sdelay $0x1  }
0x75d: {  	p3 =	sne.s32 s22, $0x3  }
.Ltmp163:
0x75e: {  	_ = 	snop;
	(pc) =	sbr.rel @!p3 .LBB2_311-.Ltmp163, $4  }
0x75f: {  	vm0 =	veq.s32 v15, v8;
	vm1 =	vle.s32 v16, v10  }
0x760: {  	vm2 =	vgt.s32 v7, s25;
	v12 =	vadd.s32 s24, v3;
	v15 =	vld.idx.msk [tilespmem:v13+s17+$0x0], $0xffff;
	vm0 =	vmand vm0, vm1  }
0x761: {  	v16 =	vld.idx.msk [tilespmem:v13+s15+$0x0], $0xffff;
	vm0 =	vmand vm2, vm0  }
0x762: {  	s25 =	simm.s32 $0x3;
	p2 =	por $0x1, $0x1;
	v13 =	vimm.s32 $0x0;
	v14 =	vmpcnt.ones.xlane vm0  }
.LBB2_312:
0x763: {  	s26 =	smov.u32 s25;
	s25 =	sadd.s32 $0x1, s25  }
0x764: {  	p3 =	sne.s32 s22, s25  }
.Ltmp164:
0x765: {  	vm0 =	veq.s32 v15, v8;
	v15 =	vld.idx.msk [tilespmem:v12+s17+$0x0], $0xffff;
	v13 =	vadd.s32 v13, v14;
	(pc) =	sbr.rel @p3 .LBB2_312-.Ltmp164, $4  }
0x766: {  	vm2 =	vgt.s32 v7, s23;
	s23 =	smov.u32 s24;
	vm1 =	vle.s32 v16, v10;
	s24 =	smov.u32 s26;
	v16 =	vld.idx.msk [tilespmem:v12+s15+$0x0], $0xffff;
	v12 =	vadd.s32 s26, v3  }
0x767: {  	vm0 =	vmand vm0, vm1  }
0x768: {  	vm0 =	vmand vm2, vm0  }
0x769: {  	v14 =	vmpcnt.ones.xlane vm0  }
0x76a: {  	s25 =	smov.u32 s24  }
.LBB2_314:
0x76b: {  	_ =	sdelay $0x3  }
0x76c: {  	v17 =	vld.idx.msk [tilespmem:v12+s17+$0x0], $0xffff  }
0x76d: {  	v61 =	vld.idx.msk [tilespmem:v12+s15+$0x0], $0xffff;
	_ =	sdelay $0x1  }
0x76e: {  	vm0 =	veq.s32 @p1 v15, v8;
	vm1 =	vle.s32 @p1 v16, v10  }
0x76f: {  	vm0 =	vmand @p1 vm0, vm1;
	vm1 =	vgt.s32 @p1 v7, s23  }
0x770: {  	vm0 =	vmand @p1 vm1, vm0  }
0x771: {  	v15 =	vmpcnt.ones.xlane @p1 vm0;
	vm13 =	veq.s32 v17, v8;
	vm14 =	vle.s32 v61, v10  }
0x772: {  	v12 =	vadd.s32 @p2 v13, v14;
	vm2 =	vgt.s32 v7, s25;
	vm0 =	vmand vm13, vm14  }
0x773: {  	v12 =	vpsel p2, v12, v11;
	v13 =	vpsel p1, v15, v0;
	vm0 =	vmand vm2, vm0  }
0x774: {  	v12 =	vadd.s32 @p1 v12, v13;
	v62 =	vmpcnt.ones.xlane vm0  }
0x775: {  	v11 =	vpsel p1, v12, v11  }
0x776: {  	v11 =	vadd.s32 v11, v62  }
0x777: {  	v9 =	vadd.s32 v9, v11  }
0x778: {  	vm15 =	vlt.s32 v9, $0x40  }
0x779: {  	v9 =	vsel vm15, $0x1, v5  }
0x77a: {  	v10 =	vadd.s32 v9, v10  }
.LBB2_315:
0x77b: {  	s23 =	simm.s32 $0x0  }
0x77c: {  	v11 =	vadd.s32 s23, v3;
	_ =	sdelay $0x4  }
0x77d: {  	v9 =	vld.idx.msk [tilespmem:v11+s15+$0x0], $0xffff  }
0x77e: {  	v11 =	vld.idx.msk [tilespmem:v11+s17+$0x0], $0xffff;
	_ =	sdelay $0x3  }
0x77f: {  	p1 =	sne.s32 s22, $0x1  }
.Ltmp165:
0x780: {  	vm0 =	veq.s32 v11, v8;
	vm1 =	vle.s32 v9, v10;
	(pc) =	sbr.rel @!p1 .LBB2_317-.Ltmp165, $4  }
0x781: {  	vm2 =	vgt.s32 v11, v8;
	vm0 =	vmand vm0, vm1  }
0x782: {  	vm1 =	vgt.s32 v7, s23;
	vm0 =	vmor vm2, vm0  }
0x783: {  	vm0 =	vmand vm1, vm0  }
0x784: {  	s23 =	simm.s32 $0x1  }
.LBB2_316:
0x785: {  	v12 =	vadd.s32 s23, v3;
	s24 =	smov.u32 s23  }
0x786: {  	s23 =	sadd.s32 $0x1, s23  }
0x787: {  	vm1 =	vgt.s32 v11, $0xFFFFFFFF;
	p1 =	sne.s32 s22, s23  }
0x788: {  	v11 =	vnsel vm1, $0x0, v11  }
0x789: {  	[tilespmem:v9+s16+$0x0] =	vst.idx.msk vm0, v11  }
0x78a: {  	v9 =	vld.idx.msk [tilespmem:v12+s15+$0x0], $0xffff  }
0x78b: {  	v11 =	vld.idx.msk [tilespmem:v12+s17+$0x0], $0xffff;
	_ =	sdelay $0x4  }
.Ltmp166:
0x78c: {  	(pc) =	sbr.rel @p1 .LBB2_316-.Ltmp166, $4  }
0x78d: {  	vm1 =	vle.s32 v9, v10;
	vm0 =	veq.s32 v11, v8  }
0x78e: {  	vm2 =	vgt.s32 v11, v8;
	vm0 =	vmand vm0, vm1  }
0x78f: {  	vm1 =	vgt.s32 v7, s24;
	vm0 =	vmor vm2, vm0  }
0x790: {  	vm0 =	vmand vm1, vm0  }
.Ltmp167:
0x791: {  	_ = 	snop;
	(pc) =	sbr.rel .LBB2_317-.Ltmp167, $1  }
0x792: {  	_ =	sdelay $0x3  }
.LBB2_28:
0x793: {  	v12 =	vimm.s32 $0x0;
	s28 =	simm.s32 $0x0  }
.LBB2_35:
0x794: {  	_ =	sdelay $0x3  }
0x795: {  	v11 =	vld.idx.msk [tilespmem:v11+s17+$0x0], $0xffff;
	_ =	sdelay $0x1  }
0x796: {  	vm1 =	vgt.s32 @p1 v7, s30;
	vm0 =	vge.s32 @p1 v14, v9  }
0x797: {  	vm0 =	vmand @p1 vm1, vm0  }
0x798: {  	v14 =	vmpcnt.ones.xlane @p1 vm0  }
0x799: {  	v12 =	vadd.s32 @p2 v12, v13;
	vm14 =	vgt.s32 v7, s28;
	vm13 =	vge.s32 v11, v9  }
0x79a: {  	v12 =	vpsel p2, v12, v10;
	v11 =	vpsel p1, v14, v0;
	vm0 =	vmand vm14, vm13  }
0x79b: {  	v11 =	vadd.s32 @p1 v12, v11;
	v62 =	vmpcnt.ones.xlane vm0  }
0x79c: {  	v10 =	vpsel p1, v11, v10  }
0x79d: {  	v10 =	vadd.s32 v10, v62  }
0x79e: {  	vm15 =	vgt.s32 v10, $0x3F  }
0x79f: {  	v8 =	vsel vm15, v9, v8  }
.LBB2_36:
0x7a0: {  	p1 =	seq.s32 s24, s26  }
.Ltmp168:
0x7a1: {  	_ = 	snop;
	(pc) =	sbr.rel @p1 .LBB2_23-.Ltmp168, $3  }
0x7a2: {  	_ =	sdelay $0x1  }
0x7a3: {  	s28 =	sadd.s32 $0x1, s26  }
0x7a4: {  	s26 =	smov.u32 s28  }
.LBB2_26:
0x7a5: {  	p1 =	slt.s32 s23, $0x1  }
.Ltmp169:
0x7a6: {  	_ = 	snop;
	(pc) =	sbr.rel @p1 .LBB2_36-.Ltmp169, $1  }
0x7a7: {  	_ =	sdelay $0x3  }
0x7a8: {  	p3 =	sne.s32 s23, $0x1  }
.Ltmp170:
0x7a9: {  	_ = 	snop;
	(pc) =	sbr.rel @!p3 .LBB2_28-.Ltmp170, $4  }
0x7aa: {  	s28 =	ssub.s32 s24, s26  }
0x7ab: {  	v9 =	vmov s28;
	v10 =	vshll.u32 v6, s28  }
0x7ac: {  	vm0 =	veq.s32 v9, $0x1F;
	v9 =	vxor.u32 $0x80000000, v8;
	v10 =	vor.u32 v8, v10  }
0x7ad: {  	v11 =	vadd.s32 s25, v3;
	p1 =	por $0x0, $0x0;
	p2 =	por $0x0, $0x0;
	s28 =	simm.s32 $0x1;
	v9 =	vsel vm0, v9, v10;
	v10 =	vimm.s32 $0x0  }
0x7ae: {  	p3 =	sne.s32 s23, $0x2  }
.Ltmp171:
0x7af: {  	_ = 	snop;
	(pc) =	sbr.rel @!p3 .LBB2_30-.Ltmp171, $2  }
0x7b0: {  	_ =	sdelay $0x2  }
0x7b1: {  	v14 =	vld.idx.msk [tilespmem:v11+s17+$0x0], $0xffff;
	s29 =	simm.s32 $0x2;
	v11 =	vadd.s32 s28, v3;
	p1 =	por $0x1, $0x1  }
0x7b2: {  	_ = 	snop  }
0x7b3: {  	p3 =	sne.s32 s23, $0x3  }
.Ltmp172:
0x7b4: {  	_ = 	snop;
	(pc) =	sbr.rel @!p3 .LBB2_32-.Ltmp172, $4  }
0x7b5: {  	_ = 	snop  }
0x7b6: {  	vm1 =	vgt.s32 v7, s25;
	vm0 =	vge.s32 v14, v9  }
0x7b7: {  	vm0 =	vmand vm1, vm0  }
0x7b8: {  	s30 =	simm.s32 $0x3;
	p2 =	por $0x1, $0x1;
	v12 =	vimm.s32 $0x0;
	v14 =	vld.idx.msk [tilespmem:v11+s17+$0x0], $0xffff;
	v11 =	vadd.s32 s29, v3;
	v13 =	vmpcnt.ones.xlane vm0  }
.LBB2_33:
0x7b9: {  	s31 =	smov.u32 s30;
	s30 =	sadd.s32 $0x1, s30  }
0x7ba: {  	p3 =	sne.s32 s23, s30  }
.Ltmp173:
0x7bb: {  	v12 =	vadd.s32 v12, v13;
	(pc) =	sbr.rel @p3 .LBB2_33-.Ltmp173, $4  }
0x7bc: {  	_ = 	snop  }
0x7bd: {  	vm1 =	vgt.s32 v7, s28;
	s28 =	smov.u32 s29;
	s29 =	smov.u32 s31;
	vm0 =	vge.s32 v14, v9;
	v14 =	vld.idx.msk [tilespmem:v11+s17+$0x0], $0xffff  }
0x7be: {  	v11 =	vadd.s32 s29, v3;
	vm0 =	vmand vm1, vm0  }
0x7bf: {  	v13 =	vmpcnt.ones.xlane vm0  }
.Ltmp174:
0x7c0: {  	(pc) =	sbr.rel .LBB2_35-.Ltmp174, $2  }
0x7c1: {  	_ =	sdelay $0x2  }
0x7c2: {  	s30 =	smov.u32 s28;
	s28 =	smov.u32 s29  }
.LBB2_30:
.Ltmp175:
0x7c3: {  	(pc) =	sbr.rel .LBB2_35-.Ltmp175, $2  }
0x7c4: {  	_ =	sdelay $0x2  }
0x7c5: {  	v12 =	vimm.s32 $0x0;
	s30 =	simm.s32 $0x0  }
.LBB2_32:
.Ltmp176:
0x7c6: {  	(pc) =	sbr.rel .LBB2_35-.Ltmp176, $2  }
0x7c7: {  	_ =	sdelay $0x2  }
0x7c8: {  	v12 =	vimm.s32 $0x0;
	s30 =	simm.s32 $0x1;
	s28 =	simm.s32 $0x2  }
.LBB2_185:
0x7c9: {  	v12 =	vimm.s32 $0x0;
	s26 =	simm.s32 $0x0  }
.LBB2_192:
0x7ca: {  	_ =	sdelay $0x3  }
0x7cb: {  	v11 =	vld.idx.msk [tilespmem:v11+s17+$0x0], $0xffff;
	_ =	sdelay $0x1  }
0x7cc: {  	vm1 =	vgt.s32 @p1 v7, s29;
	vm0 =	vge.s32 @p1 v14, v9  }
0x7cd: {  	vm0 =	vmand @p1 vm1, vm0  }
0x7ce: {  	v14 =	vmpcnt.ones.xlane @p1 vm0  }
0x7cf: {  	v12 =	vadd.s32 @p2 v12, v13;
	vm14 =	vgt.s32 v7, s26;
	vm13 =	vge.s32 v11, v9  }
0x7d0: {  	v12 =	vpsel p2, v12, v10;
	v11 =	vpsel p1, v14, v0;
	vm0 =	vmand vm14, vm13  }
0x7d1: {  	v11 =	vadd.s32 @p1 v12, v11;
	v62 =	vmpcnt.ones.xlane vm0  }
0x7d2: {  	v10 =	vpsel p1, v11, v10  }
0x7d3: {  	v10 =	vadd.s32 v10, v62  }
0x7d4: {  	vm15 =	vgt.s32 v10, $0x3F  }
0x7d5: {  	v8 =	vsel vm15, v9, v8  }
.LBB2_193:
0x7d6: {  	p1 =	seq.s32 s23, s25  }
.Ltmp177:
0x7d7: {  	_ = 	snop;
	(pc) =	sbr.rel @p1 .LBB2_180-.Ltmp177, $3  }
0x7d8: {  	_ =	sdelay $0x1  }
0x7d9: {  	s26 =	sadd.s32 $0x1, s25  }
0x7da: {  	s25 =	smov.u32 s26  }
.LBB2_183:
0x7db: {  	p1 =	slt.s32 s22, $0x1  }
.Ltmp178:
0x7dc: {  	_ = 	snop;
	(pc) =	sbr.rel @p1 .LBB2_193-.Ltmp178, $1  }
0x7dd: {  	_ =	sdelay $0x3  }
0x7de: {  	p3 =	sne.s32 s22, $0x1  }
.Ltmp179:
0x7df: {  	_ = 	snop;
	(pc) =	sbr.rel @!p3 .LBB2_185-.Ltmp179, $4  }
0x7e0: {  	s26 =	ssub.s32 s23, s25  }
0x7e1: {  	v9 =	vmov s26;
	v10 =	vshll.u32 v6, s26  }
0x7e2: {  	vm0 =	veq.s32 v9, $0x1F;
	v9 =	vxor.u32 $0x80000000, v8;
	v10 =	vor.u32 v8, v10  }
0x7e3: {  	v11 =	vadd.s32 s24, v3;
	p1 =	por $0x0, $0x0;
	p2 =	por $0x0, $0x0;
	s26 =	simm.s32 $0x1;
	v9 =	vsel vm0, v9, v10;
	v10 =	vimm.s32 $0x0  }
0x7e4: {  	p3 =	sne.s32 s22, $0x2  }
.Ltmp180:
0x7e5: {  	_ = 	snop;
	(pc) =	sbr.rel @!p3 .LBB2_187-.Ltmp180, $2  }
0x7e6: {  	_ =	sdelay $0x2  }
0x7e7: {  	v14 =	vld.idx.msk [tilespmem:v11+s17+$0x0], $0xffff;
	s28 =	simm.s32 $0x2;
	v11 =	vadd.s32 s26, v3;
	p1 =	por $0x1, $0x1  }
0x7e8: {  	_ = 	snop  }
0x7e9: {  	p3 =	sne.s32 s22, $0x3  }
.Ltmp181:
0x7ea: {  	_ = 	snop;
	(pc) =	sbr.rel @!p3 .LBB2_189-.Ltmp181, $4  }
0x7eb: {  	_ = 	snop  }
0x7ec: {  	vm1 =	vgt.s32 v7, s24;
	vm0 =	vge.s32 v14, v9  }
0x7ed: {  	vm0 =	vmand vm1, vm0  }
0x7ee: {  	s29 =	simm.s32 $0x3;
	p2 =	por $0x1, $0x1;
	v12 =	vimm.s32 $0x0;
	v14 =	vld.idx.msk [tilespmem:v11+s17+$0x0], $0xffff;
	v11 =	vadd.s32 s28, v3;
	v13 =	vmpcnt.ones.xlane vm0  }
.LBB2_190:
0x7ef: {  	s30 =	smov.u32 s29;
	s29 =	sadd.s32 $0x1, s29  }
0x7f0: {  	p3 =	sne.s32 s22, s29  }
.Ltmp182:
0x7f1: {  	v12 =	vadd.s32 v12, v13;
	(pc) =	sbr.rel @p3 .LBB2_190-.Ltmp182, $4  }
0x7f2: {  	_ = 	snop  }
0x7f3: {  	vm1 =	vgt.s32 v7, s26;
	s26 =	smov.u32 s28;
	s28 =	smov.u32 s30;
	vm0 =	vge.s32 v14, v9;
	v14 =	vld.idx.msk [tilespmem:v11+s17+$0x0], $0xffff  }
0x7f4: {  	v11 =	vadd.s32 s28, v3;
	vm0 =	vmand vm1, vm0  }
0x7f5: {  	v13 =	vmpcnt.ones.xlane vm0  }
.Ltmp183:
0x7f6: {  	(pc) =	sbr.rel .LBB2_192-.Ltmp183, $2  }
0x7f7: {  	_ =	sdelay $0x2  }
0x7f8: {  	s29 =	smov.u32 s26;
	s26 =	smov.u32 s28  }
.LBB2_187:
.Ltmp184:
0x7f9: {  	(pc) =	sbr.rel .LBB2_192-.Ltmp184, $2  }
0x7fa: {  	_ =	sdelay $0x2  }
0x7fb: {  	v12 =	vimm.s32 $0x0;
	s29 =	simm.s32 $0x0  }
.LBB2_189:
.Ltmp185:
0x7fc: {  	(pc) =	sbr.rel .LBB2_192-.Ltmp185, $2  }
0x7fd: {  	_ =	sdelay $0x2  }
0x7fe: {  	v12 =	vimm.s32 $0x0;
	s29 =	simm.s32 $0x1;
	s26 =	simm.s32 $0x2  }
.LBB2_8:
.Ltmp186:
0x7ff: {  	(pc) =	sbr.rel .LBB2_13-.Ltmp186, $2  }
0x800: {  	_ =	sdelay $0x2  }
0x801: {  	v22 =	vmov v8  }
.LBB2_25:
.Ltmp187:
0x802: {  	(pc) =	sbr.rel .LBB2_43-.Ltmp187, $2  }
0x803: {  	_ =	sdelay $0x2  }
0x804: {  	v11 =	vimm.s32 $0x0;
	v12 =	vimm.s32 $0x0  }
.LBB2_165:
.Ltmp188:
0x805: {  	(pc) =	sbr.rel .LBB2_170-.Ltmp188, $2  }
0x806: {  	_ =	sdelay $0x2  }
0x807: {  	v22 =	vmov v8  }
.LBB2_182:
.Ltmp189:
0x808: {  	(pc) =	sbr.rel .LBB2_200-.Ltmp189, $2  }
0x809: {  	_ =	sdelay $0x2  }
0x80a: {  	v11 =	vimm.s32 $0x0;
	v12 =	vimm.s32 $0x0  }
.LBB2_10:
.Ltmp190:
0x80b: {  	(pc) =	sbr.rel .LBB2_13-.Ltmp190, $2  }
0x80c: {  	_ =	sdelay $0x2  }
0x80d: {  	s25 =	smov.u32 s24;
	v22 =	vmov v8  }
.LBB2_38:
.Ltmp191:
0x80e: {  	(pc) =	sbr.rel .LBB2_43-.Ltmp191, $2  }
0x80f: {  	_ =	sdelay $0x2  }
0x810: {  	v11 =	vimm.s32 $0x0;
	v12 =	vimm.s32 $0x0;
	s24 =	simm.s32 $0x0;
	s25 =	simm.s32 $0x1  }
.LBB2_167:
.Ltmp192:
0x811: {  	(pc) =	sbr.rel .LBB2_170-.Ltmp192, $2  }
0x812: {  	_ =	sdelay $0x2  }
0x813: {  	s25 =	smov.u32 s24;
	v22 =	vmov v8  }
.LBB2_195:
.Ltmp193:
0x814: {  	(pc) =	sbr.rel .LBB2_200-.Ltmp193, $2  }
0x815: {  	_ =	sdelay $0x2  }
0x816: {  	v11 =	vimm.s32 $0x0;
	v12 =	vimm.s32 $0x0;
	s23 =	simm.s32 $0x0;
	s24 =	simm.s32 $0x1  }
.LBB2_40:
.Ltmp194:
0x817: {  	(pc) =	sbr.rel .LBB2_43-.Ltmp194, $2  }
0x818: {  	_ =	sdelay $0x2  }
0x819: {  	v11 =	vimm.s32 $0x0;
	v12 =	vimm.s32 $0x0;
	s25 =	simm.s32 $0x2;
	v16 =	vmov v14  }
.LBB2_197:
.Ltmp195:
0x81a: {  	(pc) =	sbr.rel .LBB2_200-.Ltmp195, $2  }
0x81b: {  	_ =	sdelay $0x2  }
0x81c: {  	v11 =	vimm.s32 $0x0;
	v12 =	vimm.s32 $0x0;
	s24 =	simm.s32 $0x2;
	v16 =	vmov v14  }
.LBB2_52:
.Ltmp196:
0x81d: {  	(pc) =	sbr.rel .LBB2_59-.Ltmp196, $2  }
0x81e: {  	_ =	sdelay $0x2  }
0x81f: {  	v15 =	vimm.s32 $0x0;
	p3 =	por $0x0, $0x0  }
.LBB2_67:
.Ltmp197:
0x820: {  	(pc) =	sbr.rel .LBB2_74-.Ltmp197, $2  }
0x821: {  	_ =	sdelay $0x2  }
0x822: {  	v15 =	vimm.s32 $0x0;
	p3 =	por $0x0, $0x0  }
.LBB2_82:
.Ltmp198:
0x823: {  	(pc) =	sbr.rel .LBB2_89-.Ltmp198, $2  }
0x824: {  	_ =	sdelay $0x2  }
0x825: {  	v15 =	vimm.s32 $0x0;
	p3 =	por $0x0, $0x0  }
.LBB2_97:
.Ltmp199:
0x826: {  	(pc) =	sbr.rel .LBB2_104-.Ltmp199, $2  }
0x827: {  	_ =	sdelay $0x2  }
0x828: {  	v15 =	vimm.s32 $0x0;
	p3 =	por $0x0, $0x0  }
.LBB2_112:
.Ltmp200:
0x829: {  	(pc) =	sbr.rel .LBB2_119-.Ltmp200, $2  }
0x82a: {  	_ =	sdelay $0x2  }
0x82b: {  	v15 =	vimm.s32 $0x0;
	p3 =	por $0x0, $0x0  }
.LBB2_127:
.Ltmp201:
0x82c: {  	(pc) =	sbr.rel .LBB2_134-.Ltmp201, $2  }
0x82d: {  	_ =	sdelay $0x2  }
0x82e: {  	v15 =	vimm.s32 $0x0;
	p3 =	por $0x0, $0x0  }
.LBB2_142:
.Ltmp202:
0x82f: {  	(pc) =	sbr.rel .LBB2_149-.Ltmp202, $2  }
0x830: {  	_ =	sdelay $0x2  }
0x831: {  	v15 =	vimm.s32 $0x0;
	p3 =	por $0x0, $0x0  }
.LBB2_150:
.Ltmp203:
0x832: {  	(pc) =	sbr.rel .LBB2_157-.Ltmp203, $2  }
0x833: {  	_ =	sdelay $0x2  }
0x834: {  	v13 =	vimm.s32 $0x0  }
.LBB2_209:
.Ltmp204:
0x835: {  	(pc) =	sbr.rel .LBB2_216-.Ltmp204, $2  }
0x836: {  	_ =	sdelay $0x2  }
0x837: {  	v15 =	vimm.s32 $0x0;
	p2 =	por $0x0, $0x0  }
.LBB2_224:
.Ltmp205:
0x838: {  	(pc) =	sbr.rel .LBB2_231-.Ltmp205, $2  }
0x839: {  	_ =	sdelay $0x2  }
0x83a: {  	v15 =	vimm.s32 $0x0;
	p2 =	por $0x0, $0x0  }
.LBB2_239:
.Ltmp206:
0x83b: {  	(pc) =	sbr.rel .LBB2_246-.Ltmp206, $2  }
0x83c: {  	_ =	sdelay $0x2  }
0x83d: {  	v15 =	vimm.s32 $0x0;
	p2 =	por $0x0, $0x0  }
.LBB2_254:
.Ltmp207:
0x83e: {  	(pc) =	sbr.rel .LBB2_261-.Ltmp207, $2  }
0x83f: {  	_ =	sdelay $0x2  }
0x840: {  	v15 =	vimm.s32 $0x0;
	p2 =	por $0x0, $0x0  }
.LBB2_269:
.Ltmp208:
0x841: {  	(pc) =	sbr.rel .LBB2_276-.Ltmp208, $2  }
0x842: {  	_ =	sdelay $0x2  }
0x843: {  	v15 =	vimm.s32 $0x0;
	p2 =	por $0x0, $0x0  }
.LBB2_284:
.Ltmp209:
0x844: {  	(pc) =	sbr.rel .LBB2_291-.Ltmp209, $2  }
0x845: {  	_ =	sdelay $0x2  }
0x846: {  	v15 =	vimm.s32 $0x0;
	p2 =	por $0x0, $0x0  }
.LBB2_299:
.Ltmp210:
0x847: {  	(pc) =	sbr.rel .LBB2_306-.Ltmp210, $2  }
0x848: {  	_ =	sdelay $0x2  }
0x849: {  	v15 =	vimm.s32 $0x0;
	p2 =	por $0x0, $0x0  }
.LBB2_307:
.Ltmp211:
0x84a: {  	(pc) =	sbr.rel .LBB2_314-.Ltmp211, $2  }
0x84b: {  	_ =	sdelay $0x2  }
0x84c: {  	v13 =	vimm.s32 $0x0  }
.LBB2_46:
.Ltmp212:
0x84d: {  	(pc) =	sbr.rel .LBB2_51-.Ltmp212, $2  }
0x84e: {  	_ =	sdelay $0x2  }
0x84f: {  	v12 =	vimm.s32 $0x0;
	s28 =	simm.s32 $0x0;
	s26 =	simm.s32 $0x1;
	p5 =	por $0x0, $0x0  }
.LBB2_54:
.Ltmp213:
0x850: {  	(pc) =	sbr.rel .LBB2_59-.Ltmp213, $2  }
0x851: {  	_ =	sdelay $0x2  }
0x852: {  	v11 =	vmov v15;
	v15 =	vimm.s32 $0x0;
	s24 =	simm.s32 $0x0;
	s25 =	simm.s32 $0x1  }
.LBB2_61:
.Ltmp214:
0x853: {  	(pc) =	sbr.rel .LBB2_66-.Ltmp214, $2  }
0x854: {  	_ =	sdelay $0x2  }
0x855: {  	v15 =	vimm.s32 $0x0;
	s28 =	simm.s32 $0x0;
	s26 =	simm.s32 $0x1;
	p5 =	por $0x0, $0x0  }
.LBB2_69:
.Ltmp215:
0x856: {  	(pc) =	sbr.rel .LBB2_74-.Ltmp215, $2  }
0x857: {  	_ =	sdelay $0x2  }
0x858: {  	v11 =	vmov v15;
	v15 =	vimm.s32 $0x0;
	s24 =	simm.s32 $0x0;
	s25 =	simm.s32 $0x1  }
.LBB2_76:
.Ltmp216:
0x859: {  	(pc) =	sbr.rel .LBB2_81-.Ltmp216, $2  }
0x85a: {  	_ =	sdelay $0x2  }
0x85b: {  	v15 =	vimm.s32 $0x0;
	s28 =	simm.s32 $0x0;
	s26 =	simm.s32 $0x1;
	p5 =	por $0x0, $0x0  }
.LBB2_84:
.Ltmp217:
0x85c: {  	(pc) =	sbr.rel .LBB2_89-.Ltmp217, $2  }
0x85d: {  	_ =	sdelay $0x2  }
0x85e: {  	v11 =	vmov v15;
	v15 =	vimm.s32 $0x0;
	s24 =	simm.s32 $0x0;
	s25 =	simm.s32 $0x1  }
.LBB2_91:
.Ltmp218:
0x85f: {  	(pc) =	sbr.rel .LBB2_96-.Ltmp218, $2  }
0x860: {  	_ =	sdelay $0x2  }
0x861: {  	v15 =	vimm.s32 $0x0;
	s28 =	simm.s32 $0x0;
	s26 =	simm.s32 $0x1;
	p5 =	por $0x0, $0x0  }
.LBB2_99:
.Ltmp219:
0x862: {  	(pc) =	sbr.rel .LBB2_104-.Ltmp219, $2  }
0x863: {  	_ =	sdelay $0x2  }
0x864: {  	v11 =	vmov v15;
	v15 =	vimm.s32 $0x0;
	s24 =	simm.s32 $0x0;
	s25 =	simm.s32 $0x1  }
.LBB2_106:
.Ltmp220:
0x865: {  	(pc) =	sbr.rel .LBB2_111-.Ltmp220, $2  }
0x866: {  	_ =	sdelay $0x2  }
0x867: {  	v15 =	vimm.s32 $0x0;
	s28 =	simm.s32 $0x0;
	s26 =	simm.s32 $0x1;
	p5 =	por $0x0, $0x0  }
.LBB2_114:
.Ltmp221:
0x868: {  	(pc) =	sbr.rel .LBB2_119-.Ltmp221, $2  }
0x869: {  	_ =	sdelay $0x2  }
0x86a: {  	v11 =	vmov v15;
	v15 =	vimm.s32 $0x0;
	s24 =	simm.s32 $0x0;
	s25 =	simm.s32 $0x1  }
.LBB2_121:
.Ltmp222:
0x86b: {  	(pc) =	sbr.rel .LBB2_126-.Ltmp222, $2  }
0x86c: {  	_ =	sdelay $0x2  }
0x86d: {  	v15 =	vimm.s32 $0x0;
	s28 =	simm.s32 $0x0;
	s26 =	simm.s32 $0x1;
	p5 =	por $0x0, $0x0  }
.LBB2_129:
.Ltmp223:
0x86e: {  	(pc) =	sbr.rel .LBB2_134-.Ltmp223, $2  }
0x86f: {  	_ =	sdelay $0x2  }
0x870: {  	v11 =	vmov v15;
	v15 =	vimm.s32 $0x0;
	s24 =	simm.s32 $0x0;
	s25 =	simm.s32 $0x1  }
.LBB2_136:
.Ltmp224:
0x871: {  	(pc) =	sbr.rel .LBB2_141-.Ltmp224, $2  }
0x872: {  	_ =	sdelay $0x2  }
0x873: {  	v15 =	vimm.s32 $0x0;
	s28 =	simm.s32 $0x0;
	s26 =	simm.s32 $0x1;
	p5 =	por $0x0, $0x0  }
.LBB2_144:
.Ltmp225:
0x874: {  	(pc) =	sbr.rel .LBB2_149-.Ltmp225, $2  }
0x875: {  	_ =	sdelay $0x2  }
0x876: {  	v11 =	vmov v15;
	v15 =	vimm.s32 $0x0;
	s24 =	simm.s32 $0x0;
	s25 =	simm.s32 $0x1  }
.LBB2_152:
.Ltmp226:
0x877: {  	(pc) =	sbr.rel .LBB2_157-.Ltmp226, $2  }
0x878: {  	_ =	sdelay $0x2  }
0x879: {  	v12 =	vmov v13;
	v13 =	vimm.s32 $0x0;
	s24 =	simm.s32 $0x0;
	s26 =	simm.s32 $0x1  }
.LBB2_203:
.Ltmp227:
0x87a: {  	(pc) =	sbr.rel .LBB2_208-.Ltmp227, $2  }
0x87b: {  	_ =	sdelay $0x2  }
0x87c: {  	v12 =	vimm.s32 $0x0;
	s26 =	simm.s32 $0x0;
	s25 =	simm.s32 $0x1;
	p4 =	por $0x0, $0x0  }
.LBB2_211:
.Ltmp228:
0x87d: {  	(pc) =	sbr.rel .LBB2_216-.Ltmp228, $2  }
0x87e: {  	_ =	sdelay $0x2  }
0x87f: {  	v11 =	vmov v15;
	v15 =	vimm.s32 $0x0;
	s23 =	simm.s32 $0x0;
	s24 =	simm.s32 $0x1  }
.LBB2_218:
.Ltmp229:
0x880: {  	(pc) =	sbr.rel .LBB2_223-.Ltmp229, $2  }
0x881: {  	_ =	sdelay $0x2  }
0x882: {  	v15 =	vimm.s32 $0x0;
	s26 =	simm.s32 $0x0;
	s25 =	simm.s32 $0x1;
	p4 =	por $0x0, $0x0  }
.LBB2_226:
.Ltmp230:
0x883: {  	(pc) =	sbr.rel .LBB2_231-.Ltmp230, $2  }
0x884: {  	_ =	sdelay $0x2  }
0x885: {  	v11 =	vmov v15;
	v15 =	vimm.s32 $0x0;
	s23 =	simm.s32 $0x0;
	s24 =	simm.s32 $0x1  }
.LBB2_233:
.Ltmp231:
0x886: {  	(pc) =	sbr.rel .LBB2_238-.Ltmp231, $2  }
0x887: {  	_ =	sdelay $0x2  }
0x888: {  	v15 =	vimm.s32 $0x0;
	s26 =	simm.s32 $0x0;
	s25 =	simm.s32 $0x1;
	p4 =	por $0x0, $0x0  }
.LBB2_241:
.Ltmp232:
0x889: {  	(pc) =	sbr.rel .LBB2_246-.Ltmp232, $2  }
0x88a: {  	_ =	sdelay $0x2  }
0x88b: {  	v11 =	vmov v15;
	v15 =	vimm.s32 $0x0;
	s23 =	simm.s32 $0x0;
	s24 =	simm.s32 $0x1  }
.LBB2_248:
.Ltmp233:
0x88c: {  	(pc) =	sbr.rel .LBB2_253-.Ltmp233, $2  }
0x88d: {  	_ =	sdelay $0x2  }
0x88e: {  	v15 =	vimm.s32 $0x0;
	s26 =	simm.s32 $0x0;
	s25 =	simm.s32 $0x1;
	p4 =	por $0x0, $0x0  }
.LBB2_256:
.Ltmp234:
0x88f: {  	(pc) =	sbr.rel .LBB2_261-.Ltmp234, $2  }
0x890: {  	_ =	sdelay $0x2  }
0x891: {  	v11 =	vmov v15;
	v15 =	vimm.s32 $0x0;
	s23 =	simm.s32 $0x0;
	s24 =	simm.s32 $0x1  }
.LBB2_263:
.Ltmp235:
0x892: {  	(pc) =	sbr.rel .LBB2_268-.Ltmp235, $2  }
0x893: {  	_ =	sdelay $0x2  }
0x894: {  	v15 =	vimm.s32 $0x0;
	s26 =	simm.s32 $0x0;
	s25 =	simm.s32 $0x1;
	p4 =	por $0x0, $0x0  }
.LBB2_271:
.Ltmp236:
0x895: {  	(pc) =	sbr.rel .LBB2_276-.Ltmp236, $2  }
0x896: {  	_ =	sdelay $0x2  }
0x897: {  	v11 =	vmov v15;
	v15 =	vimm.s32 $0x0;
	s23 =	simm.s32 $0x0;
	s24 =	simm.s32 $0x1  }
.LBB2_278:
.Ltmp237:
0x898: {  	(pc) =	sbr.rel .LBB2_283-.Ltmp237, $2  }
0x899: {  	_ =	sdelay $0x2  }
0x89a: {  	v15 =	vimm.s32 $0x0;
	s26 =	simm.s32 $0x0;
	s25 =	simm.s32 $0x1;
	p4 =	por $0x0, $0x0  }
.LBB2_286:
.Ltmp238:
0x89b: {  	(pc) =	sbr.rel .LBB2_291-.Ltmp238, $2  }
0x89c: {  	_ =	sdelay $0x2  }
0x89d: {  	v11 =	vmov v15;
	v15 =	vimm.s32 $0x0;
	s23 =	simm.s32 $0x0;
	s24 =	simm.s32 $0x1  }
.LBB2_293:
.Ltmp239:
0x89e: {  	(pc) =	sbr.rel .LBB2_298-.Ltmp239, $2  }
0x89f: {  	_ =	sdelay $0x2  }
0x8a0: {  	v15 =	vimm.s32 $0x0;
	s26 =	simm.s32 $0x0;
	s25 =	simm.s32 $0x1;
	p4 =	por $0x0, $0x0  }
.LBB2_301:
.Ltmp240:
0x8a1: {  	(pc) =	sbr.rel .LBB2_306-.Ltmp240, $2  }
0x8a2: {  	_ =	sdelay $0x2  }
0x8a3: {  	v11 =	vmov v15;
	v15 =	vimm.s32 $0x0;
	s23 =	simm.s32 $0x0;
	s24 =	simm.s32 $0x1  }
.LBB2_309:
.Ltmp241:
0x8a4: {  	(pc) =	sbr.rel .LBB2_314-.Ltmp241, $2  }
0x8a5: {  	_ =	sdelay $0x2  }
0x8a6: {  	v12 =	vmov v13;
	v13 =	vimm.s32 $0x0;
	s23 =	simm.s32 $0x0;
	s25 =	simm.s32 $0x1  }
.LBB2_48:
.Ltmp242:
0x8a7: {  	(pc) =	sbr.rel .LBB2_51-.Ltmp242, $2  }
0x8a8: {  	_ =	sdelay $0x2  }
0x8a9: {  	v14 =	vmov v17;
	v12 =	vimm.s32 $0x0;
	s28 =	simm.s32 $0x1  }
.LBB2_56:
.Ltmp243:
0x8aa: {  	(pc) =	sbr.rel .LBB2_59-.Ltmp243, $2  }
0x8ab: {  	_ =	sdelay $0x2  }
0x8ac: {  	v15 =	vimm.s32 $0x0;
	s25 =	simm.s32 $0x2  }
.LBB2_63:
.Ltmp244:
0x8ad: {  	(pc) =	sbr.rel .LBB2_66-.Ltmp244, $2  }
0x8ae: {  	_ =	sdelay $0x2  }
0x8af: {  	v17 =	vmov v20;
	v15 =	vimm.s32 $0x0;
	s28 =	simm.s32 $0x1  }
.LBB2_71:
.Ltmp245:
0x8b0: {  	(pc) =	sbr.rel .LBB2_74-.Ltmp245, $2  }
0x8b1: {  	_ =	sdelay $0x2  }
0x8b2: {  	v15 =	vimm.s32 $0x0;
	s25 =	simm.s32 $0x2  }
.LBB2_78:
.Ltmp246:
0x8b3: {  	(pc) =	sbr.rel .LBB2_81-.Ltmp246, $2  }
0x8b4: {  	_ =	sdelay $0x2  }
0x8b5: {  	v17 =	vmov v20;
	v15 =	vimm.s32 $0x0;
	s28 =	simm.s32 $0x1  }
.LBB2_86:
.Ltmp247:
0x8b6: {  	(pc) =	sbr.rel .LBB2_89-.Ltmp247, $2  }
0x8b7: {  	_ =	sdelay $0x2  }
0x8b8: {  	v15 =	vimm.s32 $0x0;
	s25 =	simm.s32 $0x2  }
.LBB2_93:
.Ltmp248:
0x8b9: {  	(pc) =	sbr.rel .LBB2_96-.Ltmp248, $2  }
0x8ba: {  	_ =	sdelay $0x2  }
0x8bb: {  	v17 =	vmov v20;
	v15 =	vimm.s32 $0x0;
	s28 =	simm.s32 $0x1  }
.LBB2_101:
.Ltmp249:
0x8bc: {  	(pc) =	sbr.rel .LBB2_104-.Ltmp249, $2  }
0x8bd: {  	_ =	sdelay $0x2  }
0x8be: {  	v15 =	vimm.s32 $0x0;
	s25 =	simm.s32 $0x2  }
.LBB2_108:
.Ltmp250:
0x8bf: {  	(pc) =	sbr.rel .LBB2_111-.Ltmp250, $2  }
0x8c0: {  	_ =	sdelay $0x2  }
0x8c1: {  	v17 =	vmov v20;
	v15 =	vimm.s32 $0x0;
	s28 =	simm.s32 $0x1  }
.LBB2_116:
.Ltmp251:
0x8c2: {  	(pc) =	sbr.rel .LBB2_119-.Ltmp251, $2  }
0x8c3: {  	_ =	sdelay $0x2  }
0x8c4: {  	v15 =	vimm.s32 $0x0;
	s25 =	simm.s32 $0x2  }
.LBB2_123:
.Ltmp252:
0x8c5: {  	(pc) =	sbr.rel .LBB2_126-.Ltmp252, $2  }
0x8c6: {  	_ =	sdelay $0x2  }
0x8c7: {  	v17 =	vmov v20;
	v15 =	vimm.s32 $0x0;
	s28 =	simm.s32 $0x1  }
.LBB2_131:
.Ltmp253:
0x8c8: {  	(pc) =	sbr.rel .LBB2_134-.Ltmp253, $2  }
0x8c9: {  	_ =	sdelay $0x2  }
0x8ca: {  	v15 =	vimm.s32 $0x0;
	s25 =	simm.s32 $0x2  }
.LBB2_138:
.Ltmp254:
0x8cb: {  	(pc) =	sbr.rel .LBB2_141-.Ltmp254, $2  }
0x8cc: {  	_ =	sdelay $0x2  }
0x8cd: {  	v17 =	vmov v20;
	v15 =	vimm.s32 $0x0;
	s28 =	simm.s32 $0x1  }
.LBB2_146:
.Ltmp255:
0x8ce: {  	(pc) =	sbr.rel .LBB2_149-.Ltmp255, $2  }
0x8cf: {  	_ =	sdelay $0x2  }
0x8d0: {  	v15 =	vimm.s32 $0x0;
	s25 =	simm.s32 $0x2  }
.LBB2_154:
.Ltmp256:
0x8d1: {  	(pc) =	sbr.rel .LBB2_157-.Ltmp256, $2  }
0x8d2: {  	_ =	sdelay $0x2  }
0x8d3: {  	v13 =	vimm.s32 $0x0;
	s26 =	simm.s32 $0x2  }
.LBB2_205:
.Ltmp257:
0x8d4: {  	(pc) =	sbr.rel .LBB2_208-.Ltmp257, $2  }
0x8d5: {  	_ =	sdelay $0x2  }
0x8d6: {  	v14 =	vmov v17;
	v12 =	vimm.s32 $0x0;
	s26 =	simm.s32 $0x1  }
.LBB2_213:
.Ltmp258:
0x8d7: {  	(pc) =	sbr.rel .LBB2_216-.Ltmp258, $2  }
0x8d8: {  	_ =	sdelay $0x2  }
0x8d9: {  	v15 =	vimm.s32 $0x0;
	s24 =	simm.s32 $0x2  }
.LBB2_220:
.Ltmp259:
0x8da: {  	(pc) =	sbr.rel .LBB2_223-.Ltmp259, $2  }
0x8db: {  	_ =	sdelay $0x2  }
0x8dc: {  	v17 =	vmov v20;
	v15 =	vimm.s32 $0x0;
	s26 =	simm.s32 $0x1  }
.LBB2_228:
.Ltmp260:
0x8dd: {  	(pc) =	sbr.rel .LBB2_231-.Ltmp260, $2  }
0x8de: {  	_ =	sdelay $0x2  }
0x8df: {  	v15 =	vimm.s32 $0x0;
	s24 =	simm.s32 $0x2  }
.LBB2_235:
.Ltmp261:
0x8e0: {  	(pc) =	sbr.rel .LBB2_238-.Ltmp261, $2  }
0x8e1: {  	_ =	sdelay $0x2  }
0x8e2: {  	v17 =	vmov v20;
	v15 =	vimm.s32 $0x0;
	s26 =	simm.s32 $0x1  }
.LBB2_243:
.Ltmp262:
0x8e3: {  	(pc) =	sbr.rel .LBB2_246-.Ltmp262, $2  }
0x8e4: {  	_ =	sdelay $0x2  }
0x8e5: {  	v15 =	vimm.s32 $0x0;
	s24 =	simm.s32 $0x2  }
.LBB2_250:
.Ltmp263:
0x8e6: {  	(pc) =	sbr.rel .LBB2_253-.Ltmp263, $2  }
0x8e7: {  	_ =	sdelay $0x2  }
0x8e8: {  	v17 =	vmov v20;
	v15 =	vimm.s32 $0x0;
	s26 =	simm.s32 $0x1  }
.LBB2_258:
.Ltmp264:
0x8e9: {  	(pc) =	sbr.rel .LBB2_261-.Ltmp264, $2  }
0x8ea: {  	_ =	sdelay $0x2  }
0x8eb: {  	v15 =	vimm.s32 $0x0;
	s24 =	simm.s32 $0x2  }
.LBB2_265:
.Ltmp265:
0x8ec: {  	(pc) =	sbr.rel .LBB2_268-.Ltmp265, $2  }
0x8ed: {  	_ =	sdelay $0x2  }
0x8ee: {  	v17 =	vmov v20;
	v15 =	vimm.s32 $0x0;
	s26 =	simm.s32 $0x1  }
.LBB2_273:
.Ltmp266:
0x8ef: {  	(pc) =	sbr.rel .LBB2_276-.Ltmp266, $2  }
0x8f0: {  	_ =	sdelay $0x2  }
0x8f1: {  	v15 =	vimm.s32 $0x0;
	s24 =	simm.s32 $0x2  }
.LBB2_280:
.Ltmp267:
0x8f2: {  	(pc) =	sbr.rel .LBB2_283-.Ltmp267, $2  }
0x8f3: {  	_ =	sdelay $0x2  }
0x8f4: {  	v17 =	vmov v20;
	v15 =	vimm.s32 $0x0;
	s26 =	simm.s32 $0x1  }
.LBB2_288:
.Ltmp268:
0x8f5: {  	(pc) =	sbr.rel .LBB2_291-.Ltmp268, $2  }
0x8f6: {  	_ =	sdelay $0x2  }
0x8f7: {  	v15 =	vimm.s32 $0x0;
	s24 =	simm.s32 $0x2  }
.LBB2_295:
.Ltmp269:
0x8f8: {  	(pc) =	sbr.rel .LBB2_298-.Ltmp269, $2  }
0x8f9: {  	_ =	sdelay $0x2  }
0x8fa: {  	v17 =	vmov v20;
	v15 =	vimm.s32 $0x0;
	s26 =	simm.s32 $0x1  }
.LBB2_303:
.Ltmp270:
0x8fb: {  	(pc) =	sbr.rel .LBB2_306-.Ltmp270, $2  }
0x8fc: {  	_ =	sdelay $0x2  }
0x8fd: {  	v15 =	vimm.s32 $0x0;
	s24 =	simm.s32 $0x2  }
.LBB2_311:
.Ltmp271:
0x8fe: {  	(pc) =	sbr.rel .LBB2_314-.Ltmp271, $2  }
0x8ff: {  	_ =	sdelay $0x2  }
0x900: {  	v13 =	vimm.s32 $0x0;
	s25 =	simm.s32 $0x2  }
.LBB2_320:
0x901: {  	_ =	sfence.sel $0x180000  }
0x902: {  	[bflag:$0x0] =	sbarrier.arrive $0xFFFF  }
0x903: {  	p0 =	sne.s32 s3, $0x0;
	_ =	strace $0x90000047  }
0x904: {  	s0 =	sadd.s32 @!p0 $0x100000, s0;
	[bflag:$0x2] =	sbarrier.arrive $0xFFFF  }
0x905: {  	[sflag:s0] =	ssyncadd.tile.s32 @!p0 $0x1;
	_ =	shalt  }
.Lfunc_end2:
_tile_overlayer_lowered:
.L_overlay_start_2:
0x906: {  	(tag) =	ssettag $0x2  }
0x907: {  	s0 =	rddreg [dreg:$0x0];
	s2 =	stileid.u32  }
0x908: {  	s1 =	rddreg [dreg:$0x1];
	p0 =	sne.s32 s2, $0x0  }
0x909: {  	s3 =	rddreg [dreg:$0x2];
	[bflag:$0x3] =	sbarrier.arrive $0xFFFF;
	s2 =	simm.s32 @!p0 $0x1C03  }
0x90a: {  	[timem:s3], [sflag:s2] =	dma.local @!p0 [hbm:s0], s1  }
0x90b: {  	s0 =	simm.s32 @!p0 $0x3  }
0x90c: {  	_ =	swait.ge @!p0 [sflag:s0], s1  }
0x90d: {  	s1 =	ssub.s32 @!p0 $0x0, s1;
	[sflag:s0] =	ssyncset.done @!p0 $0x0  }
0x90e: {  	[sflag:s0] =	ssyncadd.s32 @!p0 s1  }
0x90f: {  	[bflag:$0x3] =	sbarrier.arrive $0xFFFF  }
0x910: {  	_ =	shalt  }

</sc_bundles>
